<compile_context>
chip_gen: v7x
topology: tpu7x:2x2x1
jax: 0.10.2.dev20260603
libtpu: 0.0.44.dev20260713+nightly
codegen_flags: <defaults>
</compile_context>

<pallas_src>
import jax
import jax.numpy as jnp
from jax import lax
from jax.experimental import pallas as pl
from jax.experimental.pallas import tpu as pltpu
from jax.experimental.pallas import tpu_sc as plsc

VOCAB = 1000000
EMBED = 32
BATCH = 16384
HIST = 200

NC, NS = 2, 16
NW = NC * NS
ROWS_PER_W = BATCH // NW
G = 8
NCHUNK = ROWS_PER_W // G
NPAIR = NCHUNK // 2
IDX_PER_CHUNK = G * HIST
SPLITS = [(j * 128, 128) for j in range(12)] + [(1536, 64)]
OUT_ROWS = BATCH * 2 // 16


def _sc_kernel(x2_hbm, table_hbm, params_hbm, out_hbm,
               idx0_v, idx1_v, rows0_v, rows1_v, out_v, par_v, sem0, sem1):
    cid = lax.axis_index("c")
    sid = lax.axis_index("s")
    wid = sid * NC + cid

    pltpu.sync_copy(params_hbm, par_v)
    w00 = par_v[0, :]
    w01 = par_v[1, :]
    w10 = par_v[2, :]
    w11 = par_v[3, :]
    bvec = par_v[4, :]
    lane = lax.iota(jnp.int32, 16)
    rot_idx = [lax.rem(lane + k, 16).reshape(16, 1) for k in (8, 4, 2, 1)]
    dnums = lax.GatherDimensionNumbers(
        offset_dims=(), collapsed_slice_dims=(0,), start_index_map=(0,))

    def lanesum(v):
        for idx in rot_idx:
            v = v + lax.gather(
                v, idx, dimension_numbers=dnums, slice_sizes=(1,),
                mode=lax.GatherScatterMode.PROMISE_IN_BOUNDS)
        return v

    def stage(g, idx_v, rows_v, sem):
        off = (wid * NCHUNK + g) * IDX_PER_CHUNK
        pltpu.sync_copy(x2_hbm.at[pl.ds(off, IDX_PER_CHUNK)], idx_v)
        for start, n in SPLITS:
            pltpu.async_copy(
                table_hbm.at[idx_v.at[pl.ds(start, n)]],
                rows_v.at[pl.ds(start, n), :],
                sem,
            )

    def drain(idx_v, rows_v, sem):
        for start, n in SPLITS:
            pltpu.make_async_copy(
                table_hbm.at[idx_v.at[pl.ds(start, n)]],
                rows_v.at[pl.ds(start, n), :],
                sem,
            ).wait()

    def compute(g, rows_v):
        outvec = jnp.zeros((16,), jnp.float32)
        for r in range(G):
            base = r * HIST

            def inner(l, accs):
                a0, b0, a1, b1 = accs
                i0 = base + 8 * l
                for k in range(0, 8, 2):
                    a0 = a0 + rows_v[i0 + k, pl.ds(0, 16)]
                    a1 = a1 + rows_v[i0 + k, pl.ds(16, 16)]
                    b0 = b0 + rows_v[i0 + k + 1, pl.ds(0, 16)]
                    b1 = b1 + rows_v[i0 + k + 1, pl.ds(16, 16)]
                return a0, b0, a1, b1

            z = jnp.zeros((16,), jnp.float32)
            a0, b0, a1, b1 = lax.fori_loop(0, HIST // 8, inner, (z, z, z, z))
            s0 = a0 + b0
            s1 = a1 + b1
            o0 = lanesum(s0 * w00 + s1 * w01)
            o1 = lanesum(s0 * w10 + s1 * w11)
            outvec = jnp.where(lane == 2 * r, o0, outvec)
            outvec = jnp.where(lane == 2 * r + 1, o1, outvec)

        out_v[g, :] = outvec + bvec

    stage(0, idx0_v, rows0_v, sem0)

    def pair_body(p, carry):
        c0 = 2 * p
        stage(c0 + 1, idx1_v, rows1_v, sem1)
        drain(idx0_v, rows0_v, sem0)
        compute(c0, rows0_v)

        @pl.when(p < NPAIR - 1)
        def _():
            stage(c0 + 2, idx0_v, rows0_v, sem0)

        drain(idx1_v, rows1_v, sem1)
        compute(c0 + 1, rows1_v)
        return carry

    lax.fori_loop(0, NPAIR, pair_body, 0)
    pltpu.sync_copy(out_v, out_hbm.at[pl.ds(wid * NCHUNK, NCHUNK), :])


@jax.jit
def kernel(x, table, fc_w, fc_b):
    x2 = x.reshape(BATCH * HIST)
    w = (fc_w.astype(jnp.float32) / HIST).reshape(4, 16)
    bvec = jnp.tile(fc_b.astype(jnp.float32), 8).reshape(1, 16)
    params = jnp.concatenate([w, bvec], axis=0)

    mesh = plsc.VectorSubcoreMesh(core_axis_name="c", subcore_axis_name="s")
    run = pl.kernel(
        _sc_kernel,
        mesh=mesh,
        out_type=jax.ShapeDtypeStruct((OUT_ROWS, 16), jnp.float32),
        scratch_types=[
            pltpu.VMEM((IDX_PER_CHUNK,), jnp.int32),
            pltpu.VMEM((IDX_PER_CHUNK,), jnp.int32),
            pltpu.VMEM((IDX_PER_CHUNK, EMBED), jnp.float32),
            pltpu.VMEM((IDX_PER_CHUNK, EMBED), jnp.float32),
            pltpu.VMEM((NCHUNK, 16), jnp.float32),
            pltpu.VMEM((5, 16), jnp.float32),
            pltpu.SemaphoreType.DMA,
            pltpu.SemaphoreType.DMA,
        ],
        compiler_params=pltpu.CompilerParams(use_tc_tiling_on_sc=False),
    )
    out16 = run(x2, table, params)
    return out16.reshape(BATCH, 2)

# --- scband reference (transcript-rebuilt; emitter-appended) ---
"""Pipeline reference for scband-tiny-model-90649579749460 (READ-ONLY COPY).

The authoritative reference and input builder live on the scoring server;
editing this copy changes nothing except your own understanding.
"""

import jax, jax.numpy as jnp
import numpy as np

VOCAB = 1000000
EMBED = 32
BATCH = 16384
HIST = 200

def setup_inputs(seed: int = 0) -> dict:
    key = jax.random.key(seed)
    k1, k2, k3, k4 = jax.random.split(key, 4)
    x = jax.random.randint(k1, (BATCH, HIST), 0, VOCAB, dtype=jnp.int64 if jax.config.jax_enable_x64 else jnp.int32)
    table = jax.random.normal(k2, (VOCAB, EMBED), dtype=jnp.float32)
    fc_w = jax.random.normal(k3, (2, EMBED), dtype=jnp.float32) * (1.0 / np.sqrt(EMBED))
    fc_b = jax.random.normal(k4, (2,), dtype=jnp.float32) * 0.01
    return {"x": x, "table": table, "fc_w": fc_w, "fc_b": fc_b}

def reference(x, table, fc_w, fc_b):
    # embedding lookup (gather)
    embedded = jnp.take(table, x, axis=0)          # [B, L, E]
    pooled = jnp.mean(embedded, axis=1)            # [B, E]
    out = pooled @ fc_w.T + fc_b                   # [B, 2]
    return out

if __name__ == "__main__":
    import jax
    _d = setup_inputs()
    print(jax.jit(kernel)(*tuple(_d.values())))

</pallas_src>

<mosaic_0001>
#map = affine_map<(d0, d1) -> (0)>
#map1 = affine_map<(d0, d1) -> (0, 0)>
module attributes {stable_mosaic.version = 14 : i64} {
  func.func @_sc_kernel(%arg0: i32, %arg1: i32, %arg2: memref<3276800xi32, #tpu.memory_space<hbm>>, %arg3: memref<1000000x32xf32, #tpu.memory_space<hbm>>, %arg4: memref<5x16xf32, #tpu.memory_space<hbm>>, %arg5: memref<2048x16xf32, #tpu.memory_space<hbm>>, %arg6: memref<1600xi32, #tpu.memory_space<vmem>>, %arg7: memref<1600xi32, #tpu.memory_space<vmem>>, %arg8: memref<1600x32xf32, #tpu.memory_space<vmem>>, %arg9: memref<1600x32xf32, #tpu.memory_space<vmem>>, %arg10: memref<64x16xf32, #tpu.memory_space<vmem>>, %arg11: memref<5x16xf32, #tpu.memory_space<vmem>>, %arg12: memref<!tpu.dma_semaphore, #tpu.memory_space<semaphore_mem>>, %arg13: memref<!tpu.dma_semaphore, #tpu.memory_space<semaphore_mem>>) attributes {dimension_semantics = [#tpu.dimension_semantics<core_parallel>, #tpu.dimension_semantics<subcore_parallel>], iteration_bounds = array<i64: 2, 16>, scalar_prefetch = 0 : i64, scratch_operands = 8 : i64, tpu.core_type = #tpu.core_type<sc_vector_subcore>, window_params = [{transform_indices = #map}, {transform_indices = #map1}, {transform_indices = #map1}, {transform_indices = #map1}]} {
    %mul3A = arith.constant 2 : i32
    %mul3A_0 = arith.muli %arg1, %mul3A : i32
    %add3A = arith.addi %mul3A_0, %arg0 : i32
    "tpu.region"() ({
      %run_scoped3A = tpu.sem_alloc : memref<!tpu.dma_semaphore, #tpu.memory_space<semaphore_mem>>
      tpu.enqueue_dma source(%arg4 : memref<5x16xf32, #tpu.memory_space<hbm>>) target(%arg11 : memref<5x16xf32, #tpu.memory_space<vmem>>) target_semaphore(%run_scoped3A : memref<!tpu.dma_semaphore, #tpu.memory_space<semaphore_mem>>)
      tpu.wait_dma2 semaphore(%run_scoped3A : memref<!tpu.dma_semaphore, #tpu.memory_space<semaphore_mem>>) src(%arg4 : memref<5x16xf32, #tpu.memory_space<hbm>>) dst(%arg11 : memref<5x16xf32, #tpu.memory_space<vmem>>)
      tpu.yield
    }) : () -> ()
    %get3A = arith.constant 0 : i32
    %get3A_1 = arith.index_cast %get3A : i32 to index
    %get3A_2 = arith.constant 0 : index
    %get3A_3 = tpu.vector_load %arg11[%get3A_1, %get3A_2] {strides = array<i32>} : memref<5x16xf32, #tpu.memory_space<vmem>>, vector<1x16xf32>,
    %get3A_4 = vector.shape_cast %get3A_3 : vector<1x16xf32> to vector<16xf32>
    %get3A_5 = arith.constant 1 : i32
    %get3A_6 = arith.index_cast %get3A_5 : i32 to index
    %get3A_7 = arith.constant 0 : index
    %get3A_8 = tpu.vector_load %arg11[%get3A_6, %get3A_7] {strides = array<i32>} : memref<5x16xf32, #tpu.memory_space<vmem>>, vector<1x16xf32>,
    %get3A_9 = vector.shape_cast %get3A_8 : vector<1x16xf32> to vector<16xf32>
    %get3A_10 = arith.constant 2 : i32
    %get3A_11 = arith.index_cast %get3A_10 : i32 to index
    %get3A_12 = arith.constant 0 : index
    %get3A_13 = tpu.vector_load %arg11[%get3A_11, %get3A_12] {strides = array<i32>} : memref<5x16xf32, #tpu.memory_space<vmem>>, vector<1x16xf32>,
    %get3A_14 = vector.shape_cast %get3A_13 : vector<1x16xf32> to vector<16xf32>
    %get3A_15 = arith.constant 3 : i32
    %get3A_16 = arith.index_cast %get3A_15 : i32 to index
    %get3A_17 = arith.constant 0 : index
    %get3A_18 = tpu.vector_load %arg11[%get3A_16, %get3A_17] {strides = array<i32>} : memref<5x16xf32, #tpu.memory_space<vmem>>, vector<1x16xf32>,
    %get3A_19 = vector.shape_cast %get3A_18 : vector<1x16xf32> to vector<16xf32>
    %get3A_20 = arith.constant 4 : i32
    %get3A_21 = arith.index_cast %get3A_20 : i32 to index
    %get3A_22 = arith.constant 0 : index
    %get3A_23 = tpu.vector_load %arg11[%get3A_21, %get3A_22] {strides = array<i32>} : memref<5x16xf32, #tpu.memory_space<vmem>>, vector<1x16xf32>,
    %get3A_24 = vector.shape_cast %get3A_23 : vector<1x16xf32> to vector<16xf32>
    %iota3A = tpu.iota {dimensions = array<i32: 0>} : vector<16xi32>
    %add3A_25 = arith.constant 8 : i32
    %add3A_26 = vector.broadcast %add3A_25 : i32 to vector<16xi32>
    %add3A_27 = arith.addi %iota3A, %add3A_26 : vector<16xi32>
    %rem3A = arith.constant 16 : i32
    %rem3A_28 = vector.broadcast %rem3A : i32 to vector<16xi32>
    %rem3A_29 = arith.remsi %add3A_27, %rem3A_28 : vector<16xi32>
    %reshape3A = vector.shape_cast %rem3A_29 : vector<16xi32> to vector<16x1xi32>
    %add3A_30 = arith.constant 4 : i32
    %add3A_31 = vector.broadcast %add3A_30 : i32 to vector<16xi32>
    %add3A_32 = arith.addi %iota3A, %add3A_31 : vector<16xi32>
    %rem3A_33 = arith.constant 16 : i32
    %rem3A_34 = vector.broadcast %rem3A_33 : i32 to vector<16xi32>
    %rem3A_35 = arith.remsi %add3A_32, %rem3A_34 : vector<16xi32>
    %reshape3A_36 = vector.shape_cast %rem3A_35 : vector<16xi32> to vector<16x1xi32>
    %add3A_37 = arith.constant 2 : i32
    %add3A_38 = vector.broadcast %add3A_37 : i32 to vector<16xi32>
    %add3A_39 = arith.addi %iota3A, %add3A_38 : vector<16xi32>
    %rem3A_40 = arith.constant 16 : i32
    %rem3A_41 = vector.broadcast %rem3A_40 : i32 to vector<16xi32>
    %rem3A_42 = arith.remsi %add3A_39, %rem3A_41 : vector<16xi32>
    %reshape3A_43 = vector.shape_cast %rem3A_42 : vector<16xi32> to vector<16x1xi32>
    %add3A_44 = arith.constant 1 : i32
    %add3A_45 = vector.broadcast %add3A_44 : i32 to vector<16xi32>
    %add3A_46 = arith.addi %iota3A, %add3A_45 : vector<16xi32>
    %rem3A_47 = arith.constant 16 : i32
    %rem3A_48 = vector.broadcast %rem3A_47 : i32 to vector<16xi32>
    %rem3A_49 = arith.remsi %add3A_46, %rem3A_48 : vector<16xi32>
    %reshape3A_50 = vector.shape_cast %rem3A_49 : vector<16xi32> to vector<16x1xi32>
    %mul3A_51 = arith.constant 64 : i32
    %mul3A_52 = arith.muli %add3A, %mul3A_51 : i32
    %add3A_53 = arith.constant 0 : i32
    %add3A_54 = arith.addi %mul3A_52, %add3A_53 : i32
    %mul3A_55 = arith.constant 1600 : i32
    %mul3A_56 = arith.muli %add3A_54, %mul3A_55 : i32
    "tpu.region"() ({
      %run_scoped3A = tpu.sem_alloc : memref<!tpu.dma_semaphore, #tpu.memory_space<semaphore_mem>>
      %dma_start3A_167 = tpu.memref_slice %arg2[%mul3A_56] : memref<3276800xi32, #tpu.memory_space<hbm>> -> memref<1600xi32, #tpu.memory_space<hbm>>
      %dma_start3A_168 = tpu.memref_slice %arg2[%mul3A_56] : memref<3276800xi32, #tpu.memory_space<hbm>> -> memref<1600xi32, #tpu.memory_space<hbm>>
      tpu.enqueue_dma source(%dma_start3A_168 : memref<1600xi32, #tpu.memory_space<hbm>>) target(%arg6 : memref<1600xi32, #tpu.memory_space<vmem>>) target_semaphore(%run_scoped3A : memref<!tpu.dma_semaphore, #tpu.memory_space<semaphore_mem>>)
      %dma_wait3A = tpu.memref_slice %arg2[%mul3A_56] : memref<3276800xi32, #tpu.memory_space<hbm>> -> memref<1600xi32, #tpu.memory_space<hbm>>
      %dma_wait3A_169 = tpu.memref_slice %arg2[%mul3A_56] : memref<3276800xi32, #tpu.memory_space<hbm>> -> memref<1600xi32, #tpu.memory_space<hbm>>
      tpu.wait_dma2 semaphore(%run_scoped3A : memref<!tpu.dma_semaphore, #tpu.memory_space<semaphore_mem>>) src(%dma_wait3A_169 : memref<1600xi32, #tpu.memory_space<hbm>>) dst(%arg6 : memref<1600xi32, #tpu.memory_space<vmem>>)
      tpu.yield
    }) : () -> ()
    %dma_start3A = arith.constant 0 : i32
    %dma_start3A_57 = arith.constant 0 : i32
    %dma_start3A_58 = tpu.memref_slice %arg8[%dma_start3A, %dma_start3A_57] : memref<1600x32xf32, #tpu.memory_space<vmem>> -> memref<128x32xf32, #tpu.memory_space<vmem>>
    %dma_start3A_59 = arith.constant 0 : i32
    %dma_start3A_60 = tpu.memref_slice %arg6[%dma_start3A_59] : memref<1600xi32, #tpu.memory_space<vmem>> -> memref<128xi32, #tpu.memory_space<vmem>>
    %dma_start3A_61 = arith.constant 0 : i32
    %dma_start3A_62 = arith.constant 0 : i32
    %dma_start3A_63 = tpu.memref_slice %arg3[%dma_start3A_61, %dma_start3A_62] : memref<1000000x32xf32, #tpu.memory_space<hbm>> -> memref<1000000x32xf32, #tpu.memory_space<hbm>>
    tpu.enqueue_indirect_dma source(%dma_start3A_63 : memref<1000000x32xf32, #tpu.memory_space<hbm>>) target(%dma_start3A_58 : memref<128x32xf32, #tpu.memory_space<vmem>>) offsets(%dma_start3A_60 : memref<128xi32, #tpu.memory_space<vmem>>) semaphore(%arg12 : memref<!tpu.dma_semaphore, #tpu.memory_space<semaphore_mem>>)
    %dma_start3A_64 = arith.constant 128 : i32
    %dma_start3A_65 = arith.constant 0 : i32
    %dma_start3A_66 = tpu.memref_slice %arg8[%dma_start3A_64, %dma_start3A_65] : memref<1600x32xf32, #tpu.memory_space<vmem>> -> memref<128x32xf32, #tpu.memory_space<vmem>>
    %dma_start3A_67 = arith.constant 128 : i32
    %dma_start3A_68 = tpu.memref_slice %arg6[%dma_start3A_67] : memref<1600xi32, #tpu.memory_space<vmem>> -> memref<128xi32, #tpu.memory_space<vmem>>
    %dma_start3A_69 = arith.constant 0 : i32
    %dma_start3A_70 = arith.constant 0 : i32
    %dma_start3A_71 = tpu.memref_slice %arg3[%dma_start3A_69, %dma_start3A_70] : memref<1000000x32xf32, #tpu.memory_space<hbm>> -> memref<1000000x32xf32, #tpu.memory_space<hbm>>
    tpu.enqueue_indirect_dma source(%dma_start3A_71 : memref<1000000x32xf32, #tpu.memory_space<hbm>>) target(%dma_start3A_66 : memref<128x32xf32, #tpu.memory_space<vmem>>) offsets(%dma_start3A_68 : memref<128xi32, #tpu.memory_space<vmem>>) semaphore(%arg12 : memref<!tpu.dma_semaphore, #tpu.memory_space<semaphore_mem>>)
    %dma_start3A_72 = arith.constant 256 : i32
    %dma_start3A_73 = arith.constant 0 : i32
    %dma_start3A_74 = tpu.memref_slice %arg8[%dma_start3A_72, %dma_start3A_73] : memref<1600x32xf32, #tpu.memory_space<vmem>> -> memref<128x32xf32, #tpu.memory_space<vmem>>
    %dma_start3A_75 = arith.constant 256 : i32
    %dma_start3A_76 = tpu.memref_slice %arg6[%dma_start3A_75] : memref<1600xi32, #tpu.memory_space<vmem>> -> memref<128xi32, #tpu.memory_space<vmem>>
    %dma_start3A_77 = arith.constant 0 : i32
    %dma_start3A_78 = arith.constant 0 : i32
    %dma_start3A_79 = tpu.memref_slice %arg3[%dma_start3A_77, %dma_start3A_78] : memref<1000000x32xf32, #tpu.memory_space<hbm>> -> memref<1000000x32xf32, #tpu.memory_space<hbm>>
    tpu.enqueue_indirect_dma source(%dma_start3A_79 : memref<1000000x32xf32, #tpu.memory_space<hbm>>) target(%dma_start3A_74 : memref<128x32xf32, #tpu.memory_space<vmem>>) offsets(%dma_start3A_76 : memref<128xi32, #tpu.memory_space<vmem>>) semaphore(%arg12 : memref<!tpu.dma_semaphore, #tpu.memory_space<semaphore_mem>>)
    %dma_start3A_80 = arith.constant 384 : i32
    %dma_start3A_81 = arith.constant 0 : i32
    %dma_start3A_82 = tpu.memref_slice %arg8[%dma_start3A_80, %dma_start3A_81] : memref<1600x32xf32, #tpu.memory_space<vmem>> -> memref<128x32xf32, #tpu.memory_space<vmem>>
    %dma_start3A_83 = arith.constant 384 : i32
    %dma_start3A_84 = tpu.memref_slice %arg6[%dma_start3A_83] : memref<1600xi32, #tpu.memory_space<vmem>> -> memref<128xi32, #tpu.memory_space<vmem>>
    %dma_start3A_85 = arith.constant 0 : i32
    %dma_start3A_86 = arith.constant 0 : i32
    %dma_start3A_87 = tpu.memref_slice %arg3[%dma_start3A_85, %dma_start3A_86] : memref<1000000x32xf32, #tpu.memory_space<hbm>> -> memref<1000000x32xf32, #tpu.memory_space<hbm>>
    tpu.enqueue_indirect_dma source(%dma_start3A_87 : memref<1000000x32xf32, #tpu.memory_space<hbm>>) target(%dma_start3A_82 : memref<128x32xf32, #tpu.memory_space<vmem>>) offsets(%dma_start3A_84 : memref<128xi32, #tpu.memory_space<vmem>>) semaphore(%arg12 : memref<!tpu.dma_semaphore, #tpu.memory_space<semaphore_mem>>)
    %dma_start3A_88 = arith.constant 512 : i32
    %dma_start3A_89 = arith.constant 0 : i32
    %dma_start3A_90 = tpu.memref_slice %arg8[%dma_start3A_88, %dma_start3A_89] : memref<1600x32xf32, #tpu.memory_space<vmem>> -> memref<128x32xf32, #tpu.memory_space<vmem>>
    %dma_start3A_91 = arith.constant 512 : i32
    %dma_start3A_92 = tpu.memref_slice %arg6[%dma_start3A_91] : memref<1600xi32, #tpu.memory_space<vmem>> -> memref<128xi32, #tpu.memory_space<vmem>>
    %dma_start3A_93 = arith.constant 0 : i32
    %dma_start3A_94 = arith.constant 0 : i32
    %dma_start3A_95 = tpu.memref_slice %arg3[%dma_start3A_93, %dma_start3A_94] : memref<1000000x32xf32, #tpu.memory_space<hbm>> -> memref<1000000x32xf32, #tpu.memory_space<hbm>>
    tpu.enqueue_indirect_dma source(%dma_start3A_95 : memref<1000000x32xf32, #tpu.memory_space<hbm>>) target(%dma_start3A_90 : memref<128x32xf32, #tpu.memory_space<vmem>>) offsets(%dma_start3A_92 : memref<128xi32, #tpu.memory_space<vmem>>) semaphore(%arg12 : memref<!tpu.dma_semaphore, #tpu.memory_space<semaphore_mem>>)
    %dma_start3A_96 = arith.constant 640 : i32
    %dma_start3A_97 = arith.constant 0 : i32
    %dma_start3A_98 = tpu.memref_slice %arg8[%dma_start3A_96, %dma_start3A_97] : memref<1600x32xf32, #tpu.memory_space<vmem>> -> memref<128x32xf32, #tpu.memory_space<vmem>>
    %dma_start3A_99 = arith.constant 640 : i32
    %dma_start3A_100 = tpu.memref_slice %arg6[%dma_start3A_99] : memref<1600xi32, #tpu.memory_space<vmem>> -> memref<128xi32, #tpu.memory_space<vmem>>
    %dma_start3A_101 = arith.constant 0 : i32
    %dma_start3A_102 = arith.constant 0 : i32
    %dma_start3A_103 = tpu.memref_slice %arg3[%dma_start3A_101, %dma_start3A_102] : memref<1000000x32xf32, #tpu.memory_space<hbm>> -> memref<1000000x32xf32, #tpu.memory_space<hbm>>
    tpu.enqueue_indirect_dma source(%dma_start3A_103 : memref<1000000x32xf32, #tpu.memory_space<hbm>>) target(%dma_start3A_98 : memref<128x32xf32, #tpu.memory_space<vmem>>) offsets(%dma_start3A_100 : memref<128xi32, #tpu.memory_space<vmem>>) semaphore(%arg12 : memref<!tpu.dma_semaphore, #tpu.memory_space<semaphore_mem>>)
    %dma_start3A_104 = arith.constant 768 : i32
    %dma_start3A_105 = arith.constant 0 : i32
    %dma_start3A_106 = tpu.memref_slice %arg8[%dma_start3A_104, %dma_start3A_105] : memref<1600x32xf32, #tpu.memory_space<vmem>> -> memref<128x32xf32, #tpu.memory_space<vmem>>
    %dma_start3A_107 = arith.constant 768 : i32
    %dma_start3A_108 = tpu.memref_slice %arg6[%dma_start3A_107] : memref<1600xi32, #tpu.memory_space<vmem>> -> memref<128xi32, #tpu.memory_space<vmem>>
    %dma_start3A_109 = arith.constant 0 : i32
    %dma_start3A_110 = arith.constant 0 : i32
    %dma_start3A_111 = tpu.memref_slice %arg3[%dma_start3A_109, %dma_start3A_110] : memref<1000000x32xf32, #tpu.memory_space<hbm>> -> memref<1000000x32xf32, #tpu.memory_space<hbm>>
    tpu.enqueue_indirect_dma source(%dma_start3A_111 : memref<1000000x32xf32, #tpu.memory_space<hbm>>) target(%dma_start3A_106 : memref<128x32xf32, #tpu.memory_space<vmem>>) offsets(%dma_start3A_108 : memref<128xi32, #tpu.memory_space<vmem>>) semaphore(%arg12 : memref<!tpu.dma_semaphore, #tpu.memory_space<semaphore_mem>>)
    %dma_start3A_112 = arith.constant 896 : i32
    %dma_start3A_113 = arith.constant 0 : i32
    %dma_start3A_114 = tpu.memref_slice %arg8[%dma_start3A_112, %dma_start3A_113] : memref<1600x32xf32, #tpu.memory_space<vmem>> -> memref<128x32xf32, #tpu.memory_space<vmem>>
    %dma_start3A_115 = arith.constant 896 : i32
    %dma_start3A_116 = tpu.memref_slice %arg6[%dma_start3A_115] : memref<1600xi32, #tpu.memory_space<vmem>> -> memref<128xi32, #tpu.memory_space<vmem>>
    %dma_start3A_117 = arith.constant 0 : i32
    %dma_start3A_118 = arith.constant 0 : i32
    %dma_start3A_119 = tpu.memref_slice %arg3[%dma_start3A_117, %dma_start3A_118] : memref<1000000x32xf32, #tpu.memory_space<hbm>> -> memref<1000000x32xf32, #tpu.memory_space<hbm>>
    tpu.enqueue_indirect_dma source(%dma_start3A_119 : memref<1000000x32xf32, #tpu.memory_space<hbm>>) target(%dma_start3A_114 : memref<128x32xf32, #tpu.memory_space<vmem>>) offsets(%dma_start3A_116 : memref<128xi32, #tpu.memory_space<vmem>>) semaphore(%arg12 : memref<!tpu.dma_semaphore, #tpu.memory_space<semaphore_mem>>)
    %dma_start3A_120 = arith.constant 1024 : i32
    %dma_start3A_121 = arith.constant 0 : i32
    %dma_start3A_122 = tpu.memref_slice %arg8[%dma_start3A_120, %dma_start3A_121] : memref<1600x32xf32, #tpu.memory_space<vmem>> -> memref<128x32xf32, #tpu.memory_space<vmem>>
    %dma_start3A_123 = arith.constant 1024 : i32
    %dma_start3A_124 = tpu.memref_slice %arg6[%dma_start3A_123] : memref<1600xi32, #tpu.memory_space<vmem>> -> memref<128xi32, #tpu.memory_space<vmem>>
    %dma_start3A_125 = arith.constant 0 : i32
    %dma_start3A_126 = arith.constant 0 : i32
    %dma_start3A_127 = tpu.memref_slice %arg3[%dma_start3A_125, %dma_start3A_126] : memref<1000000x32xf32, #tpu.memory_space<hbm>> -> memref<1000000x32xf32, #tpu.memory_space<hbm>>
    tpu.enqueue_indirect_dma source(%dma_start3A_127 : memref<1000000x32xf32, #tpu.memory_space<hbm>>) target(%dma_start3A_122 : memref<128x32xf32, #tpu.memory_space<vmem>>) offsets(%dma_start3A_124 : memref<128xi32, #tpu.memory_space<vmem>>) semaphore(%arg12 : memref<!tpu.dma_semaphore, #tpu.memory_space<semaphore_mem>>)
    %dma_start3A_128 = arith.constant 1152 : i32
    %dma_start3A_129 = arith.constant 0 : i32
    %dma_start3A_130 = tpu.memref_slice %arg8[%dma_start3A_128, %dma_start3A_129] : memref<1600x32xf32, #tpu.memory_space<vmem>> -> memref<128x32xf32, #tpu.memory_space<vmem>>
    %dma_start3A_131 = arith.constant 1152 : i32
    %dma_start3A_132 = tpu.memref_slice %arg6[%dma_start3A_131] : memref<1600xi32, #tpu.memory_space<vmem>> -> memref<128xi32, #tpu.memory_space<vmem>>
    %dma_start3A_133 = arith.constant 0 : i32
    %dma_start3A_134 = arith.constant 0 : i32
    %dma_start3A_135 = tpu.memref_slice %arg3[%dma_start3A_133, %dma_start3A_134] : memref<1000000x32xf32, #tpu.memory_space<hbm>> -> memref<1000000x32xf32, #tpu.memory_space<hbm>>
    tpu.enqueue_indirect_dma source(%dma_start3A_135 : memref<1000000x32xf32, #tpu.memory_space<hbm>>) target(%dma_start3A_130 : memref<128x32xf32, #tpu.memory_space<vmem>>) offsets(%dma_start3A_132 : memref<128xi32, #tpu.memory_space<vmem>>) semaphore(%arg12 : memref<!tpu.dma_semaphore, #tpu.memory_space<semaphore_mem>>)
    %dma_start3A_136 = arith.constant 1280 : i32
    %dma_start3A_137 = arith.constant 0 : i32
    %dma_start3A_138 = tpu.memref_slice %arg8[%dma_start3A_136, %dma_start3A_137] : memref<1600x32xf32, #tpu.memory_space<vmem>> -> memref<128x32xf32, #tpu.memory_space<vmem>>
    %dma_start3A_139 = arith.constant 1280 : i32
    %dma_start3A_140 = tpu.memref_slice %arg6[%dma_start3A_139] : memref<1600xi32, #tpu.memory_space<vmem>> -> memref<128xi32, #tpu.memory_space<vmem>>
    %dma_start3A_141 = arith.constant 0 : i32
    %dma_start3A_142 = arith.constant 0 : i32
    %dma_start3A_143 = tpu.memref_slice %arg3[%dma_start3A_141, %dma_start3A_142] : memref<1000000x32xf32, #tpu.memory_space<hbm>> -> memref<1000000x32xf32, #tpu.memory_space<hbm>>
    tpu.enqueue_indirect_dma source(%dma_start3A_143 : memref<1000000x32xf32, #tpu.memory_space<hbm>>) target(%dma_start3A_138 : memref<128x32xf32, #tpu.memory_space<vmem>>) offsets(%dma_start3A_140 : memref<128xi32, #tpu.memory_space<vmem>>) semaphore(%arg12 : memref<!tpu.dma_semaphore, #tpu.memory_space<semaphore_mem>>)
    %dma_start3A_144 = arith.constant 1408 : i32
    %dma_start3A_145 = arith.constant 0 : i32
    %dma_start3A_146 = tpu.memref_slice %arg8[%dma_start3A_144, %dma_start3A_145] : memref<1600x32xf32, #tpu.memory_space<vmem>> -> memref<128x32xf32, #tpu.memory_space<vmem>>
    %dma_start3A_147 = arith.constant 1408 : i32
    %dma_start3A_148 = tpu.memref_slice %arg6[%dma_start3A_147] : memref<1600xi32, #tpu.memory_space<vmem>> -> memref<128xi32, #tpu.memory_space<vmem>>
    %dma_start3A_149 = arith.constant 0 : i32
    %dma_start3A_150 = arith.constant 0 : i32
    %dma_start3A_151 = tpu.memref_slice %arg3[%dma_start3A_149, %dma_start3A_150] : memref<1000000x32xf32, #tpu.memory_space<hbm>> -> memref<1000000x32xf32, #tpu.memory_space<hbm>>
    tpu.enqueue_indirect_dma source(%dma_start3A_151 : memref<1000000x32xf32, #tpu.memory_space<hbm>>) target(%dma_start3A_146 : memref<128x32xf32, #tpu.memory_space<vmem>>) offsets(%dma_start3A_148 : memref<128xi32, #tpu.memory_space<vmem>>) semaphore(%arg12 : memref<!tpu.dma_semaphore, #tpu.memory_space<semaphore_mem>>)
    %dma_start3A_152 = arith.constant 1536 : i32
    %dma_start3A_153 = arith.constant 0 : i32
    %dma_start3A_154 = tpu.memref_slice %arg8[%dma_start3A_152, %dma_start3A_153] : memref<1600x32xf32, #tpu.memory_space<vmem>> -> memref<64x32xf32, #tpu.memory_space<vmem>>
    %dma_start3A_155 = arith.constant 1536 : i32
    %dma_start3A_156 = tpu.memref_slice %arg6[%dma_start3A_155] : memref<1600xi32, #tpu.memory_space<vmem>> -> memref<64xi32, #tpu.memory_space<vmem>>
    %dma_start3A_157 = arith.constant 0 : i32
    %dma_start3A_158 = arith.constant 0 : i32
    %dma_start3A_159 = tpu.memref_slice %arg3[%dma_start3A_157, %dma_start3A_158] : memref<1000000x32xf32, #tpu.memory_space<hbm>> -> memref<1000000x32xf32, #tpu.memory_space<hbm>>
    tpu.enqueue_indirect_dma source(%dma_start3A_159 : memref<1000000x32xf32, #tpu.memory_space<hbm>>) target(%dma_start3A_154 : memref<64x32xf32, #tpu.memory_space<vmem>>) offsets(%dma_start3A_156 : memref<64xi32, #tpu.memory_space<vmem>>) semaphore(%arg12 : memref<!tpu.dma_semaphore, #tpu.memory_space<semaphore_mem>>)
    %scan3A = arith.constant 0 : i32
    %scan3A_160 = arith.constant 0 : i32
    %scan3A_161 = arith.constant 32 : i32
    %scan3A_162 = arith.addi %scan3A_160, %scan3A_161 : i32
    %scan3A_163 = arith.constant 1 : i32
    scf.for %scan3A_167 = %scan3A_160 to %scan3A_162 step %scan3A_163  : i32 {
      %mul3A_168 = arith.constant 2 : i32
      %mul3A_169 = arith.muli %mul3A_168, %scan3A_167 : i32
      %add3A_170 = arith.constant 1 : i32
      %add3A_171 = arith.addi %mul3A_169, %add3A_170 : i32
      %mul3A_172 = arith.constant 64 : i32
      %mul3A_173 = arith.muli %add3A, %mul3A_172 : i32
      %add3A_174 = arith.addi %mul3A_173, %add3A_171 : i32
      %mul3A_175 = arith.constant 1600 : i32
      %mul3A_176 = arith.muli %add3A_174, %mul3A_175 : i32
      "tpu.region"() ({
        %run_scoped3A = tpu.sem_alloc : memref<!tpu.dma_semaphore, #tpu.memory_space<semaphore_mem>>
        %dma_start3A_1271 = tpu.memref_slice %arg2[%mul3A_176] : memref<3276800xi32, #tpu.memory_space<hbm>> -> memref<1600xi32, #tpu.memory_space<hbm>>
        %dma_start3A_1272 = tpu.memref_slice %arg2[%mul3A_176] : memref<3276800xi32, #tpu.memory_space<hbm>> -> memref<1600xi32, #tpu.memory_space<hbm>>
        tpu.enqueue_dma source(%dma_start3A_1272 : memref<1600xi32, #tpu.memory_space<hbm>>) target(%arg7 : memref<1600xi32, #tpu.memory_space<vmem>>) target_semaphore(%run_scoped3A : memref<!tpu.dma_semaphore, #tpu.memory_space<semaphore_mem>>)
        %dma_wait3A_1273 = tpu.memref_slice %arg2[%mul3A_176] : memref<3276800xi32, #tpu.memory_space<hbm>> -> memref<1600xi32, #tpu.memory_space<hbm>>
        %dma_wait3A_1274 = tpu.memref_slice %arg2[%mul3A_176] : memref<3276800xi32, #tpu.memory_space<hbm>> -> memref<1600xi32, #tpu.memory_space<hbm>>
        tpu.wait_dma2 semaphore(%run_scoped3A : memref<!tpu.dma_semaphore, #tpu.memory_space<semaphore_mem>>) src(%dma_wait3A_1274 : memref<1600xi32, #tpu.memory_space<hbm>>) dst(%arg7 : memref<1600xi32, #tpu.memory_space<vmem>>)
        tpu.yield
      }) : () -> ()
      %dma_start3A_177 = arith.constant 0 : i32
      %dma_start3A_178 = arith.constant 0 : i32
      %dma_start3A_179 = tpu.memref_slice %arg9[%dma_start3A_177, %dma_start3A_178] : memref<1600x32xf32, #tpu.memory_space<vmem>> -> memref<128x32xf32, #tpu.memory_space<vmem>>
      %dma_start3A_180 = arith.constant 0 : i32
      %dma_start3A_181 = tpu.memref_slice %arg7[%dma_start3A_180] : memref<1600xi32, #tpu.memory_space<vmem>> -> memref<128xi32, #tpu.memory_space<vmem>>
      %dma_start3A_182 = arith.constant 0 : i32
      %dma_start3A_183 = arith.constant 0 : i32
      %dma_start3A_184 = tpu.memref_slice %arg3[%dma_start3A_182, %dma_start3A_183] : memref<1000000x32xf32, #tpu.memory_space<hbm>> -> memref<1000000x32xf32, #tpu.memory_space<hbm>>
      tpu.enqueue_indirect_dma source(%dma_start3A_184 : memref<1000000x32xf32, #tpu.memory_space<hbm>>) target(%dma_start3A_179 : memref<128x32xf32, #tpu.memory_space<vmem>>) offsets(%dma_start3A_181 : memref<128xi32, #tpu.memory_space<vmem>>) semaphore(%arg13 : memref<!tpu.dma_semaphore, #tpu.memory_space<semaphore_mem>>)
      %dma_start3A_185 = arith.constant 128 : i32
      %dma_start3A_186 = arith.constant 0 : i32
      %dma_start3A_187 = tpu.memref_slice %arg9[%dma_start3A_185, %dma_start3A_186] : memref<1600x32xf32, #tpu.memory_space<vmem>> -> memref<128x32xf32, #tpu.memory_space<vmem>>
      %dma_start3A_188 = arith.constant 128 : i32
      %dma_start3A_189 = tpu.memref_slice %arg7[%dma_start3A_188] : memref<1600xi32, #tpu.memory_space<vmem>> -> memref<128xi32, #tpu.memory_space<vmem>>
      %dma_start3A_190 = arith.constant 0 : i32
      %dma_start3A_191 = arith.constant 0 : i32
      %dma_start3A_192 = tpu.memref_slice %arg3[%dma_start3A_190, %dma_start3A_191] : memref<1000000x32xf32, #tpu.memory_space<hbm>> -> memref<1000000x32xf32, #tpu.memory_space<hbm>>
      tpu.enqueue_indirect_dma source(%dma_start3A_192 : memref<1000000x32xf32, #tpu.memory_space<hbm>>) target(%dma_start3A_187 : memref<128x32xf32, #tpu.memory_space<vmem>>) offsets(%dma_start3A_189 : memref<128xi32, #tpu.memory_space<vmem>>) semaphore(%arg13 : memref<!tpu.dma_semaphore, #tpu.memory_space<semaphore_mem>>)
      %dma_start3A_193 = arith.constant 256 : i32
      %dma_start3A_194 = arith.constant 0 : i32
      %dma_start3A_195 = tpu.memref_slice %arg9[%dma_start3A_193, %dma_start3A_194] : memref<1600x32xf32, #tpu.memory_space<vmem>> -> memref<128x32xf32, #tpu.memory_space<vmem>>
      %dma_start3A_196 = arith.constant 256 : i32
      %dma_start3A_197 = tpu.memref_slice %arg7[%dma_start3A_196] : memref<1600xi32, #tpu.memory_space<vmem>> -> memref<128xi32, #tpu.memory_space<vmem>>
      %dma_start3A_198 = arith.constant 0 : i32
      %dma_start3A_199 = arith.constant 0 : i32
      %dma_start3A_200 = tpu.memref_slice %arg3[%dma_start3A_198, %dma_start3A_199] : memref<1000000x32xf32, #tpu.memory_space<hbm>> -> memref<1000000x32xf32, #tpu.memory_space<hbm>>
      tpu.enqueue_indirect_dma source(%dma_start3A_200 : memref<1000000x32xf32, #tpu.memory_space<hbm>>) target(%dma_start3A_195 : memref<128x32xf32, #tpu.memory_space<vmem>>) offsets(%dma_start3A_197 : memref<128xi32, #tpu.memory_space<vmem>>) semaphore(%arg13 : memref<!tpu.dma_semaphore, #tpu.memory_space<semaphore_mem>>)
      %dma_start3A_201 = arith.constant 384 : i32
      %dma_start3A_202 = arith.constant 0 : i32
      %dma_start3A_203 = tpu.memref_slice %arg9[%dma_start3A_201, %dma_start3A_202] : memref<1600x32xf32, #tpu.memory_space<vmem>> -> memref<128x32xf32, #tpu.memory_space<vmem>>
      %dma_start3A_204 = arith.constant 384 : i32
      %dma_start3A_205 = tpu.memref_slice %arg7[%dma_start3A_204] : memref<1600xi32, #tpu.memory_space<vmem>> -> memref<128xi32, #tpu.memory_space<vmem>>
      %dma_start3A_206 = arith.constant 0 : i32
      %dma_start3A_207 = arith.constant 0 : i32
      %dma_start3A_208 = tpu.memref_slice %arg3[%dma_start3A_206, %dma_start3A_207] : memref<1000000x32xf32, #tpu.memory_space<hbm>> -> memref<1000000x32xf32, #tpu.memory_space<hbm>>
      tpu.enqueue_indirect_dma source(%dma_start3A_208 : memref<1000000x32xf32, #tpu.memory_space<hbm>>) target(%dma_start3A_203 : memref<128x32xf32, #tpu.memory_space<vmem>>) offsets(%dma_start3A_205 : memref<128xi32, #tpu.memory_space<vmem>>) semaphore(%arg13 : memref<!tpu.dma_semaphore, #tpu.memory_space<semaphore_mem>>)
      %dma_start3A_209 = arith.constant 512 : i32
      %dma_start3A_210 = arith.constant 0 : i32
      %dma_start3A_211 = tpu.memref_slice %arg9[%dma_start3A_209, %dma_start3A_210] : memref<1600x32xf32, #tpu.memory_space<vmem>> -> memref<128x32xf32, #tpu.memory_space<vmem>>
      %dma_start3A_212 = arith.constant 512 : i32
      %dma_start3A_213 = tpu.memref_slice %arg7[%dma_start3A_212] : memref<1600xi32, #tpu.memory_space<vmem>> -> memref<128xi32, #tpu.memory_space<vmem>>
      %dma_start3A_214 = arith.constant 0 : i32
      %dma_start3A_215 = arith.constant 0 : i32
      %dma_start3A_216 = tpu.memref_slice %arg3[%dma_start3A_214, %dma_start3A_215] : memref<1000000x32xf32, #tpu.memory_space<hbm>> -> memref<1000000x32xf32, #tpu.memory_space<hbm>>
      tpu.enqueue_indirect_dma source(%dma_start3A_216 : memref<1000000x32xf32, #tpu.memory_space<hbm>>) target(%dma_start3A_211 : memref<128x32xf32, #tpu.memory_space<vmem>>) offsets(%dma_start3A_213 : memref<128xi32, #tpu.memory_space<vmem>>) semaphore(%arg13 : memref<!tpu.dma_semaphore, #tpu.memory_space<semaphore_mem>>)
      %dma_start3A_217 = arith.constant 640 : i32
      %dma_start3A_218 = arith.constant 0 : i32
      %dma_start3A_219 = tpu.memref_slice %arg9[%dma_start3A_217, %dma_start3A_218] : memref<1600x32xf32, #tpu.memory_space<vmem>> -> memref<128x32xf32, #tpu.memory_space<vmem>>
      %dma_start3A_220 = arith.constant 640 : i32
      %dma_start3A_221 = tpu.memref_slice %arg7[%dma_start3A_220] : memref<1600xi32, #tpu.memory_space<vmem>> -> memref<128xi32, #tpu.memory_space<vmem>>
      %dma_start3A_222 = arith.constant 0 : i32
      %dma_start3A_223 = arith.constant 0 : i32
      %dma_start3A_224 = tpu.memref_slice %arg3[%dma_start3A_222, %dma_start3A_223] : memref<1000000x32xf32, #tpu.memory_space<hbm>> -> memref<1000000x32xf32, #tpu.memory_space<hbm>>
      tpu.enqueue_indirect_dma source(%dma_start3A_224 : memref<1000000x32xf32, #tpu.memory_space<hbm>>) target(%dma_start3A_219 : memref<128x32xf32, #tpu.memory_space<vmem>>) offsets(%dma_start3A_221 : memref<128xi32, #tpu.memory_space<vmem>>) semaphore(%arg13 : memref<!tpu.dma_semaphore, #tpu.memory_space<semaphore_mem>>)
      %dma_start3A_225 = arith.constant 768 : i32
      %dma_start3A_226 = arith.constant 0 : i32
      %dma_start3A_227 = tpu.memref_slice %arg9[%dma_start3A_225, %dma_start3A_226] : memref<1600x32xf32, #tpu.memory_space<vmem>> -> memref<128x32xf32, #tpu.memory_space<vmem>>
      %dma_start3A_228 = arith.constant 768 : i32
      %dma_start3A_229 = tpu.memref_slice %arg7[%dma_start3A_228] : memref<1600xi32, #tpu.memory_space<vmem>> -> memref<128xi32, #tpu.memory_space<vmem>>
      %dma_start3A_230 = arith.constant 0 : i32
      %dma_start3A_231 = arith.constant 0 : i32
      %dma_start3A_232 = tpu.memref_slice %arg3[%dma_start3A_230, %dma_start3A_231] : memref<1000000x32xf32, #tpu.memory_space<hbm>> -> memref<1000000x32xf32, #tpu.memory_space<hbm>>
      tpu.enqueue_indirect_dma source(%dma_start3A_232 : memref<1000000x32xf32, #tpu.memory_space<hbm>>) target(%dma_start3A_227 : memref<128x32xf32, #tpu.memory_space<vmem>>) offsets(%dma_start3A_229 : memref<128xi32, #tpu.memory_space<vmem>>) semaphore(%arg13 : memref<!tpu.dma_semaphore, #tpu.memory_space<semaphore_mem>>)
      %dma_start3A_233 = arith.constant 896 : i32
      %dma_start3A_234 = arith.constant 0 : i32
      %dma_start3A_235 = tpu.memref_slice %arg9[%dma_start3A_233, %dma_start3A_234] : memref<1600x32xf32, #tpu.memory_space<vmem>> -> memref<128x32xf32, #tpu.memory_space<vmem>>
      %dma_start3A_236 = arith.constant 896 : i32
      %dma_start3A_237 = tpu.memref_slice %arg7[%dma_start3A_236] : memref<1600xi32, #tpu.memory_space<vmem>> -> memref<128xi32, #tpu.memory_space<vmem>>
      %dma_start3A_238 = arith.constant 0 : i32
      %dma_start3A_239 = arith.constant 0 : i32
      %dma_start3A_240 = tpu.memref_slice %arg3[%dma_start3A_238, %dma_start3A_239] : memref<1000000x32xf32, #tpu.memory_space<hbm>> -> memref<1000000x32xf32, #tpu.memory_space<hbm>>
      tpu.enqueue_indirect_dma source(%dma_start3A_240 : memref<1000000x32xf32, #tpu.memory_space<hbm>>) target(%dma_start3A_235 : memref<128x32xf32, #tpu.memory_space<vmem>>) offsets(%dma_start3A_237 : memref<128xi32, #tpu.memory_space<vmem>>) semaphore(%arg13 : memref<!tpu.dma_semaphore, #tpu.memory_space<semaphore_mem>>)
      %dma_start3A_241 = arith.constant 1024 : i32
      %dma_start3A_242 = arith.constant 0 : i32
      %dma_start3A_243 = tpu.memref_slice %arg9[%dma_start3A_241, %dma_start3A_242] : memref<1600x32xf32, #tpu.memory_space<vmem>> -> memref<128x32xf32, #tpu.memory_space<vmem>>
      %dma_start3A_244 = arith.constant 1024 : i32
      %dma_start3A_245 = tpu.memref_slice %arg7[%dma_start3A_244] : memref<1600xi32, #tpu.memory_space<vmem>> -> memref<128xi32, #tpu.memory_space<vmem>>
      %dma_start3A_246 = arith.constant 0 : i32
      %dma_start3A_247 = arith.constant 0 : i32
      %dma_start3A_248 = tpu.memref_slice %arg3[%dma_start3A_246, %dma_start3A_247] : memref<1000000x32xf32, #tpu.memory_space<hbm>> -> memref<1000000x32xf32, #tpu.memory_space<hbm>>
      tpu.enqueue_indirect_dma source(%dma_start3A_248 : memref<1000000x32xf32, #tpu.memory_space<hbm>>) target(%dma_start3A_243 : memref<128x32xf32, #tpu.memory_space<vmem>>) offsets(%dma_start3A_245 : memref<128xi32, #tpu.memory_space<vmem>>) semaphore(%arg13 : memref<!tpu.dma_semaphore, #tpu.memory_space<semaphore_mem>>)
      %dma_start3A_249 = arith.constant 1152 : i32
      %dma_start3A_250 = arith.constant 0 : i32
      %dma_start3A_251 = tpu.memref_slice %arg9[%dma_start3A_249, %dma_start3A_250] : memref<1600x32xf32, #tpu.memory_space<vmem>> -> memref<128x32xf32, #tpu.memory_space<vmem>>
      %dma_start3A_252 = arith.constant 1152 : i32
      %dma_start3A_253 = tpu.memref_slice %arg7[%dma_start3A_252] : memref<1600xi32, #tpu.memory_space<vmem>> -> memref<128xi32, #tpu.memory_space<vmem>>
      %dma_start3A_254 = arith.constant 0 : i32
      %dma_start3A_255 = arith.constant 0 : i32
      %dma_start3A_256 = tpu.memref_slice %arg3[%dma_start3A_254, %dma_start3A_255] : memref<1000000x32xf32, #tpu.memory_space<hbm>> -> memref<1000000x32xf32, #tpu.memory_space<hbm>>
      tpu.enqueue_indirect_dma source(%dma_start3A_256 : memref<1000000x32xf32, #tpu.memory_space<hbm>>) target(%dma_start3A_251 : memref<128x32xf32, #tpu.memory_space<vmem>>) offsets(%dma_start3A_253 : memref<128xi32, #tpu.memory_space<vmem>>) semaphore(%arg13 : memref<!tpu.dma_semaphore, #tpu.memory_space<semaphore_mem>>)
      %dma_start3A_257 = arith.constant 1280 : i32
      %dma_start3A_258 = arith.constant 0 : i32
      %dma_start3A_259 = tpu.memref_slice %arg9[%dma_start3A_257, %dma_start3A_258] : memref<1600x32xf32, #tpu.memory_space<vmem>> -> memref<128x32xf32, #tpu.memory_space<vmem>>
      %dma_start3A_260 = arith.constant 1280 : i32
      %dma_start3A_261 = tpu.memref_slice %arg7[%dma_start3A_260] : memref<1600xi32, #tpu.memory_space<vmem>> -> memref<128xi32, #tpu.memory_space<vmem>>
      %dma_start3A_262 = arith.constant 0 : i32
      %dma_start3A_263 = arith.constant 0 : i32
      %dma_start3A_264 = tpu.memref_slice %arg3[%dma_start3A_262, %dma_start3A_263] : memref<1000000x32xf32, #tpu.memory_space<hbm>> -> memref<1000000x32xf32, #tpu.memory_space<hbm>>
      tpu.enqueue_indirect_dma source(%dma_start3A_264 : memref<1000000x32xf32, #tpu.memory_space<hbm>>) target(%dma_start3A_259 : memref<128x32xf32, #tpu.memory_space<vmem>>) offsets(%dma_start3A_261 : memref<128xi32, #tpu.memory_space<vmem>>) semaphore(%arg13 : memref<!tpu.dma_semaphore, #tpu.memory_space<semaphore_mem>>)
      %dma_start3A_265 = arith.constant 1408 : i32
      %dma_start3A_266 = arith.constant 0 : i32
      %dma_start3A_267 = tpu.memref_slice %arg9[%dma_start3A_265, %dma_start3A_266] : memref<1600x32xf32, #tpu.memory_space<vmem>> -> memref<128x32xf32, #tpu.memory_space<vmem>>
      %dma_start3A_268 = arith.constant 1408 : i32
      %dma_start3A_269 = tpu.memref_slice %arg7[%dma_start3A_268] : memref<1600xi32, #tpu.memory_space<vmem>> -> memref<128xi32, #tpu.memory_space<vmem>>
      %dma_start3A_270 = arith.constant 0 : i32
      %dma_start3A_271 = arith.constant 0 : i32
      %dma_start3A_272 = tpu.memref_slice %arg3[%dma_start3A_270, %dma_start3A_271] : memref<1000000x32xf32, #tpu.memory_space<hbm>> -> memref<1000000x32xf32, #tpu.memory_space<hbm>>
      tpu.enqueue_indirect_dma source(%dma_start3A_272 : memref<1000000x32xf32, #tpu.memory_space<hbm>>) target(%dma_start3A_267 : memref<128x32xf32, #tpu.memory_space<vmem>>) offsets(%dma_start3A_269 : memref<128xi32, #tpu.memory_space<vmem>>) semaphore(%arg13 : memref<!tpu.dma_semaphore, #tpu.memory_space<semaphore_mem>>)
      %dma_start3A_273 = arith.constant 1536 : i32
      %dma_start3A_274 = arith.constant 0 : i32
      %dma_start3A_275 = tpu.memref_slice %arg9[%dma_start3A_273, %dma_start3A_274] : memref<1600x32xf32, #tpu.memory_space<vmem>> -> memref<64x32xf32, #tpu.memory_space<vmem>>
      %dma_start3A_276 = arith.constant 1536 : i32
      %dma_start3A_277 = tpu.memref_slice %arg7[%dma_start3A_276] : memref<1600xi32, #tpu.memory_space<vmem>> -> memref<64xi32, #tpu.memory_space<vmem>>
      %dma_start3A_278 = arith.constant 0 : i32
      %dma_start3A_279 = arith.constant 0 : i32
      %dma_start3A_280 = tpu.memref_slice %arg3[%dma_start3A_278, %dma_start3A_279] : memref<1000000x32xf32, #tpu.memory_space<hbm>> -> memref<1000000x32xf32, #tpu.memory_space<hbm>>
      tpu.enqueue_indirect_dma source(%dma_start3A_280 : memref<1000000x32xf32, #tpu.memory_space<hbm>>) target(%dma_start3A_275 : memref<64x32xf32, #tpu.memory_space<vmem>>) offsets(%dma_start3A_277 : memref<64xi32, #tpu.memory_space<vmem>>) semaphore(%arg13 : memref<!tpu.dma_semaphore, #tpu.memory_space<semaphore_mem>>)
      %dma_wait3A = arith.constant 0 : i32
      %dma_wait3A_281 = arith.constant 0 : i32
      %dma_wait3A_282 = tpu.memref_slice %arg8[%dma_wait3A, %dma_wait3A_281] : memref<1600x32xf32, #tpu.memory_space<vmem>> -> memref<128x32xf32, #tpu.memory_space<vmem>>
      %dma_wait3A_283 = arith.constant 0 : i32
      %dma_wait3A_284 = tpu.memref_slice %arg6[%dma_wait3A_283] : memref<1600xi32, #tpu.memory_space<vmem>> -> memref<128xi32, #tpu.memory_space<vmem>>
      %dma_wait3A_285 = arith.constant 0 : i32
      %dma_wait3A_286 = arith.constant 0 : i32
      %dma_wait3A_287 = tpu.memref_slice %arg3[%dma_wait3A_285, %dma_wait3A_286] : memref<1000000x32xf32, #tpu.memory_space<hbm>> -> memref<1000000x32xf32, #tpu.memory_space<hbm>>
      tpu.wait_indirect_dma semaphore(%arg12 : memref<!tpu.dma_semaphore, #tpu.memory_space<semaphore_mem>>) src(%dma_wait3A_287 : memref<1000000x32xf32, #tpu.memory_space<hbm>>) dst(%dma_wait3A_282 : memref<128x32xf32, #tpu.memory_space<vmem>>)
      %dma_wait3A_288 = arith.constant 128 : i32
      %dma_wait3A_289 = arith.constant 0 : i32
      %dma_wait3A_290 = tpu.memref_slice %arg8[%dma_wait3A_288, %dma_wait3A_289] : memref<1600x32xf32, #tpu.memory_space<vmem>> -> memref<128x32xf32, #tpu.memory_space<vmem>>
      %dma_wait3A_291 = arith.constant 128 : i32
      %dma_wait3A_292 = tpu.memref_slice %arg6[%dma_wait3A_291] : memref<1600xi32, #tpu.memory_space<vmem>> -> memref<128xi32, #tpu.memory_space<vmem>>
      %dma_wait3A_293 = arith.constant 0 : i32
      %dma_wait3A_294 = arith.constant 0 : i32
      %dma_wait3A_295 = tpu.memref_slice %arg3[%dma_wait3A_293, %dma_wait3A_294] : memref<1000000x32xf32, #tpu.memory_space<hbm>> -> memref<1000000x32xf32, #tpu.memory_space<hbm>>
      tpu.wait_indirect_dma semaphore(%arg12 : memref<!tpu.dma_semaphore, #tpu.memory_space<semaphore_mem>>) src(%dma_wait3A_295 : memref<1000000x32xf32, #tpu.memory_space<hbm>>) dst(%dma_wait3A_290 : memref<128x32xf32, #tpu.memory_space<vmem>>)
      %dma_wait3A_296 = arith.constant 256 : i32
      %dma_wait3A_297 = arith.constant 0 : i32
      %dma_wait3A_298 = tpu.memref_slice %arg8[%dma_wait3A_296, %dma_wait3A_297] : memref<1600x32xf32, #tpu.memory_space<vmem>> -> memref<128x32xf32, #tpu.memory_space<vmem>>
      %dma_wait3A_299 = arith.constant 256 : i32
      %dma_wait3A_300 = tpu.memref_slice %arg6[%dma_wait3A_299] : memref<1600xi32, #tpu.memory_space<vmem>> -> memref<128xi32, #tpu.memory_space<vmem>>
      %dma_wait3A_301 = arith.constant 0 : i32
      %dma_wait3A_302 = arith.constant 0 : i32
      %dma_wait3A_303 = tpu.memref_slice %arg3[%dma_wait3A_301, %dma_wait3A_302] : memref<1000000x32xf32, #tpu.memory_space<hbm>> -> memref<1000000x32xf32, #tpu.memory_space<hbm>>
      tpu.wait_indirect_dma semaphore(%arg12 : memref<!tpu.dma_semaphore, #tpu.memory_space<semaphore_mem>>) src(%dma_wait3A_303 : memref<1000000x32xf32, #tpu.memory_space<hbm>>) dst(%dma_wait3A_298 : memref<128x32xf32, #tpu.memory_space<vmem>>)
      %dma_wait3A_304 = arith.constant 384 : i32
      %dma_wait3A_305 = arith.constant 0 : i32
      %dma_wait3A_306 = tpu.memref_slice %arg8[%dma_wait3A_304, %dma_wait3A_305] : memref<1600x32xf32, #tpu.memory_space<vmem>> -> memref<128x32xf32, #tpu.memory_space<vmem>>
      %dma_wait3A_307 = arith.constant 384 : i32
      %dma_wait3A_308 = tpu.memref_slice %arg6[%dma_wait3A_307] : memref<1600xi32, #tpu.memory_space<vmem>> -> memref<128xi32, #tpu.memory_space<vmem>>
      %dma_wait3A_309 = arith.constant 0 : i32
      %dma_wait3A_310 = arith.constant 0 : i32
      %dma_wait3A_311 = tpu.memref_slice %arg3[%dma_wait3A_309, %dma_wait3A_310] : memref<1000000x32xf32, #tpu.memory_space<hbm>> -> memref<1000000x32xf32, #tpu.memory_space<hbm>>
      tpu.wait_indirect_dma semaphore(%arg12 : memref<!tpu.dma_semaphore, #tpu.memory_space<semaphore_mem>>) src(%dma_wait3A_311 : memref<1000000x32xf32, #tpu.memory_space<hbm>>) dst(%dma_wait3A_306 : memref<128x32xf32, #tpu.memory_space<vmem>>)
      %dma_wait3A_312 = arith.constant 512 : i32
      %dma_wait3A_313 = arith.constant 0 : i32
      %dma_wait3A_314 = tpu.memref_slice %arg8[%dma_wait3A_312, %dma_wait3A_313] : memref<1600x32xf32, #tpu.memory_space<vmem>> -> memref<128x32xf32, #tpu.memory_space<vmem>>
      %dma_wait3A_315 = arith.constant 512 : i32
      %dma_wait3A_316 = tpu.memref_slice %arg6[%dma_wait3A_315] : memref<1600xi32, #tpu.memory_space<vmem>> -> memref<128xi32, #tpu.memory_space<vmem>>
      %dma_wait3A_317 = arith.constant 0 : i32
      %dma_wait3A_318 = arith.constant 0 : i32
      %dma_wait3A_319 = tpu.memref_slice %arg3[%dma_wait3A_317, %dma_wait3A_318] : memref<1000000x32xf32, #tpu.memory_space<hbm>> -> memref<1000000x32xf32, #tpu.memory_space<hbm>>
      tpu.wait_indirect_dma semaphore(%arg12 : memref<!tpu.dma_semaphore, #tpu.memory_space<semaphore_mem>>) src(%dma_wait3A_319 : memref<1000000x32xf32, #tpu.memory_space<hbm>>) dst(%dma_wait3A_314 : memref<128x32xf32, #tpu.memory_space<vmem>>)
      %dma_wait3A_320 = arith.constant 640 : i32
      %dma_wait3A_321 = arith.constant 0 : i32
      %dma_wait3A_322 = tpu.memref_slice %arg8[%dma_wait3A_320, %dma_wait3A_321] : memref<1600x32xf32, #tpu.memory_space<vmem>> -> memref<128x32xf32, #tpu.memory_space<vmem>>
      %dma_wait3A_323 = arith.constant 640 : i32
      %dma_wait3A_324 = tpu.memref_slice %arg6[%dma_wait3A_323] : memref<1600xi32, #tpu.memory_space<vmem>> -> memref<128xi32, #tpu.memory_space<vmem>>
      %dma_wait3A_325 = arith.constant 0 : i32
      %dma_wait3A_326 = arith.constant 0 : i32
      %dma_wait3A_327 = tpu.memref_slice %arg3[%dma_wait3A_325, %dma_wait3A_326] : memref<1000000x32xf32, #tpu.memory_space<hbm>> -> memref<1000000x32xf32, #tpu.memory_space<hbm>>
      tpu.wait_indirect_dma semaphore(%arg12 : memref<!tpu.dma_semaphore, #tpu.memory_space<semaphore_mem>>) src(%dma_wait3A_327 : memref<1000000x32xf32, #tpu.memory_space<hbm>>) dst(%dma_wait3A_322 : memref<128x32xf32, #tpu.memory_space<vmem>>)
      %dma_wait3A_328 = arith.constant 768 : i32
      %dma_wait3A_329 = arith.constant 0 : i32
      %dma_wait3A_330 = tpu.memref_slice %arg8[%dma_wait3A_328, %dma_wait3A_329] : memref<1600x32xf32, #tpu.memory_space<vmem>> -> memref<128x32xf32, #tpu.memory_space<vmem>>
      %dma_wait3A_331 = arith.constant 768 : i32
      %dma_wait3A_332 = tpu.memref_slice %arg6[%dma_wait3A_331] : memref<1600xi32, #tpu.memory_space<vmem>> -> memref<128xi32, #tpu.memory_space<vmem>>
      %dma_wait3A_333 = arith.constant 0 : i32
      %dma_wait3A_334 = arith.constant 0 : i32
      %dma_wait3A_335 = tpu.memref_slice %arg3[%dma_wait3A_333, %dma_wait3A_334] : memref<1000000x32xf32, #tpu.memory_space<hbm>> -> memref<1000000x32xf32, #tpu.memory_space<hbm>>
      tpu.wait_indirect_dma semaphore(%arg12 : memref<!tpu.dma_semaphore, #tpu.memory_space<semaphore_mem>>) src(%dma_wait3A_335 : memref<1000000x32xf32, #tpu.memory_space<hbm>>) dst(%dma_wait3A_330 : memref<128x32xf32, #tpu.memory_space<vmem>>)
      %dma_wait3A_336 = arith.constant 896 : i32
      %dma_wait3A_337 = arith.constant 0 : i32
      %dma_wait3A_338 = tpu.memref_slice %arg8[%dma_wait3A_336, %dma_wait3A_337] : memref<1600x32xf32, #tpu.memory_space<vmem>> -> memref<128x32xf32, #tpu.memory_space<vmem>>
      %dma_wait3A_339 = arith.constant 896 : i32
      %dma_wait3A_340 = tpu.memref_slice %arg6[%dma_wait3A_339] : memref<1600xi32, #tpu.memory_space<vmem>> -> memref<128xi32, #tpu.memory_space<vmem>>
      %dma_wait3A_341 = arith.constant 0 : i32
      %dma_wait3A_342 = arith.constant 0 : i32
      %dma_wait3A_343 = tpu.memref_slice %arg3[%dma_wait3A_341, %dma_wait3A_342] : memref<1000000x32xf32, #tpu.memory_space<hbm>> -> memref<1000000x32xf32, #tpu.memory_space<hbm>>
      tpu.wait_indirect_dma semaphore(%arg12 : memref<!tpu.dma_semaphore, #tpu.memory_space<semaphore_mem>>) src(%dma_wait3A_343 : memref<1000000x32xf32, #tpu.memory_space<hbm>>) dst(%dma_wait3A_338 : memref<128x32xf32, #tpu.memory_space<vmem>>)
      %dma_wait3A_344 = arith.constant 1024 : i32
      %dma_wait3A_345 = arith.constant 0 : i32
      %dma_wait3A_346 = tpu.memref_slice %arg8[%dma_wait3A_344, %dma_wait3A_345] : memref<1600x32xf32, #tpu.memory_space<vmem>> -> memref<128x32xf32, #tpu.memory_space<vmem>>
      %dma_wait3A_347 = arith.constant 1024 : i32
      %dma_wait3A_348 = tpu.memref_slice %arg6[%dma_wait3A_347] : memref<1600xi32, #tpu.memory_space<vmem>> -> memref<128xi32, #tpu.memory_space<vmem>>
      %dma_wait3A_349 = arith.constant 0 : i32
      %dma_wait3A_350 = arith.constant 0 : i32
      %dma_wait3A_351 = tpu.memref_slice %arg3[%dma_wait3A_349, %dma_wait3A_350] : memref<1000000x32xf32, #tpu.memory_space<hbm>> -> memref<1000000x32xf32, #tpu.memory_space<hbm>>
      tpu.wait_indirect_dma semaphore(%arg12 : memref<!tpu.dma_semaphore, #tpu.memory_space<semaphore_mem>>) src(%dma_wait3A_351 : memref<1000000x32xf32, #tpu.memory_space<hbm>>) dst(%dma_wait3A_346 : memref<128x32xf32, #tpu.memory_space<vmem>>)
      %dma_wait3A_352 = arith.constant 1152 : i32
      %dma_wait3A_353 = arith.constant 0 : i32
      %dma_wait3A_354 = tpu.memref_slice %arg8[%dma_wait3A_352, %dma_wait3A_353] : memref<1600x32xf32, #tpu.memory_space<vmem>> -> memref<128x32xf32, #tpu.memory_space<vmem>>
      %dma_wait3A_355 = arith.constant 1152 : i32
      %dma_wait3A_356 = tpu.memref_slice %arg6[%dma_wait3A_355] : memref<1600xi32, #tpu.memory_space<vmem>> -> memref<128xi32, #tpu.memory_space<vmem>>
      %dma_wait3A_357 = arith.constant 0 : i32
      %dma_wait3A_358 = arith.constant 0 : i32
      %dma_wait3A_359 = tpu.memref_slice %arg3[%dma_wait3A_357, %dma_wait3A_358] : memref<1000000x32xf32, #tpu.memory_space<hbm>> -> memref<1000000x32xf32, #tpu.memory_space<hbm>>
      tpu.wait_indirect_dma semaphore(%arg12 : memref<!tpu.dma_semaphore, #tpu.memory_space<semaphore_mem>>) src(%dma_wait3A_359 : memref<1000000x32xf32, #tpu.memory_space<hbm>>) dst(%dma_wait3A_354 : memref<128x32xf32, #tpu.memory_space<vmem>>)
      %dma_wait3A_360 = arith.constant 1280 : i32
      %dma_wait3A_361 = arith.constant 0 : i32
      %dma_wait3A_362 = tpu.memref_slice %arg8[%dma_wait3A_360, %dma_wait3A_361] : memref<1600x32xf32, #tpu.memory_space<vmem>> -> memref<128x32xf32, #tpu.memory_space<vmem>>
      %dma_wait3A_363 = arith.constant 1280 : i32
      %dma_wait3A_364 = tpu.memref_slice %arg6[%dma_wait3A_363] : memref<1600xi32, #tpu.memory_space<vmem>> -> memref<128xi32, #tpu.memory_space<vmem>>
      %dma_wait3A_365 = arith.constant 0 : i32
      %dma_wait3A_366 = arith.constant 0 : i32
      %dma_wait3A_367 = tpu.memref_slice %arg3[%dma_wait3A_365, %dma_wait3A_366] : memref<1000000x32xf32, #tpu.memory_space<hbm>> -> memref<1000000x32xf32, #tpu.memory_space<hbm>>
      tpu.wait_indirect_dma semaphore(%arg12 : memref<!tpu.dma_semaphore, #tpu.memory_space<semaphore_mem>>) src(%dma_wait3A_367 : memref<1000000x32xf32, #tpu.memory_space<hbm>>) dst(%dma_wait3A_362 : memref<128x32xf32, #tpu.memory_space<vmem>>)
      %dma_wait3A_368 = arith.constant 1408 : i32
      %dma_wait3A_369 = arith.constant 0 : i32
      %dma_wait3A_370 = tpu.memref_slice %arg8[%dma_wait3A_368, %dma_wait3A_369] : memref<1600x32xf32, #tpu.memory_space<vmem>> -> memref<128x32xf32, #tpu.memory_space<vmem>>
      %dma_wait3A_371 = arith.constant 1408 : i32
      %dma_wait3A_372 = tpu.memref_slice %arg6[%dma_wait3A_371] : memref<1600xi32, #tpu.memory_space<vmem>> -> memref<128xi32, #tpu.memory_space<vmem>>
      %dma_wait3A_373 = arith.constant 0 : i32
      %dma_wait3A_374 = arith.constant 0 : i32
      %dma_wait3A_375 = tpu.memref_slice %arg3[%dma_wait3A_373, %dma_wait3A_374] : memref<1000000x32xf32, #tpu.memory_space<hbm>> -> memref<1000000x32xf32, #tpu.memory_space<hbm>>
      tpu.wait_indirect_dma semaphore(%arg12 : memref<!tpu.dma_semaphore, #tpu.memory_space<semaphore_mem>>) src(%dma_wait3A_375 : memref<1000000x32xf32, #tpu.memory_space<hbm>>) dst(%dma_wait3A_370 : memref<128x32xf32, #tpu.memory_space<vmem>>)
      %dma_wait3A_376 = arith.constant 1536 : i32
      %dma_wait3A_377 = arith.constant 0 : i32
      %dma_wait3A_378 = tpu.memref_slice %arg8[%dma_wait3A_376, %dma_wait3A_377] : memref<1600x32xf32, #tpu.memory_space<vmem>> -> memref<64x32xf32, #tpu.memory_space<vmem>>
      %dma_wait3A_379 = arith.constant 1536 : i32
      %dma_wait3A_380 = tpu.memref_slice %arg6[%dma_wait3A_379] : memref<1600xi32, #tpu.memory_space<vmem>> -> memref<64xi32, #tpu.memory_space<vmem>>
      %dma_wait3A_381 = arith.constant 0 : i32
      %dma_wait3A_382 = arith.constant 0 : i32
      %dma_wait3A_383 = tpu.memref_slice %arg3[%dma_wait3A_381, %dma_wait3A_382] : memref<1000000x32xf32, #tpu.memory_space<hbm>> -> memref<1000000x32xf32, #tpu.memory_space<hbm>>
      tpu.wait_indirect_dma semaphore(%arg12 : memref<!tpu.dma_semaphore, #tpu.memory_space<semaphore_mem>>) src(%dma_wait3A_383 : memref<1000000x32xf32, #tpu.memory_space<hbm>>) dst(%dma_wait3A_378 : memref<64x32xf32, #tpu.memory_space<vmem>>)
      %broadcast_in_dim3A = arith.constant 0.000000e+00 : f32
      %broadcast_in_dim3A_384 = vector.broadcast %broadcast_in_dim3A : f32 to vector<16xf32>
      %broadcast_in_dim3A_385 = arith.constant 0.000000e+00 : f32
      %broadcast_in_dim3A_386 = vector.broadcast %broadcast_in_dim3A_385 : f32 to vector<16xf32>
      %scan3A_387 = arith.constant 0 : i32
      %scan3A_388 = arith.constant 25 : i32
      %scan3A_389 = arith.addi %scan3A_387, %scan3A_388 : i32
      %scan3A_390 = arith.constant 1 : i32
      %scan3A_391:4 = scf.for %scan3A_1271 = %scan3A_387 to %scan3A_389 step %scan3A_390 iter_args(%scan3A_1272 = %broadcast_in_dim3A_386, %scan3A_1273 = %broadcast_in_dim3A_386, %scan3A_1274 = %broadcast_in_dim3A_386, %scan3A_1275 = %broadcast_in_dim3A_386) -> (vector<16xf32>, vector<16xf32>, vector<16xf32>, vector<16xf32>)  : i32 {
        %mul3A_1276 = arith.constant 8 : i32
        %mul3A_1277 = arith.muli %mul3A_1276, %scan3A_1271 : i32
        %add3A_1278 = arith.constant 0 : i32
        %add3A_1279 = arith.addi %add3A_1278, %mul3A_1277 : i32
        %add3A_1280 = arith.constant 0 : i32
        %add3A_1281 = arith.addi %add3A_1279, %add3A_1280 : i32
        %get3A_1282 = arith.index_cast %add3A_1281 : i32 to index
        %get3A_1283 = arith.constant 0 : index
        %get3A_1284 = tpu.vector_load %arg8[%get3A_1282, %get3A_1283] {strides = array<i32>} : memref<1600x32xf32, #tpu.memory_space<vmem>>, vector<1x16xf32>,
        %get3A_1285 = vector.shape_cast %get3A_1284 : vector<1x16xf32> to vector<16xf32>
        %add3A_1286 = arith.addf %scan3A_1272, %get3A_1285 : vector<16xf32>
        %add3A_1287 = arith.constant 0 : i32
        %add3A_1288 = arith.addi %add3A_1279, %add3A_1287 : i32
        %get3A_1289 = arith.index_cast %add3A_1288 : i32 to index
        %get3A_1290 = arith.constant 16 : index
        %get3A_1291 = tpu.vector_load %arg8[%get3A_1289, %get3A_1290] {strides = array<i32>} : memref<1600x32xf32, #tpu.memory_space<vmem>>, vector<1x16xf32>,
        %get3A_1292 = vector.shape_cast %get3A_1291 : vector<1x16xf32> to vector<16xf32>
        %add3A_1293 = arith.addf %scan3A_1274, %get3A_1292 : vector<16xf32>
        %add3A_1294 = arith.constant 0 : i32
        %add3A_1295 = arith.addi %add3A_1279, %add3A_1294 : i32
        %add3A_1296 = arith.constant 1 : i32
        %add3A_1297 = arith.addi %add3A_1295, %add3A_1296 : i32
        %get3A_1298 = arith.index_cast %add3A_1297 : i32 to index
        %get3A_1299 = arith.constant 0 : index
        %get3A_1300 = tpu.vector_load %arg8[%get3A_1298, %get3A_1299] {strides = array<i32>} : memref<1600x32xf32, #tpu.memory_space<vmem>>, vector<1x16xf32>,
        %get3A_1301 = vector.shape_cast %get3A_1300 : vector<1x16xf32> to vector<16xf32>
        %add3A_1302 = arith.addf %scan3A_1273, %get3A_1301 : vector<16xf32>
        %add3A_1303 = arith.constant 0 : i32
        %add3A_1304 = arith.addi %add3A_1279, %add3A_1303 : i32
        %add3A_1305 = arith.constant 1 : i32
        %add3A_1306 = arith.addi %add3A_1304, %add3A_1305 : i32
        %get3A_1307 = arith.index_cast %add3A_1306 : i32 to index
        %get3A_1308 = arith.constant 16 : index
        %get3A_1309 = tpu.vector_load %arg8[%get3A_1307, %get3A_1308] {strides = array<i32>} : memref<1600x32xf32, #tpu.memory_space<vmem>>, vector<1x16xf32>,
        %get3A_1310 = vector.shape_cast %get3A_1309 : vector<1x16xf32> to vector<16xf32>
        %add3A_1311 = arith.addf %scan3A_1275, %get3A_1310 : vector<16xf32>
        %add3A_1312 = arith.constant 2 : i32
        %add3A_1313 = arith.addi %add3A_1279, %add3A_1312 : i32
        %get3A_1314 = arith.index_cast %add3A_1313 : i32 to index
        %get3A_1315 = arith.constant 0 : index
        %get3A_1316 = tpu.vector_load %arg8[%get3A_1314, %get3A_1315] {strides = array<i32>} : memref<1600x32xf32, #tpu.memory_space<vmem>>, vector<1x16xf32>,
        %get3A_1317 = vector.shape_cast %get3A_1316 : vector<1x16xf32> to vector<16xf32>
        %add3A_1318 = arith.addf %add3A_1286, %get3A_1317 : vector<16xf32>
        %add3A_1319 = arith.constant 2 : i32
        %add3A_1320 = arith.addi %add3A_1279, %add3A_1319 : i32
        %get3A_1321 = arith.index_cast %add3A_1320 : i32 to index
        %get3A_1322 = arith.constant 16 : index
        %get3A_1323 = tpu.vector_load %arg8[%get3A_1321, %get3A_1322] {strides = array<i32>} : memref<1600x32xf32, #tpu.memory_space<vmem>>, vector<1x16xf32>,
        %get3A_1324 = vector.shape_cast %get3A_1323 : vector<1x16xf32> to vector<16xf32>
        %add3A_1325 = arith.addf %add3A_1293, %get3A_1324 : vector<16xf32>
        %add3A_1326 = arith.constant 2 : i32
        %add3A_1327 = arith.addi %add3A_1279, %add3A_1326 : i32
        %add3A_1328 = arith.constant 1 : i32
        %add3A_1329 = arith.addi %add3A_1327, %add3A_1328 : i32
        %get3A_1330 = arith.index_cast %add3A_1329 : i32 to index
        %get3A_1331 = arith.constant 0 : index
        %get3A_1332 = tpu.vector_load %arg8[%get3A_1330, %get3A_1331] {strides = array<i32>} : memref<1600x32xf32, #tpu.memory_space<vmem>>, vector<1x16xf32>,
        %get3A_1333 = vector.shape_cast %get3A_1332 : vector<1x16xf32> to vector<16xf32>
        %add3A_1334 = arith.addf %add3A_1302, %get3A_1333 : vector<16xf32>
        %add3A_1335 = arith.constant 2 : i32
        %add3A_1336 = arith.addi %add3A_1279, %add3A_1335 : i32
        %add3A_1337 = arith.constant 1 : i32
        %add3A_1338 = arith.addi %add3A_1336, %add3A_1337 : i32
        %get3A_1339 = arith.index_cast %add3A_1338 : i32 to index
        %get3A_1340 = arith.constant 16 : index
        %get3A_1341 = tpu.vector_load %arg8[%get3A_1339, %get3A_1340] {strides = array<i32>} : memref<1600x32xf32, #tpu.memory_space<vmem>>, vector<1x16xf32>,
        %get3A_1342 = vector.shape_cast %get3A_1341 : vector<1x16xf32> to vector<16xf32>
        %add3A_1343 = arith.addf %add3A_1311, %get3A_1342 : vector<16xf32>
        %add3A_1344 = arith.constant 4 : i32
        %add3A_1345 = arith.addi %add3A_1279, %add3A_1344 : i32
        %get3A_1346 = arith.index_cast %add3A_1345 : i32 to index
        %get3A_1347 = arith.constant 0 : index
        %get3A_1348 = tpu.vector_load %arg8[%get3A_1346, %get3A_1347] {strides = array<i32>} : memref<1600x32xf32, #tpu.memory_space<vmem>>, vector<1x16xf32>,
        %get3A_1349 = vector.shape_cast %get3A_1348 : vector<1x16xf32> to vector<16xf32>
        %add3A_1350 = arith.addf %add3A_1318, %get3A_1349 : vector<16xf32>
        %add3A_1351 = arith.constant 4 : i32
        %add3A_1352 = arith.addi %add3A_1279, %add3A_1351 : i32
        %get3A_1353 = arith.index_cast %add3A_1352 : i32 to index
        %get3A_1354 = arith.constant 16 : index
        %get3A_1355 = tpu.vector_load %arg8[%get3A_1353, %get3A_1354] {strides = array<i32>} : memref<1600x32xf32, #tpu.memory_space<vmem>>, vector<1x16xf32>,
        %get3A_1356 = vector.shape_cast %get3A_1355 : vector<1x16xf32> to vector<16xf32>
        %add3A_1357 = arith.addf %add3A_1325, %get3A_1356 : vector<16xf32>
        %add3A_1358 = arith.constant 4 : i32
        %add3A_1359 = arith.addi %add3A_1279, %add3A_1358 : i32
        %add3A_1360 = arith.constant 1 : i32
        %add3A_1361 = arith.addi %add3A_1359, %add3A_1360 : i32
        %get3A_1362 = arith.index_cast %add3A_1361 : i32 to index
        %get3A_1363 = arith.constant 0 : index
        %get3A_1364 = tpu.vector_load %arg8[%get3A_1362, %get3A_1363] {strides = array<i32>} : memref<1600x32xf32, #tpu.memory_space<vmem>>, vector<1x16xf32>,
        %get3A_1365 = vector.shape_cast %get3A_1364 : vector<1x16xf32> to vector<16xf32>
        %add3A_1366 = arith.addf %add3A_1334, %get3A_1365 : vector<16xf32>
        %add3A_1367 = arith.constant 4 : i32
        %add3A_1368 = arith.addi %add3A_1279, %add3A_1367 : i32
        %add3A_1369 = arith.constant 1 : i32
        %add3A_1370 = arith.addi %add3A_1368, %add3A_1369 : i32
        %get3A_1371 = arith.index_cast %add3A_1370 : i32 to index
        %get3A_1372 = arith.constant 16 : index
        %get3A_1373 = tpu.vector_load %arg8[%get3A_1371, %get3A_1372] {strides = array<i32>} : memref<1600x32xf32, #tpu.memory_space<vmem>>, vector<1x16xf32>,
        %get3A_1374 = vector.shape_cast %get3A_1373 : vector<1x16xf32> to vector<16xf32>
        %add3A_1375 = arith.addf %add3A_1343, %get3A_1374 : vector<16xf32>
        %add3A_1376 = arith.constant 6 : i32
        %add3A_1377 = arith.addi %add3A_1279, %add3A_1376 : i32
        %get3A_1378 = arith.index_cast %add3A_1377 : i32 to index
        %get3A_1379 = arith.constant 0 : index
        %get3A_1380 = tpu.vector_load %arg8[%get3A_1378, %get3A_1379] {strides = array<i32>} : memref<1600x32xf32, #tpu.memory_space<vmem>>, vector<1x16xf32>,
        %get3A_1381 = vector.shape_cast %get3A_1380 : vector<1x16xf32> to vector<16xf32>
        %add3A_1382 = arith.addf %add3A_1350, %get3A_1381 : vector<16xf32>
        %add3A_1383 = arith.constant 6 : i32
        %add3A_1384 = arith.addi %add3A_1279, %add3A_1383 : i32
        %get3A_1385 = arith.index_cast %add3A_1384 : i32 to index
        %get3A_1386 = arith.constant 16 : index
        %get3A_1387 = tpu.vector_load %arg8[%get3A_1385, %get3A_1386] {strides = array<i32>} : memref<1600x32xf32, #tpu.memory_space<vmem>>, vector<1x16xf32>,
        %get3A_1388 = vector.shape_cast %get3A_1387 : vector<1x16xf32> to vector<16xf32>
        %add3A_1389 = arith.addf %add3A_1357, %get3A_1388 : vector<16xf32>
        %add3A_1390 = arith.constant 6 : i32
        %add3A_1391 = arith.addi %add3A_1279, %add3A_1390 : i32
        %add3A_1392 = arith.constant 1 : i32
        %add3A_1393 = arith.addi %add3A_1391, %add3A_1392 : i32
        %get3A_1394 = arith.index_cast %add3A_1393 : i32 to index
        %get3A_1395 = arith.constant 0 : index
        %get3A_1396 = tpu.vector_load %arg8[%get3A_1394, %get3A_1395] {strides = array<i32>} : memref<1600x32xf32, #tpu.memory_space<vmem>>, vector<1x16xf32>,
        %get3A_1397 = vector.shape_cast %get3A_1396 : vector<1x16xf32> to vector<16xf32>
        %add3A_1398 = arith.addf %add3A_1366, %get3A_1397 : vector<16xf32>
        %add3A_1399 = arith.constant 6 : i32
        %add3A_1400 = arith.addi %add3A_1279, %add3A_1399 : i32
        %add3A_1401 = arith.constant 1 : i32
        %add3A_1402 = arith.addi %add3A_1400, %add3A_1401 : i32
        %get3A_1403 = arith.index_cast %add3A_1402 : i32 to index
        %get3A_1404 = arith.constant 16 : index
        %get3A_1405 = tpu.vector_load %arg8[%get3A_1403, %get3A_1404] {strides = array<i32>} : memref<1600x32xf32, #tpu.memory_space<vmem>>, vector<1x16xf32>,
        %get3A_1406 = vector.shape_cast %get3A_1405 : vector<1x16xf32> to vector<16xf32>
        %add3A_1407 = arith.addf %add3A_1375, %get3A_1406 : vector<16xf32>
        scf.yield %add3A_1382, %add3A_1398, %add3A_1389, %add3A_1407 : vector<16xf32>, vector<16xf32>, vector<16xf32>, vector<16xf32>
      }
      %scan3A_392 = arith.constant 25 : i32
      %add3A_393 = arith.addf %scan3A_391#0, %scan3A_391#1 : vector<16xf32>
      %add3A_394 = arith.addf %scan3A_391#2, %scan3A_391#3 : vector<16xf32>
      %mul3A_395 = arith.mulf %add3A_393, %get3A_4 : vector<16xf32>
      %mul3A_396 = arith.mulf %add3A_394, %get3A_9 : vector<16xf32>
      %add3A_397 = arith.addf %mul3A_395, %mul3A_396 : vector<16xf32>
      %gather3A = vector.shape_cast %reshape3A : vector<16x1xi32> to vector<16xi32>
      %gather3A_398 = tpu.dynamic_gather %add3A_397[%gather3A] in [0] : vector<16xf32>, vector<16xi32> -> vector<16xf32>
      %add3A_399 = arith.addf %add3A_397, %gather3A_398 : vector<16xf32>
      %gather3A_400 = vector.shape_cast %reshape3A_36 : vector<16x1xi32> to vector<16xi32>
      %gather3A_401 = tpu.dynamic_gather %add3A_399[%gather3A_400] in [0] : vector<16xf32>, vector<16xi32> -> vector<16xf32>
      %add3A_402 = arith.addf %add3A_399, %gather3A_401 : vector<16xf32>
      %gather3A_403 = vector.shape_cast %reshape3A_43 : vector<16x1xi32> to vector<16xi32>
      %gather3A_404 = tpu.dynamic_gather %add3A_402[%gather3A_403] in [0] : vector<16xf32>, vector<16xi32> -> vector<16xf32>
      %add3A_405 = arith.addf %add3A_402, %gather3A_404 : vector<16xf32>
      %gather3A_406 = vector.shape_cast %reshape3A_50 : vector<16x1xi32> to vector<16xi32>
      %gather3A_407 = tpu.dynamic_gather %add3A_405[%gather3A_406] in [0] : vector<16xf32>, vector<16xi32> -> vector<16xf32>
      %add3A_408 = arith.addf %add3A_405, %gather3A_407 : vector<16xf32>
      %mul3A_409 = arith.mulf %add3A_393, %get3A_14 : vector<16xf32>
      %mul3A_410 = arith.mulf %add3A_394, %get3A_19 : vector<16xf32>
      %add3A_411 = arith.addf %mul3A_409, %mul3A_410 : vector<16xf32>
      %gather3A_412 = vector.shape_cast %reshape3A : vector<16x1xi32> to vector<16xi32>
      %gather3A_413 = tpu.dynamic_gather %add3A_411[%gather3A_412] in [0] : vector<16xf32>, vector<16xi32> -> vector<16xf32>
      %add3A_414 = arith.addf %add3A_411, %gather3A_413 : vector<16xf32>
      %gather3A_415 = vector.shape_cast %reshape3A_36 : vector<16x1xi32> to vector<16xi32>
      %gather3A_416 = tpu.dynamic_gather %add3A_414[%gather3A_415] in [0] : vector<16xf32>, vector<16xi32> -> vector<16xf32>
      %add3A_417 = arith.addf %add3A_414, %gather3A_416 : vector<16xf32>
      %gather3A_418 = vector.shape_cast %reshape3A_43 : vector<16x1xi32> to vector<16xi32>
      %gather3A_419 = tpu.dynamic_gather %add3A_417[%gather3A_418] in [0] : vector<16xf32>, vector<16xi32> -> vector<16xf32>
      %add3A_420 = arith.addf %add3A_417, %gather3A_419 : vector<16xf32>
      %gather3A_421 = vector.shape_cast %reshape3A_50 : vector<16x1xi32> to vector<16xi32>
      %gather3A_422 = tpu.dynamic_gather %add3A_420[%gather3A_421] in [0] : vector<16xf32>, vector<16xi32> -> vector<16xf32>
      %add3A_423 = arith.addf %add3A_420, %gather3A_422 : vector<16xf32>
      %eq3A = arith.constant 0 : i32
      %eq3A_424 = vector.broadcast %eq3A : i32 to vector<16xi32>
      %eq3A_425 = arith.cmpi eq, %iota3A, %eq3A_424 : vector<16xi32>
      %select_n3A = arith.select %eq3A_425, %add3A_408, %broadcast_in_dim3A_384 : vector<16xi1>, vector<16xf32>
      %eq3A_426 = arith.constant 1 : i32
      %eq3A_427 = vector.broadcast %eq3A_426 : i32 to vector<16xi32>
      %eq3A_428 = arith.cmpi eq, %iota3A, %eq3A_427 : vector<16xi32>
      %select_n3A_429 = arith.select %eq3A_428, %add3A_423, %select_n3A : vector<16xi1>, vector<16xf32>
      %broadcast_in_dim3A_430 = arith.constant 0.000000e+00 : f32
      %broadcast_in_dim3A_431 = vector.broadcast %broadcast_in_dim3A_430 : f32 to vector<16xf32>
      %scan3A_432 = arith.constant 0 : i32
      %scan3A_433 = arith.constant 25 : i32
      %scan3A_434 = arith.addi %scan3A_432, %scan3A_433 : i32
      %scan3A_435 = arith.constant 1 : i32
      %scan3A_436:4 = scf.for %scan3A_1271 = %scan3A_432 to %scan3A_434 step %scan3A_435 iter_args(%scan3A_1272 = %broadcast_in_dim3A_431, %scan3A_1273 = %broadcast_in_dim3A_431, %scan3A_1274 = %broadcast_in_dim3A_431, %scan3A_1275 = %broadcast_in_dim3A_431) -> (vector<16xf32>, vector<16xf32>, vector<16xf32>, vector<16xf32>)  : i32 {
        %mul3A_1276 = arith.constant 8 : i32
        %mul3A_1277 = arith.muli %mul3A_1276, %scan3A_1271 : i32
        %add3A_1278 = arith.constant 200 : i32
        %add3A_1279 = arith.addi %add3A_1278, %mul3A_1277 : i32
        %add3A_1280 = arith.constant 0 : i32
        %add3A_1281 = arith.addi %add3A_1279, %add3A_1280 : i32
        %get3A_1282 = arith.index_cast %add3A_1281 : i32 to index
        %get3A_1283 = arith.constant 0 : index
        %get3A_1284 = tpu.vector_load %arg8[%get3A_1282, %get3A_1283] {strides = array<i32>} : memref<1600x32xf32, #tpu.memory_space<vmem>>, vector<1x16xf32>,
        %get3A_1285 = vector.shape_cast %get3A_1284 : vector<1x16xf32> to vector<16xf32>
        %add3A_1286 = arith.addf %scan3A_1272, %get3A_1285 : vector<16xf32>
        %add3A_1287 = arith.constant 0 : i32
        %add3A_1288 = arith.addi %add3A_1279, %add3A_1287 : i32
        %get3A_1289 = arith.index_cast %add3A_1288 : i32 to index
        %get3A_1290 = arith.constant 16 : index
        %get3A_1291 = tpu.vector_load %arg8[%get3A_1289, %get3A_1290] {strides = array<i32>} : memref<1600x32xf32, #tpu.memory_space<vmem>>, vector<1x16xf32>,
        %get3A_1292 = vector.shape_cast %get3A_1291 : vector<1x16xf32> to vector<16xf32>
        %add3A_1293 = arith.addf %scan3A_1274, %get3A_1292 : vector<16xf32>
        %add3A_1294 = arith.constant 0 : i32
        %add3A_1295 = arith.addi %add3A_1279, %add3A_1294 : i32
        %add3A_1296 = arith.constant 1 : i32
        %add3A_1297 = arith.addi %add3A_1295, %add3A_1296 : i32
        %get3A_1298 = arith.index_cast %add3A_1297 : i32 to index
        %get3A_1299 = arith.constant 0 : index
        %get3A_1300 = tpu.vector_load %arg8[%get3A_1298, %get3A_1299] {strides = array<i32>} : memref<1600x32xf32, #tpu.memory_space<vmem>>, vector<1x16xf32>,
        %get3A_1301 = vector.shape_cast %get3A_1300 : vector<1x16xf32> to vector<16xf32>
        %add3A_1302 = arith.addf %scan3A_1273, %get3A_1301 : vector<16xf32>
        %add3A_1303 = arith.constant 0 : i32
        %add3A_1304 = arith.addi %add3A_1279, %add3A_1303 : i32
        %add3A_1305 = arith.constant 1 : i32
        %add3A_1306 = arith.addi %add3A_1304, %add3A_1305 : i32
        %get3A_1307 = arith.index_cast %add3A_1306 : i32 to index
        %get3A_1308 = arith.constant 16 : index
        %get3A_1309 = tpu.vector_load %arg8[%get3A_1307, %get3A_1308] {strides = array<i32>} : memref<1600x32xf32, #tpu.memory_space<vmem>>, vector<1x16xf32>,
        %get3A_1310 = vector.shape_cast %get3A_1309 : vector<1x16xf32> to vector<16xf32>
        %add3A_1311 = arith.addf %scan3A_1275, %get3A_1310 : vector<16xf32>
        %add3A_1312 = arith.constant 2 : i32
        %add3A_1313 = arith.addi %add3A_1279, %add3A_1312 : i32
        %get3A_1314 = arith.index_cast %add3A_1313 : i32 to index
        %get3A_1315 = arith.constant 0 : index
        %get3A_1316 = tpu.vector_load %arg8[%get3A_1314, %get3A_1315] {strides = array<i32>} : memref<1600x32xf32, #tpu.memory_space<vmem>>, vector<1x16xf32>,
        %get3A_1317 = vector.shape_cast %get3A_1316 : vector<1x16xf32> to vector<16xf32>
        %add3A_1318 = arith.addf %add3A_1286, %get3A_1317 : vector<16xf32>
        %add3A_1319 = arith.constant 2 : i32
        %add3A_1320 = arith.addi %add3A_1279, %add3A_1319 : i32
        %get3A_1321 = arith.index_cast %add3A_1320 : i32 to index
        %get3A_1322 = arith.constant 16 : index
        %get3A_1323 = tpu.vector_load %arg8[%get3A_1321, %get3A_1322] {strides = array<i32>} : memref<1600x32xf32, #tpu.memory_space<vmem>>, vector<1x16xf32>,
        %get3A_1324 = vector.shape_cast %get3A_1323 : vector<1x16xf32> to vector<16xf32>
        %add3A_1325 = arith.addf %add3A_1293, %get3A_1324 : vector<16xf32>
        %add3A_1326 = arith.constant 2 : i32
        %add3A_1327 = arith.addi %add3A_1279, %add3A_1326 : i32
        %add3A_1328 = arith.constant 1 : i32
        %add3A_1329 = arith.addi %add3A_1327, %add3A_1328 : i32
        %get3A_1330 = arith.index_cast %add3A_1329 : i32 to index
        %get3A_1331 = arith.constant 0 : index
        %get3A_1332 = tpu.vector_load %arg8[%get3A_1330, %get3A_1331] {strides = array<i32>} : memref<1600x32xf32, #tpu.memory_space<vmem>>, vector<1x16xf32>,
        %get3A_1333 = vector.shape_cast %get3A_1332 : vector<1x16xf32> to vector<16xf32>
        %add3A_1334 = arith.addf %add3A_1302, %get3A_1333 : vector<16xf32>
        %add3A_1335 = arith.constant 2 : i32
        %add3A_1336 = arith.addi %add3A_1279, %add3A_1335 : i32
        %add3A_1337 = arith.constant 1 : i32
        %add3A_1338 = arith.addi %add3A_1336, %add3A_1337 : i32
        %get3A_1339 = arith.index_cast %add3A_1338 : i32 to index
        %get3A_1340 = arith.constant 16 : index
        %get3A_1341 = tpu.vector_load %arg8[%get3A_1339, %get3A_1340] {strides = array<i32>} : memref<1600x32xf32, #tpu.memory_space<vmem>>, vector<1x16xf32>,
        %get3A_1342 = vector.shape_cast %get3A_1341 : vector<1x16xf32> to vector<16xf32>
        %add3A_1343 = arith.addf %add3A_1311, %get3A_1342 : vector<16xf32>
        %add3A_1344 = arith.constant 4 : i32
        %add3A_1345 = arith.addi %add3A_1279, %add3A_1344 : i32
        %get3A_1346 = arith.index_cast %add3A_1345 : i32 to index
        %get3A_1347 = arith.constant 0 : index
        %get3A_1348 = tpu.vector_load %arg8[%get3A_1346, %get3A_1347] {strides = array<i32>} : memref<1600x32xf32, #tpu.memory_space<vmem>>, vector<1x16xf32>,
        %get3A_1349 = vector.shape_cast %get3A_1348 : vector<1x16xf32> to vector<16xf32>
        %add3A_1350 = arith.addf %add3A_1318, %get3A_1349 : vector<16xf32>
        %add3A_1351 = arith.constant 4 : i32
        %add3A_1352 = arith.addi %add3A_1279, %add3A_1351 : i32
        %get3A_1353 = arith.index_cast %add3A_1352 : i32 to index
        %get3A_1354 = arith.constant 16 : index
        %get3A_1355 = tpu.vector_load %arg8[%get3A_1353, %get3A_1354] {strides = array<i32>} : memref<1600x32xf32, #tpu.memory_space<vmem>>, vector<1x16xf32>,
        %get3A_1356 = vector.shape_cast %get3A_1355 : vector<1x16xf32> to vector<16xf32>
        %add3A_1357 = arith.addf %add3A_1325, %get3A_1356 : vector<16xf32>
        %add3A_1358 = arith.constant 4 : i32
        %add3A_1359 = arith.addi %add3A_1279, %add3A_1358 : i32
        %add3A_1360 = arith.constant 1 : i32
        %add3A_1361 = arith.addi %add3A_1359, %add3A_1360 : i32
        %get3A_1362 = arith.index_cast %add3A_1361 : i32 to index
        %get3A_1363 = arith.constant 0 : index
        %get3A_1364 = tpu.vector_load %arg8[%get3A_1362, %get3A_1363] {strides = array<i32>} : memref<1600x32xf32, #tpu.memory_space<vmem>>, vector<1x16xf32>,
        %get3A_1365 = vector.shape_cast %get3A_1364 : vector<1x16xf32> to vector<16xf32>
        %add3A_1366 = arith.addf %add3A_1334, %get3A_1365 : vector<16xf32>
        %add3A_1367 = arith.constant 4 : i32
        %add3A_1368 = arith.addi %add3A_1279, %add3A_1367 : i32
        %add3A_1369 = arith.constant 1 : i32
        %add3A_1370 = arith.addi %add3A_1368, %add3A_1369 : i32
        %get3A_1371 = arith.index_cast %add3A_1370 : i32 to index
        %get3A_1372 = arith.constant 16 : index
        %get3A_1373 = tpu.vector_load %arg8[%get3A_1371, %get3A_1372] {strides = array<i32>} : memref<1600x32xf32, #tpu.memory_space<vmem>>, vector<1x16xf32>,
        %get3A_1374 = vector.shape_cast %get3A_1373 : vector<1x16xf32> to vector<16xf32>
        %add3A_1375 = arith.addf %add3A_1343, %get3A_1374 : vector<16xf32>
        %add3A_1376 = arith.constant 6 : i32
        %add3A_1377 = arith.addi %add3A_1279, %add3A_1376 : i32
        %get3A_1378 = arith.index_cast %add3A_1377 : i32 to index
        %get3A_1379 = arith.constant 0 : index
        %get3A_1380 = tpu.vector_load %arg8[%get3A_1378, %get3A_1379] {strides = array<i32>} : memref<1600x32xf32, #tpu.memory_space<vmem>>, vector<1x16xf32>,
        %get3A_1381 = vector.shape_cast %get3A_1380 : vector<1x16xf32> to vector<16xf32>
        %add3A_1382 = arith.addf %add3A_1350, %get3A_1381 : vector<16xf32>
        %add3A_1383 = arith.constant 6 : i32
        %add3A_1384 = arith.addi %add3A_1279, %add3A_1383 : i32
        %get3A_1385 = arith.index_cast %add3A_1384 : i32 to index
        %get3A_1386 = arith.constant 16 : index
        %get3A_1387 = tpu.vector_load %arg8[%get3A_1385, %get3A_1386] {strides = array<i32>} : memref<1600x32xf32, #tpu.memory_space<vmem>>, vector<1x16xf32>,
        %get3A_1388 = vector.shape_cast %get3A_1387 : vector<1x16xf32> to vector<16xf32>
        %add3A_1389 = arith.addf %add3A_1357, %get3A_1388 : vector<16xf32>
        %add3A_1390 = arith.constant 6 : i32
        %add3A_1391 = arith.addi %add3A_1279, %add3A_1390 : i32
        %add3A_1392 = arith.constant 1 : i32
        %add3A_1393 = arith.addi %add3A_1391, %add3A_1392 : i32
        %get3A_1394 = arith.index_cast %add3A_1393 : i32 to index
        %get3A_1395 = arith.constant 0 : index
        %get3A_1396 = tpu.vector_load %arg8[%get3A_1394, %get3A_1395] {strides = array<i32>} : memref<1600x32xf32, #tpu.memory_space<vmem>>, vector<1x16xf32>,
        %get3A_1397 = vector.shape_cast %get3A_1396 : vector<1x16xf32> to vector<16xf32>
        %add3A_1398 = arith.addf %add3A_1366, %get3A_1397 : vector<16xf32>
        %add3A_1399 = arith.constant 6 : i32
        %add3A_1400 = arith.addi %add3A_1279, %add3A_1399 : i32
        %add3A_1401 = arith.constant 1 : i32
        %add3A_1402 = arith.addi %add3A_1400, %add3A_1401 : i32
        %get3A_1403 = arith.index_cast %add3A_1402 : i32 to index
        %get3A_1404 = arith.constant 16 : index
        %get3A_1405 = tpu.vector_load %arg8[%get3A_1403, %get3A_1404] {strides = array<i32>} : memref<1600x32xf32, #tpu.memory_space<vmem>>, vector<1x16xf32>,
        %get3A_1406 = vector.shape_cast %get3A_1405 : vector<1x16xf32> to vector<16xf32>
        %add3A_1407 = arith.addf %add3A_1375, %get3A_1406 : vector<16xf32>
        scf.yield %add3A_1382, %add3A_1398, %add3A_1389, %add3A_1407 : vector<16xf32>, vector<16xf32>, vector<16xf32>, vector<16xf32>
      }
      %scan3A_437 = arith.constant 25 : i32
      %add3A_438 = arith.addf %scan3A_436#0, %scan3A_436#1 : vector<16xf32>
      %add3A_439 = arith.addf %scan3A_436#2, %scan3A_436#3 : vector<16xf32>
      %mul3A_440 = arith.mulf %add3A_438, %get3A_4 : vector<16xf32>
      %mul3A_441 = arith.mulf %add3A_439, %get3A_9 : vector<16xf32>
      %add3A_442 = arith.addf %mul3A_440, %mul3A_441 : vector<16xf32>
      %gather3A_443 = vector.shape_cast %reshape3A : vector<16x1xi32> to vector<16xi32>
      %gather3A_444 = tpu.dynamic_gather %add3A_442[%gather3A_443] in [0] : vector<16xf32>, vector<16xi32> -> vector<16xf32>
      %add3A_445 = arith.addf %add3A_442, %gather3A_444 : vector<16xf32>
      %gather3A_446 = vector.shape_cast %reshape3A_36 : vector<16x1xi32> to vector<16xi32>
      %gather3A_447 = tpu.dynamic_gather %add3A_445[%gather3A_446] in [0] : vector<16xf32>, vector<16xi32> -> vector<16xf32>
      %add3A_448 = arith.addf %add3A_445, %gather3A_447 : vector<16xf32>
      %gather3A_449 = vector.shape_cast %reshape3A_43 : vector<16x1xi32> to vector<16xi32>
      %gather3A_450 = tpu.dynamic_gather %add3A_448[%gather3A_449] in [0] : vector<16xf32>, vector<16xi32> -> vector<16xf32>
      %add3A_451 = arith.addf %add3A_448, %gather3A_450 : vector<16xf32>
      %gather3A_452 = vector.shape_cast %reshape3A_50 : vector<16x1xi32> to vector<16xi32>
      %gather3A_453 = tpu.dynamic_gather %add3A_451[%gather3A_452] in [0] : vector<16xf32>, vector<16xi32> -> vector<16xf32>
      %add3A_454 = arith.addf %add3A_451, %gather3A_453 : vector<16xf32>
      %mul3A_455 = arith.mulf %add3A_438, %get3A_14 : vector<16xf32>
      %mul3A_456 = arith.mulf %add3A_439, %get3A_19 : vector<16xf32>
      %add3A_457 = arith.addf %mul3A_455, %mul3A_456 : vector<16xf32>
      %gather3A_458 = vector.shape_cast %reshape3A : vector<16x1xi32> to vector<16xi32>
      %gather3A_459 = tpu.dynamic_gather %add3A_457[%gather3A_458] in [0] : vector<16xf32>, vector<16xi32> -> vector<16xf32>
      %add3A_460 = arith.addf %add3A_457, %gather3A_459 : vector<16xf32>
      %gather3A_461 = vector.shape_cast %reshape3A_36 : vector<16x1xi32> to vector<16xi32>
      %gather3A_462 = tpu.dynamic_gather %add3A_460[%gather3A_461] in [0] : vector<16xf32>, vector<16xi32> -> vector<16xf32>
      %add3A_463 = arith.addf %add3A_460, %gather3A_462 : vector<16xf32>
      %gather3A_464 = vector.shape_cast %reshape3A_43 : vector<16x1xi32> to vector<16xi32>
      %gather3A_465 = tpu.dynamic_gather %add3A_463[%gather3A_464] in [0] : vector<16xf32>, vector<16xi32> -> vector<16xf32>
      %add3A_466 = arith.addf %add3A_463, %gather3A_465 : vector<16xf32>
      %gather3A_467 = vector.shape_cast %reshape3A_50 : vector<16x1xi32> to vector<16xi32>
      %gather3A_468 = tpu.dynamic_gather %add3A_466[%gather3A_467] in [0] : vector<16xf32>, vector<16xi32> -> vector<16xf32>
      %add3A_469 = arith.addf %add3A_466, %gather3A_468 : vector<16xf32>
      %eq3A_470 = arith.constant 2 : i32
      %eq3A_471 = vector.broadcast %eq3A_470 : i32 to vector<16xi32>
      %eq3A_472 = arith.cmpi eq, %iota3A, %eq3A_471 : vector<16xi32>
      %select_n3A_473 = arith.select %eq3A_472, %add3A_454, %select_n3A_429 : vector<16xi1>, vector<16xf32>
      %eq3A_474 = arith.constant 3 : i32
      %eq3A_475 = vector.broadcast %eq3A_474 : i32 to vector<16xi32>
      %eq3A_476 = arith.cmpi eq, %iota3A, %eq3A_475 : vector<16xi32>
      %select_n3A_477 = arith.select %eq3A_476, %add3A_469, %select_n3A_473 : vector<16xi1>, vector<16xf32>
      %broadcast_in_dim3A_478 = arith.constant 0.000000e+00 : f32
      %broadcast_in_dim3A_479 = vector.broadcast %broadcast_in_dim3A_478 : f32 to vector<16xf32>
      %scan3A_480 = arith.constant 0 : i32
      %scan3A_481 = arith.constant 25 : i32
      %scan3A_482 = arith.addi %scan3A_480, %scan3A_481 : i32
      %scan3A_483 = arith.constant 1 : i32
      %scan3A_484:4 = scf.for %scan3A_1271 = %scan3A_480 to %scan3A_482 step %scan3A_483 iter_args(%scan3A_1272 = %broadcast_in_dim3A_479, %scan3A_1273 = %broadcast_in_dim3A_479, %scan3A_1274 = %broadcast_in_dim3A_479, %scan3A_1275 = %broadcast_in_dim3A_479) -> (vector<16xf32>, vector<16xf32>, vector<16xf32>, vector<16xf32>)  : i32 {
        %mul3A_1276 = arith.constant 8 : i32
        %mul3A_1277 = arith.muli %mul3A_1276, %scan3A_1271 : i32
        %add3A_1278 = arith.constant 400 : i32
        %add3A_1279 = arith.addi %add3A_1278, %mul3A_1277 : i32
        %add3A_1280 = arith.constant 0 : i32
        %add3A_1281 = arith.addi %add3A_1279, %add3A_1280 : i32
        %get3A_1282 = arith.index_cast %add3A_1281 : i32 to index
        %get3A_1283 = arith.constant 0 : index
        %get3A_1284 = tpu.vector_load %arg8[%get3A_1282, %get3A_1283] {strides = array<i32>} : memref<1600x32xf32, #tpu.memory_space<vmem>>, vector<1x16xf32>,
        %get3A_1285 = vector.shape_cast %get3A_1284 : vector<1x16xf32> to vector<16xf32>
        %add3A_1286 = arith.addf %scan3A_1272, %get3A_1285 : vector<16xf32>
        %add3A_1287 = arith.constant 0 : i32
        %add3A_1288 = arith.addi %add3A_1279, %add3A_1287 : i32
        %get3A_1289 = arith.index_cast %add3A_1288 : i32 to index
        %get3A_1290 = arith.constant 16 : index
        %get3A_1291 = tpu.vector_load %arg8[%get3A_1289, %get3A_1290] {strides = array<i32>} : memref<1600x32xf32, #tpu.memory_space<vmem>>, vector<1x16xf32>,
        %get3A_1292 = vector.shape_cast %get3A_1291 : vector<1x16xf32> to vector<16xf32>
        %add3A_1293 = arith.addf %scan3A_1274, %get3A_1292 : vector<16xf32>
        %add3A_1294 = arith.constant 0 : i32
        %add3A_1295 = arith.addi %add3A_1279, %add3A_1294 : i32
        %add3A_1296 = arith.constant 1 : i32
        %add3A_1297 = arith.addi %add3A_1295, %add3A_1296 : i32
        %get3A_1298 = arith.index_cast %add3A_1297 : i32 to index
        %get3A_1299 = arith.constant 0 : index
        %get3A_1300 = tpu.vector_load %arg8[%get3A_1298, %get3A_1299] {strides = array<i32>} : memref<1600x32xf32, #tpu.memory_space<vmem>>, vector<1x16xf32>,
        %get3A_1301 = vector.shape_cast %get3A_1300 : vector<1x16xf32> to vector<16xf32>
        %add3A_1302 = arith.addf %scan3A_1273, %get3A_1301 : vector<16xf32>
        %add3A_1303 = arith.constant 0 : i32
        %add3A_1304 = arith.addi %add3A_1279, %add3A_1303 : i32
        %add3A_1305 = arith.constant 1 : i32
        %add3A_1306 = arith.addi %add3A_1304, %add3A_1305 : i32
        %get3A_1307 = arith.index_cast %add3A_1306 : i32 to index
        %get3A_1308 = arith.constant 16 : index
        %get3A_1309 = tpu.vector_load %arg8[%get3A_1307, %get3A_1308] {strides = array<i32>} : memref<1600x32xf32, #tpu.memory_space<vmem>>, vector<1x16xf32>,
        %get3A_1310 = vector.shape_cast %get3A_1309 : vector<1x16xf32> to vector<16xf32>
        %add3A_1311 = arith.addf %scan3A_1275, %get3A_1310 : vector<16xf32>
        %add3A_1312 = arith.constant 2 : i32
        %add3A_1313 = arith.addi %add3A_1279, %add3A_1312 : i32
        %get3A_1314 = arith.index_cast %add3A_1313 : i32 to index
        %get3A_1315 = arith.constant 0 : index
        %get3A_1316 = tpu.vector_load %arg8[%get3A_1314, %get3A_1315] {strides = array<i32>} : memref<1600x32xf32, #tpu.memory_space<vmem>>, vector<1x16xf32>,
        %get3A_1317 = vector.shape_cast %get3A_1316 : vector<1x16xf32> to vector<16xf32>
        %add3A_1318 = arith.addf %add3A_1286, %get3A_1317 : vector<16xf32>
        %add3A_1319 = arith.constant 2 : i32
        %add3A_1320 = arith.addi %add3A_1279, %add3A_1319 : i32
        %get3A_1321 = arith.index_cast %add3A_1320 : i32 to index
        %get3A_1322 = arith.constant 16 : index
        %get3A_1323 = tpu.vector_load %arg8[%get3A_1321, %get3A_1322] {strides = array<i32>} : memref<1600x32xf32, #tpu.memory_space<vmem>>, vector<1x16xf32>,
        %get3A_1324 = vector.shape_cast %get3A_1323 : vector<1x16xf32> to vector<16xf32>
        %add3A_1325 = arith.addf %add3A_1293, %get3A_1324 : vector<16xf32>
        %add3A_1326 = arith.constant 2 : i32
        %add3A_1327 = arith.addi %add3A_1279, %add3A_1326 : i32
        %add3A_1328 = arith.constant 1 : i32
        %add3A_1329 = arith.addi %add3A_1327, %add3A_1328 : i32
        %get3A_1330 = arith.index_cast %add3A_1329 : i32 to index
        %get3A_1331 = arith.constant 0 : index
        %get3A_1332 = tpu.vector_load %arg8[%get3A_1330, %get3A_1331] {strides = array<i32>} : memref<1600x32xf32, #tpu.memory_space<vmem>>, vector<1x16xf32>,
        %get3A_1333 = vector.shape_cast %get3A_1332 : vector<1x16xf32> to vector<16xf32>
        %add3A_1334 = arith.addf %add3A_1302, %get3A_1333 : vector<16xf32>
        %add3A_1335 = arith.constant 2 : i32
        %add3A_1336 = arith.addi %add3A_1279, %add3A_1335 : i32
        %add3A_1337 = arith.constant 1 : i32
        %add3A_1338 = arith.addi %add3A_1336, %add3A_1337 : i32
        %get3A_1339 = arith.index_cast %add3A_1338 : i32 to index
        %get3A_1340 = arith.constant 16 : index
        %get3A_1341 = tpu.vector_load %arg8[%get3A_1339, %get3A_1340] {strides = array<i32>} : memref<1600x32xf32, #tpu.memory_space<vmem>>, vector<1x16xf32>,
        %get3A_1342 = vector.shape_cast %get3A_1341 : vector<1x16xf32> to vector<16xf32>
        %add3A_1343 = arith.addf %add3A_1311, %get3A_1342 : vector<16xf32>
        %add3A_1344 = arith.constant 4 : i32
        %add3A_1345 = arith.addi %add3A_1279, %add3A_1344 : i32
        %get3A_1346 = arith.index_cast %add3A_1345 : i32 to index
        %get3A_1347 = arith.constant 0 : index
        %get3A_1348 = tpu.vector_load %arg8[%get3A_1346, %get3A_1347] {strides = array<i32>} : memref<1600x32xf32, #tpu.memory_space<vmem>>, vector<1x16xf32>,
        %get3A_1349 = vector.shape_cast %get3A_1348 : vector<1x16xf32> to vector<16xf32>
        %add3A_1350 = arith.addf %add3A_1318, %get3A_1349 : vector<16xf32>
        %add3A_1351 = arith.constant 4 : i32
        %add3A_1352 = arith.addi %add3A_1279, %add3A_1351 : i32
        %get3A_1353 = arith.index_cast %add3A_1352 : i32 to index
        %get3A_1354 = arith.constant 16 : index
        %get3A_1355 = tpu.vector_load %arg8[%get3A_1353, %get3A_1354] {strides = array<i32>} : memref<1600x32xf32, #tpu.memory_space<vmem>>, vector<1x16xf32>,
        %get3A_1356 = vector.shape_cast %get3A_1355 : vector<1x16xf32> to vector<16xf32>
        %add3A_1357 = arith.addf %add3A_1325, %get3A_1356 : vector<16xf32>
        %add3A_1358 = arith.constant 4 : i32
        %add3A_1359 = arith.addi %add3A_1279, %add3A_1358 : i32
        %add3A_1360 = arith.constant 1 : i32
        %add3A_1361 = arith.addi %add3A_1359, %add3A_1360 : i32
        %get3A_1362 = arith.index_cast %add3A_1361 : i32 to index
        %get3A_1363 = arith.constant 0 : index
        %get3A_1364 = tpu.vector_load %arg8[%get3A_1362, %get3A_1363] {strides = array<i32>} : memref<1600x32xf32, #tpu.memory_space<vmem>>, vector<1x16xf32>,
        %get3A_1365 = vector.shape_cast %get3A_1364 : vector<1x16xf32> to vector<16xf32>
        %add3A_1366 = arith.addf %add3A_1334, %get3A_1365 : vector<16xf32>
        %add3A_1367 = arith.constant 4 : i32
        %add3A_1368 = arith.addi %add3A_1279, %add3A_1367 : i32
        %add3A_1369 = arith.constant 1 : i32
        %add3A_1370 = arith.addi %add3A_1368, %add3A_1369 : i32
        %get3A_1371 = arith.index_cast %add3A_1370 : i32 to index
        %get3A_1372 = arith.constant 16 : index
        %get3A_1373 = tpu.vector_load %arg8[%get3A_1371, %get3A_1372] {strides = array<i32>} : memref<1600x32xf32, #tpu.memory_space<vmem>>, vector<1x16xf32>,
        %get3A_1374 = vector.shape_cast %get3A_1373 : vector<1x16xf32> to vector<16xf32>
        %add3A_1375 = arith.addf %add3A_1343, %get3A_1374 : vector<16xf32>
        %add3A_1376 = arith.constant 6 : i32
        %add3A_1377 = arith.addi %add3A_1279, %add3A_1376 : i32
        %get3A_1378 = arith.index_cast %add3A_1377 : i32 to index
        %get3A_1379 = arith.constant 0 : index
        %get3A_1380 = tpu.vector_load %arg8[%get3A_1378, %get3A_1379] {strides = array<i32>} : memref<1600x32xf32, #tpu.memory_space<vmem>>, vector<1x16xf32>,
        %get3A_1381 = vector.shape_cast %get3A_1380 : vector<1x16xf32> to vector<16xf32>
        %add3A_1382 = arith.addf %add3A_1350, %get3A_1381 : vector<16xf32>
        %add3A_1383 = arith.constant 6 : i32
        %add3A_1384 = arith.addi %add3A_1279, %add3A_1383 : i32
        %get3A_1385 = arith.index_cast %add3A_1384 : i32 to index
        %get3A_1386 = arith.constant 16 : index
        %get3A_1387 = tpu.vector_load %arg8[%get3A_1385, %get3A_1386] {strides = array<i32>} : memref<1600x32xf32, #tpu.memory_space<vmem>>, vector<1x16xf32>,
        %get3A_1388 = vector.shape_cast %get3A_1387 : vector<1x16xf32> to vector<16xf32>
        %add3A_1389 = arith.addf %add3A_1357, %get3A_1388 : vector<16xf32>
        %add3A_1390 = arith.constant 6 : i32
        %add3A_1391 = arith.addi %add3A_1279, %add3A_1390 : i32
        %add3A_1392 = arith.constant 1 : i32
        %add3A_1393 = arith.addi %add3A_1391, %add3A_1392 : i32
        %get3A_1394 = arith.index_cast %add3A_1393 : i32 to index
        %get3A_1395 = arith.constant 0 : index
        %get3A_1396 = tpu.vector_load %arg8[%get3A_1394, %get3A_1395] {strides = array<i32>} : memref<1600x32xf32, #tpu.memory_space<vmem>>, vector<1x16xf32>,
        %get3A_1397 = vector.shape_cast %get3A_1396 : vector<1x16xf32> to vector<16xf32>
        %add3A_1398 = arith.addf %add3A_1366, %get3A_1397 : vector<16xf32>
        %add3A_1399 = arith.constant 6 : i32
        %add3A_1400 = arith.addi %add3A_1279, %add3A_1399 : i32
        %add3A_1401 = arith.constant 1 : i32
        %add3A_1402 = arith.addi %add3A_1400, %add3A_1401 : i32
        %get3A_1403 = arith.index_cast %add3A_1402 : i32 to index
        %get3A_1404 = arith.constant 16 : index
        %get3A_1405 = tpu.vector_load %arg8[%get3A_1403, %get3A_1404] {strides = array<i32>} : memref<1600x32xf32, #tpu.memory_space<vmem>>, vector<1x16xf32>,
        %get3A_1406 = vector.shape_cast %get3A_1405 : vector<1x16xf32> to vector<16xf32>
        %add3A_1407 = arith.addf %add3A_1375, %get3A_1406 : vector<16xf32>
        scf.yield %add3A_1382, %add3A_1398, %add3A_1389, %add3A_1407 : vector<16xf32>, vector<16xf32>, vector<16xf32>, vector<16xf32>
      }
      %scan3A_485 = arith.constant 25 : i32
      %add3A_486 = arith.addf %scan3A_484#0, %scan3A_484#1 : vector<16xf32>
      %add3A_487 = arith.addf %scan3A_484#2, %scan3A_484#3 : vector<16xf32>
      %mul3A_488 = arith.mulf %add3A_486, %get3A_4 : vector<16xf32>
      %mul3A_489 = arith.mulf %add3A_487, %get3A_9 : vector<16xf32>
      %add3A_490 = arith.addf %mul3A_488, %mul3A_489 : vector<16xf32>
      %gather3A_491 = vector.shape_cast %reshape3A : vector<16x1xi32> to vector<16xi32>
      %gather3A_492 = tpu.dynamic_gather %add3A_490[%gather3A_491] in [0] : vector<16xf32>, vector<16xi32> -> vector<16xf32>
      %add3A_493 = arith.addf %add3A_490, %gather3A_492 : vector<16xf32>
      %gather3A_494 = vector.shape_cast %reshape3A_36 : vector<16x1xi32> to vector<16xi32>
      %gather3A_495 = tpu.dynamic_gather %add3A_493[%gather3A_494] in [0] : vector<16xf32>, vector<16xi32> -> vector<16xf32>
      %add3A_496 = arith.addf %add3A_493, %gather3A_495 : vector<16xf32>
      %gather3A_497 = vector.shape_cast %reshape3A_43 : vector<16x1xi32> to vector<16xi32>
      %gather3A_498 = tpu.dynamic_gather %add3A_496[%gather3A_497] in [0] : vector<16xf32>, vector<16xi32> -> vector<16xf32>
      %add3A_499 = arith.addf %add3A_496, %gather3A_498 : vector<16xf32>
      %gather3A_500 = vector.shape_cast %reshape3A_50 : vector<16x1xi32> to vector<16xi32>
      %gather3A_501 = tpu.dynamic_gather %add3A_499[%gather3A_500] in [0] : vector<16xf32>, vector<16xi32> -> vector<16xf32>
      %add3A_502 = arith.addf %add3A_499, %gather3A_501 : vector<16xf32>
      %mul3A_503 = arith.mulf %add3A_486, %get3A_14 : vector<16xf32>
      %mul3A_504 = arith.mulf %add3A_487, %get3A_19 : vector<16xf32>
      %add3A_505 = arith.addf %mul3A_503, %mul3A_504 : vector<16xf32>
      %gather3A_506 = vector.shape_cast %reshape3A : vector<16x1xi32> to vector<16xi32>
      %gather3A_507 = tpu.dynamic_gather %add3A_505[%gather3A_506] in [0] : vector<16xf32>, vector<16xi32> -> vector<16xf32>
      %add3A_508 = arith.addf %add3A_505, %gather3A_507 : vector<16xf32>
      %gather3A_509 = vector.shape_cast %reshape3A_36 : vector<16x1xi32> to vector<16xi32>
      %gather3A_510 = tpu.dynamic_gather %add3A_508[%gather3A_509] in [0] : vector<16xf32>, vector<16xi32> -> vector<16xf32>
      %add3A_511 = arith.addf %add3A_508, %gather3A_510 : vector<16xf32>
      %gather3A_512 = vector.shape_cast %reshape3A_43 : vector<16x1xi32> to vector<16xi32>
      %gather3A_513 = tpu.dynamic_gather %add3A_511[%gather3A_512] in [0] : vector<16xf32>, vector<16xi32> -> vector<16xf32>
      %add3A_514 = arith.addf %add3A_511, %gather3A_513 : vector<16xf32>
      %gather3A_515 = vector.shape_cast %reshape3A_50 : vector<16x1xi32> to vector<16xi32>
      %gather3A_516 = tpu.dynamic_gather %add3A_514[%gather3A_515] in [0] : vector<16xf32>, vector<16xi32> -> vector<16xf32>
      %add3A_517 = arith.addf %add3A_514, %gather3A_516 : vector<16xf32>
      %eq3A_518 = arith.constant 4 : i32
      %eq3A_519 = vector.broadcast %eq3A_518 : i32 to vector<16xi32>
      %eq3A_520 = arith.cmpi eq, %iota3A, %eq3A_519 : vector<16xi32>
      %select_n3A_521 = arith.select %eq3A_520, %add3A_502, %select_n3A_477 : vector<16xi1>, vector<16xf32>
      %eq3A_522 = arith.constant 5 : i32
      %eq3A_523 = vector.broadcast %eq3A_522 : i32 to vector<16xi32>
      %eq3A_524 = arith.cmpi eq, %iota3A, %eq3A_523 : vector<16xi32>
      %select_n3A_525 = arith.select %eq3A_524, %add3A_517, %select_n3A_521 : vector<16xi1>, vector<16xf32>
      %broadcast_in_dim3A_526 = arith.constant 0.000000e+00 : f32
      %broadcast_in_dim3A_527 = vector.broadcast %broadcast_in_dim3A_526 : f32 to vector<16xf32>
      %scan3A_528 = arith.constant 0 : i32
      %scan3A_529 = arith.constant 25 : i32
      %scan3A_530 = arith.addi %scan3A_528, %scan3A_529 : i32
      %scan3A_531 = arith.constant 1 : i32
      %scan3A_532:4 = scf.for %scan3A_1271 = %scan3A_528 to %scan3A_530 step %scan3A_531 iter_args(%scan3A_1272 = %broadcast_in_dim3A_527, %scan3A_1273 = %broadcast_in_dim3A_527, %scan3A_1274 = %broadcast_in_dim3A_527, %scan3A_1275 = %broadcast_in_dim3A_527) -> (vector<16xf32>, vector<16xf32>, vector<16xf32>, vector<16xf32>)  : i32 {
        %mul3A_1276 = arith.constant 8 : i32
        %mul3A_1277 = arith.muli %mul3A_1276, %scan3A_1271 : i32
        %add3A_1278 = arith.constant 600 : i32
        %add3A_1279 = arith.addi %add3A_1278, %mul3A_1277 : i32
        %add3A_1280 = arith.constant 0 : i32
        %add3A_1281 = arith.addi %add3A_1279, %add3A_1280 : i32
        %get3A_1282 = arith.index_cast %add3A_1281 : i32 to index
        %get3A_1283 = arith.constant 0 : index
        %get3A_1284 = tpu.vector_load %arg8[%get3A_1282, %get3A_1283] {strides = array<i32>} : memref<1600x32xf32, #tpu.memory_space<vmem>>, vector<1x16xf32>,
        %get3A_1285 = vector.shape_cast %get3A_1284 : vector<1x16xf32> to vector<16xf32>
        %add3A_1286 = arith.addf %scan3A_1272, %get3A_1285 : vector<16xf32>
        %add3A_1287 = arith.constant 0 : i32
        %add3A_1288 = arith.addi %add3A_1279, %add3A_1287 : i32
        %get3A_1289 = arith.index_cast %add3A_1288 : i32 to index
        %get3A_1290 = arith.constant 16 : index
        %get3A_1291 = tpu.vector_load %arg8[%get3A_1289, %get3A_1290] {strides = array<i32>} : memref<1600x32xf32, #tpu.memory_space<vmem>>, vector<1x16xf32>,
        %get3A_1292 = vector.shape_cast %get3A_1291 : vector<1x16xf32> to vector<16xf32>
        %add3A_1293 = arith.addf %scan3A_1274, %get3A_1292 : vector<16xf32>
        %add3A_1294 = arith.constant 0 : i32
        %add3A_1295 = arith.addi %add3A_1279, %add3A_1294 : i32
        %add3A_1296 = arith.constant 1 : i32
        %add3A_1297 = arith.addi %add3A_1295, %add3A_1296 : i32
        %get3A_1298 = arith.index_cast %add3A_1297 : i32 to index
        %get3A_1299 = arith.constant 0 : index
        %get3A_1300 = tpu.vector_load %arg8[%get3A_1298, %get3A_1299] {strides = array<i32>} : memref<1600x32xf32, #tpu.memory_space<vmem>>, vector<1x16xf32>,
        %get3A_1301 = vector.shape_cast %get3A_1300 : vector<1x16xf32> to vector<16xf32>
        %add3A_1302 = arith.addf %scan3A_1273, %get3A_1301 : vector<16xf32>
        %add3A_1303 = arith.constant 0 : i32
        %add3A_1304 = arith.addi %add3A_1279, %add3A_1303 : i32
        %add3A_1305 = arith.constant 1 : i32
        %add3A_1306 = arith.addi %add3A_1304, %add3A_1305 : i32
        %get3A_1307 = arith.index_cast %add3A_1306 : i32 to index
        %get3A_1308 = arith.constant 16 : index
        %get3A_1309 = tpu.vector_load %arg8[%get3A_1307, %get3A_1308] {strides = array<i32>} : memref<1600x32xf32, #tpu.memory_space<vmem>>, vector<1x16xf32>,
        %get3A_1310 = vector.shape_cast %get3A_1309 : vector<1x16xf32> to vector<16xf32>
        %add3A_1311 = arith.addf %scan3A_1275, %get3A_1310 : vector<16xf32>
        %add3A_1312 = arith.constant 2 : i32
        %add3A_1313 = arith.addi %add3A_1279, %add3A_1312 : i32
        %get3A_1314 = arith.index_cast %add3A_1313 : i32 to index
        %get3A_1315 = arith.constant 0 : index
        %get3A_1316 = tpu.vector_load %arg8[%get3A_1314, %get3A_1315] {strides = array<i32>} : memref<1600x32xf32, #tpu.memory_space<vmem>>, vector<1x16xf32>,
        %get3A_1317 = vector.shape_cast %get3A_1316 : vector<1x16xf32> to vector<16xf32>
        %add3A_1318 = arith.addf %add3A_1286, %get3A_1317 : vector<16xf32>
        %add3A_1319 = arith.constant 2 : i32
        %add3A_1320 = arith.addi %add3A_1279, %add3A_1319 : i32
        %get3A_1321 = arith.index_cast %add3A_1320 : i32 to index
        %get3A_1322 = arith.constant 16 : index
        %get3A_1323 = tpu.vector_load %arg8[%get3A_1321, %get3A_1322] {strides = array<i32>} : memref<1600x32xf32, #tpu.memory_space<vmem>>, vector<1x16xf32>,
        %get3A_1324 = vector.shape_cast %get3A_1323 : vector<1x16xf32> to vector<16xf32>
        %add3A_1325 = arith.addf %add3A_1293, %get3A_1324 : vector<16xf32>
        %add3A_1326 = arith.constant 2 : i32
        %add3A_1327 = arith.addi %add3A_1279, %add3A_1326 : i32
        %add3A_1328 = arith.constant 1 : i32
        %add3A_1329 = arith.addi %add3A_1327, %add3A_1328 : i32
        %get3A_1330 = arith.index_cast %add3A_1329 : i32 to index
        %get3A_1331 = arith.constant 0 : index
        %get3A_1332 = tpu.vector_load %arg8[%get3A_1330, %get3A_1331] {strides = array<i32>} : memref<1600x32xf32, #tpu.memory_space<vmem>>, vector<1x16xf32>,
        %get3A_1333 = vector.shape_cast %get3A_1332 : vector<1x16xf32> to vector<16xf32>
        %add3A_1334 = arith.addf %add3A_1302, %get3A_1333 : vector<16xf32>
        %add3A_1335 = arith.constant 2 : i32
        %add3A_1336 = arith.addi %add3A_1279, %add3A_1335 : i32
        %add3A_1337 = arith.constant 1 : i32
        %add3A_1338 = arith.addi %add3A_1336, %add3A_1337 : i32
        %get3A_1339 = arith.index_cast %add3A_1338 : i32 to index
        %get3A_1340 = arith.constant 16 : index
        %get3A_1341 = tpu.vector_load %arg8[%get3A_1339, %get3A_1340] {strides = array<i32>} : memref<1600x32xf32, #tpu.memory_space<vmem>>, vector<1x16xf32>,
        %get3A_1342 = vector.shape_cast %get3A_1341 : vector<1x16xf32> to vector<16xf32>
        %add3A_1343 = arith.addf %add3A_1311, %get3A_1342 : vector<16xf32>
        %add3A_1344 = arith.constant 4 : i32
        %add3A_1345 = arith.addi %add3A_1279, %add3A_1344 : i32
        %get3A_1346 = arith.index_cast %add3A_1345 : i32 to index
        %get3A_1347 = arith.constant 0 : index
        %get3A_1348 = tpu.vector_load %arg8[%get3A_1346, %get3A_1347] {strides = array<i32>} : memref<1600x32xf32, #tpu.memory_space<vmem>>, vector<1x16xf32>,
        %get3A_1349 = vector.shape_cast %get3A_1348 : vector<1x16xf32> to vector<16xf32>
        %add3A_1350 = arith.addf %add3A_1318, %get3A_1349 : vector<16xf32>
        %add3A_1351 = arith.constant 4 : i32
        %add3A_1352 = arith.addi %add3A_1279, %add3A_1351 : i32
        %get3A_1353 = arith.index_cast %add3A_1352 : i32 to index
        %get3A_1354 = arith.constant 16 : index
        %get3A_1355 = tpu.vector_load %arg8[%get3A_1353, %get3A_1354] {strides = array<i32>} : memref<1600x32xf32, #tpu.memory_space<vmem>>, vector<1x16xf32>,
        %get3A_1356 = vector.shape_cast %get3A_1355 : vector<1x16xf32> to vector<16xf32>
        %add3A_1357 = arith.addf %add3A_1325, %get3A_1356 : vector<16xf32>
        %add3A_1358 = arith.constant 4 : i32
        %add3A_1359 = arith.addi %add3A_1279, %add3A_1358 : i32
        %add3A_1360 = arith.constant 1 : i32
        %add3A_1361 = arith.addi %add3A_1359, %add3A_1360 : i32
        %get3A_1362 = arith.index_cast %add3A_1361 : i32 to index
        %get3A_1363 = arith.constant 0 : index
        %get3A_1364 = tpu.vector_load %arg8[%get3A_1362, %get3A_1363] {strides = array<i32>} : memref<1600x32xf32, #tpu.memory_space<vmem>>, vector<1x16xf32>,
        %get3A_1365 = vector.shape_cast %get3A_1364 : vector<1x16xf32> to vector<16xf32>
        %add3A_1366 = arith.addf %add3A_1334, %get3A_1365 : vector<16xf32>
        %add3A_1367 = arith.constant 4 : i32
        %add3A_1368 = arith.addi %add3A_1279, %add3A_1367 : i32
        %add3A_1369 = arith.constant 1 : i32
        %add3A_1370 = arith.addi %add3A_1368, %add3A_1369 : i32
        %get3A_1371 = arith.index_cast %add3A_1370 : i32 to index
        %get3A_1372 = arith.constant 16 : index
        %get3A_1373 = tpu.vector_load %arg8[%get3A_1371, %get3A_1372] {strides = array<i32>} : memref<1600x32xf32, #tpu.memory_space<vmem>>, vector<1x16xf32>,
        %get3A_1374 = vector.shape_cast %get3A_1373 : vector<1x16xf32> to vector<16xf32>
        %add3A_1375 = arith.addf %add3A_1343, %get3A_1374 : vector<16xf32>
        %add3A_1376 = arith.constant 6 : i32
        %add3A_1377 = arith.addi %add3A_1279, %add3A_1376 : i32
        %get3A_1378 = arith.index_cast %add3A_1377 : i32 to index
        %get3A_1379 = arith.constant 0 : index
        %get3A_1380 = tpu.vector_load %arg8[%get3A_1378, %get3A_1379] {strides = array<i32>} : memref<1600x32xf32, #tpu.memory_space<vmem>>, vector<1x16xf32>,
        %get3A_1381 = vector.shape_cast %get3A_1380 : vector<1x16xf32> to vector<16xf32>
        %add3A_1382 = arith.addf %add3A_1350, %get3A_1381 : vector<16xf32>
        %add3A_1383 = arith.constant 6 : i32
        %add3A_1384 = arith.addi %add3A_1279, %add3A_1383 : i32
        %get3A_1385 = arith.index_cast %add3A_1384 : i32 to index
        %get3A_1386 = arith.constant 16 : index
        %get3A_1387 = tpu.vector_load %arg8[%get3A_1385, %get3A_1386] {strides = array<i32>} : memref<1600x32xf32, #tpu.memory_space<vmem>>, vector<1x16xf32>,
        %get3A_1388 = vector.shape_cast %get3A_1387 : vector<1x16xf32> to vector<16xf32>
        %add3A_1389 = arith.addf %add3A_1357, %get3A_1388 : vector<16xf32>
        %add3A_1390 = arith.constant 6 : i32
        %add3A_1391 = arith.addi %add3A_1279, %add3A_1390 : i32
        %add3A_1392 = arith.constant 1 : i32
        %add3A_1393 = arith.addi %add3A_1391, %add3A_1392 : i32
        %get3A_1394 = arith.index_cast %add3A_1393 : i32 to index
        %get3A_1395 = arith.constant 0 : index
        %get3A_1396 = tpu.vector_load %arg8[%get3A_1394, %get3A_1395] {strides = array<i32>} : memref<1600x32xf32, #tpu.memory_space<vmem>>, vector<1x16xf32>,
        %get3A_1397 = vector.shape_cast %get3A_1396 : vector<1x16xf32> to vector<16xf32>
        %add3A_1398 = arith.addf %add3A_1366, %get3A_1397 : vector<16xf32>
        %add3A_1399 = arith.constant 6 : i32
        %add3A_1400 = arith.addi %add3A_1279, %add3A_1399 : i32
        %add3A_1401 = arith.constant 1 : i32
        %add3A_1402 = arith.addi %add3A_1400, %add3A_1401 : i32
        %get3A_1403 = arith.index_cast %add3A_1402 : i32 to index
        %get3A_1404 = arith.constant 16 : index
        %get3A_1405 = tpu.vector_load %arg8[%get3A_1403, %get3A_1404] {strides = array<i32>} : memref<1600x32xf32, #tpu.memory_space<vmem>>, vector<1x16xf32>,
        %get3A_1406 = vector.shape_cast %get3A_1405 : vector<1x16xf32> to vector<16xf32>
        %add3A_1407 = arith.addf %add3A_1375, %get3A_1406 : vector<16xf32>
        scf.yield %add3A_1382, %add3A_1398, %add3A_1389, %add3A_1407 : vector<16xf32>, vector<16xf32>, vector<16xf32>, vector<16xf32>
      }
      %scan3A_533 = arith.constant 25 : i32
      %add3A_534 = arith.addf %scan3A_532#0, %scan3A_532#1 : vector<16xf32>
      %add3A_535 = arith.addf %scan3A_532#2, %scan3A_532#3 : vector<16xf32>
      %mul3A_536 = arith.mulf %add3A_534, %get3A_4 : vector<16xf32>
      %mul3A_537 = arith.mulf %add3A_535, %get3A_9 : vector<16xf32>
      %add3A_538 = arith.addf %mul3A_536, %mul3A_537 : vector<16xf32>
      %gather3A_539 = vector.shape_cast %reshape3A : vector<16x1xi32> to vector<16xi32>
      %gather3A_540 = tpu.dynamic_gather %add3A_538[%gather3A_539] in [0] : vector<16xf32>, vector<16xi32> -> vector<16xf32>
      %add3A_541 = arith.addf %add3A_538, %gather3A_540 : vector<16xf32>
      %gather3A_542 = vector.shape_cast %reshape3A_36 : vector<16x1xi32> to vector<16xi32>
      %gather3A_543 = tpu.dynamic_gather %add3A_541[%gather3A_542] in [0] : vector<16xf32>, vector<16xi32> -> vector<16xf32>
      %add3A_544 = arith.addf %add3A_541, %gather3A_543 : vector<16xf32>
      %gather3A_545 = vector.shape_cast %reshape3A_43 : vector<16x1xi32> to vector<16xi32>
      %gather3A_546 = tpu.dynamic_gather %add3A_544[%gather3A_545] in [0] : vector<16xf32>, vector<16xi32> -> vector<16xf32>
      %add3A_547 = arith.addf %add3A_544, %gather3A_546 : vector<16xf32>
      %gather3A_548 = vector.shape_cast %reshape3A_50 : vector<16x1xi32> to vector<16xi32>
      %gather3A_549 = tpu.dynamic_gather %add3A_547[%gather3A_548] in [0] : vector<16xf32>, vector<16xi32> -> vector<16xf32>
      %add3A_550 = arith.addf %add3A_547, %gather3A_549 : vector<16xf32>
      %mul3A_551 = arith.mulf %add3A_534, %get3A_14 : vector<16xf32>
      %mul3A_552 = arith.mulf %add3A_535, %get3A_19 : vector<16xf32>
      %add3A_553 = arith.addf %mul3A_551, %mul3A_552 : vector<16xf32>
      %gather3A_554 = vector.shape_cast %reshape3A : vector<16x1xi32> to vector<16xi32>
      %gather3A_555 = tpu.dynamic_gather %add3A_553[%gather3A_554] in [0] : vector<16xf32>, vector<16xi32> -> vector<16xf32>
      %add3A_556 = arith.addf %add3A_553, %gather3A_555 : vector<16xf32>
      %gather3A_557 = vector.shape_cast %reshape3A_36 : vector<16x1xi32> to vector<16xi32>
      %gather3A_558 = tpu.dynamic_gather %add3A_556[%gather3A_557] in [0] : vector<16xf32>, vector<16xi32> -> vector<16xf32>
      %add3A_559 = arith.addf %add3A_556, %gather3A_558 : vector<16xf32>
      %gather3A_560 = vector.shape_cast %reshape3A_43 : vector<16x1xi32> to vector<16xi32>
      %gather3A_561 = tpu.dynamic_gather %add3A_559[%gather3A_560] in [0] : vector<16xf32>, vector<16xi32> -> vector<16xf32>
      %add3A_562 = arith.addf %add3A_559, %gather3A_561 : vector<16xf32>
      %gather3A_563 = vector.shape_cast %reshape3A_50 : vector<16x1xi32> to vector<16xi32>
      %gather3A_564 = tpu.dynamic_gather %add3A_562[%gather3A_563] in [0] : vector<16xf32>, vector<16xi32> -> vector<16xf32>
      %add3A_565 = arith.addf %add3A_562, %gather3A_564 : vector<16xf32>
      %eq3A_566 = arith.constant 6 : i32
      %eq3A_567 = vector.broadcast %eq3A_566 : i32 to vector<16xi32>
      %eq3A_568 = arith.cmpi eq, %iota3A, %eq3A_567 : vector<16xi32>
      %select_n3A_569 = arith.select %eq3A_568, %add3A_550, %select_n3A_525 : vector<16xi1>, vector<16xf32>
      %eq3A_570 = arith.constant 7 : i32
      %eq3A_571 = vector.broadcast %eq3A_570 : i32 to vector<16xi32>
      %eq3A_572 = arith.cmpi eq, %iota3A, %eq3A_571 : vector<16xi32>
      %select_n3A_573 = arith.select %eq3A_572, %add3A_565, %select_n3A_569 : vector<16xi1>, vector<16xf32>
      %broadcast_in_dim3A_574 = arith.constant 0.000000e+00 : f32
      %broadcast_in_dim3A_575 = vector.broadcast %broadcast_in_dim3A_574 : f32 to vector<16xf32>
      %scan3A_576 = arith.constant 0 : i32
      %scan3A_577 = arith.constant 25 : i32
      %scan3A_578 = arith.addi %scan3A_576, %scan3A_577 : i32
      %scan3A_579 = arith.constant 1 : i32
      %scan3A_580:4 = scf.for %scan3A_1271 = %scan3A_576 to %scan3A_578 step %scan3A_579 iter_args(%scan3A_1272 = %broadcast_in_dim3A_575, %scan3A_1273 = %broadcast_in_dim3A_575, %scan3A_1274 = %broadcast_in_dim3A_575, %scan3A_1275 = %broadcast_in_dim3A_575) -> (vector<16xf32>, vector<16xf32>, vector<16xf32>, vector<16xf32>)  : i32 {
        %mul3A_1276 = arith.constant 8 : i32
        %mul3A_1277 = arith.muli %mul3A_1276, %scan3A_1271 : i32
        %add3A_1278 = arith.constant 800 : i32
        %add3A_1279 = arith.addi %add3A_1278, %mul3A_1277 : i32
        %add3A_1280 = arith.constant 0 : i32
        %add3A_1281 = arith.addi %add3A_1279, %add3A_1280 : i32
        %get3A_1282 = arith.index_cast %add3A_1281 : i32 to index
        %get3A_1283 = arith.constant 0 : index
        %get3A_1284 = tpu.vector_load %arg8[%get3A_1282, %get3A_1283] {strides = array<i32>} : memref<1600x32xf32, #tpu.memory_space<vmem>>, vector<1x16xf32>,
        %get3A_1285 = vector.shape_cast %get3A_1284 : vector<1x16xf32> to vector<16xf32>
        %add3A_1286 = arith.addf %scan3A_1272, %get3A_1285 : vector<16xf32>
        %add3A_1287 = arith.constant 0 : i32
        %add3A_1288 = arith.addi %add3A_1279, %add3A_1287 : i32
        %get3A_1289 = arith.index_cast %add3A_1288 : i32 to index
        %get3A_1290 = arith.constant 16 : index
        %get3A_1291 = tpu.vector_load %arg8[%get3A_1289, %get3A_1290] {strides = array<i32>} : memref<1600x32xf32, #tpu.memory_space<vmem>>, vector<1x16xf32>,
        %get3A_1292 = vector.shape_cast %get3A_1291 : vector<1x16xf32> to vector<16xf32>
        %add3A_1293 = arith.addf %scan3A_1274, %get3A_1292 : vector<16xf32>
        %add3A_1294 = arith.constant 0 : i32
        %add3A_1295 = arith.addi %add3A_1279, %add3A_1294 : i32
        %add3A_1296 = arith.constant 1 : i32
        %add3A_1297 = arith.addi %add3A_1295, %add3A_1296 : i32
        %get3A_1298 = arith.index_cast %add3A_1297 : i32 to index
        %get3A_1299 = arith.constant 0 : index
        %get3A_1300 = tpu.vector_load %arg8[%get3A_1298, %get3A_1299] {strides = array<i32>} : memref<1600x32xf32, #tpu.memory_space<vmem>>, vector<1x16xf32>,
        %get3A_1301 = vector.shape_cast %get3A_1300 : vector<1x16xf32> to vector<16xf32>
        %add3A_1302 = arith.addf %scan3A_1273, %get3A_1301 : vector<16xf32>
        %add3A_1303 = arith.constant 0 : i32
        %add3A_1304 = arith.addi %add3A_1279, %add3A_1303 : i32
        %add3A_1305 = arith.constant 1 : i32
        %add3A_1306 = arith.addi %add3A_1304, %add3A_1305 : i32
        %get3A_1307 = arith.index_cast %add3A_1306 : i32 to index
        %get3A_1308 = arith.constant 16 : index
        %get3A_1309 = tpu.vector_load %arg8[%get3A_1307, %get3A_1308] {strides = array<i32>} : memref<1600x32xf32, #tpu.memory_space<vmem>>, vector<1x16xf32>,
        %get3A_1310 = vector.shape_cast %get3A_1309 : vector<1x16xf32> to vector<16xf32>
        %add3A_1311 = arith.addf %scan3A_1275, %get3A_1310 : vector<16xf32>
        %add3A_1312 = arith.constant 2 : i32
        %add3A_1313 = arith.addi %add3A_1279, %add3A_1312 : i32
        %get3A_1314 = arith.index_cast %add3A_1313 : i32 to index
        %get3A_1315 = arith.constant 0 : index
        %get3A_1316 = tpu.vector_load %arg8[%get3A_1314, %get3A_1315] {strides = array<i32>} : memref<1600x32xf32, #tpu.memory_space<vmem>>, vector<1x16xf32>,
        %get3A_1317 = vector.shape_cast %get3A_1316 : vector<1x16xf32> to vector<16xf32>
        %add3A_1318 = arith.addf %add3A_1286, %get3A_1317 : vector<16xf32>
        %add3A_1319 = arith.constant 2 : i32
        %add3A_1320 = arith.addi %add3A_1279, %add3A_1319 : i32
        %get3A_1321 = arith.index_cast %add3A_1320 : i32 to index
        %get3A_1322 = arith.constant 16 : index
        %get3A_1323 = tpu.vector_load %arg8[%get3A_1321, %get3A_1322] {strides = array<i32>} : memref<1600x32xf32, #tpu.memory_space<vmem>>, vector<1x16xf32>,
        %get3A_1324 = vector.shape_cast %get3A_1323 : vector<1x16xf32> to vector<16xf32>
        %add3A_1325 = arith.addf %add3A_1293, %get3A_1324 : vector<16xf32>
        %add3A_1326 = arith.constant 2 : i32
        %add3A_1327 = arith.addi %add3A_1279, %add3A_1326 : i32
        %add3A_1328 = arith.constant 1 : i32
        %add3A_1329 = arith.addi %add3A_1327, %add3A_1328 : i32
        %get3A_1330 = arith.index_cast %add3A_1329 : i32 to index
        %get3A_1331 = arith.constant 0 : index
        %get3A_1332 = tpu.vector_load %arg8[%get3A_1330, %get3A_1331] {strides = array<i32>} : memref<1600x32xf32, #tpu.memory_space<vmem>>, vector<1x16xf32>,
        %get3A_1333 = vector.shape_cast %get3A_1332 : vector<1x16xf32> to vector<16xf32>
        %add3A_1334 = arith.addf %add3A_1302, %get3A_1333 : vector<16xf32>
        %add3A_1335 = arith.constant 2 : i32
        %add3A_1336 = arith.addi %add3A_1279, %add3A_1335 : i32
        %add3A_1337 = arith.constant 1 : i32
        %add3A_1338 = arith.addi %add3A_1336, %add3A_1337 : i32
        %get3A_1339 = arith.index_cast %add3A_1338 : i32 to index
        %get3A_1340 = arith.constant 16 : index
        %get3A_1341 = tpu.vector_load %arg8[%get3A_1339, %get3A_1340] {strides = array<i32>} : memref<1600x32xf32, #tpu.memory_space<vmem>>, vector<1x16xf32>,
        %get3A_1342 = vector.shape_cast %get3A_1341 : vector<1x16xf32> to vector<16xf32>
        %add3A_1343 = arith.addf %add3A_1311, %get3A_1342 : vector<16xf32>
        %add3A_1344 = arith.constant 4 : i32
        %add3A_1345 = arith.addi %add3A_1279, %add3A_1344 : i32
        %get3A_1346 = arith.index_cast %add3A_1345 : i32 to index
        %get3A_1347 = arith.constant 0 : index
        %get3A_1348 = tpu.vector_load %arg8[%get3A_1346, %get3A_1347] {strides = array<i32>} : memref<1600x32xf32, #tpu.memory_space<vmem>>, vector<1x16xf32>,
        %get3A_1349 = vector.shape_cast %get3A_1348 : vector<1x16xf32> to vector<16xf32>
        %add3A_1350 = arith.addf %add3A_1318, %get3A_1349 : vector<16xf32>
        %add3A_1351 = arith.constant 4 : i32
        %add3A_1352 = arith.addi %add3A_1279, %add3A_1351 : i32
        %get3A_1353 = arith.index_cast %add3A_1352 : i32 to index
        %get3A_1354 = arith.constant 16 : index
        %get3A_1355 = tpu.vector_load %arg8[%get3A_1353, %get3A_1354] {strides = array<i32>} : memref<1600x32xf32, #tpu.memory_space<vmem>>, vector<1x16xf32>,
        %get3A_1356 = vector.shape_cast %get3A_1355 : vector<1x16xf32> to vector<16xf32>
        %add3A_1357 = arith.addf %add3A_1325, %get3A_1356 : vector<16xf32>
        %add3A_1358 = arith.constant 4 : i32
        %add3A_1359 = arith.addi %add3A_1279, %add3A_1358 : i32
        %add3A_1360 = arith.constant 1 : i32
        %add3A_1361 = arith.addi %add3A_1359, %add3A_1360 : i32
        %get3A_1362 = arith.index_cast %add3A_1361 : i32 to index
        %get3A_1363 = arith.constant 0 : index
        %get3A_1364 = tpu.vector_load %arg8[%get3A_1362, %get3A_1363] {strides = array<i32>} : memref<1600x32xf32, #tpu.memory_space<vmem>>, vector<1x16xf32>,
        %get3A_1365 = vector.shape_cast %get3A_1364 : vector<1x16xf32> to vector<16xf32>
        %add3A_1366 = arith.addf %add3A_1334, %get3A_1365 : vector<16xf32>
        %add3A_1367 = arith.constant 4 : i32
        %add3A_1368 = arith.addi %add3A_1279, %add3A_1367 : i32
        %add3A_1369 = arith.constant 1 : i32
        %add3A_1370 = arith.addi %add3A_1368, %add3A_1369 : i32
        %get3A_1371 = arith.index_cast %add3A_1370 : i32 to index
        %get3A_1372 = arith.constant 16 : index
        %get3A_1373 = tpu.vector_load %arg8[%get3A_1371, %get3A_1372] {strides = array<i32>} : memref<1600x32xf32, #tpu.memory_space<vmem>>, vector<1x16xf32>,
        %get3A_1374 = vector.shape_cast %get3A_1373 : vector<1x16xf32> to vector<16xf32>
        %add3A_1375 = arith.addf %add3A_1343, %get3A_1374 : vector<16xf32>
        %add3A_1376 = arith.constant 6 : i32
        %add3A_1377 = arith.addi %add3A_1279, %add3A_1376 : i32
        %get3A_1378 = arith.index_cast %add3A_1377 : i32 to index
        %get3A_1379 = arith.constant 0 : index
        %get3A_1380 = tpu.vector_load %arg8[%get3A_1378, %get3A_1379] {strides = array<i32>} : memref<1600x32xf32, #tpu.memory_space<vmem>>, vector<1x16xf32>,
        %get3A_1381 = vector.shape_cast %get3A_1380 : vector<1x16xf32> to vector<16xf32>
        %add3A_1382 = arith.addf %add3A_1350, %get3A_1381 : vector<16xf32>
        %add3A_1383 = arith.constant 6 : i32
        %add3A_1384 = arith.addi %add3A_1279, %add3A_1383 : i32
        %get3A_1385 = arith.index_cast %add3A_1384 : i32 to index
        %get3A_1386 = arith.constant 16 : index
        %get3A_1387 = tpu.vector_load %arg8[%get3A_1385, %get3A_1386] {strides = array<i32>} : memref<1600x32xf32, #tpu.memory_space<vmem>>, vector<1x16xf32>,
        %get3A_1388 = vector.shape_cast %get3A_1387 : vector<1x16xf32> to vector<16xf32>
        %add3A_1389 = arith.addf %add3A_1357, %get3A_1388 : vector<16xf32>
        %add3A_1390 = arith.constant 6 : i32
        %add3A_1391 = arith.addi %add3A_1279, %add3A_1390 : i32
        %add3A_1392 = arith.constant 1 : i32
        %add3A_1393 = arith.addi %add3A_1391, %add3A_1392 : i32
        %get3A_1394 = arith.index_cast %add3A_1393 : i32 to index
        %get3A_1395 = arith.constant 0 : index
        %get3A_1396 = tpu.vector_load %arg8[%get3A_1394, %get3A_1395] {strides = array<i32>} : memref<1600x32xf32, #tpu.memory_space<vmem>>, vector<1x16xf32>,
        %get3A_1397 = vector.shape_cast %get3A_1396 : vector<1x16xf32> to vector<16xf32>
        %add3A_1398 = arith.addf %add3A_1366, %get3A_1397 : vector<16xf32>
        %add3A_1399 = arith.constant 6 : i32
        %add3A_1400 = arith.addi %add3A_1279, %add3A_1399 : i32
        %add3A_1401 = arith.constant 1 : i32
        %add3A_1402 = arith.addi %add3A_1400, %add3A_1401 : i32
        %get3A_1403 = arith.index_cast %add3A_1402 : i32 to index
        %get3A_1404 = arith.constant 16 : index
        %get3A_1405 = tpu.vector_load %arg8[%get3A_1403, %get3A_1404] {strides = array<i32>} : memref<1600x32xf32, #tpu.memory_space<vmem>>, vector<1x16xf32>,
        %get3A_1406 = vector.shape_cast %get3A_1405 : vector<1x16xf32> to vector<16xf32>
        %add3A_1407 = arith.addf %add3A_1375, %get3A_1406 : vector<16xf32>
        scf.yield %add3A_1382, %add3A_1398, %add3A_1389, %add3A_1407 : vector<16xf32>, vector<16xf32>, vector<16xf32>, vector<16xf32>
      }
      %scan3A_581 = arith.constant 25 : i32
      %add3A_582 = arith.addf %scan3A_580#0, %scan3A_580#1 : vector<16xf32>
      %add3A_583 = arith.addf %scan3A_580#2, %scan3A_580#3 : vector<16xf32>
      %mul3A_584 = arith.mulf %add3A_582, %get3A_4 : vector<16xf32>
      %mul3A_585 = arith.mulf %add3A_583, %get3A_9 : vector<16xf32>
      %add3A_586 = arith.addf %mul3A_584, %mul3A_585 : vector<16xf32>
      %gather3A_587 = vector.shape_cast %reshape3A : vector<16x1xi32> to vector<16xi32>
      %gather3A_588 = tpu.dynamic_gather %add3A_586[%gather3A_587] in [0] : vector<16xf32>, vector<16xi32> -> vector<16xf32>
      %add3A_589 = arith.addf %add3A_586, %gather3A_588 : vector<16xf32>
      %gather3A_590 = vector.shape_cast %reshape3A_36 : vector<16x1xi32> to vector<16xi32>
      %gather3A_591 = tpu.dynamic_gather %add3A_589[%gather3A_590] in [0] : vector<16xf32>, vector<16xi32> -> vector<16xf32>
      %add3A_592 = arith.addf %add3A_589, %gather3A_591 : vector<16xf32>
      %gather3A_593 = vector.shape_cast %reshape3A_43 : vector<16x1xi32> to vector<16xi32>
      %gather3A_594 = tpu.dynamic_gather %add3A_592[%gather3A_593] in [0] : vector<16xf32>, vector<16xi32> -> vector<16xf32>
      %add3A_595 = arith.addf %add3A_592, %gather3A_594 : vector<16xf32>
      %gather3A_596 = vector.shape_cast %reshape3A_50 : vector<16x1xi32> to vector<16xi32>
      %gather3A_597 = tpu.dynamic_gather %add3A_595[%gather3A_596] in [0] : vector<16xf32>, vector<16xi32> -> vector<16xf32>
      %add3A_598 = arith.addf %add3A_595, %gather3A_597 : vector<16xf32>
      %mul3A_599 = arith.mulf %add3A_582, %get3A_14 : vector<16xf32>
      %mul3A_600 = arith.mulf %add3A_583, %get3A_19 : vector<16xf32>
      %add3A_601 = arith.addf %mul3A_599, %mul3A_600 : vector<16xf32>
      %gather3A_602 = vector.shape_cast %reshape3A : vector<16x1xi32> to vector<16xi32>
      %gather3A_603 = tpu.dynamic_gather %add3A_601[%gather3A_602] in [0] : vector<16xf32>, vector<16xi32> -> vector<16xf32>
      %add3A_604 = arith.addf %add3A_601, %gather3A_603 : vector<16xf32>
      %gather3A_605 = vector.shape_cast %reshape3A_36 : vector<16x1xi32> to vector<16xi32>
      %gather3A_606 = tpu.dynamic_gather %add3A_604[%gather3A_605] in [0] : vector<16xf32>, vector<16xi32> -> vector<16xf32>
      %add3A_607 = arith.addf %add3A_604, %gather3A_606 : vector<16xf32>
      %gather3A_608 = vector.shape_cast %reshape3A_43 : vector<16x1xi32> to vector<16xi32>
      %gather3A_609 = tpu.dynamic_gather %add3A_607[%gather3A_608] in [0] : vector<16xf32>, vector<16xi32> -> vector<16xf32>
      %add3A_610 = arith.addf %add3A_607, %gather3A_609 : vector<16xf32>
      %gather3A_611 = vector.shape_cast %reshape3A_50 : vector<16x1xi32> to vector<16xi32>
      %gather3A_612 = tpu.dynamic_gather %add3A_610[%gather3A_611] in [0] : vector<16xf32>, vector<16xi32> -> vector<16xf32>
      %add3A_613 = arith.addf %add3A_610, %gather3A_612 : vector<16xf32>
      %eq3A_614 = arith.constant 8 : i32
      %eq3A_615 = vector.broadcast %eq3A_614 : i32 to vector<16xi32>
      %eq3A_616 = arith.cmpi eq, %iota3A, %eq3A_615 : vector<16xi32>
      %select_n3A_617 = arith.select %eq3A_616, %add3A_598, %select_n3A_573 : vector<16xi1>, vector<16xf32>
      %eq3A_618 = arith.constant 9 : i32
      %eq3A_619 = vector.broadcast %eq3A_618 : i32 to vector<16xi32>
      %eq3A_620 = arith.cmpi eq, %iota3A, %eq3A_619 : vector<16xi32>
      %select_n3A_621 = arith.select %eq3A_620, %add3A_613, %select_n3A_617 : vector<16xi1>, vector<16xf32>
      %broadcast_in_dim3A_622 = arith.constant 0.000000e+00 : f32
      %broadcast_in_dim3A_623 = vector.broadcast %broadcast_in_dim3A_622 : f32 to vector<16xf32>
      %scan3A_624 = arith.constant 0 : i32
      %scan3A_625 = arith.constant 25 : i32
      %scan3A_626 = arith.addi %scan3A_624, %scan3A_625 : i32
      %scan3A_627 = arith.constant 1 : i32
      %scan3A_628:4 = scf.for %scan3A_1271 = %scan3A_624 to %scan3A_626 step %scan3A_627 iter_args(%scan3A_1272 = %broadcast_in_dim3A_623, %scan3A_1273 = %broadcast_in_dim3A_623, %scan3A_1274 = %broadcast_in_dim3A_623, %scan3A_1275 = %broadcast_in_dim3A_623) -> (vector<16xf32>, vector<16xf32>, vector<16xf32>, vector<16xf32>)  : i32 {
        %mul3A_1276 = arith.constant 8 : i32
        %mul3A_1277 = arith.muli %mul3A_1276, %scan3A_1271 : i32
        %add3A_1278 = arith.constant 1000 : i32
        %add3A_1279 = arith.addi %add3A_1278, %mul3A_1277 : i32
        %add3A_1280 = arith.constant 0 : i32
        %add3A_1281 = arith.addi %add3A_1279, %add3A_1280 : i32
        %get3A_1282 = arith.index_cast %add3A_1281 : i32 to index
        %get3A_1283 = arith.constant 0 : index
        %get3A_1284 = tpu.vector_load %arg8[%get3A_1282, %get3A_1283] {strides = array<i32>} : memref<1600x32xf32, #tpu.memory_space<vmem>>, vector<1x16xf32>,
        %get3A_1285 = vector.shape_cast %get3A_1284 : vector<1x16xf32> to vector<16xf32>
        %add3A_1286 = arith.addf %scan3A_1272, %get3A_1285 : vector<16xf32>
        %add3A_1287 = arith.constant 0 : i32
        %add3A_1288 = arith.addi %add3A_1279, %add3A_1287 : i32
        %get3A_1289 = arith.index_cast %add3A_1288 : i32 to index
        %get3A_1290 = arith.constant 16 : index
        %get3A_1291 = tpu.vector_load %arg8[%get3A_1289, %get3A_1290] {strides = array<i32>} : memref<1600x32xf32, #tpu.memory_space<vmem>>, vector<1x16xf32>,
        %get3A_1292 = vector.shape_cast %get3A_1291 : vector<1x16xf32> to vector<16xf32>
        %add3A_1293 = arith.addf %scan3A_1274, %get3A_1292 : vector<16xf32>
        %add3A_1294 = arith.constant 0 : i32
        %add3A_1295 = arith.addi %add3A_1279, %add3A_1294 : i32
        %add3A_1296 = arith.constant 1 : i32
        %add3A_1297 = arith.addi %add3A_1295, %add3A_1296 : i32
        %get3A_1298 = arith.index_cast %add3A_1297 : i32 to index
        %get3A_1299 = arith.constant 0 : index
        %get3A_1300 = tpu.vector_load %arg8[%get3A_1298, %get3A_1299] {strides = array<i32>} : memref<1600x32xf32, #tpu.memory_space<vmem>>, vector<1x16xf32>,
        %get3A_1301 = vector.shape_cast %get3A_1300 : vector<1x16xf32> to vector<16xf32>
        %add3A_1302 = arith.addf %scan3A_1273, %get3A_1301 : vector<16xf32>
        %add3A_1303 = arith.constant 0 : i32
        %add3A_1304 = arith.addi %add3A_1279, %add3A_1303 : i32
        %add3A_1305 = arith.constant 1 : i32
        %add3A_1306 = arith.addi %add3A_1304, %add3A_1305 : i32
        %get3A_1307 = arith.index_cast %add3A_1306 : i32 to index
        %get3A_1308 = arith.constant 16 : index
        %get3A_1309 = tpu.vector_load %arg8[%get3A_1307, %get3A_1308] {strides = array<i32>} : memref<1600x32xf32, #tpu.memory_space<vmem>>, vector<1x16xf32>,
        %get3A_1310 = vector.shape_cast %get3A_1309 : vector<1x16xf32> to vector<16xf32>
        %add3A_1311 = arith.addf %scan3A_1275, %get3A_1310 : vector<16xf32>
        %add3A_1312 = arith.constant 2 : i32
        %add3A_1313 = arith.addi %add3A_1279, %add3A_1312 : i32
        %get3A_1314 = arith.index_cast %add3A_1313 : i32 to index
        %get3A_1315 = arith.constant 0 : index
        %get3A_1316 = tpu.vector_load %arg8[%get3A_1314, %get3A_1315] {strides = array<i32>} : memref<1600x32xf32, #tpu.memory_space<vmem>>, vector<1x16xf32>,
        %get3A_1317 = vector.shape_cast %get3A_1316 : vector<1x16xf32> to vector<16xf32>
        %add3A_1318 = arith.addf %add3A_1286, %get3A_1317 : vector<16xf32>
        %add3A_1319 = arith.constant 2 : i32
        %add3A_1320 = arith.addi %add3A_1279, %add3A_1319 : i32
        %get3A_1321 = arith.index_cast %add3A_1320 : i32 to index
        %get3A_1322 = arith.constant 16 : index
        %get3A_1323 = tpu.vector_load %arg8[%get3A_1321, %get3A_1322] {strides = array<i32>} : memref<1600x32xf32, #tpu.memory_space<vmem>>, vector<1x16xf32>,
        %get3A_1324 = vector.shape_cast %get3A_1323 : vector<1x16xf32> to vector<16xf32>
        %add3A_1325 = arith.addf %add3A_1293, %get3A_1324 : vector<16xf32>
        %add3A_1326 = arith.constant 2 : i32
        %add3A_1327 = arith.addi %add3A_1279, %add3A_1326 : i32
        %add3A_1328 = arith.constant 1 : i32
        %add3A_1329 = arith.addi %add3A_1327, %add3A_1328 : i32
        %get3A_1330 = arith.index_cast %add3A_1329 : i32 to index
        %get3A_1331 = arith.constant 0 : index
        %get3A_1332 = tpu.vector_load %arg8[%get3A_1330, %get3A_1331] {strides = array<i32>} : memref<1600x32xf32, #tpu.memory_space<vmem>>, vector<1x16xf32>,
        %get3A_1333 = vector.shape_cast %get3A_1332 : vector<1x16xf32> to vector<16xf32>
        %add3A_1334 = arith.addf %add3A_1302, %get3A_1333 : vector<16xf32>
        %add3A_1335 = arith.constant 2 : i32
        %add3A_1336 = arith.addi %add3A_1279, %add3A_1335 : i32
        %add3A_1337 = arith.constant 1 : i32
        %add3A_1338 = arith.addi %add3A_1336, %add3A_1337 : i32
        %get3A_1339 = arith.index_cast %add3A_1338 : i32 to index
        %get3A_1340 = arith.constant 16 : index
        %get3A_1341 = tpu.vector_load %arg8[%get3A_1339, %get3A_1340] {strides = array<i32>} : memref<1600x32xf32, #tpu.memory_space<vmem>>, vector<1x16xf32>,
        %get3A_1342 = vector.shape_cast %get3A_1341 : vector<1x16xf32> to vector<16xf32>
        %add3A_1343 = arith.addf %add3A_1311, %get3A_1342 : vector<16xf32>
        %add3A_1344 = arith.constant 4 : i32
        %add3A_1345 = arith.addi %add3A_1279, %add3A_1344 : i32
        %get3A_1346 = arith.index_cast %add3A_1345 : i32 to index
        %get3A_1347 = arith.constant 0 : index
        %get3A_1348 = tpu.vector_load %arg8[%get3A_1346, %get3A_1347] {strides = array<i32>} : memref<1600x32xf32, #tpu.memory_space<vmem>>, vector<1x16xf32>,
        %get3A_1349 = vector.shape_cast %get3A_1348 : vector<1x16xf32> to vector<16xf32>
        %add3A_1350 = arith.addf %add3A_1318, %get3A_1349 : vector<16xf32>
        %add3A_1351 = arith.constant 4 : i32
        %add3A_1352 = arith.addi %add3A_1279, %add3A_1351 : i32
        %get3A_1353 = arith.index_cast %add3A_1352 : i32 to index
        %get3A_1354 = arith.constant 16 : index
        %get3A_1355 = tpu.vector_load %arg8[%get3A_1353, %get3A_1354] {strides = array<i32>} : memref<1600x32xf32, #tpu.memory_space<vmem>>, vector<1x16xf32>,
        %get3A_1356 = vector.shape_cast %get3A_1355 : vector<1x16xf32> to vector<16xf32>
        %add3A_1357 = arith.addf %add3A_1325, %get3A_1356 : vector<16xf32>
        %add3A_1358 = arith.constant 4 : i32
        %add3A_1359 = arith.addi %add3A_1279, %add3A_1358 : i32
        %add3A_1360 = arith.constant 1 : i32
        %add3A_1361 = arith.addi %add3A_1359, %add3A_1360 : i32
        %get3A_1362 = arith.index_cast %add3A_1361 : i32 to index
        %get3A_1363 = arith.constant 0 : index
        %get3A_1364 = tpu.vector_load %arg8[%get3A_1362, %get3A_1363] {strides = array<i32>} : memref<1600x32xf32, #tpu.memory_space<vmem>>, vector<1x16xf32>,
        %get3A_1365 = vector.shape_cast %get3A_1364 : vector<1x16xf32> to vector<16xf32>
        %add3A_1366 = arith.addf %add3A_1334, %get3A_1365 : vector<16xf32>
        %add3A_1367 = arith.constant 4 : i32
        %add3A_1368 = arith.addi %add3A_1279, %add3A_1367 : i32
        %add3A_1369 = arith.constant 1 : i32
        %add3A_1370 = arith.addi %add3A_1368, %add3A_1369 : i32
        %get3A_1371 = arith.index_cast %add3A_1370 : i32 to index
        %get3A_1372 = arith.constant 16 : index
        %get3A_1373 = tpu.vector_load %arg8[%get3A_1371, %get3A_1372] {strides = array<i32>} : memref<1600x32xf32, #tpu.memory_space<vmem>>, vector<1x16xf32>,
        %get3A_1374 = vector.shape_cast %get3A_1373 : vector<1x16xf32> to vector<16xf32>
        %add3A_1375 = arith.addf %add3A_1343, %get3A_1374 : vector<16xf32>
        %add3A_1376 = arith.constant 6 : i32
        %add3A_1377 = arith.addi %add3A_1279, %add3A_1376 : i32
        %get3A_1378 = arith.index_cast %add3A_1377 : i32 to index
        %get3A_1379 = arith.constant 0 : index
        %get3A_1380 = tpu.vector_load %arg8[%get3A_1378, %get3A_1379] {strides = array<i32>} : memref<1600x32xf32, #tpu.memory_space<vmem>>, vector<1x16xf32>,
        %get3A_1381 = vector.shape_cast %get3A_1380 : vector<1x16xf32> to vector<16xf32>
        %add3A_1382 = arith.addf %add3A_1350, %get3A_1381 : vector<16xf32>
        %add3A_1383 = arith.constant 6 : i32
        %add3A_1384 = arith.addi %add3A_1279, %add3A_1383 : i32
        %get3A_1385 = arith.index_cast %add3A_1384 : i32 to index
        %get3A_1386 = arith.constant 16 : index
        %get3A_1387 = tpu.vector_load %arg8[%get3A_1385, %get3A_1386] {strides = array<i32>} : memref<1600x32xf32, #tpu.memory_space<vmem>>, vector<1x16xf32>,
        %get3A_1388 = vector.shape_cast %get3A_1387 : vector<1x16xf32> to vector<16xf32>
        %add3A_1389 = arith.addf %add3A_1357, %get3A_1388 : vector<16xf32>
        %add3A_1390 = arith.constant 6 : i32
        %add3A_1391 = arith.addi %add3A_1279, %add3A_1390 : i32
        %add3A_1392 = arith.constant 1 : i32
        %add3A_1393 = arith.addi %add3A_1391, %add3A_1392 : i32
        %get3A_1394 = arith.index_cast %add3A_1393 : i32 to index
        %get3A_1395 = arith.constant 0 : index
        %get3A_1396 = tpu.vector_load %arg8[%get3A_1394, %get3A_1395] {strides = array<i32>} : memref<1600x32xf32, #tpu.memory_space<vmem>>, vector<1x16xf32>,
        %get3A_1397 = vector.shape_cast %get3A_1396 : vector<1x16xf32> to vector<16xf32>
        %add3A_1398 = arith.addf %add3A_1366, %get3A_1397 : vector<16xf32>
        %add3A_1399 = arith.constant 6 : i32
        %add3A_1400 = arith.addi %add3A_1279, %add3A_1399 : i32
        %add3A_1401 = arith.constant 1 : i32
        %add3A_1402 = arith.addi %add3A_1400, %add3A_1401 : i32
        %get3A_1403 = arith.index_cast %add3A_1402 : i32 to index
        %get3A_1404 = arith.constant 16 : index
        %get3A_1405 = tpu.vector_load %arg8[%get3A_1403, %get3A_1404] {strides = array<i32>} : memref<1600x32xf32, #tpu.memory_space<vmem>>, vector<1x16xf32>,
        %get3A_1406 = vector.shape_cast %get3A_1405 : vector<1x16xf32> to vector<16xf32>
        %add3A_1407 = arith.addf %add3A_1375, %get3A_1406 : vector<16xf32>
        scf.yield %add3A_1382, %add3A_1398, %add3A_1389, %add3A_1407 : vector<16xf32>, vector<16xf32>, vector<16xf32>, vector<16xf32>
      }
      %scan3A_629 = arith.constant 25 : i32
      %add3A_630 = arith.addf %scan3A_628#0, %scan3A_628#1 : vector<16xf32>
      %add3A_631 = arith.addf %scan3A_628#2, %scan3A_628#3 : vector<16xf32>
      %mul3A_632 = arith.mulf %add3A_630, %get3A_4 : vector<16xf32>
      %mul3A_633 = arith.mulf %add3A_631, %get3A_9 : vector<16xf32>
      %add3A_634 = arith.addf %mul3A_632, %mul3A_633 : vector<16xf32>
      %gather3A_635 = vector.shape_cast %reshape3A : vector<16x1xi32> to vector<16xi32>
      %gather3A_636 = tpu.dynamic_gather %add3A_634[%gather3A_635] in [0] : vector<16xf32>, vector<16xi32> -> vector<16xf32>
      %add3A_637 = arith.addf %add3A_634, %gather3A_636 : vector<16xf32>
      %gather3A_638 = vector.shape_cast %reshape3A_36 : vector<16x1xi32> to vector<16xi32>
      %gather3A_639 = tpu.dynamic_gather %add3A_637[%gather3A_638] in [0] : vector<16xf32>, vector<16xi32> -> vector<16xf32>
      %add3A_640 = arith.addf %add3A_637, %gather3A_639 : vector<16xf32>
      %gather3A_641 = vector.shape_cast %reshape3A_43 : vector<16x1xi32> to vector<16xi32>
      %gather3A_642 = tpu.dynamic_gather %add3A_640[%gather3A_641] in [0] : vector<16xf32>, vector<16xi32> -> vector<16xf32>
      %add3A_643 = arith.addf %add3A_640, %gather3A_642 : vector<16xf32>
      %gather3A_644 = vector.shape_cast %reshape3A_50 : vector<16x1xi32> to vector<16xi32>
      %gather3A_645 = tpu.dynamic_gather %add3A_643[%gather3A_644] in [0] : vector<16xf32>, vector<16xi32> -> vector<16xf32>
      %add3A_646 = arith.addf %add3A_643, %gather3A_645 : vector<16xf32>
      %mul3A_647 = arith.mulf %add3A_630, %get3A_14 : vector<16xf32>
      %mul3A_648 = arith.mulf %add3A_631, %get3A_19 : vector<16xf32>
      %add3A_649 = arith.addf %mul3A_647, %mul3A_648 : vector<16xf32>
      %gather3A_650 = vector.shape_cast %reshape3A : vector<16x1xi32> to vector<16xi32>
      %gather3A_651 = tpu.dynamic_gather %add3A_649[%gather3A_650] in [0] : vector<16xf32>, vector<16xi32> -> vector<16xf32>
      %add3A_652 = arith.addf %add3A_649, %gather3A_651 : vector<16xf32>
      %gather3A_653 = vector.shape_cast %reshape3A_36 : vector<16x1xi32> to vector<16xi32>
      %gather3A_654 = tpu.dynamic_gather %add3A_652[%gather3A_653] in [0] : vector<16xf32>, vector<16xi32> -> vector<16xf32>
      %add3A_655 = arith.addf %add3A_652, %gather3A_654 : vector<16xf32>
      %gather3A_656 = vector.shape_cast %reshape3A_43 : vector<16x1xi32> to vector<16xi32>
      %gather3A_657 = tpu.dynamic_gather %add3A_655[%gather3A_656] in [0] : vector<16xf32>, vector<16xi32> -> vector<16xf32>
      %add3A_658 = arith.addf %add3A_655, %gather3A_657 : vector<16xf32>
      %gather3A_659 = vector.shape_cast %reshape3A_50 : vector<16x1xi32> to vector<16xi32>
      %gather3A_660 = tpu.dynamic_gather %add3A_658[%gather3A_659] in [0] : vector<16xf32>, vector<16xi32> -> vector<16xf32>
      %add3A_661 = arith.addf %add3A_658, %gather3A_660 : vector<16xf32>
      %eq3A_662 = arith.constant 10 : i32
      %eq3A_663 = vector.broadcast %eq3A_662 : i32 to vector<16xi32>
      %eq3A_664 = arith.cmpi eq, %iota3A, %eq3A_663 : vector<16xi32>
      %select_n3A_665 = arith.select %eq3A_664, %add3A_646, %select_n3A_621 : vector<16xi1>, vector<16xf32>
      %eq3A_666 = arith.constant 11 : i32
      %eq3A_667 = vector.broadcast %eq3A_666 : i32 to vector<16xi32>
      %eq3A_668 = arith.cmpi eq, %iota3A, %eq3A_667 : vector<16xi32>
      %select_n3A_669 = arith.select %eq3A_668, %add3A_661, %select_n3A_665 : vector<16xi1>, vector<16xf32>
      %broadcast_in_dim3A_670 = arith.constant 0.000000e+00 : f32
      %broadcast_in_dim3A_671 = vector.broadcast %broadcast_in_dim3A_670 : f32 to vector<16xf32>
      %scan3A_672 = arith.constant 0 : i32
      %scan3A_673 = arith.constant 25 : i32
      %scan3A_674 = arith.addi %scan3A_672, %scan3A_673 : i32
      %scan3A_675 = arith.constant 1 : i32
      %scan3A_676:4 = scf.for %scan3A_1271 = %scan3A_672 to %scan3A_674 step %scan3A_675 iter_args(%scan3A_1272 = %broadcast_in_dim3A_671, %scan3A_1273 = %broadcast_in_dim3A_671, %scan3A_1274 = %broadcast_in_dim3A_671, %scan3A_1275 = %broadcast_in_dim3A_671) -> (vector<16xf32>, vector<16xf32>, vector<16xf32>, vector<16xf32>)  : i32 {
        %mul3A_1276 = arith.constant 8 : i32
        %mul3A_1277 = arith.muli %mul3A_1276, %scan3A_1271 : i32
        %add3A_1278 = arith.constant 1200 : i32
        %add3A_1279 = arith.addi %add3A_1278, %mul3A_1277 : i32
        %add3A_1280 = arith.constant 0 : i32
        %add3A_1281 = arith.addi %add3A_1279, %add3A_1280 : i32
        %get3A_1282 = arith.index_cast %add3A_1281 : i32 to index
        %get3A_1283 = arith.constant 0 : index
        %get3A_1284 = tpu.vector_load %arg8[%get3A_1282, %get3A_1283] {strides = array<i32>} : memref<1600x32xf32, #tpu.memory_space<vmem>>, vector<1x16xf32>,
        %get3A_1285 = vector.shape_cast %get3A_1284 : vector<1x16xf32> to vector<16xf32>
        %add3A_1286 = arith.addf %scan3A_1272, %get3A_1285 : vector<16xf32>
        %add3A_1287 = arith.constant 0 : i32
        %add3A_1288 = arith.addi %add3A_1279, %add3A_1287 : i32
        %get3A_1289 = arith.index_cast %add3A_1288 : i32 to index
        %get3A_1290 = arith.constant 16 : index
        %get3A_1291 = tpu.vector_load %arg8[%get3A_1289, %get3A_1290] {strides = array<i32>} : memref<1600x32xf32, #tpu.memory_space<vmem>>, vector<1x16xf32>,
        %get3A_1292 = vector.shape_cast %get3A_1291 : vector<1x16xf32> to vector<16xf32>
        %add3A_1293 = arith.addf %scan3A_1274, %get3A_1292 : vector<16xf32>
        %add3A_1294 = arith.constant 0 : i32
        %add3A_1295 = arith.addi %add3A_1279, %add3A_1294 : i32
        %add3A_1296 = arith.constant 1 : i32
        %add3A_1297 = arith.addi %add3A_1295, %add3A_1296 : i32
        %get3A_1298 = arith.index_cast %add3A_1297 : i32 to index
        %get3A_1299 = arith.constant 0 : index
        %get3A_1300 = tpu.vector_load %arg8[%get3A_1298, %get3A_1299] {strides = array<i32>} : memref<1600x32xf32, #tpu.memory_space<vmem>>, vector<1x16xf32>,
        %get3A_1301 = vector.shape_cast %get3A_1300 : vector<1x16xf32> to vector<16xf32>
        %add3A_1302 = arith.addf %scan3A_1273, %get3A_1301 : vector<16xf32>
        %add3A_1303 = arith.constant 0 : i32
        %add3A_1304 = arith.addi %add3A_1279, %add3A_1303 : i32
        %add3A_1305 = arith.constant 1 : i32
        %add3A_1306 = arith.addi %add3A_1304, %add3A_1305 : i32
        %get3A_1307 = arith.index_cast %add3A_1306 : i32 to index
        %get3A_1308 = arith.constant 16 : index
        %get3A_1309 = tpu.vector_load %arg8[%get3A_1307, %get3A_1308] {strides = array<i32>} : memref<1600x32xf32, #tpu.memory_space<vmem>>, vector<1x16xf32>,
        %get3A_1310 = vector.shape_cast %get3A_1309 : vector<1x16xf32> to vector<16xf32>
        %add3A_1311 = arith.addf %scan3A_1275, %get3A_1310 : vector<16xf32>
        %add3A_1312 = arith.constant 2 : i32
        %add3A_1313 = arith.addi %add3A_1279, %add3A_1312 : i32
        %get3A_1314 = arith.index_cast %add3A_1313 : i32 to index
        %get3A_1315 = arith.constant 0 : index
        %get3A_1316 = tpu.vector_load %arg8[%get3A_1314, %get3A_1315] {strides = array<i32>} : memref<1600x32xf32, #tpu.memory_space<vmem>>, vector<1x16xf32>,
        %get3A_1317 = vector.shape_cast %get3A_1316 : vector<1x16xf32> to vector<16xf32>
        %add3A_1318 = arith.addf %add3A_1286, %get3A_1317 : vector<16xf32>
        %add3A_1319 = arith.constant 2 : i32
        %add3A_1320 = arith.addi %add3A_1279, %add3A_1319 : i32
        %get3A_1321 = arith.index_cast %add3A_1320 : i32 to index
        %get3A_1322 = arith.constant 16 : index
        %get3A_1323 = tpu.vector_load %arg8[%get3A_1321, %get3A_1322] {strides = array<i32>} : memref<1600x32xf32, #tpu.memory_space<vmem>>, vector<1x16xf32>,
        %get3A_1324 = vector.shape_cast %get3A_1323 : vector<1x16xf32> to vector<16xf32>
        %add3A_1325 = arith.addf %add3A_1293, %get3A_1324 : vector<16xf32>
        %add3A_1326 = arith.constant 2 : i32
        %add3A_1327 = arith.addi %add3A_1279, %add3A_1326 : i32
        %add3A_1328 = arith.constant 1 : i32
        %add3A_1329 = arith.addi %add3A_1327, %add3A_1328 : i32
        %get3A_1330 = arith.index_cast %add3A_1329 : i32 to index
        %get3A_1331 = arith.constant 0 : index
        %get3A_1332 = tpu.vector_load %arg8[%get3A_1330, %get3A_1331] {strides = array<i32>} : memref<1600x32xf32, #tpu.memory_space<vmem>>, vector<1x16xf32>,
        %get3A_1333 = vector.shape_cast %get3A_1332 : vector<1x16xf32> to vector<16xf32>
        %add3A_1334 = arith.addf %add3A_1302, %get3A_1333 : vector<16xf32>
        %add3A_1335 = arith.constant 2 : i32
        %add3A_1336 = arith.addi %add3A_1279, %add3A_1335 : i32
        %add3A_1337 = arith.constant 1 : i32
        %add3A_1338 = arith.addi %add3A_1336, %add3A_1337 : i32
        %get3A_1339 = arith.index_cast %add3A_1338 : i32 to index
        %get3A_1340 = arith.constant 16 : index
        %get3A_1341 = tpu.vector_load %arg8[%get3A_1339, %get3A_1340] {strides = array<i32>} : memref<1600x32xf32, #tpu.memory_space<vmem>>, vector<1x16xf32>,
        %get3A_1342 = vector.shape_cast %get3A_1341 : vector<1x16xf32> to vector<16xf32>
        %add3A_1343 = arith.addf %add3A_1311, %get3A_1342 : vector<16xf32>
        %add3A_1344 = arith.constant 4 : i32
        %add3A_1345 = arith.addi %add3A_1279, %add3A_1344 : i32
        %get3A_1346 = arith.index_cast %add3A_1345 : i32 to index
        %get3A_1347 = arith.constant 0 : index
        %get3A_1348 = tpu.vector_load %arg8[%get3A_1346, %get3A_1347] {strides = array<i32>} : memref<1600x32xf32, #tpu.memory_space<vmem>>, vector<1x16xf32>,
        %get3A_1349 = vector.shape_cast %get3A_1348 : vector<1x16xf32> to vector<16xf32>
        %add3A_1350 = arith.addf %add3A_1318, %get3A_1349 : vector<16xf32>
        %add3A_1351 = arith.constant 4 : i32
        %add3A_1352 = arith.addi %add3A_1279, %add3A_1351 : i32
        %get3A_1353 = arith.index_cast %add3A_1352 : i32 to index
        %get3A_1354 = arith.constant 16 : index
        %get3A_1355 = tpu.vector_load %arg8[%get3A_1353, %get3A_1354] {strides = array<i32>} : memref<1600x32xf32, #tpu.memory_space<vmem>>, vector<1x16xf32>,
        %get3A_1356 = vector.shape_cast %get3A_1355 : vector<1x16xf32> to vector<16xf32>
        %add3A_1357 = arith.addf %add3A_1325, %get3A_1356 : vector<16xf32>
        %add3A_1358 = arith.constant 4 : i32
        %add3A_1359 = arith.addi %add3A_1279, %add3A_1358 : i32
        %add3A_1360 = arith.constant 1 : i32
        %add3A_1361 = arith.addi %add3A_1359, %add3A_1360 : i32
        %get3A_1362 = arith.index_cast %add3A_1361 : i32 to index
        %get3A_1363 = arith.constant 0 : index
        %get3A_1364 = tpu.vector_load %arg8[%get3A_1362, %get3A_1363] {strides = array<i32>} : memref<1600x32xf32, #tpu.memory_space<vmem>>, vector<1x16xf32>,
        %get3A_1365 = vector.shape_cast %get3A_1364 : vector<1x16xf32> to vector<16xf32>
        %add3A_1366 = arith.addf %add3A_1334, %get3A_1365 : vector<16xf32>
        %add3A_1367 = arith.constant 4 : i32
        %add3A_1368 = arith.addi %add3A_1279, %add3A_1367 : i32
        %add3A_1369 = arith.constant 1 : i32
        %add3A_1370 = arith.addi %add3A_1368, %add3A_1369 : i32
        %get3A_1371 = arith.index_cast %add3A_1370 : i32 to index
        %get3A_1372 = arith.constant 16 : index
        %get3A_1373 = tpu.vector_load %arg8[%get3A_1371, %get3A_1372] {strides = array<i32>} : memref<1600x32xf32, #tpu.memory_space<vmem>>, vector<1x16xf32>,
        %get3A_1374 = vector.shape_cast %get3A_1373 : vector<1x16xf32> to vector<16xf32>
        %add3A_1375 = arith.addf %add3A_1343, %get3A_1374 : vector<16xf32>
        %add3A_1376 = arith.constant 6 : i32
        %add3A_1377 = arith.addi %add3A_1279, %add3A_1376 : i32
        %get3A_1378 = arith.index_cast %add3A_1377 : i32 to index
        %get3A_1379 = arith.constant 0 : index
        %get3A_1380 = tpu.vector_load %arg8[%get3A_1378, %get3A_1379] {strides = array<i32>} : memref<1600x32xf32, #tpu.memory_space<vmem>>, vector<1x16xf32>,
        %get3A_1381 = vector.shape_cast %get3A_1380 : vector<1x16xf32> to vector<16xf32>
        %add3A_1382 = arith.addf %add3A_1350, %get3A_1381 : vector<16xf32>
        %add3A_1383 = arith.constant 6 : i32
        %add3A_1384 = arith.addi %add3A_1279, %add3A_1383 : i32
        %get3A_1385 = arith.index_cast %add3A_1384 : i32 to index
        %get3A_1386 = arith.constant 16 : index
        %get3A_1387 = tpu.vector_load %arg8[%get3A_1385, %get3A_1386] {strides = array<i32>} : memref<1600x32xf32, #tpu.memory_space<vmem>>, vector<1x16xf32>,
        %get3A_1388 = vector.shape_cast %get3A_1387 : vector<1x16xf32> to vector<16xf32>
        %add3A_1389 = arith.addf %add3A_1357, %get3A_1388 : vector<16xf32>
        %add3A_1390 = arith.constant 6 : i32
        %add3A_1391 = arith.addi %add3A_1279, %add3A_1390 : i32
        %add3A_1392 = arith.constant 1 : i32
        %add3A_1393 = arith.addi %add3A_1391, %add3A_1392 : i32
        %get3A_1394 = arith.index_cast %add3A_1393 : i32 to index
        %get3A_1395 = arith.constant 0 : index
        %get3A_1396 = tpu.vector_load %arg8[%get3A_1394, %get3A_1395] {strides = array<i32>} : memref<1600x32xf32, #tpu.memory_space<vmem>>, vector<1x16xf32>,
        %get3A_1397 = vector.shape_cast %get3A_1396 : vector<1x16xf32> to vector<16xf32>
        %add3A_1398 = arith.addf %add3A_1366, %get3A_1397 : vector<16xf32>
        %add3A_1399 = arith.constant 6 : i32
        %add3A_1400 = arith.addi %add3A_1279, %add3A_1399 : i32
        %add3A_1401 = arith.constant 1 : i32
        %add3A_1402 = arith.addi %add3A_1400, %add3A_1401 : i32
        %get3A_1403 = arith.index_cast %add3A_1402 : i32 to index
        %get3A_1404 = arith.constant 16 : index
        %get3A_1405 = tpu.vector_load %arg8[%get3A_1403, %get3A_1404] {strides = array<i32>} : memref<1600x32xf32, #tpu.memory_space<vmem>>, vector<1x16xf32>,
        %get3A_1406 = vector.shape_cast %get3A_1405 : vector<1x16xf32> to vector<16xf32>
        %add3A_1407 = arith.addf %add3A_1375, %get3A_1406 : vector<16xf32>
        scf.yield %add3A_1382, %add3A_1398, %add3A_1389, %add3A_1407 : vector<16xf32>, vector<16xf32>, vector<16xf32>, vector<16xf32>
      }
      %scan3A_677 = arith.constant 25 : i32
      %add3A_678 = arith.addf %scan3A_676#0, %scan3A_676#1 : vector<16xf32>
      %add3A_679 = arith.addf %scan3A_676#2, %scan3A_676#3 : vector<16xf32>
      %mul3A_680 = arith.mulf %add3A_678, %get3A_4 : vector<16xf32>
      %mul3A_681 = arith.mulf %add3A_679, %get3A_9 : vector<16xf32>
      %add3A_682 = arith.addf %mul3A_680, %mul3A_681 : vector<16xf32>
      %gather3A_683 = vector.shape_cast %reshape3A : vector<16x1xi32> to vector<16xi32>
      %gather3A_684 = tpu.dynamic_gather %add3A_682[%gather3A_683] in [0] : vector<16xf32>, vector<16xi32> -> vector<16xf32>
      %add3A_685 = arith.addf %add3A_682, %gather3A_684 : vector<16xf32>
      %gather3A_686 = vector.shape_cast %reshape3A_36 : vector<16x1xi32> to vector<16xi32>
      %gather3A_687 = tpu.dynamic_gather %add3A_685[%gather3A_686] in [0] : vector<16xf32>, vector<16xi32> -> vector<16xf32>
      %add3A_688 = arith.addf %add3A_685, %gather3A_687 : vector<16xf32>
      %gather3A_689 = vector.shape_cast %reshape3A_43 : vector<16x1xi32> to vector<16xi32>
      %gather3A_690 = tpu.dynamic_gather %add3A_688[%gather3A_689] in [0] : vector<16xf32>, vector<16xi32> -> vector<16xf32>
      %add3A_691 = arith.addf %add3A_688, %gather3A_690 : vector<16xf32>
      %gather3A_692 = vector.shape_cast %reshape3A_50 : vector<16x1xi32> to vector<16xi32>
      %gather3A_693 = tpu.dynamic_gather %add3A_691[%gather3A_692] in [0] : vector<16xf32>, vector<16xi32> -> vector<16xf32>
      %add3A_694 = arith.addf %add3A_691, %gather3A_693 : vector<16xf32>
      %mul3A_695 = arith.mulf %add3A_678, %get3A_14 : vector<16xf32>
      %mul3A_696 = arith.mulf %add3A_679, %get3A_19 : vector<16xf32>
      %add3A_697 = arith.addf %mul3A_695, %mul3A_696 : vector<16xf32>
      %gather3A_698 = vector.shape_cast %reshape3A : vector<16x1xi32> to vector<16xi32>
      %gather3A_699 = tpu.dynamic_gather %add3A_697[%gather3A_698] in [0] : vector<16xf32>, vector<16xi32> -> vector<16xf32>
      %add3A_700 = arith.addf %add3A_697, %gather3A_699 : vector<16xf32>
      %gather3A_701 = vector.shape_cast %reshape3A_36 : vector<16x1xi32> to vector<16xi32>
      %gather3A_702 = tpu.dynamic_gather %add3A_700[%gather3A_701] in [0] : vector<16xf32>, vector<16xi32> -> vector<16xf32>
      %add3A_703 = arith.addf %add3A_700, %gather3A_702 : vector<16xf32>
      %gather3A_704 = vector.shape_cast %reshape3A_43 : vector<16x1xi32> to vector<16xi32>
      %gather3A_705 = tpu.dynamic_gather %add3A_703[%gather3A_704] in [0] : vector<16xf32>, vector<16xi32> -> vector<16xf32>
      %add3A_706 = arith.addf %add3A_703, %gather3A_705 : vector<16xf32>
      %gather3A_707 = vector.shape_cast %reshape3A_50 : vector<16x1xi32> to vector<16xi32>
      %gather3A_708 = tpu.dynamic_gather %add3A_706[%gather3A_707] in [0] : vector<16xf32>, vector<16xi32> -> vector<16xf32>
      %add3A_709 = arith.addf %add3A_706, %gather3A_708 : vector<16xf32>
      %eq3A_710 = arith.constant 12 : i32
      %eq3A_711 = vector.broadcast %eq3A_710 : i32 to vector<16xi32>
      %eq3A_712 = arith.cmpi eq, %iota3A, %eq3A_711 : vector<16xi32>
      %select_n3A_713 = arith.select %eq3A_712, %add3A_694, %select_n3A_669 : vector<16xi1>, vector<16xf32>
      %eq3A_714 = arith.constant 13 : i32
      %eq3A_715 = vector.broadcast %eq3A_714 : i32 to vector<16xi32>
      %eq3A_716 = arith.cmpi eq, %iota3A, %eq3A_715 : vector<16xi32>
      %select_n3A_717 = arith.select %eq3A_716, %add3A_709, %select_n3A_713 : vector<16xi1>, vector<16xf32>
      %broadcast_in_dim3A_718 = arith.constant 0.000000e+00 : f32
      %broadcast_in_dim3A_719 = vector.broadcast %broadcast_in_dim3A_718 : f32 to vector<16xf32>
      %scan3A_720 = arith.constant 0 : i32
      %scan3A_721 = arith.constant 25 : i32
      %scan3A_722 = arith.addi %scan3A_720, %scan3A_721 : i32
      %scan3A_723 = arith.constant 1 : i32
      %scan3A_724:4 = scf.for %scan3A_1271 = %scan3A_720 to %scan3A_722 step %scan3A_723 iter_args(%scan3A_1272 = %broadcast_in_dim3A_719, %scan3A_1273 = %broadcast_in_dim3A_719, %scan3A_1274 = %broadcast_in_dim3A_719, %scan3A_1275 = %broadcast_in_dim3A_719) -> (vector<16xf32>, vector<16xf32>, vector<16xf32>, vector<16xf32>)  : i32 {
        %mul3A_1276 = arith.constant 8 : i32
        %mul3A_1277 = arith.muli %mul3A_1276, %scan3A_1271 : i32
        %add3A_1278 = arith.constant 1400 : i32
        %add3A_1279 = arith.addi %add3A_1278, %mul3A_1277 : i32
        %add3A_1280 = arith.constant 0 : i32
        %add3A_1281 = arith.addi %add3A_1279, %add3A_1280 : i32
        %get3A_1282 = arith.index_cast %add3A_1281 : i32 to index
        %get3A_1283 = arith.constant 0 : index
        %get3A_1284 = tpu.vector_load %arg8[%get3A_1282, %get3A_1283] {strides = array<i32>} : memref<1600x32xf32, #tpu.memory_space<vmem>>, vector<1x16xf32>,
        %get3A_1285 = vector.shape_cast %get3A_1284 : vector<1x16xf32> to vector<16xf32>
        %add3A_1286 = arith.addf %scan3A_1272, %get3A_1285 : vector<16xf32>
        %add3A_1287 = arith.constant 0 : i32
        %add3A_1288 = arith.addi %add3A_1279, %add3A_1287 : i32
        %get3A_1289 = arith.index_cast %add3A_1288 : i32 to index
        %get3A_1290 = arith.constant 16 : index
        %get3A_1291 = tpu.vector_load %arg8[%get3A_1289, %get3A_1290] {strides = array<i32>} : memref<1600x32xf32, #tpu.memory_space<vmem>>, vector<1x16xf32>,
        %get3A_1292 = vector.shape_cast %get3A_1291 : vector<1x16xf32> to vector<16xf32>
        %add3A_1293 = arith.addf %scan3A_1274, %get3A_1292 : vector<16xf32>
        %add3A_1294 = arith.constant 0 : i32
        %add3A_1295 = arith.addi %add3A_1279, %add3A_1294 : i32
        %add3A_1296 = arith.constant 1 : i32
        %add3A_1297 = arith.addi %add3A_1295, %add3A_1296 : i32
        %get3A_1298 = arith.index_cast %add3A_1297 : i32 to index
        %get3A_1299 = arith.constant 0 : index
        %get3A_1300 = tpu.vector_load %arg8[%get3A_1298, %get3A_1299] {strides = array<i32>} : memref<1600x32xf32, #tpu.memory_space<vmem>>, vector<1x16xf32>,
        %get3A_1301 = vector.shape_cast %get3A_1300 : vector<1x16xf32> to vector<16xf32>
        %add3A_1302 = arith.addf %scan3A_1273, %get3A_1301 : vector<16xf32>
        %add3A_1303 = arith.constant 0 : i32
        %add3A_1304 = arith.addi %add3A_1279, %add3A_1303 : i32
        %add3A_1305 = arith.constant 1 : i32
        %add3A_1306 = arith.addi %add3A_1304, %add3A_1305 : i32
        %get3A_1307 = arith.index_cast %add3A_1306 : i32 to index
        %get3A_1308 = arith.constant 16 : index
        %get3A_1309 = tpu.vector_load %arg8[%get3A_1307, %get3A_1308] {strides = array<i32>} : memref<1600x32xf32, #tpu.memory_space<vmem>>, vector<1x16xf32>,
        %get3A_1310 = vector.shape_cast %get3A_1309 : vector<1x16xf32> to vector<16xf32>
        %add3A_1311 = arith.addf %scan3A_1275, %get3A_1310 : vector<16xf32>
        %add3A_1312 = arith.constant 2 : i32
        %add3A_1313 = arith.addi %add3A_1279, %add3A_1312 : i32
        %get3A_1314 = arith.index_cast %add3A_1313 : i32 to index
        %get3A_1315 = arith.constant 0 : index
        %get3A_1316 = tpu.vector_load %arg8[%get3A_1314, %get3A_1315] {strides = array<i32>} : memref<1600x32xf32, #tpu.memory_space<vmem>>, vector<1x16xf32>,
        %get3A_1317 = vector.shape_cast %get3A_1316 : vector<1x16xf32> to vector<16xf32>
        %add3A_1318 = arith.addf %add3A_1286, %get3A_1317 : vector<16xf32>
        %add3A_1319 = arith.constant 2 : i32
        %add3A_1320 = arith.addi %add3A_1279, %add3A_1319 : i32
        %get3A_1321 = arith.index_cast %add3A_1320 : i32 to index
        %get3A_1322 = arith.constant 16 : index
        %get3A_1323 = tpu.vector_load %arg8[%get3A_1321, %get3A_1322] {strides = array<i32>} : memref<1600x32xf32, #tpu.memory_space<vmem>>, vector<1x16xf32>,
        %get3A_1324 = vector.shape_cast %get3A_1323 : vector<1x16xf32> to vector<16xf32>
        %add3A_1325 = arith.addf %add3A_1293, %get3A_1324 : vector<16xf32>
        %add3A_1326 = arith.constant 2 : i32
        %add3A_1327 = arith.addi %add3A_1279, %add3A_1326 : i32
        %add3A_1328 = arith.constant 1 : i32
        %add3A_1329 = arith.addi %add3A_1327, %add3A_1328 : i32
        %get3A_1330 = arith.index_cast %add3A_1329 : i32 to index
        %get3A_1331 = arith.constant 0 : index
        %get3A_1332 = tpu.vector_load %arg8[%get3A_1330, %get3A_1331] {strides = array<i32>} : memref<1600x32xf32, #tpu.memory_space<vmem>>, vector<1x16xf32>,
        %get3A_1333 = vector.shape_cast %get3A_1332 : vector<1x16xf32> to vector<16xf32>
        %add3A_1334 = arith.addf %add3A_1302, %get3A_1333 : vector<16xf32>
        %add3A_1335 = arith.constant 2 : i32
        %add3A_1336 = arith.addi %add3A_1279, %add3A_1335 : i32
        %add3A_1337 = arith.constant 1 : i32
        %add3A_1338 = arith.addi %add3A_1336, %add3A_1337 : i32
        %get3A_1339 = arith.index_cast %add3A_1338 : i32 to index
        %get3A_1340 = arith.constant 16 : index
        %get3A_1341 = tpu.vector_load %arg8[%get3A_1339, %get3A_1340] {strides = array<i32>} : memref<1600x32xf32, #tpu.memory_space<vmem>>, vector<1x16xf32>,
        %get3A_1342 = vector.shape_cast %get3A_1341 : vector<1x16xf32> to vector<16xf32>
        %add3A_1343 = arith.addf %add3A_1311, %get3A_1342 : vector<16xf32>
        %add3A_1344 = arith.constant 4 : i32
        %add3A_1345 = arith.addi %add3A_1279, %add3A_1344 : i32
        %get3A_1346 = arith.index_cast %add3A_1345 : i32 to index
        %get3A_1347 = arith.constant 0 : index
        %get3A_1348 = tpu.vector_load %arg8[%get3A_1346, %get3A_1347] {strides = array<i32>} : memref<1600x32xf32, #tpu.memory_space<vmem>>, vector<1x16xf32>,
        %get3A_1349 = vector.shape_cast %get3A_1348 : vector<1x16xf32> to vector<16xf32>
        %add3A_1350 = arith.addf %add3A_1318, %get3A_1349 : vector<16xf32>
        %add3A_1351 = arith.constant 4 : i32
        %add3A_1352 = arith.addi %add3A_1279, %add3A_1351 : i32
        %get3A_1353 = arith.index_cast %add3A_1352 : i32 to index
        %get3A_1354 = arith.constant 16 : index
        %get3A_1355 = tpu.vector_load %arg8[%get3A_1353, %get3A_1354] {strides = array<i32>} : memref<1600x32xf32, #tpu.memory_space<vmem>>, vector<1x16xf32>,
        %get3A_1356 = vector.shape_cast %get3A_1355 : vector<1x16xf32> to vector<16xf32>
        %add3A_1357 = arith.addf %add3A_1325, %get3A_1356 : vector<16xf32>
        %add3A_1358 = arith.constant 4 : i32
        %add3A_1359 = arith.addi %add3A_1279, %add3A_1358 : i32
        %add3A_1360 = arith.constant 1 : i32
        %add3A_1361 = arith.addi %add3A_1359, %add3A_1360 : i32
        %get3A_1362 = arith.index_cast %add3A_1361 : i32 to index
        %get3A_1363 = arith.constant 0 : index
        %get3A_1364 = tpu.vector_load %arg8[%get3A_1362, %get3A_1363] {strides = array<i32>} : memref<1600x32xf32, #tpu.memory_space<vmem>>, vector<1x16xf32>,
        %get3A_1365 = vector.shape_cast %get3A_1364 : vector<1x16xf32> to vector<16xf32>
        %add3A_1366 = arith.addf %add3A_1334, %get3A_1365 : vector<16xf32>
        %add3A_1367 = arith.constant 4 : i32
        %add3A_1368 = arith.addi %add3A_1279, %add3A_1367 : i32
        %add3A_1369 = arith.constant 1 : i32
        %add3A_1370 = arith.addi %add3A_1368, %add3A_1369 : i32
        %get3A_1371 = arith.index_cast %add3A_1370 : i32 to index
        %get3A_1372 = arith.constant 16 : index
        %get3A_1373 = tpu.vector_load %arg8[%get3A_1371, %get3A_1372] {strides = array<i32>} : memref<1600x32xf32, #tpu.memory_space<vmem>>, vector<1x16xf32>,
        %get3A_1374 = vector.shape_cast %get3A_1373 : vector<1x16xf32> to vector<16xf32>
        %add3A_1375 = arith.addf %add3A_1343, %get3A_1374 : vector<16xf32>
        %add3A_1376 = arith.constant 6 : i32
        %add3A_1377 = arith.addi %add3A_1279, %add3A_1376 : i32
        %get3A_1378 = arith.index_cast %add3A_1377 : i32 to index
        %get3A_1379 = arith.constant 0 : index
        %get3A_1380 = tpu.vector_load %arg8[%get3A_1378, %get3A_1379] {strides = array<i32>} : memref<1600x32xf32, #tpu.memory_space<vmem>>, vector<1x16xf32>,
        %get3A_1381 = vector.shape_cast %get3A_1380 : vector<1x16xf32> to vector<16xf32>
        %add3A_1382 = arith.addf %add3A_1350, %get3A_1381 : vector<16xf32>
        %add3A_1383 = arith.constant 6 : i32
        %add3A_1384 = arith.addi %add3A_1279, %add3A_1383 : i32
        %get3A_1385 = arith.index_cast %add3A_1384 : i32 to index
        %get3A_1386 = arith.constant 16 : index
        %get3A_1387 = tpu.vector_load %arg8[%get3A_1385, %get3A_1386] {strides = array<i32>} : memref<1600x32xf32, #tpu.memory_space<vmem>>, vector<1x16xf32>,
        %get3A_1388 = vector.shape_cast %get3A_1387 : vector<1x16xf32> to vector<16xf32>
        %add3A_1389 = arith.addf %add3A_1357, %get3A_1388 : vector<16xf32>
        %add3A_1390 = arith.constant 6 : i32
        %add3A_1391 = arith.addi %add3A_1279, %add3A_1390 : i32
        %add3A_1392 = arith.constant 1 : i32
        %add3A_1393 = arith.addi %add3A_1391, %add3A_1392 : i32
        %get3A_1394 = arith.index_cast %add3A_1393 : i32 to index
        %get3A_1395 = arith.constant 0 : index
        %get3A_1396 = tpu.vector_load %arg8[%get3A_1394, %get3A_1395] {strides = array<i32>} : memref<1600x32xf32, #tpu.memory_space<vmem>>, vector<1x16xf32>,
        %get3A_1397 = vector.shape_cast %get3A_1396 : vector<1x16xf32> to vector<16xf32>
        %add3A_1398 = arith.addf %add3A_1366, %get3A_1397 : vector<16xf32>
        %add3A_1399 = arith.constant 6 : i32
        %add3A_1400 = arith.addi %add3A_1279, %add3A_1399 : i32
        %add3A_1401 = arith.constant 1 : i32
        %add3A_1402 = arith.addi %add3A_1400, %add3A_1401 : i32
        %get3A_1403 = arith.index_cast %add3A_1402 : i32 to index
        %get3A_1404 = arith.constant 16 : index
        %get3A_1405 = tpu.vector_load %arg8[%get3A_1403, %get3A_1404] {strides = array<i32>} : memref<1600x32xf32, #tpu.memory_space<vmem>>, vector<1x16xf32>,
        %get3A_1406 = vector.shape_cast %get3A_1405 : vector<1x16xf32> to vector<16xf32>
        %add3A_1407 = arith.addf %add3A_1375, %get3A_1406 : vector<16xf32>
        scf.yield %add3A_1382, %add3A_1398, %add3A_1389, %add3A_1407 : vector<16xf32>, vector<16xf32>, vector<16xf32>, vector<16xf32>
      }
      %scan3A_725 = arith.constant 25 : i32
      %add3A_726 = arith.addf %scan3A_724#0, %scan3A_724#1 : vector<16xf32>
      %add3A_727 = arith.addf %scan3A_724#2, %scan3A_724#3 : vector<16xf32>
      %mul3A_728 = arith.mulf %add3A_726, %get3A_4 : vector<16xf32>
      %mul3A_729 = arith.mulf %add3A_727, %get3A_9 : vector<16xf32>
      %add3A_730 = arith.addf %mul3A_728, %mul3A_729 : vector<16xf32>
      %gather3A_731 = vector.shape_cast %reshape3A : vector<16x1xi32> to vector<16xi32>
      %gather3A_732 = tpu.dynamic_gather %add3A_730[%gather3A_731] in [0] : vector<16xf32>, vector<16xi32> -> vector<16xf32>
      %add3A_733 = arith.addf %add3A_730, %gather3A_732 : vector<16xf32>
      %gather3A_734 = vector.shape_cast %reshape3A_36 : vector<16x1xi32> to vector<16xi32>
      %gather3A_735 = tpu.dynamic_gather %add3A_733[%gather3A_734] in [0] : vector<16xf32>, vector<16xi32> -> vector<16xf32>
      %add3A_736 = arith.addf %add3A_733, %gather3A_735 : vector<16xf32>
      %gather3A_737 = vector.shape_cast %reshape3A_43 : vector<16x1xi32> to vector<16xi32>
      %gather3A_738 = tpu.dynamic_gather %add3A_736[%gather3A_737] in [0] : vector<16xf32>, vector<16xi32> -> vector<16xf32>
      %add3A_739 = arith.addf %add3A_736, %gather3A_738 : vector<16xf32>
      %gather3A_740 = vector.shape_cast %reshape3A_50 : vector<16x1xi32> to vector<16xi32>
      %gather3A_741 = tpu.dynamic_gather %add3A_739[%gather3A_740] in [0] : vector<16xf32>, vector<16xi32> -> vector<16xf32>
      %add3A_742 = arith.addf %add3A_739, %gather3A_741 : vector<16xf32>
      %mul3A_743 = arith.mulf %add3A_726, %get3A_14 : vector<16xf32>
      %mul3A_744 = arith.mulf %add3A_727, %get3A_19 : vector<16xf32>
      %add3A_745 = arith.addf %mul3A_743, %mul3A_744 : vector<16xf32>
      %gather3A_746 = vector.shape_cast %reshape3A : vector<16x1xi32> to vector<16xi32>
      %gather3A_747 = tpu.dynamic_gather %add3A_745[%gather3A_746] in [0] : vector<16xf32>, vector<16xi32> -> vector<16xf32>
      %add3A_748 = arith.addf %add3A_745, %gather3A_747 : vector<16xf32>
      %gather3A_749 = vector.shape_cast %reshape3A_36 : vector<16x1xi32> to vector<16xi32>
      %gather3A_750 = tpu.dynamic_gather %add3A_748[%gather3A_749] in [0] : vector<16xf32>, vector<16xi32> -> vector<16xf32>
      %add3A_751 = arith.addf %add3A_748, %gather3A_750 : vector<16xf32>
      %gather3A_752 = vector.shape_cast %reshape3A_43 : vector<16x1xi32> to vector<16xi32>
      %gather3A_753 = tpu.dynamic_gather %add3A_751[%gather3A_752] in [0] : vector<16xf32>, vector<16xi32> -> vector<16xf32>
      %add3A_754 = arith.addf %add3A_751, %gather3A_753 : vector<16xf32>
      %gather3A_755 = vector.shape_cast %reshape3A_50 : vector<16x1xi32> to vector<16xi32>
      %gather3A_756 = tpu.dynamic_gather %add3A_754[%gather3A_755] in [0] : vector<16xf32>, vector<16xi32> -> vector<16xf32>
      %add3A_757 = arith.addf %add3A_754, %gather3A_756 : vector<16xf32>
      %eq3A_758 = arith.constant 14 : i32
      %eq3A_759 = vector.broadcast %eq3A_758 : i32 to vector<16xi32>
      %eq3A_760 = arith.cmpi eq, %iota3A, %eq3A_759 : vector<16xi32>
      %select_n3A_761 = arith.select %eq3A_760, %add3A_742, %select_n3A_717 : vector<16xi1>, vector<16xf32>
      %eq3A_762 = arith.constant 15 : i32
      %eq3A_763 = vector.broadcast %eq3A_762 : i32 to vector<16xi32>
      %eq3A_764 = arith.cmpi eq, %iota3A, %eq3A_763 : vector<16xi32>
      %select_n3A_765 = arith.select %eq3A_764, %add3A_757, %select_n3A_761 : vector<16xi1>, vector<16xf32>
      %add3A_766 = arith.addf %select_n3A_765, %get3A_24 : vector<16xf32>
      %swap3A = arith.index_cast %mul3A_169 : i32 to index
      %swap3A_767 = arith.constant 0 : index
      %swap3A_768 = tpu.vector_load %arg10[%swap3A, %swap3A_767] {strides = array<i32>} : memref<64x16xf32, #tpu.memory_space<vmem>>, vector<1x16xf32>,
      %swap3A_769 = vector.shape_cast %swap3A_768 : vector<1x16xf32> to vector<16xf32>
      %swap3A_770 = vector.shape_cast %add3A_766 : vector<16xf32> to vector<1x16xf32>
      tpu.vector_store %arg10[%swap3A, %swap3A_767], %swap3A_770 {strides = array<i32>} : memref<64x16xf32, #tpu.memory_space<vmem>>, vector<1x16xf32>,
      %lt3A = arith.constant 31 : i32
      %lt3A_771 = arith.cmpi slt, %scan3A_167, %lt3A : i32
      %convert_element_type3A = arith.extui %lt3A_771 : i1 to i32
      %cond3A = arith.constant 0 : i32
      %cond3A_772 = arith.cmpi ne, %convert_element_type3A, %cond3A : i32
      scf.if %cond3A_772 {
        %add3A_1271 = arith.constant 2 : i32
        %add3A_1272 = arith.addi %mul3A_169, %add3A_1271 : i32
        %mul3A_1273 = arith.constant 64 : i32
        %mul3A_1274 = arith.muli %add3A, %mul3A_1273 : i32
        %add3A_1275 = arith.addi %mul3A_1274, %add3A_1272 : i32
        %mul3A_1276 = arith.constant 1600 : i32
        %mul3A_1277 = arith.muli %add3A_1275, %mul3A_1276 : i32
        "tpu.region"() ({
          %run_scoped3A = tpu.sem_alloc : memref<!tpu.dma_semaphore, #tpu.memory_space<semaphore_mem>>
          %dma_start3A_1382 = tpu.memref_slice %arg2[%mul3A_1277] : memref<3276800xi32, #tpu.memory_space<hbm>> -> memref<1600xi32, #tpu.memory_space<hbm>>
          %dma_start3A_1383 = tpu.memref_slice %arg2[%mul3A_1277] : memref<3276800xi32, #tpu.memory_space<hbm>> -> memref<1600xi32, #tpu.memory_space<hbm>>
          tpu.enqueue_dma source(%dma_start3A_1383 : memref<1600xi32, #tpu.memory_space<hbm>>) target(%arg6 : memref<1600xi32, #tpu.memory_space<vmem>>) target_semaphore(%run_scoped3A : memref<!tpu.dma_semaphore, #tpu.memory_space<semaphore_mem>>)
          %dma_wait3A_1384 = tpu.memref_slice %arg2[%mul3A_1277] : memref<3276800xi32, #tpu.memory_space<hbm>> -> memref<1600xi32, #tpu.memory_space<hbm>>
          %dma_wait3A_1385 = tpu.memref_slice %arg2[%mul3A_1277] : memref<3276800xi32, #tpu.memory_space<hbm>> -> memref<1600xi32, #tpu.memory_space<hbm>>
          tpu.wait_dma2 semaphore(%run_scoped3A : memref<!tpu.dma_semaphore, #tpu.memory_space<semaphore_mem>>) src(%dma_wait3A_1385 : memref<1600xi32, #tpu.memory_space<hbm>>) dst(%arg6 : memref<1600xi32, #tpu.memory_space<vmem>>)
          tpu.yield
        }) : () -> ()
        %dma_start3A_1278 = arith.constant 0 : i32
        %dma_start3A_1279 = arith.constant 0 : i32
        %dma_start3A_1280 = tpu.memref_slice %arg8[%dma_start3A_1278, %dma_start3A_1279] : memref<1600x32xf32, #tpu.memory_space<vmem>> -> memref<128x32xf32, #tpu.memory_space<vmem>>
        %dma_start3A_1281 = arith.constant 0 : i32
        %dma_start3A_1282 = tpu.memref_slice %arg6[%dma_start3A_1281] : memref<1600xi32, #tpu.memory_space<vmem>> -> memref<128xi32, #tpu.memory_space<vmem>>
        %dma_start3A_1283 = arith.constant 0 : i32
        %dma_start3A_1284 = arith.constant 0 : i32
        %dma_start3A_1285 = tpu.memref_slice %arg3[%dma_start3A_1283, %dma_start3A_1284] : memref<1000000x32xf32, #tpu.memory_space<hbm>> -> memref<1000000x32xf32, #tpu.memory_space<hbm>>
        tpu.enqueue_indirect_dma source(%dma_start3A_1285 : memref<1000000x32xf32, #tpu.memory_space<hbm>>) target(%dma_start3A_1280 : memref<128x32xf32, #tpu.memory_space<vmem>>) offsets(%dma_start3A_1282 : memref<128xi32, #tpu.memory_space<vmem>>) semaphore(%arg12 : memref<!tpu.dma_semaphore, #tpu.memory_space<semaphore_mem>>)
        %dma_start3A_1286 = arith.constant 128 : i32
        %dma_start3A_1287 = arith.constant 0 : i32
        %dma_start3A_1288 = tpu.memref_slice %arg8[%dma_start3A_1286, %dma_start3A_1287] : memref<1600x32xf32, #tpu.memory_space<vmem>> -> memref<128x32xf32, #tpu.memory_space<vmem>>
        %dma_start3A_1289 = arith.constant 128 : i32
        %dma_start3A_1290 = tpu.memref_slice %arg6[%dma_start3A_1289] : memref<1600xi32, #tpu.memory_space<vmem>> -> memref<128xi32, #tpu.memory_space<vmem>>
        %dma_start3A_1291 = arith.constant 0 : i32
        %dma_start3A_1292 = arith.constant 0 : i32
        %dma_start3A_1293 = tpu.memref_slice %arg3[%dma_start3A_1291, %dma_start3A_1292] : memref<1000000x32xf32, #tpu.memory_space<hbm>> -> memref<1000000x32xf32, #tpu.memory_space<hbm>>
        tpu.enqueue_indirect_dma source(%dma_start3A_1293 : memref<1000000x32xf32, #tpu.memory_space<hbm>>) target(%dma_start3A_1288 : memref<128x32xf32, #tpu.memory_space<vmem>>) offsets(%dma_start3A_1290 : memref<128xi32, #tpu.memory_space<vmem>>) semaphore(%arg12 : memref<!tpu.dma_semaphore, #tpu.memory_space<semaphore_mem>>)
        %dma_start3A_1294 = arith.constant 256 : i32
        %dma_start3A_1295 = arith.constant 0 : i32
        %dma_start3A_1296 = tpu.memref_slice %arg8[%dma_start3A_1294, %dma_start3A_1295] : memref<1600x32xf32, #tpu.memory_space<vmem>> -> memref<128x32xf32, #tpu.memory_space<vmem>>
        %dma_start3A_1297 = arith.constant 256 : i32
        %dma_start3A_1298 = tpu.memref_slice %arg6[%dma_start3A_1297] : memref<1600xi32, #tpu.memory_space<vmem>> -> memref<128xi32, #tpu.memory_space<vmem>>
        %dma_start3A_1299 = arith.constant 0 : i32
        %dma_start3A_1300 = arith.constant 0 : i32
        %dma_start3A_1301 = tpu.memref_slice %arg3[%dma_start3A_1299, %dma_start3A_1300] : memref<1000000x32xf32, #tpu.memory_space<hbm>> -> memref<1000000x32xf32, #tpu.memory_space<hbm>>
        tpu.enqueue_indirect_dma source(%dma_start3A_1301 : memref<1000000x32xf32, #tpu.memory_space<hbm>>) target(%dma_start3A_1296 : memref<128x32xf32, #tpu.memory_space<vmem>>) offsets(%dma_start3A_1298 : memref<128xi32, #tpu.memory_space<vmem>>) semaphore(%arg12 : memref<!tpu.dma_semaphore, #tpu.memory_space<semaphore_mem>>)
        %dma_start3A_1302 = arith.constant 384 : i32
        %dma_start3A_1303 = arith.constant 0 : i32
        %dma_start3A_1304 = tpu.memref_slice %arg8[%dma_start3A_1302, %dma_start3A_1303] : memref<1600x32xf32, #tpu.memory_space<vmem>> -> memref<128x32xf32, #tpu.memory_space<vmem>>
        %dma_start3A_1305 = arith.constant 384 : i32
        %dma_start3A_1306 = tpu.memref_slice %arg6[%dma_start3A_1305] : memref<1600xi32, #tpu.memory_space<vmem>> -> memref<128xi32, #tpu.memory_space<vmem>>
        %dma_start3A_1307 = arith.constant 0 : i32
        %dma_start3A_1308 = arith.constant 0 : i32
        %dma_start3A_1309 = tpu.memref_slice %arg3[%dma_start3A_1307, %dma_start3A_1308] : memref<1000000x32xf32, #tpu.memory_space<hbm>> -> memref<1000000x32xf32, #tpu.memory_space<hbm>>
        tpu.enqueue_indirect_dma source(%dma_start3A_1309 : memref<1000000x32xf32, #tpu.memory_space<hbm>>) target(%dma_start3A_1304 : memref<128x32xf32, #tpu.memory_space<vmem>>) offsets(%dma_start3A_1306 : memref<128xi32, #tpu.memory_space<vmem>>) semaphore(%arg12 : memref<!tpu.dma_semaphore, #tpu.memory_space<semaphore_mem>>)
        %dma_start3A_1310 = arith.constant 512 : i32
        %dma_start3A_1311 = arith.constant 0 : i32
        %dma_start3A_1312 = tpu.memref_slice %arg8[%dma_start3A_1310, %dma_start3A_1311] : memref<1600x32xf32, #tpu.memory_space<vmem>> -> memref<128x32xf32, #tpu.memory_space<vmem>>
        %dma_start3A_1313 = arith.constant 512 : i32
        %dma_start3A_1314 = tpu.memref_slice %arg6[%dma_start3A_1313] : memref<1600xi32, #tpu.memory_space<vmem>> -> memref<128xi32, #tpu.memory_space<vmem>>
        %dma_start3A_1315 = arith.constant 0 : i32
        %dma_start3A_1316 = arith.constant 0 : i32
        %dma_start3A_1317 = tpu.memref_slice %arg3[%dma_start3A_1315, %dma_start3A_1316] : memref<1000000x32xf32, #tpu.memory_space<hbm>> -> memref<1000000x32xf32, #tpu.memory_space<hbm>>
        tpu.enqueue_indirect_dma source(%dma_start3A_1317 : memref<1000000x32xf32, #tpu.memory_space<hbm>>) target(%dma_start3A_1312 : memref<128x32xf32, #tpu.memory_space<vmem>>) offsets(%dma_start3A_1314 : memref<128xi32, #tpu.memory_space<vmem>>) semaphore(%arg12 : memref<!tpu.dma_semaphore, #tpu.memory_space<semaphore_mem>>)
        %dma_start3A_1318 = arith.constant 640 : i32
        %dma_start3A_1319 = arith.constant 0 : i32
        %dma_start3A_1320 = tpu.memref_slice %arg8[%dma_start3A_1318, %dma_start3A_1319] : memref<1600x32xf32, #tpu.memory_space<vmem>> -> memref<128x32xf32, #tpu.memory_space<vmem>>
        %dma_start3A_1321 = arith.constant 640 : i32
        %dma_start3A_1322 = tpu.memref_slice %arg6[%dma_start3A_1321] : memref<1600xi32, #tpu.memory_space<vmem>> -> memref<128xi32, #tpu.memory_space<vmem>>
        %dma_start3A_1323 = arith.constant 0 : i32
        %dma_start3A_1324 = arith.constant 0 : i32
        %dma_start3A_1325 = tpu.memref_slice %arg3[%dma_start3A_1323, %dma_start3A_1324] : memref<1000000x32xf32, #tpu.memory_space<hbm>> -> memref<1000000x32xf32, #tpu.memory_space<hbm>>
        tpu.enqueue_indirect_dma source(%dma_start3A_1325 : memref<1000000x32xf32, #tpu.memory_space<hbm>>) target(%dma_start3A_1320 : memref<128x32xf32, #tpu.memory_space<vmem>>) offsets(%dma_start3A_1322 : memref<128xi32, #tpu.memory_space<vmem>>) semaphore(%arg12 : memref<!tpu.dma_semaphore, #tpu.memory_space<semaphore_mem>>)
        %dma_start3A_1326 = arith.constant 768 : i32
        %dma_start3A_1327 = arith.constant 0 : i32
        %dma_start3A_1328 = tpu.memref_slice %arg8[%dma_start3A_1326, %dma_start3A_1327] : memref<1600x32xf32, #tpu.memory_space<vmem>> -> memref<128x32xf32, #tpu.memory_space<vmem>>
        %dma_start3A_1329 = arith.constant 768 : i32
        %dma_start3A_1330 = tpu.memref_slice %arg6[%dma_start3A_1329] : memref<1600xi32, #tpu.memory_space<vmem>> -> memref<128xi32, #tpu.memory_space<vmem>>
        %dma_start3A_1331 = arith.constant 0 : i32
        %dma_start3A_1332 = arith.constant 0 : i32
        %dma_start3A_1333 = tpu.memref_slice %arg3[%dma_start3A_1331, %dma_start3A_1332] : memref<1000000x32xf32, #tpu.memory_space<hbm>> -> memref<1000000x32xf32, #tpu.memory_space<hbm>>
        tpu.enqueue_indirect_dma source(%dma_start3A_1333 : memref<1000000x32xf32, #tpu.memory_space<hbm>>) target(%dma_start3A_1328 : memref<128x32xf32, #tpu.memory_space<vmem>>) offsets(%dma_start3A_1330 : memref<128xi32, #tpu.memory_space<vmem>>) semaphore(%arg12 : memref<!tpu.dma_semaphore, #tpu.memory_space<semaphore_mem>>)
        %dma_start3A_1334 = arith.constant 896 : i32
        %dma_start3A_1335 = arith.constant 0 : i32
        %dma_start3A_1336 = tpu.memref_slice %arg8[%dma_start3A_1334, %dma_start3A_1335] : memref<1600x32xf32, #tpu.memory_space<vmem>> -> memref<128x32xf32, #tpu.memory_space<vmem>>
        %dma_start3A_1337 = arith.constant 896 : i32
        %dma_start3A_1338 = tpu.memref_slice %arg6[%dma_start3A_1337] : memref<1600xi32, #tpu.memory_space<vmem>> -> memref<128xi32, #tpu.memory_space<vmem>>
        %dma_start3A_1339 = arith.constant 0 : i32
        %dma_start3A_1340 = arith.constant 0 : i32
        %dma_start3A_1341 = tpu.memref_slice %arg3[%dma_start3A_1339, %dma_start3A_1340] : memref<1000000x32xf32, #tpu.memory_space<hbm>> -> memref<1000000x32xf32, #tpu.memory_space<hbm>>
        tpu.enqueue_indirect_dma source(%dma_start3A_1341 : memref<1000000x32xf32, #tpu.memory_space<hbm>>) target(%dma_start3A_1336 : memref<128x32xf32, #tpu.memory_space<vmem>>) offsets(%dma_start3A_1338 : memref<128xi32, #tpu.memory_space<vmem>>) semaphore(%arg12 : memref<!tpu.dma_semaphore, #tpu.memory_space<semaphore_mem>>)
        %dma_start3A_1342 = arith.constant 1024 : i32
        %dma_start3A_1343 = arith.constant 0 : i32
        %dma_start3A_1344 = tpu.memref_slice %arg8[%dma_start3A_1342, %dma_start3A_1343] : memref<1600x32xf32, #tpu.memory_space<vmem>> -> memref<128x32xf32, #tpu.memory_space<vmem>>
        %dma_start3A_1345 = arith.constant 1024 : i32
        %dma_start3A_1346 = tpu.memref_slice %arg6[%dma_start3A_1345] : memref<1600xi32, #tpu.memory_space<vmem>> -> memref<128xi32, #tpu.memory_space<vmem>>
        %dma_start3A_1347 = arith.constant 0 : i32
        %dma_start3A_1348 = arith.constant 0 : i32
        %dma_start3A_1349 = tpu.memref_slice %arg3[%dma_start3A_1347, %dma_start3A_1348] : memref<1000000x32xf32, #tpu.memory_space<hbm>> -> memref<1000000x32xf32, #tpu.memory_space<hbm>>
        tpu.enqueue_indirect_dma source(%dma_start3A_1349 : memref<1000000x32xf32, #tpu.memory_space<hbm>>) target(%dma_start3A_1344 : memref<128x32xf32, #tpu.memory_space<vmem>>) offsets(%dma_start3A_1346 : memref<128xi32, #tpu.memory_space<vmem>>) semaphore(%arg12 : memref<!tpu.dma_semaphore, #tpu.memory_space<semaphore_mem>>)
        %dma_start3A_1350 = arith.constant 1152 : i32
        %dma_start3A_1351 = arith.constant 0 : i32
        %dma_start3A_1352 = tpu.memref_slice %arg8[%dma_start3A_1350, %dma_start3A_1351] : memref<1600x32xf32, #tpu.memory_space<vmem>> -> memref<128x32xf32, #tpu.memory_space<vmem>>
        %dma_start3A_1353 = arith.constant 1152 : i32
        %dma_start3A_1354 = tpu.memref_slice %arg6[%dma_start3A_1353] : memref<1600xi32, #tpu.memory_space<vmem>> -> memref<128xi32, #tpu.memory_space<vmem>>
        %dma_start3A_1355 = arith.constant 0 : i32
        %dma_start3A_1356 = arith.constant 0 : i32
        %dma_start3A_1357 = tpu.memref_slice %arg3[%dma_start3A_1355, %dma_start3A_1356] : memref<1000000x32xf32, #tpu.memory_space<hbm>> -> memref<1000000x32xf32, #tpu.memory_space<hbm>>
        tpu.enqueue_indirect_dma source(%dma_start3A_1357 : memref<1000000x32xf32, #tpu.memory_space<hbm>>) target(%dma_start3A_1352 : memref<128x32xf32, #tpu.memory_space<vmem>>) offsets(%dma_start3A_1354 : memref<128xi32, #tpu.memory_space<vmem>>) semaphore(%arg12 : memref<!tpu.dma_semaphore, #tpu.memory_space<semaphore_mem>>)
        %dma_start3A_1358 = arith.constant 1280 : i32
        %dma_start3A_1359 = arith.constant 0 : i32
        %dma_start3A_1360 = tpu.memref_slice %arg8[%dma_start3A_1358, %dma_start3A_1359] : memref<1600x32xf32, #tpu.memory_space<vmem>> -> memref<128x32xf32, #tpu.memory_space<vmem>>
        %dma_start3A_1361 = arith.constant 1280 : i32
        %dma_start3A_1362 = tpu.memref_slice %arg6[%dma_start3A_1361] : memref<1600xi32, #tpu.memory_space<vmem>> -> memref<128xi32, #tpu.memory_space<vmem>>
        %dma_start3A_1363 = arith.constant 0 : i32
        %dma_start3A_1364 = arith.constant 0 : i32
        %dma_start3A_1365 = tpu.memref_slice %arg3[%dma_start3A_1363, %dma_start3A_1364] : memref<1000000x32xf32, #tpu.memory_space<hbm>> -> memref<1000000x32xf32, #tpu.memory_space<hbm>>
        tpu.enqueue_indirect_dma source(%dma_start3A_1365 : memref<1000000x32xf32, #tpu.memory_space<hbm>>) target(%dma_start3A_1360 : memref<128x32xf32, #tpu.memory_space<vmem>>) offsets(%dma_start3A_1362 : memref<128xi32, #tpu.memory_space<vmem>>) semaphore(%arg12 : memref<!tpu.dma_semaphore, #tpu.memory_space<semaphore_mem>>)
        %dma_start3A_1366 = arith.constant 1408 : i32
        %dma_start3A_1367 = arith.constant 0 : i32
        %dma_start3A_1368 = tpu.memref_slice %arg8[%dma_start3A_1366, %dma_start3A_1367] : memref<1600x32xf32, #tpu.memory_space<vmem>> -> memref<128x32xf32, #tpu.memory_space<vmem>>
        %dma_start3A_1369 = arith.constant 1408 : i32
        %dma_start3A_1370 = tpu.memref_slice %arg6[%dma_start3A_1369] : memref<1600xi32, #tpu.memory_space<vmem>> -> memref<128xi32, #tpu.memory_space<vmem>>
        %dma_start3A_1371 = arith.constant 0 : i32
        %dma_start3A_1372 = arith.constant 0 : i32
        %dma_start3A_1373 = tpu.memref_slice %arg3[%dma_start3A_1371, %dma_start3A_1372] : memref<1000000x32xf32, #tpu.memory_space<hbm>> -> memref<1000000x32xf32, #tpu.memory_space<hbm>>
        tpu.enqueue_indirect_dma source(%dma_start3A_1373 : memref<1000000x32xf32, #tpu.memory_space<hbm>>) target(%dma_start3A_1368 : memref<128x32xf32, #tpu.memory_space<vmem>>) offsets(%dma_start3A_1370 : memref<128xi32, #tpu.memory_space<vmem>>) semaphore(%arg12 : memref<!tpu.dma_semaphore, #tpu.memory_space<semaphore_mem>>)
        %dma_start3A_1374 = arith.constant 1536 : i32
        %dma_start3A_1375 = arith.constant 0 : i32
        %dma_start3A_1376 = tpu.memref_slice %arg8[%dma_start3A_1374, %dma_start3A_1375] : memref<1600x32xf32, #tpu.memory_space<vmem>> -> memref<64x32xf32, #tpu.memory_space<vmem>>
        %dma_start3A_1377 = arith.constant 1536 : i32
        %dma_start3A_1378 = tpu.memref_slice %arg6[%dma_start3A_1377] : memref<1600xi32, #tpu.memory_space<vmem>> -> memref<64xi32, #tpu.memory_space<vmem>>
        %dma_start3A_1379 = arith.constant 0 : i32
        %dma_start3A_1380 = arith.constant 0 : i32
        %dma_start3A_1381 = tpu.memref_slice %arg3[%dma_start3A_1379, %dma_start3A_1380] : memref<1000000x32xf32, #tpu.memory_space<hbm>> -> memref<1000000x32xf32, #tpu.memory_space<hbm>>
        tpu.enqueue_indirect_dma source(%dma_start3A_1381 : memref<1000000x32xf32, #tpu.memory_space<hbm>>) target(%dma_start3A_1376 : memref<64x32xf32, #tpu.memory_space<vmem>>) offsets(%dma_start3A_1378 : memref<64xi32, #tpu.memory_space<vmem>>) semaphore(%arg12 : memref<!tpu.dma_semaphore, #tpu.memory_space<semaphore_mem>>)
      } else {
      }
      %dma_wait3A_773 = arith.constant 0 : i32
      %dma_wait3A_774 = arith.constant 0 : i32
      %dma_wait3A_775 = tpu.memref_slice %arg9[%dma_wait3A_773, %dma_wait3A_774] : memref<1600x32xf32, #tpu.memory_space<vmem>> -> memref<128x32xf32, #tpu.memory_space<vmem>>
      %dma_wait3A_776 = arith.constant 0 : i32
      %dma_wait3A_777 = tpu.memref_slice %arg7[%dma_wait3A_776] : memref<1600xi32, #tpu.memory_space<vmem>> -> memref<128xi32, #tpu.memory_space<vmem>>
      %dma_wait3A_778 = arith.constant 0 : i32
      %dma_wait3A_779 = arith.constant 0 : i32
      %dma_wait3A_780 = tpu.memref_slice %arg3[%dma_wait3A_778, %dma_wait3A_779] : memref<1000000x32xf32, #tpu.memory_space<hbm>> -> memref<1000000x32xf32, #tpu.memory_space<hbm>>
      tpu.wait_indirect_dma semaphore(%arg13 : memref<!tpu.dma_semaphore, #tpu.memory_space<semaphore_mem>>) src(%dma_wait3A_780 : memref<1000000x32xf32, #tpu.memory_space<hbm>>) dst(%dma_wait3A_775 : memref<128x32xf32, #tpu.memory_space<vmem>>)
      %dma_wait3A_781 = arith.constant 128 : i32
      %dma_wait3A_782 = arith.constant 0 : i32
      %dma_wait3A_783 = tpu.memref_slice %arg9[%dma_wait3A_781, %dma_wait3A_782] : memref<1600x32xf32, #tpu.memory_space<vmem>> -> memref<128x32xf32, #tpu.memory_space<vmem>>
      %dma_wait3A_784 = arith.constant 128 : i32
      %dma_wait3A_785 = tpu.memref_slice %arg7[%dma_wait3A_784] : memref<1600xi32, #tpu.memory_space<vmem>> -> memref<128xi32, #tpu.memory_space<vmem>>
      %dma_wait3A_786 = arith.constant 0 : i32
      %dma_wait3A_787 = arith.constant 0 : i32
      %dma_wait3A_788 = tpu.memref_slice %arg3[%dma_wait3A_786, %dma_wait3A_787] : memref<1000000x32xf32, #tpu.memory_space<hbm>> -> memref<1000000x32xf32, #tpu.memory_space<hbm>>
      tpu.wait_indirect_dma semaphore(%arg13 : memref<!tpu.dma_semaphore, #tpu.memory_space<semaphore_mem>>) src(%dma_wait3A_788 : memref<1000000x32xf32, #tpu.memory_space<hbm>>) dst(%dma_wait3A_783 : memref<128x32xf32, #tpu.memory_space<vmem>>)
      %dma_wait3A_789 = arith.constant 256 : i32
      %dma_wait3A_790 = arith.constant 0 : i32
      %dma_wait3A_791 = tpu.memref_slice %arg9[%dma_wait3A_789, %dma_wait3A_790] : memref<1600x32xf32, #tpu.memory_space<vmem>> -> memref<128x32xf32, #tpu.memory_space<vmem>>
      %dma_wait3A_792 = arith.constant 256 : i32
      %dma_wait3A_793 = tpu.memref_slice %arg7[%dma_wait3A_792] : memref<1600xi32, #tpu.memory_space<vmem>> -> memref<128xi32, #tpu.memory_space<vmem>>
      %dma_wait3A_794 = arith.constant 0 : i32
      %dma_wait3A_795 = arith.constant 0 : i32
      %dma_wait3A_796 = tpu.memref_slice %arg3[%dma_wait3A_794, %dma_wait3A_795] : memref<1000000x32xf32, #tpu.memory_space<hbm>> -> memref<1000000x32xf32, #tpu.memory_space<hbm>>
      tpu.wait_indirect_dma semaphore(%arg13 : memref<!tpu.dma_semaphore, #tpu.memory_space<semaphore_mem>>) src(%dma_wait3A_796 : memref<1000000x32xf32, #tpu.memory_space<hbm>>) dst(%dma_wait3A_791 : memref<128x32xf32, #tpu.memory_space<vmem>>)
      %dma_wait3A_797 = arith.constant 384 : i32
      %dma_wait3A_798 = arith.constant 0 : i32
      %dma_wait3A_799 = tpu.memref_slice %arg9[%dma_wait3A_797, %dma_wait3A_798] : memref<1600x32xf32, #tpu.memory_space<vmem>> -> memref<128x32xf32, #tpu.memory_space<vmem>>
      %dma_wait3A_800 = arith.constant 384 : i32
      %dma_wait3A_801 = tpu.memref_slice %arg7[%dma_wait3A_800] : memref<1600xi32, #tpu.memory_space<vmem>> -> memref<128xi32, #tpu.memory_space<vmem>>
      %dma_wait3A_802 = arith.constant 0 : i32
      %dma_wait3A_803 = arith.constant 0 : i32
      %dma_wait3A_804 = tpu.memref_slice %arg3[%dma_wait3A_802, %dma_wait3A_803] : memref<1000000x32xf32, #tpu.memory_space<hbm>> -> memref<1000000x32xf32, #tpu.memory_space<hbm>>
      tpu.wait_indirect_dma semaphore(%arg13 : memref<!tpu.dma_semaphore, #tpu.memory_space<semaphore_mem>>) src(%dma_wait3A_804 : memref<1000000x32xf32, #tpu.memory_space<hbm>>) dst(%dma_wait3A_799 : memref<128x32xf32, #tpu.memory_space<vmem>>)
      %dma_wait3A_805 = arith.constant 512 : i32
      %dma_wait3A_806 = arith.constant 0 : i32
      %dma_wait3A_807 = tpu.memref_slice %arg9[%dma_wait3A_805, %dma_wait3A_806] : memref<1600x32xf32, #tpu.memory_space<vmem>> -> memref<128x32xf32, #tpu.memory_space<vmem>>
      %dma_wait3A_808 = arith.constant 512 : i32
      %dma_wait3A_809 = tpu.memref_slice %arg7[%dma_wait3A_808] : memref<1600xi32, #tpu.memory_space<vmem>> -> memref<128xi32, #tpu.memory_space<vmem>>
      %dma_wait3A_810 = arith.constant 0 : i32
      %dma_wait3A_811 = arith.constant 0 : i32
      %dma_wait3A_812 = tpu.memref_slice %arg3[%dma_wait3A_810, %dma_wait3A_811] : memref<1000000x32xf32, #tpu.memory_space<hbm>> -> memref<1000000x32xf32, #tpu.memory_space<hbm>>
      tpu.wait_indirect_dma semaphore(%arg13 : memref<!tpu.dma_semaphore, #tpu.memory_space<semaphore_mem>>) src(%dma_wait3A_812 : memref<1000000x32xf32, #tpu.memory_space<hbm>>) dst(%dma_wait3A_807 : memref<128x32xf32, #tpu.memory_space<vmem>>)
      %dma_wait3A_813 = arith.constant 640 : i32
      %dma_wait3A_814 = arith.constant 0 : i32
      %dma_wait3A_815 = tpu.memref_slice %arg9[%dma_wait3A_813, %dma_wait3A_814] : memref<1600x32xf32, #tpu.memory_space<vmem>> -> memref<128x32xf32, #tpu.memory_space<vmem>>
      %dma_wait3A_816 = arith.constant 640 : i32
      %dma_wait3A_817 = tpu.memref_slice %arg7[%dma_wait3A_816] : memref<1600xi32, #tpu.memory_space<vmem>> -> memref<128xi32, #tpu.memory_space<vmem>>
      %dma_wait3A_818 = arith.constant 0 : i32
      %dma_wait3A_819 = arith.constant 0 : i32
      %dma_wait3A_820 = tpu.memref_slice %arg3[%dma_wait3A_818, %dma_wait3A_819] : memref<1000000x32xf32, #tpu.memory_space<hbm>> -> memref<1000000x32xf32, #tpu.memory_space<hbm>>
      tpu.wait_indirect_dma semaphore(%arg13 : memref<!tpu.dma_semaphore, #tpu.memory_space<semaphore_mem>>) src(%dma_wait3A_820 : memref<1000000x32xf32, #tpu.memory_space<hbm>>) dst(%dma_wait3A_815 : memref<128x32xf32, #tpu.memory_space<vmem>>)
      %dma_wait3A_821 = arith.constant 768 : i32
      %dma_wait3A_822 = arith.constant 0 : i32
      %dma_wait3A_823 = tpu.memref_slice %arg9[%dma_wait3A_821, %dma_wait3A_822] : memref<1600x32xf32, #tpu.memory_space<vmem>> -> memref<128x32xf32, #tpu.memory_space<vmem>>
      %dma_wait3A_824 = arith.constant 768 : i32
      %dma_wait3A_825 = tpu.memref_slice %arg7[%dma_wait3A_824] : memref<1600xi32, #tpu.memory_space<vmem>> -> memref<128xi32, #tpu.memory_space<vmem>>
      %dma_wait3A_826 = arith.constant 0 : i32
      %dma_wait3A_827 = arith.constant 0 : i32
      %dma_wait3A_828 = tpu.memref_slice %arg3[%dma_wait3A_826, %dma_wait3A_827] : memref<1000000x32xf32, #tpu.memory_space<hbm>> -> memref<1000000x32xf32, #tpu.memory_space<hbm>>
      tpu.wait_indirect_dma semaphore(%arg13 : memref<!tpu.dma_semaphore, #tpu.memory_space<semaphore_mem>>) src(%dma_wait3A_828 : memref<1000000x32xf32, #tpu.memory_space<hbm>>) dst(%dma_wait3A_823 : memref<128x32xf32, #tpu.memory_space<vmem>>)
      %dma_wait3A_829 = arith.constant 896 : i32
      %dma_wait3A_830 = arith.constant 0 : i32
      %dma_wait3A_831 = tpu.memref_slice %arg9[%dma_wait3A_829, %dma_wait3A_830] : memref<1600x32xf32, #tpu.memory_space<vmem>> -> memref<128x32xf32, #tpu.memory_space<vmem>>
      %dma_wait3A_832 = arith.constant 896 : i32
      %dma_wait3A_833 = tpu.memref_slice %arg7[%dma_wait3A_832] : memref<1600xi32, #tpu.memory_space<vmem>> -> memref<128xi32, #tpu.memory_space<vmem>>
      %dma_wait3A_834 = arith.constant 0 : i32
      %dma_wait3A_835 = arith.constant 0 : i32
      %dma_wait3A_836 = tpu.memref_slice %arg3[%dma_wait3A_834, %dma_wait3A_835] : memref<1000000x32xf32, #tpu.memory_space<hbm>> -> memref<1000000x32xf32, #tpu.memory_space<hbm>>
      tpu.wait_indirect_dma semaphore(%arg13 : memref<!tpu.dma_semaphore, #tpu.memory_space<semaphore_mem>>) src(%dma_wait3A_836 : memref<1000000x32xf32, #tpu.memory_space<hbm>>) dst(%dma_wait3A_831 : memref<128x32xf32, #tpu.memory_space<vmem>>)
      %dma_wait3A_837 = arith.constant 1024 : i32
      %dma_wait3A_838 = arith.constant 0 : i32
      %dma_wait3A_839 = tpu.memref_slice %arg9[%dma_wait3A_837, %dma_wait3A_838] : memref<1600x32xf32, #tpu.memory_space<vmem>> -> memref<128x32xf32, #tpu.memory_space<vmem>>
      %dma_wait3A_840 = arith.constant 1024 : i32
      %dma_wait3A_841 = tpu.memref_slice %arg7[%dma_wait3A_840] : memref<1600xi32, #tpu.memory_space<vmem>> -> memref<128xi32, #tpu.memory_space<vmem>>
      %dma_wait3A_842 = arith.constant 0 : i32
      %dma_wait3A_843 = arith.constant 0 : i32
      %dma_wait3A_844 = tpu.memref_slice %arg3[%dma_wait3A_842, %dma_wait3A_843] : memref<1000000x32xf32, #tpu.memory_space<hbm>> -> memref<1000000x32xf32, #tpu.memory_space<hbm>>
      tpu.wait_indirect_dma semaphore(%arg13 : memref<!tpu.dma_semaphore, #tpu.memory_space<semaphore_mem>>) src(%dma_wait3A_844 : memref<1000000x32xf32, #tpu.memory_space<hbm>>) dst(%dma_wait3A_839 : memref<128x32xf32, #tpu.memory_space<vmem>>)
      %dma_wait3A_845 = arith.constant 1152 : i32
      %dma_wait3A_846 = arith.constant 0 : i32
      %dma_wait3A_847 = tpu.memref_slice %arg9[%dma_wait3A_845, %dma_wait3A_846] : memref<1600x32xf32, #tpu.memory_space<vmem>> -> memref<128x32xf32, #tpu.memory_space<vmem>>
      %dma_wait3A_848 = arith.constant 1152 : i32
      %dma_wait3A_849 = tpu.memref_slice %arg7[%dma_wait3A_848] : memref<1600xi32, #tpu.memory_space<vmem>> -> memref<128xi32, #tpu.memory_space<vmem>>
      %dma_wait3A_850 = arith.constant 0 : i32
      %dma_wait3A_851 = arith.constant 0 : i32
      %dma_wait3A_852 = tpu.memref_slice %arg3[%dma_wait3A_850, %dma_wait3A_851] : memref<1000000x32xf32, #tpu.memory_space<hbm>> -> memref<1000000x32xf32, #tpu.memory_space<hbm>>
      tpu.wait_indirect_dma semaphore(%arg13 : memref<!tpu.dma_semaphore, #tpu.memory_space<semaphore_mem>>) src(%dma_wait3A_852 : memref<1000000x32xf32, #tpu.memory_space<hbm>>) dst(%dma_wait3A_847 : memref<128x32xf32, #tpu.memory_space<vmem>>)
      %dma_wait3A_853 = arith.constant 1280 : i32
      %dma_wait3A_854 = arith.constant 0 : i32
      %dma_wait3A_855 = tpu.memref_slice %arg9[%dma_wait3A_853, %dma_wait3A_854] : memref<1600x32xf32, #tpu.memory_space<vmem>> -> memref<128x32xf32, #tpu.memory_space<vmem>>
      %dma_wait3A_856 = arith.constant 1280 : i32
      %dma_wait3A_857 = tpu.memref_slice %arg7[%dma_wait3A_856] : memref<1600xi32, #tpu.memory_space<vmem>> -> memref<128xi32, #tpu.memory_space<vmem>>
      %dma_wait3A_858 = arith.constant 0 : i32
      %dma_wait3A_859 = arith.constant 0 : i32
      %dma_wait3A_860 = tpu.memref_slice %arg3[%dma_wait3A_858, %dma_wait3A_859] : memref<1000000x32xf32, #tpu.memory_space<hbm>> -> memref<1000000x32xf32, #tpu.memory_space<hbm>>
      tpu.wait_indirect_dma semaphore(%arg13 : memref<!tpu.dma_semaphore, #tpu.memory_space<semaphore_mem>>) src(%dma_wait3A_860 : memref<1000000x32xf32, #tpu.memory_space<hbm>>) dst(%dma_wait3A_855 : memref<128x32xf32, #tpu.memory_space<vmem>>)
      %dma_wait3A_861 = arith.constant 1408 : i32
      %dma_wait3A_862 = arith.constant 0 : i32
      %dma_wait3A_863 = tpu.memref_slice %arg9[%dma_wait3A_861, %dma_wait3A_862] : memref<1600x32xf32, #tpu.memory_space<vmem>> -> memref<128x32xf32, #tpu.memory_space<vmem>>
      %dma_wait3A_864 = arith.constant 1408 : i32
      %dma_wait3A_865 = tpu.memref_slice %arg7[%dma_wait3A_864] : memref<1600xi32, #tpu.memory_space<vmem>> -> memref<128xi32, #tpu.memory_space<vmem>>
      %dma_wait3A_866 = arith.constant 0 : i32
      %dma_wait3A_867 = arith.constant 0 : i32
      %dma_wait3A_868 = tpu.memref_slice %arg3[%dma_wait3A_866, %dma_wait3A_867] : memref<1000000x32xf32, #tpu.memory_space<hbm>> -> memref<1000000x32xf32, #tpu.memory_space<hbm>>
      tpu.wait_indirect_dma semaphore(%arg13 : memref<!tpu.dma_semaphore, #tpu.memory_space<semaphore_mem>>) src(%dma_wait3A_868 : memref<1000000x32xf32, #tpu.memory_space<hbm>>) dst(%dma_wait3A_863 : memref<128x32xf32, #tpu.memory_space<vmem>>)
      %dma_wait3A_869 = arith.constant 1536 : i32
      %dma_wait3A_870 = arith.constant 0 : i32
      %dma_wait3A_871 = tpu.memref_slice %arg9[%dma_wait3A_869, %dma_wait3A_870] : memref<1600x32xf32, #tpu.memory_space<vmem>> -> memref<64x32xf32, #tpu.memory_space<vmem>>
      %dma_wait3A_872 = arith.constant 1536 : i32
      %dma_wait3A_873 = tpu.memref_slice %arg7[%dma_wait3A_872] : memref<1600xi32, #tpu.memory_space<vmem>> -> memref<64xi32, #tpu.memory_space<vmem>>
      %dma_wait3A_874 = arith.constant 0 : i32
      %dma_wait3A_875 = arith.constant 0 : i32
      %dma_wait3A_876 = tpu.memref_slice %arg3[%dma_wait3A_874, %dma_wait3A_875] : memref<1000000x32xf32, #tpu.memory_space<hbm>> -> memref<1000000x32xf32, #tpu.memory_space<hbm>>
      tpu.wait_indirect_dma semaphore(%arg13 : memref<!tpu.dma_semaphore, #tpu.memory_space<semaphore_mem>>) src(%dma_wait3A_876 : memref<1000000x32xf32, #tpu.memory_space<hbm>>) dst(%dma_wait3A_871 : memref<64x32xf32, #tpu.memory_space<vmem>>)
      %add3A_877 = arith.constant 1 : i32
      %add3A_878 = arith.addi %mul3A_169, %add3A_877 : i32
      %broadcast_in_dim3A_879 = arith.constant 0.000000e+00 : f32
      %broadcast_in_dim3A_880 = vector.broadcast %broadcast_in_dim3A_879 : f32 to vector<16xf32>
      %broadcast_in_dim3A_881 = arith.constant 0.000000e+00 : f32
      %broadcast_in_dim3A_882 = vector.broadcast %broadcast_in_dim3A_881 : f32 to vector<16xf32>
      %scan3A_883 = arith.constant 0 : i32
      %scan3A_884 = arith.constant 25 : i32
      %scan3A_885 = arith.addi %scan3A_883, %scan3A_884 : i32
      %scan3A_886 = arith.constant 1 : i32
      %scan3A_887:4 = scf.for %scan3A_1271 = %scan3A_883 to %scan3A_885 step %scan3A_886 iter_args(%scan3A_1272 = %broadcast_in_dim3A_882, %scan3A_1273 = %broadcast_in_dim3A_882, %scan3A_1274 = %broadcast_in_dim3A_882, %scan3A_1275 = %broadcast_in_dim3A_882) -> (vector<16xf32>, vector<16xf32>, vector<16xf32>, vector<16xf32>)  : i32 {
        %mul3A_1276 = arith.constant 8 : i32
        %mul3A_1277 = arith.muli %mul3A_1276, %scan3A_1271 : i32
        %add3A_1278 = arith.constant 0 : i32
        %add3A_1279 = arith.addi %add3A_1278, %mul3A_1277 : i32
        %add3A_1280 = arith.constant 0 : i32
        %add3A_1281 = arith.addi %add3A_1279, %add3A_1280 : i32
        %get3A_1282 = arith.index_cast %add3A_1281 : i32 to index
        %get3A_1283 = arith.constant 0 : index
        %get3A_1284 = tpu.vector_load %arg9[%get3A_1282, %get3A_1283] {strides = array<i32>} : memref<1600x32xf32, #tpu.memory_space<vmem>>, vector<1x16xf32>,
        %get3A_1285 = vector.shape_cast %get3A_1284 : vector<1x16xf32> to vector<16xf32>
        %add3A_1286 = arith.addf %scan3A_1272, %get3A_1285 : vector<16xf32>
        %add3A_1287 = arith.constant 0 : i32
        %add3A_1288 = arith.addi %add3A_1279, %add3A_1287 : i32
        %get3A_1289 = arith.index_cast %add3A_1288 : i32 to index
        %get3A_1290 = arith.constant 16 : index
        %get3A_1291 = tpu.vector_load %arg9[%get3A_1289, %get3A_1290] {strides = array<i32>} : memref<1600x32xf32, #tpu.memory_space<vmem>>, vector<1x16xf32>,
        %get3A_1292 = vector.shape_cast %get3A_1291 : vector<1x16xf32> to vector<16xf32>
        %add3A_1293 = arith.addf %scan3A_1274, %get3A_1292 : vector<16xf32>
        %add3A_1294 = arith.constant 0 : i32
        %add3A_1295 = arith.addi %add3A_1279, %add3A_1294 : i32
        %add3A_1296 = arith.constant 1 : i32
        %add3A_1297 = arith.addi %add3A_1295, %add3A_1296 : i32
        %get3A_1298 = arith.index_cast %add3A_1297 : i32 to index
        %get3A_1299 = arith.constant 0 : index
        %get3A_1300 = tpu.vector_load %arg9[%get3A_1298, %get3A_1299] {strides = array<i32>} : memref<1600x32xf32, #tpu.memory_space<vmem>>, vector<1x16xf32>,
        %get3A_1301 = vector.shape_cast %get3A_1300 : vector<1x16xf32> to vector<16xf32>
        %add3A_1302 = arith.addf %scan3A_1273, %get3A_1301 : vector<16xf32>
        %add3A_1303 = arith.constant 0 : i32
        %add3A_1304 = arith.addi %add3A_1279, %add3A_1303 : i32
        %add3A_1305 = arith.constant 1 : i32
        %add3A_1306 = arith.addi %add3A_1304, %add3A_1305 : i32
        %get3A_1307 = arith.index_cast %add3A_1306 : i32 to index
        %get3A_1308 = arith.constant 16 : index
        %get3A_1309 = tpu.vector_load %arg9[%get3A_1307, %get3A_1308] {strides = array<i32>} : memref<1600x32xf32, #tpu.memory_space<vmem>>, vector<1x16xf32>,
        %get3A_1310 = vector.shape_cast %get3A_1309 : vector<1x16xf32> to vector<16xf32>
        %add3A_1311 = arith.addf %scan3A_1275, %get3A_1310 : vector<16xf32>
        %add3A_1312 = arith.constant 2 : i32
        %add3A_1313 = arith.addi %add3A_1279, %add3A_1312 : i32
        %get3A_1314 = arith.index_cast %add3A_1313 : i32 to index
        %get3A_1315 = arith.constant 0 : index
        %get3A_1316 = tpu.vector_load %arg9[%get3A_1314, %get3A_1315] {strides = array<i32>} : memref<1600x32xf32, #tpu.memory_space<vmem>>, vector<1x16xf32>,
        %get3A_1317 = vector.shape_cast %get3A_1316 : vector<1x16xf32> to vector<16xf32>
        %add3A_1318 = arith.addf %add3A_1286, %get3A_1317 : vector<16xf32>
        %add3A_1319 = arith.constant 2 : i32
        %add3A_1320 = arith.addi %add3A_1279, %add3A_1319 : i32
        %get3A_1321 = arith.index_cast %add3A_1320 : i32 to index
        %get3A_1322 = arith.constant 16 : index
        %get3A_1323 = tpu.vector_load %arg9[%get3A_1321, %get3A_1322] {strides = array<i32>} : memref<1600x32xf32, #tpu.memory_space<vmem>>, vector<1x16xf32>,
        %get3A_1324 = vector.shape_cast %get3A_1323 : vector<1x16xf32> to vector<16xf32>
        %add3A_1325 = arith.addf %add3A_1293, %get3A_1324 : vector<16xf32>
        %add3A_1326 = arith.constant 2 : i32
        %add3A_1327 = arith.addi %add3A_1279, %add3A_1326 : i32
        %add3A_1328 = arith.constant 1 : i32
        %add3A_1329 = arith.addi %add3A_1327, %add3A_1328 : i32
        %get3A_1330 = arith.index_cast %add3A_1329 : i32 to index
        %get3A_1331 = arith.constant 0 : index
        %get3A_1332 = tpu.vector_load %arg9[%get3A_1330, %get3A_1331] {strides = array<i32>} : memref<1600x32xf32, #tpu.memory_space<vmem>>, vector<1x16xf32>,
        %get3A_1333 = vector.shape_cast %get3A_1332 : vector<1x16xf32> to vector<16xf32>
        %add3A_1334 = arith.addf %add3A_1302, %get3A_1333 : vector<16xf32>
        %add3A_1335 = arith.constant 2 : i32
        %add3A_1336 = arith.addi %add3A_1279, %add3A_1335 : i32
        %add3A_1337 = arith.constant 1 : i32
        %add3A_1338 = arith.addi %add3A_1336, %add3A_1337 : i32
        %get3A_1339 = arith.index_cast %add3A_1338 : i32 to index
        %get3A_1340 = arith.constant 16 : index
        %get3A_1341 = tpu.vector_load %arg9[%get3A_1339, %get3A_1340] {strides = array<i32>} : memref<1600x32xf32, #tpu.memory_space<vmem>>, vector<1x16xf32>,
        %get3A_1342 = vector.shape_cast %get3A_1341 : vector<1x16xf32> to vector<16xf32>
        %add3A_1343 = arith.addf %add3A_1311, %get3A_1342 : vector<16xf32>
        %add3A_1344 = arith.constant 4 : i32
        %add3A_1345 = arith.addi %add3A_1279, %add3A_1344 : i32
        %get3A_1346 = arith.index_cast %add3A_1345 : i32 to index
        %get3A_1347 = arith.constant 0 : index
        %get3A_1348 = tpu.vector_load %arg9[%get3A_1346, %get3A_1347] {strides = array<i32>} : memref<1600x32xf32, #tpu.memory_space<vmem>>, vector<1x16xf32>,
        %get3A_1349 = vector.shape_cast %get3A_1348 : vector<1x16xf32> to vector<16xf32>
        %add3A_1350 = arith.addf %add3A_1318, %get3A_1349 : vector<16xf32>
        %add3A_1351 = arith.constant 4 : i32
        %add3A_1352 = arith.addi %add3A_1279, %add3A_1351 : i32
        %get3A_1353 = arith.index_cast %add3A_1352 : i32 to index
        %get3A_1354 = arith.constant 16 : index
        %get3A_1355 = tpu.vector_load %arg9[%get3A_1353, %get3A_1354] {strides = array<i32>} : memref<1600x32xf32, #tpu.memory_space<vmem>>, vector<1x16xf32>,
        %get3A_1356 = vector.shape_cast %get3A_1355 : vector<1x16xf32> to vector<16xf32>
        %add3A_1357 = arith.addf %add3A_1325, %get3A_1356 : vector<16xf32>
        %add3A_1358 = arith.constant 4 : i32
        %add3A_1359 = arith.addi %add3A_1279, %add3A_1358 : i32
        %add3A_1360 = arith.constant 1 : i32
        %add3A_1361 = arith.addi %add3A_1359, %add3A_1360 : i32
        %get3A_1362 = arith.index_cast %add3A_1361 : i32 to index
        %get3A_1363 = arith.constant 0 : index
        %get3A_1364 = tpu.vector_load %arg9[%get3A_1362, %get3A_1363] {strides = array<i32>} : memref<1600x32xf32, #tpu.memory_space<vmem>>, vector<1x16xf32>,
        %get3A_1365 = vector.shape_cast %get3A_1364 : vector<1x16xf32> to vector<16xf32>
        %add3A_1366 = arith.addf %add3A_1334, %get3A_1365 : vector<16xf32>
        %add3A_1367 = arith.constant 4 : i32
        %add3A_1368 = arith.addi %add3A_1279, %add3A_1367 : i32
        %add3A_1369 = arith.constant 1 : i32
        %add3A_1370 = arith.addi %add3A_1368, %add3A_1369 : i32
        %get3A_1371 = arith.index_cast %add3A_1370 : i32 to index
        %get3A_1372 = arith.constant 16 : index
        %get3A_1373 = tpu.vector_load %arg9[%get3A_1371, %get3A_1372] {strides = array<i32>} : memref<1600x32xf32, #tpu.memory_space<vmem>>, vector<1x16xf32>,
        %get3A_1374 = vector.shape_cast %get3A_1373 : vector<1x16xf32> to vector<16xf32>
        %add3A_1375 = arith.addf %add3A_1343, %get3A_1374 : vector<16xf32>
        %add3A_1376 = arith.constant 6 : i32
        %add3A_1377 = arith.addi %add3A_1279, %add3A_1376 : i32
        %get3A_1378 = arith.index_cast %add3A_1377 : i32 to index
        %get3A_1379 = arith.constant 0 : index
        %get3A_1380 = tpu.vector_load %arg9[%get3A_1378, %get3A_1379] {strides = array<i32>} : memref<1600x32xf32, #tpu.memory_space<vmem>>, vector<1x16xf32>,
        %get3A_1381 = vector.shape_cast %get3A_1380 : vector<1x16xf32> to vector<16xf32>
        %add3A_1382 = arith.addf %add3A_1350, %get3A_1381 : vector<16xf32>
        %add3A_1383 = arith.constant 6 : i32
        %add3A_1384 = arith.addi %add3A_1279, %add3A_1383 : i32
        %get3A_1385 = arith.index_cast %add3A_1384 : i32 to index
        %get3A_1386 = arith.constant 16 : index
        %get3A_1387 = tpu.vector_load %arg9[%get3A_1385, %get3A_1386] {strides = array<i32>} : memref<1600x32xf32, #tpu.memory_space<vmem>>, vector<1x16xf32>,
        %get3A_1388 = vector.shape_cast %get3A_1387 : vector<1x16xf32> to vector<16xf32>
        %add3A_1389 = arith.addf %add3A_1357, %get3A_1388 : vector<16xf32>
        %add3A_1390 = arith.constant 6 : i32
        %add3A_1391 = arith.addi %add3A_1279, %add3A_1390 : i32
        %add3A_1392 = arith.constant 1 : i32
        %add3A_1393 = arith.addi %add3A_1391, %add3A_1392 : i32
        %get3A_1394 = arith.index_cast %add3A_1393 : i32 to index
        %get3A_1395 = arith.constant 0 : index
        %get3A_1396 = tpu.vector_load %arg9[%get3A_1394, %get3A_1395] {strides = array<i32>} : memref<1600x32xf32, #tpu.memory_space<vmem>>, vector<1x16xf32>,
        %get3A_1397 = vector.shape_cast %get3A_1396 : vector<1x16xf32> to vector<16xf32>
        %add3A_1398 = arith.addf %add3A_1366, %get3A_1397 : vector<16xf32>
        %add3A_1399 = arith.constant 6 : i32
        %add3A_1400 = arith.addi %add3A_1279, %add3A_1399 : i32
        %add3A_1401 = arith.constant 1 : i32
        %add3A_1402 = arith.addi %add3A_1400, %add3A_1401 : i32
        %get3A_1403 = arith.index_cast %add3A_1402 : i32 to index
        %get3A_1404 = arith.constant 16 : index
        %get3A_1405 = tpu.vector_load %arg9[%get3A_1403, %get3A_1404] {strides = array<i32>} : memref<1600x32xf32, #tpu.memory_space<vmem>>, vector<1x16xf32>,
        %get3A_1406 = vector.shape_cast %get3A_1405 : vector<1x16xf32> to vector<16xf32>
        %add3A_1407 = arith.addf %add3A_1375, %get3A_1406 : vector<16xf32>
        scf.yield %add3A_1382, %add3A_1398, %add3A_1389, %add3A_1407 : vector<16xf32>, vector<16xf32>, vector<16xf32>, vector<16xf32>
      }
      %scan3A_888 = arith.constant 25 : i32
      %add3A_889 = arith.addf %scan3A_887#0, %scan3A_887#1 : vector<16xf32>
      %add3A_890 = arith.addf %scan3A_887#2, %scan3A_887#3 : vector<16xf32>
      %mul3A_891 = arith.mulf %add3A_889, %get3A_4 : vector<16xf32>
      %mul3A_892 = arith.mulf %add3A_890, %get3A_9 : vector<16xf32>
      %add3A_893 = arith.addf %mul3A_891, %mul3A_892 : vector<16xf32>
      %gather3A_894 = vector.shape_cast %reshape3A : vector<16x1xi32> to vector<16xi32>
      %gather3A_895 = tpu.dynamic_gather %add3A_893[%gather3A_894] in [0] : vector<16xf32>, vector<16xi32> -> vector<16xf32>
      %add3A_896 = arith.addf %add3A_893, %gather3A_895 : vector<16xf32>
      %gather3A_897 = vector.shape_cast %reshape3A_36 : vector<16x1xi32> to vector<16xi32>
      %gather3A_898 = tpu.dynamic_gather %add3A_896[%gather3A_897] in [0] : vector<16xf32>, vector<16xi32> -> vector<16xf32>
      %add3A_899 = arith.addf %add3A_896, %gather3A_898 : vector<16xf32>
      %gather3A_900 = vector.shape_cast %reshape3A_43 : vector<16x1xi32> to vector<16xi32>
      %gather3A_901 = tpu.dynamic_gather %add3A_899[%gather3A_900] in [0] : vector<16xf32>, vector<16xi32> -> vector<16xf32>
      %add3A_902 = arith.addf %add3A_899, %gather3A_901 : vector<16xf32>
      %gather3A_903 = vector.shape_cast %reshape3A_50 : vector<16x1xi32> to vector<16xi32>
      %gather3A_904 = tpu.dynamic_gather %add3A_902[%gather3A_903] in [0] : vector<16xf32>, vector<16xi32> -> vector<16xf32>
      %add3A_905 = arith.addf %add3A_902, %gather3A_904 : vector<16xf32>
      %mul3A_906 = arith.mulf %add3A_889, %get3A_14 : vector<16xf32>
      %mul3A_907 = arith.mulf %add3A_890, %get3A_19 : vector<16xf32>
      %add3A_908 = arith.addf %mul3A_906, %mul3A_907 : vector<16xf32>
      %gather3A_909 = vector.shape_cast %reshape3A : vector<16x1xi32> to vector<16xi32>
      %gather3A_910 = tpu.dynamic_gather %add3A_908[%gather3A_909] in [0] : vector<16xf32>, vector<16xi32> -> vector<16xf32>
      %add3A_911 = arith.addf %add3A_908, %gather3A_910 : vector<16xf32>
      %gather3A_912 = vector.shape_cast %reshape3A_36 : vector<16x1xi32> to vector<16xi32>
      %gather3A_913 = tpu.dynamic_gather %add3A_911[%gather3A_912] in [0] : vector<16xf32>, vector<16xi32> -> vector<16xf32>
      %add3A_914 = arith.addf %add3A_911, %gather3A_913 : vector<16xf32>
      %gather3A_915 = vector.shape_cast %reshape3A_43 : vector<16x1xi32> to vector<16xi32>
      %gather3A_916 = tpu.dynamic_gather %add3A_914[%gather3A_915] in [0] : vector<16xf32>, vector<16xi32> -> vector<16xf32>
      %add3A_917 = arith.addf %add3A_914, %gather3A_916 : vector<16xf32>
      %gather3A_918 = vector.shape_cast %reshape3A_50 : vector<16x1xi32> to vector<16xi32>
      %gather3A_919 = tpu.dynamic_gather %add3A_917[%gather3A_918] in [0] : vector<16xf32>, vector<16xi32> -> vector<16xf32>
      %add3A_920 = arith.addf %add3A_917, %gather3A_919 : vector<16xf32>
      %eq3A_921 = arith.constant 0 : i32
      %eq3A_922 = vector.broadcast %eq3A_921 : i32 to vector<16xi32>
      %eq3A_923 = arith.cmpi eq, %iota3A, %eq3A_922 : vector<16xi32>
      %select_n3A_924 = arith.select %eq3A_923, %add3A_905, %broadcast_in_dim3A_880 : vector<16xi1>, vector<16xf32>
      %eq3A_925 = arith.constant 1 : i32
      %eq3A_926 = vector.broadcast %eq3A_925 : i32 to vector<16xi32>
      %eq3A_927 = arith.cmpi eq, %iota3A, %eq3A_926 : vector<16xi32>
      %select_n3A_928 = arith.select %eq3A_927, %add3A_920, %select_n3A_924 : vector<16xi1>, vector<16xf32>
      %broadcast_in_dim3A_929 = arith.constant 0.000000e+00 : f32
      %broadcast_in_dim3A_930 = vector.broadcast %broadcast_in_dim3A_929 : f32 to vector<16xf32>
      %scan3A_931 = arith.constant 0 : i32
      %scan3A_932 = arith.constant 25 : i32
      %scan3A_933 = arith.addi %scan3A_931, %scan3A_932 : i32
      %scan3A_934 = arith.constant 1 : i32
      %scan3A_935:4 = scf.for %scan3A_1271 = %scan3A_931 to %scan3A_933 step %scan3A_934 iter_args(%scan3A_1272 = %broadcast_in_dim3A_930, %scan3A_1273 = %broadcast_in_dim3A_930, %scan3A_1274 = %broadcast_in_dim3A_930, %scan3A_1275 = %broadcast_in_dim3A_930) -> (vector<16xf32>, vector<16xf32>, vector<16xf32>, vector<16xf32>)  : i32 {
        %mul3A_1276 = arith.constant 8 : i32
        %mul3A_1277 = arith.muli %mul3A_1276, %scan3A_1271 : i32
        %add3A_1278 = arith.constant 200 : i32
        %add3A_1279 = arith.addi %add3A_1278, %mul3A_1277 : i32
        %add3A_1280 = arith.constant 0 : i32
        %add3A_1281 = arith.addi %add3A_1279, %add3A_1280 : i32
        %get3A_1282 = arith.index_cast %add3A_1281 : i32 to index
        %get3A_1283 = arith.constant 0 : index
        %get3A_1284 = tpu.vector_load %arg9[%get3A_1282, %get3A_1283] {strides = array<i32>} : memref<1600x32xf32, #tpu.memory_space<vmem>>, vector<1x16xf32>,
        %get3A_1285 = vector.shape_cast %get3A_1284 : vector<1x16xf32> to vector<16xf32>
        %add3A_1286 = arith.addf %scan3A_1272, %get3A_1285 : vector<16xf32>
        %add3A_1287 = arith.constant 0 : i32
        %add3A_1288 = arith.addi %add3A_1279, %add3A_1287 : i32
        %get3A_1289 = arith.index_cast %add3A_1288 : i32 to index
        %get3A_1290 = arith.constant 16 : index
        %get3A_1291 = tpu.vector_load %arg9[%get3A_1289, %get3A_1290] {strides = array<i32>} : memref<1600x32xf32, #tpu.memory_space<vmem>>, vector<1x16xf32>,
        %get3A_1292 = vector.shape_cast %get3A_1291 : vector<1x16xf32> to vector<16xf32>
        %add3A_1293 = arith.addf %scan3A_1274, %get3A_1292 : vector<16xf32>
        %add3A_1294 = arith.constant 0 : i32
        %add3A_1295 = arith.addi %add3A_1279, %add3A_1294 : i32
        %add3A_1296 = arith.constant 1 : i32
        %add3A_1297 = arith.addi %add3A_1295, %add3A_1296 : i32
        %get3A_1298 = arith.index_cast %add3A_1297 : i32 to index
        %get3A_1299 = arith.constant 0 : index
        %get3A_1300 = tpu.vector_load %arg9[%get3A_1298, %get3A_1299] {strides = array<i32>} : memref<1600x32xf32, #tpu.memory_space<vmem>>, vector<1x16xf32>,
        %get3A_1301 = vector.shape_cast %get3A_1300 : vector<1x16xf32> to vector<16xf32>
        %add3A_1302 = arith.addf %scan3A_1273, %get3A_1301 : vector<16xf32>
        %add3A_1303 = arith.constant 0 : i32
        %add3A_1304 = arith.addi %add3A_1279, %add3A_1303 : i32
        %add3A_1305 = arith.constant 1 : i32
        %add3A_1306 = arith.addi %add3A_1304, %add3A_1305 : i32
        %get3A_1307 = arith.index_cast %add3A_1306 : i32 to index
        %get3A_1308 = arith.constant 16 : index
        %get3A_1309 = tpu.vector_load %arg9[%get3A_1307, %get3A_1308] {strides = array<i32>} : memref<1600x32xf32, #tpu.memory_space<vmem>>, vector<1x16xf32>,
        %get3A_1310 = vector.shape_cast %get3A_1309 : vector<1x16xf32> to vector<16xf32>
        %add3A_1311 = arith.addf %scan3A_1275, %get3A_1310 : vector<16xf32>
        %add3A_1312 = arith.constant 2 : i32
        %add3A_1313 = arith.addi %add3A_1279, %add3A_1312 : i32
        %get3A_1314 = arith.index_cast %add3A_1313 : i32 to index
        %get3A_1315 = arith.constant 0 : index
        %get3A_1316 = tpu.vector_load %arg9[%get3A_1314, %get3A_1315] {strides = array<i32>} : memref<1600x32xf32, #tpu.memory_space<vmem>>, vector<1x16xf32>,
        %get3A_1317 = vector.shape_cast %get3A_1316 : vector<1x16xf32> to vector<16xf32>
        %add3A_1318 = arith.addf %add3A_1286, %get3A_1317 : vector<16xf32>
        %add3A_1319 = arith.constant 2 : i32
        %add3A_1320 = arith.addi %add3A_1279, %add3A_1319 : i32
        %get3A_1321 = arith.index_cast %add3A_1320 : i32 to index
        %get3A_1322 = arith.constant 16 : index
        %get3A_1323 = tpu.vector_load %arg9[%get3A_1321, %get3A_1322] {strides = array<i32>} : memref<1600x32xf32, #tpu.memory_space<vmem>>, vector<1x16xf32>,
        %get3A_1324 = vector.shape_cast %get3A_1323 : vector<1x16xf32> to vector<16xf32>
        %add3A_1325 = arith.addf %add3A_1293, %get3A_1324 : vector<16xf32>
        %add3A_1326 = arith.constant 2 : i32
        %add3A_1327 = arith.addi %add3A_1279, %add3A_1326 : i32
        %add3A_1328 = arith.constant 1 : i32
        %add3A_1329 = arith.addi %add3A_1327, %add3A_1328 : i32
        %get3A_1330 = arith.index_cast %add3A_1329 : i32 to index
        %get3A_1331 = arith.constant 0 : index
        %get3A_1332 = tpu.vector_load %arg9[%get3A_1330, %get3A_1331] {strides = array<i32>} : memref<1600x32xf32, #tpu.memory_space<vmem>>, vector<1x16xf32>,
        %get3A_1333 = vector.shape_cast %get3A_1332 : vector<1x16xf32> to vector<16xf32>
        %add3A_1334 = arith.addf %add3A_1302, %get3A_1333 : vector<16xf32>
        %add3A_1335 = arith.constant 2 : i32
        %add3A_1336 = arith.addi %add3A_1279, %add3A_1335 : i32
        %add3A_1337 = arith.constant 1 : i32
        %add3A_1338 = arith.addi %add3A_1336, %add3A_1337 : i32
        %get3A_1339 = arith.index_cast %add3A_1338 : i32 to index
        %get3A_1340 = arith.constant 16 : index
        %get3A_1341 = tpu.vector_load %arg9[%get3A_1339, %get3A_1340] {strides = array<i32>} : memref<1600x32xf32, #tpu.memory_space<vmem>>, vector<1x16xf32>,
        %get3A_1342 = vector.shape_cast %get3A_1341 : vector<1x16xf32> to vector<16xf32>
        %add3A_1343 = arith.addf %add3A_1311, %get3A_1342 : vector<16xf32>
        %add3A_1344 = arith.constant 4 : i32
        %add3A_1345 = arith.addi %add3A_1279, %add3A_1344 : i32
        %get3A_1346 = arith.index_cast %add3A_1345 : i32 to index
        %get3A_1347 = arith.constant 0 : index
        %get3A_1348 = tpu.vector_load %arg9[%get3A_1346, %get3A_1347] {strides = array<i32>} : memref<1600x32xf32, #tpu.memory_space<vmem>>, vector<1x16xf32>,
        %get3A_1349 = vector.shape_cast %get3A_1348 : vector<1x16xf32> to vector<16xf32>
        %add3A_1350 = arith.addf %add3A_1318, %get3A_1349 : vector<16xf32>
        %add3A_1351 = arith.constant 4 : i32
        %add3A_1352 = arith.addi %add3A_1279, %add3A_1351 : i32
        %get3A_1353 = arith.index_cast %add3A_1352 : i32 to index
        %get3A_1354 = arith.constant 16 : index
        %get3A_1355 = tpu.vector_load %arg9[%get3A_1353, %get3A_1354] {strides = array<i32>} : memref<1600x32xf32, #tpu.memory_space<vmem>>, vector<1x16xf32>,
        %get3A_1356 = vector.shape_cast %get3A_1355 : vector<1x16xf32> to vector<16xf32>
        %add3A_1357 = arith.addf %add3A_1325, %get3A_1356 : vector<16xf32>
        %add3A_1358 = arith.constant 4 : i32
        %add3A_1359 = arith.addi %add3A_1279, %add3A_1358 : i32
        %add3A_1360 = arith.constant 1 : i32
        %add3A_1361 = arith.addi %add3A_1359, %add3A_1360 : i32
        %get3A_1362 = arith.index_cast %add3A_1361 : i32 to index
        %get3A_1363 = arith.constant 0 : index
        %get3A_1364 = tpu.vector_load %arg9[%get3A_1362, %get3A_1363] {strides = array<i32>} : memref<1600x32xf32, #tpu.memory_space<vmem>>, vector<1x16xf32>,
        %get3A_1365 = vector.shape_cast %get3A_1364 : vector<1x16xf32> to vector<16xf32>
        %add3A_1366 = arith.addf %add3A_1334, %get3A_1365 : vector<16xf32>
        %add3A_1367 = arith.constant 4 : i32
        %add3A_1368 = arith.addi %add3A_1279, %add3A_1367 : i32
        %add3A_1369 = arith.constant 1 : i32
        %add3A_1370 = arith.addi %add3A_1368, %add3A_1369 : i32
        %get3A_1371 = arith.index_cast %add3A_1370 : i32 to index
        %get3A_1372 = arith.constant 16 : index
        %get3A_1373 = tpu.vector_load %arg9[%get3A_1371, %get3A_1372] {strides = array<i32>} : memref<1600x32xf32, #tpu.memory_space<vmem>>, vector<1x16xf32>,
        %get3A_1374 = vector.shape_cast %get3A_1373 : vector<1x16xf32> to vector<16xf32>
        %add3A_1375 = arith.addf %add3A_1343, %get3A_1374 : vector<16xf32>
        %add3A_1376 = arith.constant 6 : i32
        %add3A_1377 = arith.addi %add3A_1279, %add3A_1376 : i32
        %get3A_1378 = arith.index_cast %add3A_1377 : i32 to index
        %get3A_1379 = arith.constant 0 : index
        %get3A_1380 = tpu.vector_load %arg9[%get3A_1378, %get3A_1379] {strides = array<i32>} : memref<1600x32xf32, #tpu.memory_space<vmem>>, vector<1x16xf32>,
        %get3A_1381 = vector.shape_cast %get3A_1380 : vector<1x16xf32> to vector<16xf32>
        %add3A_1382 = arith.addf %add3A_1350, %get3A_1381 : vector<16xf32>
        %add3A_1383 = arith.constant 6 : i32
        %add3A_1384 = arith.addi %add3A_1279, %add3A_1383 : i32
        %get3A_1385 = arith.index_cast %add3A_1384 : i32 to index
        %get3A_1386 = arith.constant 16 : index
        %get3A_1387 = tpu.vector_load %arg9[%get3A_1385, %get3A_1386] {strides = array<i32>} : memref<1600x32xf32, #tpu.memory_space<vmem>>, vector<1x16xf32>,
        %get3A_1388 = vector.shape_cast %get3A_1387 : vector<1x16xf32> to vector<16xf32>
        %add3A_1389 = arith.addf %add3A_1357, %get3A_1388 : vector<16xf32>
        %add3A_1390 = arith.constant 6 : i32
        %add3A_1391 = arith.addi %add3A_1279, %add3A_1390 : i32
        %add3A_1392 = arith.constant 1 : i32
        %add3A_1393 = arith.addi %add3A_1391, %add3A_1392 : i32
        %get3A_1394 = arith.index_cast %add3A_1393 : i32 to index
        %get3A_1395 = arith.constant 0 : index
        %get3A_1396 = tpu.vector_load %arg9[%get3A_1394, %get3A_1395] {strides = array<i32>} : memref<1600x32xf32, #tpu.memory_space<vmem>>, vector<1x16xf32>,
        %get3A_1397 = vector.shape_cast %get3A_1396 : vector<1x16xf32> to vector<16xf32>
        %add3A_1398 = arith.addf %add3A_1366, %get3A_1397 : vector<16xf32>
        %add3A_1399 = arith.constant 6 : i32
        %add3A_1400 = arith.addi %add3A_1279, %add3A_1399 : i32
        %add3A_1401 = arith.constant 1 : i32
        %add3A_1402 = arith.addi %add3A_1400, %add3A_1401 : i32
        %get3A_1403 = arith.index_cast %add3A_1402 : i32 to index
        %get3A_1404 = arith.constant 16 : index
        %get3A_1405 = tpu.vector_load %arg9[%get3A_1403, %get3A_1404] {strides = array<i32>} : memref<1600x32xf32, #tpu.memory_space<vmem>>, vector<1x16xf32>,
        %get3A_1406 = vector.shape_cast %get3A_1405 : vector<1x16xf32> to vector<16xf32>
        %add3A_1407 = arith.addf %add3A_1375, %get3A_1406 : vector<16xf32>
        scf.yield %add3A_1382, %add3A_1398, %add3A_1389, %add3A_1407 : vector<16xf32>, vector<16xf32>, vector<16xf32>, vector<16xf32>
      }
      %scan3A_936 = arith.constant 25 : i32
      %add3A_937 = arith.addf %scan3A_935#0, %scan3A_935#1 : vector<16xf32>
      %add3A_938 = arith.addf %scan3A_935#2, %scan3A_935#3 : vector<16xf32>
      %mul3A_939 = arith.mulf %add3A_937, %get3A_4 : vector<16xf32>
      %mul3A_940 = arith.mulf %add3A_938, %get3A_9 : vector<16xf32>
      %add3A_941 = arith.addf %mul3A_939, %mul3A_940 : vector<16xf32>
      %gather3A_942 = vector.shape_cast %reshape3A : vector<16x1xi32> to vector<16xi32>
      %gather3A_943 = tpu.dynamic_gather %add3A_941[%gather3A_942] in [0] : vector<16xf32>, vector<16xi32> -> vector<16xf32>
      %add3A_944 = arith.addf %add3A_941, %gather3A_943 : vector<16xf32>
      %gather3A_945 = vector.shape_cast %reshape3A_36 : vector<16x1xi32> to vector<16xi32>
      %gather3A_946 = tpu.dynamic_gather %add3A_944[%gather3A_945] in [0] : vector<16xf32>, vector<16xi32> -> vector<16xf32>
      %add3A_947 = arith.addf %add3A_944, %gather3A_946 : vector<16xf32>
      %gather3A_948 = vector.shape_cast %reshape3A_43 : vector<16x1xi32> to vector<16xi32>
      %gather3A_949 = tpu.dynamic_gather %add3A_947[%gather3A_948] in [0] : vector<16xf32>, vector<16xi32> -> vector<16xf32>
      %add3A_950 = arith.addf %add3A_947, %gather3A_949 : vector<16xf32>
      %gather3A_951 = vector.shape_cast %reshape3A_50 : vector<16x1xi32> to vector<16xi32>
      %gather3A_952 = tpu.dynamic_gather %add3A_950[%gather3A_951] in [0] : vector<16xf32>, vector<16xi32> -> vector<16xf32>
      %add3A_953 = arith.addf %add3A_950, %gather3A_952 : vector<16xf32>
      %mul3A_954 = arith.mulf %add3A_937, %get3A_14 : vector<16xf32>
      %mul3A_955 = arith.mulf %add3A_938, %get3A_19 : vector<16xf32>
      %add3A_956 = arith.addf %mul3A_954, %mul3A_955 : vector<16xf32>
      %gather3A_957 = vector.shape_cast %reshape3A : vector<16x1xi32> to vector<16xi32>
      %gather3A_958 = tpu.dynamic_gather %add3A_956[%gather3A_957] in [0] : vector<16xf32>, vector<16xi32> -> vector<16xf32>
      %add3A_959 = arith.addf %add3A_956, %gather3A_958 : vector<16xf32>
      %gather3A_960 = vector.shape_cast %reshape3A_36 : vector<16x1xi32> to vector<16xi32>
      %gather3A_961 = tpu.dynamic_gather %add3A_959[%gather3A_960] in [0] : vector<16xf32>, vector<16xi32> -> vector<16xf32>
      %add3A_962 = arith.addf %add3A_959, %gather3A_961 : vector<16xf32>
      %gather3A_963 = vector.shape_cast %reshape3A_43 : vector<16x1xi32> to vector<16xi32>
      %gather3A_964 = tpu.dynamic_gather %add3A_962[%gather3A_963] in [0] : vector<16xf32>, vector<16xi32> -> vector<16xf32>
      %add3A_965 = arith.addf %add3A_962, %gather3A_964 : vector<16xf32>
      %gather3A_966 = vector.shape_cast %reshape3A_50 : vector<16x1xi32> to vector<16xi32>
      %gather3A_967 = tpu.dynamic_gather %add3A_965[%gather3A_966] in [0] : vector<16xf32>, vector<16xi32> -> vector<16xf32>
      %add3A_968 = arith.addf %add3A_965, %gather3A_967 : vector<16xf32>
      %eq3A_969 = arith.constant 2 : i32
      %eq3A_970 = vector.broadcast %eq3A_969 : i32 to vector<16xi32>
      %eq3A_971 = arith.cmpi eq, %iota3A, %eq3A_970 : vector<16xi32>
      %select_n3A_972 = arith.select %eq3A_971, %add3A_953, %select_n3A_928 : vector<16xi1>, vector<16xf32>
      %eq3A_973 = arith.constant 3 : i32
      %eq3A_974 = vector.broadcast %eq3A_973 : i32 to vector<16xi32>
      %eq3A_975 = arith.cmpi eq, %iota3A, %eq3A_974 : vector<16xi32>
      %select_n3A_976 = arith.select %eq3A_975, %add3A_968, %select_n3A_972 : vector<16xi1>, vector<16xf32>
      %broadcast_in_dim3A_977 = arith.constant 0.000000e+00 : f32
      %broadcast_in_dim3A_978 = vector.broadcast %broadcast_in_dim3A_977 : f32 to vector<16xf32>
      %scan3A_979 = arith.constant 0 : i32
      %scan3A_980 = arith.constant 25 : i32
      %scan3A_981 = arith.addi %scan3A_979, %scan3A_980 : i32
      %scan3A_982 = arith.constant 1 : i32
      %scan3A_983:4 = scf.for %scan3A_1271 = %scan3A_979 to %scan3A_981 step %scan3A_982 iter_args(%scan3A_1272 = %broadcast_in_dim3A_978, %scan3A_1273 = %broadcast_in_dim3A_978, %scan3A_1274 = %broadcast_in_dim3A_978, %scan3A_1275 = %broadcast_in_dim3A_978) -> (vector<16xf32>, vector<16xf32>, vector<16xf32>, vector<16xf32>)  : i32 {
        %mul3A_1276 = arith.constant 8 : i32
        %mul3A_1277 = arith.muli %mul3A_1276, %scan3A_1271 : i32
        %add3A_1278 = arith.constant 400 : i32
        %add3A_1279 = arith.addi %add3A_1278, %mul3A_1277 : i32
        %add3A_1280 = arith.constant 0 : i32
        %add3A_1281 = arith.addi %add3A_1279, %add3A_1280 : i32
        %get3A_1282 = arith.index_cast %add3A_1281 : i32 to index
        %get3A_1283 = arith.constant 0 : index
        %get3A_1284 = tpu.vector_load %arg9[%get3A_1282, %get3A_1283] {strides = array<i32>} : memref<1600x32xf32, #tpu.memory_space<vmem>>, vector<1x16xf32>,
        %get3A_1285 = vector.shape_cast %get3A_1284 : vector<1x16xf32> to vector<16xf32>
        %add3A_1286 = arith.addf %scan3A_1272, %get3A_1285 : vector<16xf32>
        %add3A_1287 = arith.constant 0 : i32
        %add3A_1288 = arith.addi %add3A_1279, %add3A_1287 : i32
        %get3A_1289 = arith.index_cast %add3A_1288 : i32 to index
        %get3A_1290 = arith.constant 16 : index
        %get3A_1291 = tpu.vector_load %arg9[%get3A_1289, %get3A_1290] {strides = array<i32>} : memref<1600x32xf32, #tpu.memory_space<vmem>>, vector<1x16xf32>,
        %get3A_1292 = vector.shape_cast %get3A_1291 : vector<1x16xf32> to vector<16xf32>
        %add3A_1293 = arith.addf %scan3A_1274, %get3A_1292 : vector<16xf32>
        %add3A_1294 = arith.constant 0 : i32
        %add3A_1295 = arith.addi %add3A_1279, %add3A_1294 : i32
        %add3A_1296 = arith.constant 1 : i32
        %add3A_1297 = arith.addi %add3A_1295, %add3A_1296 : i32
        %get3A_1298 = arith.index_cast %add3A_1297 : i32 to index
        %get3A_1299 = arith.constant 0 : index
        %get3A_1300 = tpu.vector_load %arg9[%get3A_1298, %get3A_1299] {strides = array<i32>} : memref<1600x32xf32, #tpu.memory_space<vmem>>, vector<1x16xf32>,
        %get3A_1301 = vector.shape_cast %get3A_1300 : vector<1x16xf32> to vector<16xf32>
        %add3A_1302 = arith.addf %scan3A_1273, %get3A_1301 : vector<16xf32>
        %add3A_1303 = arith.constant 0 : i32
        %add3A_1304 = arith.addi %add3A_1279, %add3A_1303 : i32
        %add3A_1305 = arith.constant 1 : i32
        %add3A_1306 = arith.addi %add3A_1304, %add3A_1305 : i32
        %get3A_1307 = arith.index_cast %add3A_1306 : i32 to index
        %get3A_1308 = arith.constant 16 : index
        %get3A_1309 = tpu.vector_load %arg9[%get3A_1307, %get3A_1308] {strides = array<i32>} : memref<1600x32xf32, #tpu.memory_space<vmem>>, vector<1x16xf32>,
        %get3A_1310 = vector.shape_cast %get3A_1309 : vector<1x16xf32> to vector<16xf32>
        %add3A_1311 = arith.addf %scan3A_1275, %get3A_1310 : vector<16xf32>
        %add3A_1312 = arith.constant 2 : i32
        %add3A_1313 = arith.addi %add3A_1279, %add3A_1312 : i32
        %get3A_1314 = arith.index_cast %add3A_1313 : i32 to index
        %get3A_1315 = arith.constant 0 : index
        %get3A_1316 = tpu.vector_load %arg9[%get3A_1314, %get3A_1315] {strides = array<i32>} : memref<1600x32xf32, #tpu.memory_space<vmem>>, vector<1x16xf32>,
        %get3A_1317 = vector.shape_cast %get3A_1316 : vector<1x16xf32> to vector<16xf32>
        %add3A_1318 = arith.addf %add3A_1286, %get3A_1317 : vector<16xf32>
        %add3A_1319 = arith.constant 2 : i32
        %add3A_1320 = arith.addi %add3A_1279, %add3A_1319 : i32
        %get3A_1321 = arith.index_cast %add3A_1320 : i32 to index
        %get3A_1322 = arith.constant 16 : index
        %get3A_1323 = tpu.vector_load %arg9[%get3A_1321, %get3A_1322] {strides = array<i32>} : memref<1600x32xf32, #tpu.memory_space<vmem>>, vector<1x16xf32>,
        %get3A_1324 = vector.shape_cast %get3A_1323 : vector<1x16xf32> to vector<16xf32>
        %add3A_1325 = arith.addf %add3A_1293, %get3A_1324 : vector<16xf32>
        %add3A_1326 = arith.constant 2 : i32
        %add3A_1327 = arith.addi %add3A_1279, %add3A_1326 : i32
        %add3A_1328 = arith.constant 1 : i32
        %add3A_1329 = arith.addi %add3A_1327, %add3A_1328 : i32
        %get3A_1330 = arith.index_cast %add3A_1329 : i32 to index
        %get3A_1331 = arith.constant 0 : index
        %get3A_1332 = tpu.vector_load %arg9[%get3A_1330, %get3A_1331] {strides = array<i32>} : memref<1600x32xf32, #tpu.memory_space<vmem>>, vector<1x16xf32>,
        %get3A_1333 = vector.shape_cast %get3A_1332 : vector<1x16xf32> to vector<16xf32>
        %add3A_1334 = arith.addf %add3A_1302, %get3A_1333 : vector<16xf32>
        %add3A_1335 = arith.constant 2 : i32
        %add3A_1336 = arith.addi %add3A_1279, %add3A_1335 : i32
        %add3A_1337 = arith.constant 1 : i32
        %add3A_1338 = arith.addi %add3A_1336, %add3A_1337 : i32
        %get3A_1339 = arith.index_cast %add3A_1338 : i32 to index
        %get3A_1340 = arith.constant 16 : index
        %get3A_1341 = tpu.vector_load %arg9[%get3A_1339, %get3A_1340] {strides = array<i32>} : memref<1600x32xf32, #tpu.memory_space<vmem>>, vector<1x16xf32>,
        %get3A_1342 = vector.shape_cast %get3A_1341 : vector<1x16xf32> to vector<16xf32>
        %add3A_1343 = arith.addf %add3A_1311, %get3A_1342 : vector<16xf32>
        %add3A_1344 = arith.constant 4 : i32
        %add3A_1345 = arith.addi %add3A_1279, %add3A_1344 : i32
        %get3A_1346 = arith.index_cast %add3A_1345 : i32 to index
        %get3A_1347 = arith.constant 0 : index
        %get3A_1348 = tpu.vector_load %arg9[%get3A_1346, %get3A_1347] {strides = array<i32>} : memref<1600x32xf32, #tpu.memory_space<vmem>>, vector<1x16xf32>,
        %get3A_1349 = vector.shape_cast %get3A_1348 : vector<1x16xf32> to vector<16xf32>
        %add3A_1350 = arith.addf %add3A_1318, %get3A_1349 : vector<16xf32>
        %add3A_1351 = arith.constant 4 : i32
        %add3A_1352 = arith.addi %add3A_1279, %add3A_1351 : i32
        %get3A_1353 = arith.index_cast %add3A_1352 : i32 to index
        %get3A_1354 = arith.constant 16 : index
        %get3A_1355 = tpu.vector_load %arg9[%get3A_1353, %get3A_1354] {strides = array<i32>} : memref<1600x32xf32, #tpu.memory_space<vmem>>, vector<1x16xf32>,
        %get3A_1356 = vector.shape_cast %get3A_1355 : vector<1x16xf32> to vector<16xf32>
        %add3A_1357 = arith.addf %add3A_1325, %get3A_1356 : vector<16xf32>
        %add3A_1358 = arith.constant 4 : i32
        %add3A_1359 = arith.addi %add3A_1279, %add3A_1358 : i32
        %add3A_1360 = arith.constant 1 : i32
        %add3A_1361 = arith.addi %add3A_1359, %add3A_1360 : i32
        %get3A_1362 = arith.index_cast %add3A_1361 : i32 to index
        %get3A_1363 = arith.constant 0 : index
        %get3A_1364 = tpu.vector_load %arg9[%get3A_1362, %get3A_1363] {strides = array<i32>} : memref<1600x32xf32, #tpu.memory_space<vmem>>, vector<1x16xf32>,
        %get3A_1365 = vector.shape_cast %get3A_1364 : vector<1x16xf32> to vector<16xf32>
        %add3A_1366 = arith.addf %add3A_1334, %get3A_1365 : vector<16xf32>
        %add3A_1367 = arith.constant 4 : i32
        %add3A_1368 = arith.addi %add3A_1279, %add3A_1367 : i32
        %add3A_1369 = arith.constant 1 : i32
        %add3A_1370 = arith.addi %add3A_1368, %add3A_1369 : i32
        %get3A_1371 = arith.index_cast %add3A_1370 : i32 to index
        %get3A_1372 = arith.constant 16 : index
        %get3A_1373 = tpu.vector_load %arg9[%get3A_1371, %get3A_1372] {strides = array<i32>} : memref<1600x32xf32, #tpu.memory_space<vmem>>, vector<1x16xf32>,
        %get3A_1374 = vector.shape_cast %get3A_1373 : vector<1x16xf32> to vector<16xf32>
        %add3A_1375 = arith.addf %add3A_1343, %get3A_1374 : vector<16xf32>
        %add3A_1376 = arith.constant 6 : i32
        %add3A_1377 = arith.addi %add3A_1279, %add3A_1376 : i32
        %get3A_1378 = arith.index_cast %add3A_1377 : i32 to index
        %get3A_1379 = arith.constant 0 : index
        %get3A_1380 = tpu.vector_load %arg9[%get3A_1378, %get3A_1379] {strides = array<i32>} : memref<1600x32xf32, #tpu.memory_space<vmem>>, vector<1x16xf32>,
        %get3A_1381 = vector.shape_cast %get3A_1380 : vector<1x16xf32> to vector<16xf32>
        %add3A_1382 = arith.addf %add3A_1350, %get3A_1381 : vector<16xf32>
        %add3A_1383 = arith.constant 6 : i32
        %add3A_1384 = arith.addi %add3A_1279, %add3A_1383 : i32
        %get3A_1385 = arith.index_cast %add3A_1384 : i32 to index
        %get3A_1386 = arith.constant 16 : index
        %get3A_1387 = tpu.vector_load %arg9[%get3A_1385, %get3A_1386] {strides = array<i32>} : memref<1600x32xf32, #tpu.memory_space<vmem>>, vector<1x16xf32>,
        %get3A_1388 = vector.shape_cast %get3A_1387 : vector<1x16xf32> to vector<16xf32>
        %add3A_1389 = arith.addf %add3A_1357, %get3A_1388 : vector<16xf32>
        %add3A_1390 = arith.constant 6 : i32
        %add3A_1391 = arith.addi %add3A_1279, %add3A_1390 : i32
        %add3A_1392 = arith.constant 1 : i32
        %add3A_1393 = arith.addi %add3A_1391, %add3A_1392 : i32
        %get3A_1394 = arith.index_cast %add3A_1393 : i32 to index
        %get3A_1395 = arith.constant 0 : index
        %get3A_1396 = tpu.vector_load %arg9[%get3A_1394, %get3A_1395] {strides = array<i32>} : memref<1600x32xf32, #tpu.memory_space<vmem>>, vector<1x16xf32>,
        %get3A_1397 = vector.shape_cast %get3A_1396 : vector<1x16xf32> to vector<16xf32>
        %add3A_1398 = arith.addf %add3A_1366, %get3A_1397 : vector<16xf32>
        %add3A_1399 = arith.constant 6 : i32
        %add3A_1400 = arith.addi %add3A_1279, %add3A_1399 : i32
        %add3A_1401 = arith.constant 1 : i32
        %add3A_1402 = arith.addi %add3A_1400, %add3A_1401 : i32
        %get3A_1403 = arith.index_cast %add3A_1402 : i32 to index
        %get3A_1404 = arith.constant 16 : index
        %get3A_1405 = tpu.vector_load %arg9[%get3A_1403, %get3A_1404] {strides = array<i32>} : memref<1600x32xf32, #tpu.memory_space<vmem>>, vector<1x16xf32>,
        %get3A_1406 = vector.shape_cast %get3A_1405 : vector<1x16xf32> to vector<16xf32>
        %add3A_1407 = arith.addf %add3A_1375, %get3A_1406 : vector<16xf32>
        scf.yield %add3A_1382, %add3A_1398, %add3A_1389, %add3A_1407 : vector<16xf32>, vector<16xf32>, vector<16xf32>, vector<16xf32>
      }
      %scan3A_984 = arith.constant 25 : i32
      %add3A_985 = arith.addf %scan3A_983#0, %scan3A_983#1 : vector<16xf32>
      %add3A_986 = arith.addf %scan3A_983#2, %scan3A_983#3 : vector<16xf32>
      %mul3A_987 = arith.mulf %add3A_985, %get3A_4 : vector<16xf32>
      %mul3A_988 = arith.mulf %add3A_986, %get3A_9 : vector<16xf32>
      %add3A_989 = arith.addf %mul3A_987, %mul3A_988 : vector<16xf32>
      %gather3A_990 = vector.shape_cast %reshape3A : vector<16x1xi32> to vector<16xi32>
      %gather3A_991 = tpu.dynamic_gather %add3A_989[%gather3A_990] in [0] : vector<16xf32>, vector<16xi32> -> vector<16xf32>
      %add3A_992 = arith.addf %add3A_989, %gather3A_991 : vector<16xf32>
      %gather3A_993 = vector.shape_cast %reshape3A_36 : vector<16x1xi32> to vector<16xi32>
      %gather3A_994 = tpu.dynamic_gather %add3A_992[%gather3A_993] in [0] : vector<16xf32>, vector<16xi32> -> vector<16xf32>
      %add3A_995 = arith.addf %add3A_992, %gather3A_994 : vector<16xf32>
      %gather3A_996 = vector.shape_cast %reshape3A_43 : vector<16x1xi32> to vector<16xi32>
      %gather3A_997 = tpu.dynamic_gather %add3A_995[%gather3A_996] in [0] : vector<16xf32>, vector<16xi32> -> vector<16xf32>
      %add3A_998 = arith.addf %add3A_995, %gather3A_997 : vector<16xf32>
      %gather3A_999 = vector.shape_cast %reshape3A_50 : vector<16x1xi32> to vector<16xi32>
      %gather3A_1000 = tpu.dynamic_gather %add3A_998[%gather3A_999] in [0] : vector<16xf32>, vector<16xi32> -> vector<16xf32>
      %add3A_1001 = arith.addf %add3A_998, %gather3A_1000 : vector<16xf32>
      %mul3A_1002 = arith.mulf %add3A_985, %get3A_14 : vector<16xf32>
      %mul3A_1003 = arith.mulf %add3A_986, %get3A_19 : vector<16xf32>
      %add3A_1004 = arith.addf %mul3A_1002, %mul3A_1003 : vector<16xf32>
      %gather3A_1005 = vector.shape_cast %reshape3A : vector<16x1xi32> to vector<16xi32>
      %gather3A_1006 = tpu.dynamic_gather %add3A_1004[%gather3A_1005] in [0] : vector<16xf32>, vector<16xi32> -> vector<16xf32>
      %add3A_1007 = arith.addf %add3A_1004, %gather3A_1006 : vector<16xf32>
      %gather3A_1008 = vector.shape_cast %reshape3A_36 : vector<16x1xi32> to vector<16xi32>
      %gather3A_1009 = tpu.dynamic_gather %add3A_1007[%gather3A_1008] in [0] : vector<16xf32>, vector<16xi32> -> vector<16xf32>
      %add3A_1010 = arith.addf %add3A_1007, %gather3A_1009 : vector<16xf32>
      %gather3A_1011 = vector.shape_cast %reshape3A_43 : vector<16x1xi32> to vector<16xi32>
      %gather3A_1012 = tpu.dynamic_gather %add3A_1010[%gather3A_1011] in [0] : vector<16xf32>, vector<16xi32> -> vector<16xf32>
      %add3A_1013 = arith.addf %add3A_1010, %gather3A_1012 : vector<16xf32>
      %gather3A_1014 = vector.shape_cast %reshape3A_50 : vector<16x1xi32> to vector<16xi32>
      %gather3A_1015 = tpu.dynamic_gather %add3A_1013[%gather3A_1014] in [0] : vector<16xf32>, vector<16xi32> -> vector<16xf32>
      %add3A_1016 = arith.addf %add3A_1013, %gather3A_1015 : vector<16xf32>
      %eq3A_1017 = arith.constant 4 : i32
      %eq3A_1018 = vector.broadcast %eq3A_1017 : i32 to vector<16xi32>
      %eq3A_1019 = arith.cmpi eq, %iota3A, %eq3A_1018 : vector<16xi32>
      %select_n3A_1020 = arith.select %eq3A_1019, %add3A_1001, %select_n3A_976 : vector<16xi1>, vector<16xf32>
      %eq3A_1021 = arith.constant 5 : i32
      %eq3A_1022 = vector.broadcast %eq3A_1021 : i32 to vector<16xi32>
      %eq3A_1023 = arith.cmpi eq, %iota3A, %eq3A_1022 : vector<16xi32>
      %select_n3A_1024 = arith.select %eq3A_1023, %add3A_1016, %select_n3A_1020 : vector<16xi1>, vector<16xf32>
      %broadcast_in_dim3A_1025 = arith.constant 0.000000e+00 : f32
      %broadcast_in_dim3A_1026 = vector.broadcast %broadcast_in_dim3A_1025 : f32 to vector<16xf32>
      %scan3A_1027 = arith.constant 0 : i32
      %scan3A_1028 = arith.constant 25 : i32
      %scan3A_1029 = arith.addi %scan3A_1027, %scan3A_1028 : i32
      %scan3A_1030 = arith.constant 1 : i32
      %scan3A_1031:4 = scf.for %scan3A_1271 = %scan3A_1027 to %scan3A_1029 step %scan3A_1030 iter_args(%scan3A_1272 = %broadcast_in_dim3A_1026, %scan3A_1273 = %broadcast_in_dim3A_1026, %scan3A_1274 = %broadcast_in_dim3A_1026, %scan3A_1275 = %broadcast_in_dim3A_1026) -> (vector<16xf32>, vector<16xf32>, vector<16xf32>, vector<16xf32>)  : i32 {
        %mul3A_1276 = arith.constant 8 : i32
        %mul3A_1277 = arith.muli %mul3A_1276, %scan3A_1271 : i32
        %add3A_1278 = arith.constant 600 : i32
        %add3A_1279 = arith.addi %add3A_1278, %mul3A_1277 : i32
        %add3A_1280 = arith.constant 0 : i32
        %add3A_1281 = arith.addi %add3A_1279, %add3A_1280 : i32
        %get3A_1282 = arith.index_cast %add3A_1281 : i32 to index
        %get3A_1283 = arith.constant 0 : index
        %get3A_1284 = tpu.vector_load %arg9[%get3A_1282, %get3A_1283] {strides = array<i32>} : memref<1600x32xf32, #tpu.memory_space<vmem>>, vector<1x16xf32>,
        %get3A_1285 = vector.shape_cast %get3A_1284 : vector<1x16xf32> to vector<16xf32>
        %add3A_1286 = arith.addf %scan3A_1272, %get3A_1285 : vector<16xf32>
        %add3A_1287 = arith.constant 0 : i32
        %add3A_1288 = arith.addi %add3A_1279, %add3A_1287 : i32
        %get3A_1289 = arith.index_cast %add3A_1288 : i32 to index
        %get3A_1290 = arith.constant 16 : index
        %get3A_1291 = tpu.vector_load %arg9[%get3A_1289, %get3A_1290] {strides = array<i32>} : memref<1600x32xf32, #tpu.memory_space<vmem>>, vector<1x16xf32>,
        %get3A_1292 = vector.shape_cast %get3A_1291 : vector<1x16xf32> to vector<16xf32>
        %add3A_1293 = arith.addf %scan3A_1274, %get3A_1292 : vector<16xf32>
        %add3A_1294 = arith.constant 0 : i32
        %add3A_1295 = arith.addi %add3A_1279, %add3A_1294 : i32
        %add3A_1296 = arith.constant 1 : i32
        %add3A_1297 = arith.addi %add3A_1295, %add3A_1296 : i32
        %get3A_1298 = arith.index_cast %add3A_1297 : i32 to index
        %get3A_1299 = arith.constant 0 : index
        %get3A_1300 = tpu.vector_load %arg9[%get3A_1298, %get3A_1299] {strides = array<i32>} : memref<1600x32xf32, #tpu.memory_space<vmem>>, vector<1x16xf32>,
        %get3A_1301 = vector.shape_cast %get3A_1300 : vector<1x16xf32> to vector<16xf32>
        %add3A_1302 = arith.addf %scan3A_1273, %get3A_1301 : vector<16xf32>
        %add3A_1303 = arith.constant 0 : i32
        %add3A_1304 = arith.addi %add3A_1279, %add3A_1303 : i32
        %add3A_1305 = arith.constant 1 : i32
        %add3A_1306 = arith.addi %add3A_1304, %add3A_1305 : i32
        %get3A_1307 = arith.index_cast %add3A_1306 : i32 to index
        %get3A_1308 = arith.constant 16 : index
        %get3A_1309 = tpu.vector_load %arg9[%get3A_1307, %get3A_1308] {strides = array<i32>} : memref<1600x32xf32, #tpu.memory_space<vmem>>, vector<1x16xf32>,
        %get3A_1310 = vector.shape_cast %get3A_1309 : vector<1x16xf32> to vector<16xf32>
        %add3A_1311 = arith.addf %scan3A_1275, %get3A_1310 : vector<16xf32>
        %add3A_1312 = arith.constant 2 : i32
        %add3A_1313 = arith.addi %add3A_1279, %add3A_1312 : i32
        %get3A_1314 = arith.index_cast %add3A_1313 : i32 to index
        %get3A_1315 = arith.constant 0 : index
        %get3A_1316 = tpu.vector_load %arg9[%get3A_1314, %get3A_1315] {strides = array<i32>} : memref<1600x32xf32, #tpu.memory_space<vmem>>, vector<1x16xf32>,
        %get3A_1317 = vector.shape_cast %get3A_1316 : vector<1x16xf32> to vector<16xf32>
        %add3A_1318 = arith.addf %add3A_1286, %get3A_1317 : vector<16xf32>
        %add3A_1319 = arith.constant 2 : i32
        %add3A_1320 = arith.addi %add3A_1279, %add3A_1319 : i32
        %get3A_1321 = arith.index_cast %add3A_1320 : i32 to index
        %get3A_1322 = arith.constant 16 : index
        %get3A_1323 = tpu.vector_load %arg9[%get3A_1321, %get3A_1322] {strides = array<i32>} : memref<1600x32xf32, #tpu.memory_space<vmem>>, vector<1x16xf32>,
        %get3A_1324 = vector.shape_cast %get3A_1323 : vector<1x16xf32> to vector<16xf32>
        %add3A_1325 = arith.addf %add3A_1293, %get3A_1324 : vector<16xf32>
        %add3A_1326 = arith.constant 2 : i32
        %add3A_1327 = arith.addi %add3A_1279, %add3A_1326 : i32
        %add3A_1328 = arith.constant 1 : i32
        %add3A_1329 = arith.addi %add3A_1327, %add3A_1328 : i32
        %get3A_1330 = arith.index_cast %add3A_1329 : i32 to index
        %get3A_1331 = arith.constant 0 : index
        %get3A_1332 = tpu.vector_load %arg9[%get3A_1330, %get3A_1331] {strides = array<i32>} : memref<1600x32xf32, #tpu.memory_space<vmem>>, vector<1x16xf32>,
        %get3A_1333 = vector.shape_cast %get3A_1332 : vector<1x16xf32> to vector<16xf32>
        %add3A_1334 = arith.addf %add3A_1302, %get3A_1333 : vector<16xf32>
        %add3A_1335 = arith.constant 2 : i32
        %add3A_1336 = arith.addi %add3A_1279, %add3A_1335 : i32
        %add3A_1337 = arith.constant 1 : i32
        %add3A_1338 = arith.addi %add3A_1336, %add3A_1337 : i32
        %get3A_1339 = arith.index_cast %add3A_1338 : i32 to index
        %get3A_1340 = arith.constant 16 : index
        %get3A_1341 = tpu.vector_load %arg9[%get3A_1339, %get3A_1340] {strides = array<i32>} : memref<1600x32xf32, #tpu.memory_space<vmem>>, vector<1x16xf32>,
        %get3A_1342 = vector.shape_cast %get3A_1341 : vector<1x16xf32> to vector<16xf32>
        %add3A_1343 = arith.addf %add3A_1311, %get3A_1342 : vector<16xf32>
        %add3A_1344 = arith.constant 4 : i32
        %add3A_1345 = arith.addi %add3A_1279, %add3A_1344 : i32
        %get3A_1346 = arith.index_cast %add3A_1345 : i32 to index
        %get3A_1347 = arith.constant 0 : index
        %get3A_1348 = tpu.vector_load %arg9[%get3A_1346, %get3A_1347] {strides = array<i32>} : memref<1600x32xf32, #tpu.memory_space<vmem>>, vector<1x16xf32>,
        %get3A_1349 = vector.shape_cast %get3A_1348 : vector<1x16xf32> to vector<16xf32>
        %add3A_1350 = arith.addf %add3A_1318, %get3A_1349 : vector<16xf32>
        %add3A_1351 = arith.constant 4 : i32
        %add3A_1352 = arith.addi %add3A_1279, %add3A_1351 : i32
        %get3A_1353 = arith.index_cast %add3A_1352 : i32 to index
        %get3A_1354 = arith.constant 16 : index
        %get3A_1355 = tpu.vector_load %arg9[%get3A_1353, %get3A_1354] {strides = array<i32>} : memref<1600x32xf32, #tpu.memory_space<vmem>>, vector<1x16xf32>,
        %get3A_1356 = vector.shape_cast %get3A_1355 : vector<1x16xf32> to vector<16xf32>
        %add3A_1357 = arith.addf %add3A_1325, %get3A_1356 : vector<16xf32>
        %add3A_1358 = arith.constant 4 : i32
        %add3A_1359 = arith.addi %add3A_1279, %add3A_1358 : i32
        %add3A_1360 = arith.constant 1 : i32
        %add3A_1361 = arith.addi %add3A_1359, %add3A_1360 : i32
        %get3A_1362 = arith.index_cast %add3A_1361 : i32 to index
        %get3A_1363 = arith.constant 0 : index
        %get3A_1364 = tpu.vector_load %arg9[%get3A_1362, %get3A_1363] {strides = array<i32>} : memref<1600x32xf32, #tpu.memory_space<vmem>>, vector<1x16xf32>,
        %get3A_1365 = vector.shape_cast %get3A_1364 : vector<1x16xf32> to vector<16xf32>
        %add3A_1366 = arith.addf %add3A_1334, %get3A_1365 : vector<16xf32>
        %add3A_1367 = arith.constant 4 : i32
        %add3A_1368 = arith.addi %add3A_1279, %add3A_1367 : i32
        %add3A_1369 = arith.constant 1 : i32
        %add3A_1370 = arith.addi %add3A_1368, %add3A_1369 : i32
        %get3A_1371 = arith.index_cast %add3A_1370 : i32 to index
        %get3A_1372 = arith.constant 16 : index
        %get3A_1373 = tpu.vector_load %arg9[%get3A_1371, %get3A_1372] {strides = array<i32>} : memref<1600x32xf32, #tpu.memory_space<vmem>>, vector<1x16xf32>,
        %get3A_1374 = vector.shape_cast %get3A_1373 : vector<1x16xf32> to vector<16xf32>
        %add3A_1375 = arith.addf %add3A_1343, %get3A_1374 : vector<16xf32>
        %add3A_1376 = arith.constant 6 : i32
        %add3A_1377 = arith.addi %add3A_1279, %add3A_1376 : i32
        %get3A_1378 = arith.index_cast %add3A_1377 : i32 to index
        %get3A_1379 = arith.constant 0 : index
        %get3A_1380 = tpu.vector_load %arg9[%get3A_1378, %get3A_1379] {strides = array<i32>} : memref<1600x32xf32, #tpu.memory_space<vmem>>, vector<1x16xf32>,
        %get3A_1381 = vector.shape_cast %get3A_1380 : vector<1x16xf32> to vector<16xf32>
        %add3A_1382 = arith.addf %add3A_1350, %get3A_1381 : vector<16xf32>
        %add3A_1383 = arith.constant 6 : i32
        %add3A_1384 = arith.addi %add3A_1279, %add3A_1383 : i32
        %get3A_1385 = arith.index_cast %add3A_1384 : i32 to index
        %get3A_1386 = arith.constant 16 : index
        %get3A_1387 = tpu.vector_load %arg9[%get3A_1385, %get3A_1386] {strides = array<i32>} : memref<1600x32xf32, #tpu.memory_space<vmem>>, vector<1x16xf32>,
        %get3A_1388 = vector.shape_cast %get3A_1387 : vector<1x16xf32> to vector<16xf32>
        %add3A_1389 = arith.addf %add3A_1357, %get3A_1388 : vector<16xf32>
        %add3A_1390 = arith.constant 6 : i32
        %add3A_1391 = arith.addi %add3A_1279, %add3A_1390 : i32
        %add3A_1392 = arith.constant 1 : i32
        %add3A_1393 = arith.addi %add3A_1391, %add3A_1392 : i32
        %get3A_1394 = arith.index_cast %add3A_1393 : i32 to index
        %get3A_1395 = arith.constant 0 : index
        %get3A_1396 = tpu.vector_load %arg9[%get3A_1394, %get3A_1395] {strides = array<i32>} : memref<1600x32xf32, #tpu.memory_space<vmem>>, vector<1x16xf32>,
        %get3A_1397 = vector.shape_cast %get3A_1396 : vector<1x16xf32> to vector<16xf32>
        %add3A_1398 = arith.addf %add3A_1366, %get3A_1397 : vector<16xf32>
        %add3A_1399 = arith.constant 6 : i32
        %add3A_1400 = arith.addi %add3A_1279, %add3A_1399 : i32
        %add3A_1401 = arith.constant 1 : i32
        %add3A_1402 = arith.addi %add3A_1400, %add3A_1401 : i32
        %get3A_1403 = arith.index_cast %add3A_1402 : i32 to index
        %get3A_1404 = arith.constant 16 : index
        %get3A_1405 = tpu.vector_load %arg9[%get3A_1403, %get3A_1404] {strides = array<i32>} : memref<1600x32xf32, #tpu.memory_space<vmem>>, vector<1x16xf32>,
        %get3A_1406 = vector.shape_cast %get3A_1405 : vector<1x16xf32> to vector<16xf32>
        %add3A_1407 = arith.addf %add3A_1375, %get3A_1406 : vector<16xf32>
        scf.yield %add3A_1382, %add3A_1398, %add3A_1389, %add3A_1407 : vector<16xf32>, vector<16xf32>, vector<16xf32>, vector<16xf32>
      }
      %scan3A_1032 = arith.constant 25 : i32
      %add3A_1033 = arith.addf %scan3A_1031#0, %scan3A_1031#1 : vector<16xf32>
      %add3A_1034 = arith.addf %scan3A_1031#2, %scan3A_1031#3 : vector<16xf32>
      %mul3A_1035 = arith.mulf %add3A_1033, %get3A_4 : vector<16xf32>
      %mul3A_1036 = arith.mulf %add3A_1034, %get3A_9 : vector<16xf32>
      %add3A_1037 = arith.addf %mul3A_1035, %mul3A_1036 : vector<16xf32>
      %gather3A_1038 = vector.shape_cast %reshape3A : vector<16x1xi32> to vector<16xi32>
      %gather3A_1039 = tpu.dynamic_gather %add3A_1037[%gather3A_1038] in [0] : vector<16xf32>, vector<16xi32> -> vector<16xf32>
      %add3A_1040 = arith.addf %add3A_1037, %gather3A_1039 : vector<16xf32>
      %gather3A_1041 = vector.shape_cast %reshape3A_36 : vector<16x1xi32> to vector<16xi32>
      %gather3A_1042 = tpu.dynamic_gather %add3A_1040[%gather3A_1041] in [0] : vector<16xf32>, vector<16xi32> -> vector<16xf32>
      %add3A_1043 = arith.addf %add3A_1040, %gather3A_1042 : vector<16xf32>
      %gather3A_1044 = vector.shape_cast %reshape3A_43 : vector<16x1xi32> to vector<16xi32>
      %gather3A_1045 = tpu.dynamic_gather %add3A_1043[%gather3A_1044] in [0] : vector<16xf32>, vector<16xi32> -> vector<16xf32>
      %add3A_1046 = arith.addf %add3A_1043, %gather3A_1045 : vector<16xf32>
      %gather3A_1047 = vector.shape_cast %reshape3A_50 : vector<16x1xi32> to vector<16xi32>
      %gather3A_1048 = tpu.dynamic_gather %add3A_1046[%gather3A_1047] in [0] : vector<16xf32>, vector<16xi32> -> vector<16xf32>
      %add3A_1049 = arith.addf %add3A_1046, %gather3A_1048 : vector<16xf32>
      %mul3A_1050 = arith.mulf %add3A_1033, %get3A_14 : vector<16xf32>
      %mul3A_1051 = arith.mulf %add3A_1034, %get3A_19 : vector<16xf32>
      %add3A_1052 = arith.addf %mul3A_1050, %mul3A_1051 : vector<16xf32>
      %gather3A_1053 = vector.shape_cast %reshape3A : vector<16x1xi32> to vector<16xi32>
      %gather3A_1054 = tpu.dynamic_gather %add3A_1052[%gather3A_1053] in [0] : vector<16xf32>, vector<16xi32> -> vector<16xf32>
      %add3A_1055 = arith.addf %add3A_1052, %gather3A_1054 : vector<16xf32>
      %gather3A_1056 = vector.shape_cast %reshape3A_36 : vector<16x1xi32> to vector<16xi32>
      %gather3A_1057 = tpu.dynamic_gather %add3A_1055[%gather3A_1056] in [0] : vector<16xf32>, vector<16xi32> -> vector<16xf32>
      %add3A_1058 = arith.addf %add3A_1055, %gather3A_1057 : vector<16xf32>
      %gather3A_1059 = vector.shape_cast %reshape3A_43 : vector<16x1xi32> to vector<16xi32>
      %gather3A_1060 = tpu.dynamic_gather %add3A_1058[%gather3A_1059] in [0] : vector<16xf32>, vector<16xi32> -> vector<16xf32>
      %add3A_1061 = arith.addf %add3A_1058, %gather3A_1060 : vector<16xf32>
      %gather3A_1062 = vector.shape_cast %reshape3A_50 : vector<16x1xi32> to vector<16xi32>
      %gather3A_1063 = tpu.dynamic_gather %add3A_1061[%gather3A_1062] in [0] : vector<16xf32>, vector<16xi32> -> vector<16xf32>
      %add3A_1064 = arith.addf %add3A_1061, %gather3A_1063 : vector<16xf32>
      %eq3A_1065 = arith.constant 6 : i32
      %eq3A_1066 = vector.broadcast %eq3A_1065 : i32 to vector<16xi32>
      %eq3A_1067 = arith.cmpi eq, %iota3A, %eq3A_1066 : vector<16xi32>
      %select_n3A_1068 = arith.select %eq3A_1067, %add3A_1049, %select_n3A_1024 : vector<16xi1>, vector<16xf32>
      %eq3A_1069 = arith.constant 7 : i32
      %eq3A_1070 = vector.broadcast %eq3A_1069 : i32 to vector<16xi32>
      %eq3A_1071 = arith.cmpi eq, %iota3A, %eq3A_1070 : vector<16xi32>
      %select_n3A_1072 = arith.select %eq3A_1071, %add3A_1064, %select_n3A_1068 : vector<16xi1>, vector<16xf32>
      %broadcast_in_dim3A_1073 = arith.constant 0.000000e+00 : f32
      %broadcast_in_dim3A_1074 = vector.broadcast %broadcast_in_dim3A_1073 : f32 to vector<16xf32>
      %scan3A_1075 = arith.constant 0 : i32
      %scan3A_1076 = arith.constant 25 : i32
      %scan3A_1077 = arith.addi %scan3A_1075, %scan3A_1076 : i32
      %scan3A_1078 = arith.constant 1 : i32
      %scan3A_1079:4 = scf.for %scan3A_1271 = %scan3A_1075 to %scan3A_1077 step %scan3A_1078 iter_args(%scan3A_1272 = %broadcast_in_dim3A_1074, %scan3A_1273 = %broadcast_in_dim3A_1074, %scan3A_1274 = %broadcast_in_dim3A_1074, %scan3A_1275 = %broadcast_in_dim3A_1074) -> (vector<16xf32>, vector<16xf32>, vector<16xf32>, vector<16xf32>)  : i32 {
        %mul3A_1276 = arith.constant 8 : i32
        %mul3A_1277 = arith.muli %mul3A_1276, %scan3A_1271 : i32
        %add3A_1278 = arith.constant 800 : i32
        %add3A_1279 = arith.addi %add3A_1278, %mul3A_1277 : i32
        %add3A_1280 = arith.constant 0 : i32
        %add3A_1281 = arith.addi %add3A_1279, %add3A_1280 : i32
        %get3A_1282 = arith.index_cast %add3A_1281 : i32 to index
        %get3A_1283 = arith.constant 0 : index
        %get3A_1284 = tpu.vector_load %arg9[%get3A_1282, %get3A_1283] {strides = array<i32>} : memref<1600x32xf32, #tpu.memory_space<vmem>>, vector<1x16xf32>,
        %get3A_1285 = vector.shape_cast %get3A_1284 : vector<1x16xf32> to vector<16xf32>
        %add3A_1286 = arith.addf %scan3A_1272, %get3A_1285 : vector<16xf32>
        %add3A_1287 = arith.constant 0 : i32
        %add3A_1288 = arith.addi %add3A_1279, %add3A_1287 : i32
        %get3A_1289 = arith.index_cast %add3A_1288 : i32 to index
        %get3A_1290 = arith.constant 16 : index
        %get3A_1291 = tpu.vector_load %arg9[%get3A_1289, %get3A_1290] {strides = array<i32>} : memref<1600x32xf32, #tpu.memory_space<vmem>>, vector<1x16xf32>,
        %get3A_1292 = vector.shape_cast %get3A_1291 : vector<1x16xf32> to vector<16xf32>
        %add3A_1293 = arith.addf %scan3A_1274, %get3A_1292 : vector<16xf32>
        %add3A_1294 = arith.constant 0 : i32
        %add3A_1295 = arith.addi %add3A_1279, %add3A_1294 : i32
        %add3A_1296 = arith.constant 1 : i32
        %add3A_1297 = arith.addi %add3A_1295, %add3A_1296 : i32
        %get3A_1298 = arith.index_cast %add3A_1297 : i32 to index
        %get3A_1299 = arith.constant 0 : index
        %get3A_1300 = tpu.vector_load %arg9[%get3A_1298, %get3A_1299] {strides = array<i32>} : memref<1600x32xf32, #tpu.memory_space<vmem>>, vector<1x16xf32>,
        %get3A_1301 = vector.shape_cast %get3A_1300 : vector<1x16xf32> to vector<16xf32>
        %add3A_1302 = arith.addf %scan3A_1273, %get3A_1301 : vector<16xf32>
        %add3A_1303 = arith.constant 0 : i32
        %add3A_1304 = arith.addi %add3A_1279, %add3A_1303 : i32
        %add3A_1305 = arith.constant 1 : i32
        %add3A_1306 = arith.addi %add3A_1304, %add3A_1305 : i32
        %get3A_1307 = arith.index_cast %add3A_1306 : i32 to index
        %get3A_1308 = arith.constant 16 : index
        %get3A_1309 = tpu.vector_load %arg9[%get3A_1307, %get3A_1308] {strides = array<i32>} : memref<1600x32xf32, #tpu.memory_space<vmem>>, vector<1x16xf32>,
        %get3A_1310 = vector.shape_cast %get3A_1309 : vector<1x16xf32> to vector<16xf32>
        %add3A_1311 = arith.addf %scan3A_1275, %get3A_1310 : vector<16xf32>
        %add3A_1312 = arith.constant 2 : i32
        %add3A_1313 = arith.addi %add3A_1279, %add3A_1312 : i32
        %get3A_1314 = arith.index_cast %add3A_1313 : i32 to index
        %get3A_1315 = arith.constant 0 : index
        %get3A_1316 = tpu.vector_load %arg9[%get3A_1314, %get3A_1315] {strides = array<i32>} : memref<1600x32xf32, #tpu.memory_space<vmem>>, vector<1x16xf32>,
        %get3A_1317 = vector.shape_cast %get3A_1316 : vector<1x16xf32> to vector<16xf32>
        %add3A_1318 = arith.addf %add3A_1286, %get3A_1317 : vector<16xf32>
        %add3A_1319 = arith.constant 2 : i32
        %add3A_1320 = arith.addi %add3A_1279, %add3A_1319 : i32
        %get3A_1321 = arith.index_cast %add3A_1320 : i32 to index
        %get3A_1322 = arith.constant 16 : index
        %get3A_1323 = tpu.vector_load %arg9[%get3A_1321, %get3A_1322] {strides = array<i32>} : memref<1600x32xf32, #tpu.memory_space<vmem>>, vector<1x16xf32>,
        %get3A_1324 = vector.shape_cast %get3A_1323 : vector<1x16xf32> to vector<16xf32>
        %add3A_1325 = arith.addf %add3A_1293, %get3A_1324 : vector<16xf32>
        %add3A_1326 = arith.constant 2 : i32
        %add3A_1327 = arith.addi %add3A_1279, %add3A_1326 : i32
        %add3A_1328 = arith.constant 1 : i32
        %add3A_1329 = arith.addi %add3A_1327, %add3A_1328 : i32
        %get3A_1330 = arith.index_cast %add3A_1329 : i32 to index
        %get3A_1331 = arith.constant 0 : index
        %get3A_1332 = tpu.vector_load %arg9[%get3A_1330, %get3A_1331] {strides = array<i32>} : memref<1600x32xf32, #tpu.memory_space<vmem>>, vector<1x16xf32>,
        %get3A_1333 = vector.shape_cast %get3A_1332 : vector<1x16xf32> to vector<16xf32>
        %add3A_1334 = arith.addf %add3A_1302, %get3A_1333 : vector<16xf32>
        %add3A_1335 = arith.constant 2 : i32
        %add3A_1336 = arith.addi %add3A_1279, %add3A_1335 : i32
        %add3A_1337 = arith.constant 1 : i32
        %add3A_1338 = arith.addi %add3A_1336, %add3A_1337 : i32
        %get3A_1339 = arith.index_cast %add3A_1338 : i32 to index
        %get3A_1340 = arith.constant 16 : index
        %get3A_1341 = tpu.vector_load %arg9[%get3A_1339, %get3A_1340] {strides = array<i32>} : memref<1600x32xf32, #tpu.memory_space<vmem>>, vector<1x16xf32>,
        %get3A_1342 = vector.shape_cast %get3A_1341 : vector<1x16xf32> to vector<16xf32>
        %add3A_1343 = arith.addf %add3A_1311, %get3A_1342 : vector<16xf32>
        %add3A_1344 = arith.constant 4 : i32
        %add3A_1345 = arith.addi %add3A_1279, %add3A_1344 : i32
        %get3A_1346 = arith.index_cast %add3A_1345 : i32 to index
        %get3A_1347 = arith.constant 0 : index
        %get3A_1348 = tpu.vector_load %arg9[%get3A_1346, %get3A_1347] {strides = array<i32>} : memref<1600x32xf32, #tpu.memory_space<vmem>>, vector<1x16xf32>,
        %get3A_1349 = vector.shape_cast %get3A_1348 : vector<1x16xf32> to vector<16xf32>
        %add3A_1350 = arith.addf %add3A_1318, %get3A_1349 : vector<16xf32>
        %add3A_1351 = arith.constant 4 : i32
        %add3A_1352 = arith.addi %add3A_1279, %add3A_1351 : i32
        %get3A_1353 = arith.index_cast %add3A_1352 : i32 to index
        %get3A_1354 = arith.constant 16 : index
        %get3A_1355 = tpu.vector_load %arg9[%get3A_1353, %get3A_1354] {strides = array<i32>} : memref<1600x32xf32, #tpu.memory_space<vmem>>, vector<1x16xf32>,
        %get3A_1356 = vector.shape_cast %get3A_1355 : vector<1x16xf32> to vector<16xf32>
        %add3A_1357 = arith.addf %add3A_1325, %get3A_1356 : vector<16xf32>
        %add3A_1358 = arith.constant 4 : i32
        %add3A_1359 = arith.addi %add3A_1279, %add3A_1358 : i32
        %add3A_1360 = arith.constant 1 : i32
        %add3A_1361 = arith.addi %add3A_1359, %add3A_1360 : i32
        %get3A_1362 = arith.index_cast %add3A_1361 : i32 to index
        %get3A_1363 = arith.constant 0 : index
        %get3A_1364 = tpu.vector_load %arg9[%get3A_1362, %get3A_1363] {strides = array<i32>} : memref<1600x32xf32, #tpu.memory_space<vmem>>, vector<1x16xf32>,
        %get3A_1365 = vector.shape_cast %get3A_1364 : vector<1x16xf32> to vector<16xf32>
        %add3A_1366 = arith.addf %add3A_1334, %get3A_1365 : vector<16xf32>
        %add3A_1367 = arith.constant 4 : i32
        %add3A_1368 = arith.addi %add3A_1279, %add3A_1367 : i32
        %add3A_1369 = arith.constant 1 : i32
        %add3A_1370 = arith.addi %add3A_1368, %add3A_1369 : i32
        %get3A_1371 = arith.index_cast %add3A_1370 : i32 to index
        %get3A_1372 = arith.constant 16 : index
        %get3A_1373 = tpu.vector_load %arg9[%get3A_1371, %get3A_1372] {strides = array<i32>} : memref<1600x32xf32, #tpu.memory_space<vmem>>, vector<1x16xf32>,
        %get3A_1374 = vector.shape_cast %get3A_1373 : vector<1x16xf32> to vector<16xf32>
        %add3A_1375 = arith.addf %add3A_1343, %get3A_1374 : vector<16xf32>
        %add3A_1376 = arith.constant 6 : i32
        %add3A_1377 = arith.addi %add3A_1279, %add3A_1376 : i32
        %get3A_1378 = arith.index_cast %add3A_1377 : i32 to index
        %get3A_1379 = arith.constant 0 : index
        %get3A_1380 = tpu.vector_load %arg9[%get3A_1378, %get3A_1379] {strides = array<i32>} : memref<1600x32xf32, #tpu.memory_space<vmem>>, vector<1x16xf32>,
        %get3A_1381 = vector.shape_cast %get3A_1380 : vector<1x16xf32> to vector<16xf32>
        %add3A_1382 = arith.addf %add3A_1350, %get3A_1381 : vector<16xf32>
        %add3A_1383 = arith.constant 6 : i32
        %add3A_1384 = arith.addi %add3A_1279, %add3A_1383 : i32
        %get3A_1385 = arith.index_cast %add3A_1384 : i32 to index
        %get3A_1386 = arith.constant 16 : index
        %get3A_1387 = tpu.vector_load %arg9[%get3A_1385, %get3A_1386] {strides = array<i32>} : memref<1600x32xf32, #tpu.memory_space<vmem>>, vector<1x16xf32>,
        %get3A_1388 = vector.shape_cast %get3A_1387 : vector<1x16xf32> to vector<16xf32>
        %add3A_1389 = arith.addf %add3A_1357, %get3A_1388 : vector<16xf32>
        %add3A_1390 = arith.constant 6 : i32
        %add3A_1391 = arith.addi %add3A_1279, %add3A_1390 : i32
        %add3A_1392 = arith.constant 1 : i32
        %add3A_1393 = arith.addi %add3A_1391, %add3A_1392 : i32
        %get3A_1394 = arith.index_cast %add3A_1393 : i32 to index
        %get3A_1395 = arith.constant 0 : index
        %get3A_1396 = tpu.vector_load %arg9[%get3A_1394, %get3A_1395] {strides = array<i32>} : memref<1600x32xf32, #tpu.memory_space<vmem>>, vector<1x16xf32>,
        %get3A_1397 = vector.shape_cast %get3A_1396 : vector<1x16xf32> to vector<16xf32>
        %add3A_1398 = arith.addf %add3A_1366, %get3A_1397 : vector<16xf32>
        %add3A_1399 = arith.constant 6 : i32
        %add3A_1400 = arith.addi %add3A_1279, %add3A_1399 : i32
        %add3A_1401 = arith.constant 1 : i32
        %add3A_1402 = arith.addi %add3A_1400, %add3A_1401 : i32
        %get3A_1403 = arith.index_cast %add3A_1402 : i32 to index
        %get3A_1404 = arith.constant 16 : index
        %get3A_1405 = tpu.vector_load %arg9[%get3A_1403, %get3A_1404] {strides = array<i32>} : memref<1600x32xf32, #tpu.memory_space<vmem>>, vector<1x16xf32>,
        %get3A_1406 = vector.shape_cast %get3A_1405 : vector<1x16xf32> to vector<16xf32>
        %add3A_1407 = arith.addf %add3A_1375, %get3A_1406 : vector<16xf32>
        scf.yield %add3A_1382, %add3A_1398, %add3A_1389, %add3A_1407 : vector<16xf32>, vector<16xf32>, vector<16xf32>, vector<16xf32>
      }
      %scan3A_1080 = arith.constant 25 : i32
      %add3A_1081 = arith.addf %scan3A_1079#0, %scan3A_1079#1 : vector<16xf32>
      %add3A_1082 = arith.addf %scan3A_1079#2, %scan3A_1079#3 : vector<16xf32>
      %mul3A_1083 = arith.mulf %add3A_1081, %get3A_4 : vector<16xf32>
      %mul3A_1084 = arith.mulf %add3A_1082, %get3A_9 : vector<16xf32>
      %add3A_1085 = arith.addf %mul3A_1083, %mul3A_1084 : vector<16xf32>
      %gather3A_1086 = vector.shape_cast %reshape3A : vector<16x1xi32> to vector<16xi32>
      %gather3A_1087 = tpu.dynamic_gather %add3A_1085[%gather3A_1086] in [0] : vector<16xf32>, vector<16xi32> -> vector<16xf32>
      %add3A_1088 = arith.addf %add3A_1085, %gather3A_1087 : vector<16xf32>
      %gather3A_1089 = vector.shape_cast %reshape3A_36 : vector<16x1xi32> to vector<16xi32>
      %gather3A_1090 = tpu.dynamic_gather %add3A_1088[%gather3A_1089] in [0] : vector<16xf32>, vector<16xi32> -> vector<16xf32>
      %add3A_1091 = arith.addf %add3A_1088, %gather3A_1090 : vector<16xf32>
      %gather3A_1092 = vector.shape_cast %reshape3A_43 : vector<16x1xi32> to vector<16xi32>
      %gather3A_1093 = tpu.dynamic_gather %add3A_1091[%gather3A_1092] in [0] : vector<16xf32>, vector<16xi32> -> vector<16xf32>
      %add3A_1094 = arith.addf %add3A_1091, %gather3A_1093 : vector<16xf32>
      %gather3A_1095 = vector.shape_cast %reshape3A_50 : vector<16x1xi32> to vector<16xi32>
      %gather3A_1096 = tpu.dynamic_gather %add3A_1094[%gather3A_1095] in [0] : vector<16xf32>, vector<16xi32> -> vector<16xf32>
      %add3A_1097 = arith.addf %add3A_1094, %gather3A_1096 : vector<16xf32>
      %mul3A_1098 = arith.mulf %add3A_1081, %get3A_14 : vector<16xf32>
      %mul3A_1099 = arith.mulf %add3A_1082, %get3A_19 : vector<16xf32>
      %add3A_1100 = arith.addf %mul3A_1098, %mul3A_1099 : vector<16xf32>
      %gather3A_1101 = vector.shape_cast %reshape3A : vector<16x1xi32> to vector<16xi32>
      %gather3A_1102 = tpu.dynamic_gather %add3A_1100[%gather3A_1101] in [0] : vector<16xf32>, vector<16xi32> -> vector<16xf32>
      %add3A_1103 = arith.addf %add3A_1100, %gather3A_1102 : vector<16xf32>
      %gather3A_1104 = vector.shape_cast %reshape3A_36 : vector<16x1xi32> to vector<16xi32>
      %gather3A_1105 = tpu.dynamic_gather %add3A_1103[%gather3A_1104] in [0] : vector<16xf32>, vector<16xi32> -> vector<16xf32>
      %add3A_1106 = arith.addf %add3A_1103, %gather3A_1105 : vector<16xf32>
      %gather3A_1107 = vector.shape_cast %reshape3A_43 : vector<16x1xi32> to vector<16xi32>
      %gather3A_1108 = tpu.dynamic_gather %add3A_1106[%gather3A_1107] in [0] : vector<16xf32>, vector<16xi32> -> vector<16xf32>
      %add3A_1109 = arith.addf %add3A_1106, %gather3A_1108 : vector<16xf32>
      %gather3A_1110 = vector.shape_cast %reshape3A_50 : vector<16x1xi32> to vector<16xi32>
      %gather3A_1111 = tpu.dynamic_gather %add3A_1109[%gather3A_1110] in [0] : vector<16xf32>, vector<16xi32> -> vector<16xf32>
      %add3A_1112 = arith.addf %add3A_1109, %gather3A_1111 : vector<16xf32>
      %eq3A_1113 = arith.constant 8 : i32
      %eq3A_1114 = vector.broadcast %eq3A_1113 : i32 to vector<16xi32>
      %eq3A_1115 = arith.cmpi eq, %iota3A, %eq3A_1114 : vector<16xi32>
      %select_n3A_1116 = arith.select %eq3A_1115, %add3A_1097, %select_n3A_1072 : vector<16xi1>, vector<16xf32>
      %eq3A_1117 = arith.constant 9 : i32
      %eq3A_1118 = vector.broadcast %eq3A_1117 : i32 to vector<16xi32>
      %eq3A_1119 = arith.cmpi eq, %iota3A, %eq3A_1118 : vector<16xi32>
      %select_n3A_1120 = arith.select %eq3A_1119, %add3A_1112, %select_n3A_1116 : vector<16xi1>, vector<16xf32>
      %broadcast_in_dim3A_1121 = arith.constant 0.000000e+00 : f32
      %broadcast_in_dim3A_1122 = vector.broadcast %broadcast_in_dim3A_1121 : f32 to vector<16xf32>
      %scan3A_1123 = arith.constant 0 : i32
      %scan3A_1124 = arith.constant 25 : i32
      %scan3A_1125 = arith.addi %scan3A_1123, %scan3A_1124 : i32
      %scan3A_1126 = arith.constant 1 : i32
      %scan3A_1127:4 = scf.for %scan3A_1271 = %scan3A_1123 to %scan3A_1125 step %scan3A_1126 iter_args(%scan3A_1272 = %broadcast_in_dim3A_1122, %scan3A_1273 = %broadcast_in_dim3A_1122, %scan3A_1274 = %broadcast_in_dim3A_1122, %scan3A_1275 = %broadcast_in_dim3A_1122) -> (vector<16xf32>, vector<16xf32>, vector<16xf32>, vector<16xf32>)  : i32 {
        %mul3A_1276 = arith.constant 8 : i32
        %mul3A_1277 = arith.muli %mul3A_1276, %scan3A_1271 : i32
        %add3A_1278 = arith.constant 1000 : i32
        %add3A_1279 = arith.addi %add3A_1278, %mul3A_1277 : i32
        %add3A_1280 = arith.constant 0 : i32
        %add3A_1281 = arith.addi %add3A_1279, %add3A_1280 : i32
        %get3A_1282 = arith.index_cast %add3A_1281 : i32 to index
        %get3A_1283 = arith.constant 0 : index
        %get3A_1284 = tpu.vector_load %arg9[%get3A_1282, %get3A_1283] {strides = array<i32>} : memref<1600x32xf32, #tpu.memory_space<vmem>>, vector<1x16xf32>,
        %get3A_1285 = vector.shape_cast %get3A_1284 : vector<1x16xf32> to vector<16xf32>
        %add3A_1286 = arith.addf %scan3A_1272, %get3A_1285 : vector<16xf32>
        %add3A_1287 = arith.constant 0 : i32
        %add3A_1288 = arith.addi %add3A_1279, %add3A_1287 : i32
        %get3A_1289 = arith.index_cast %add3A_1288 : i32 to index
        %get3A_1290 = arith.constant 16 : index
        %get3A_1291 = tpu.vector_load %arg9[%get3A_1289, %get3A_1290] {strides = array<i32>} : memref<1600x32xf32, #tpu.memory_space<vmem>>, vector<1x16xf32>,
        %get3A_1292 = vector.shape_cast %get3A_1291 : vector<1x16xf32> to vector<16xf32>
        %add3A_1293 = arith.addf %scan3A_1274, %get3A_1292 : vector<16xf32>
        %add3A_1294 = arith.constant 0 : i32
        %add3A_1295 = arith.addi %add3A_1279, %add3A_1294 : i32
        %add3A_1296 = arith.constant 1 : i32
        %add3A_1297 = arith.addi %add3A_1295, %add3A_1296 : i32
        %get3A_1298 = arith.index_cast %add3A_1297 : i32 to index
        %get3A_1299 = arith.constant 0 : index
        %get3A_1300 = tpu.vector_load %arg9[%get3A_1298, %get3A_1299] {strides = array<i32>} : memref<1600x32xf32, #tpu.memory_space<vmem>>, vector<1x16xf32>,
        %get3A_1301 = vector.shape_cast %get3A_1300 : vector<1x16xf32> to vector<16xf32>
        %add3A_1302 = arith.addf %scan3A_1273, %get3A_1301 : vector<16xf32>
        %add3A_1303 = arith.constant 0 : i32
        %add3A_1304 = arith.addi %add3A_1279, %add3A_1303 : i32
        %add3A_1305 = arith.constant 1 : i32
        %add3A_1306 = arith.addi %add3A_1304, %add3A_1305 : i32
        %get3A_1307 = arith.index_cast %add3A_1306 : i32 to index
        %get3A_1308 = arith.constant 16 : index
        %get3A_1309 = tpu.vector_load %arg9[%get3A_1307, %get3A_1308] {strides = array<i32>} : memref<1600x32xf32, #tpu.memory_space<vmem>>, vector<1x16xf32>,
        %get3A_1310 = vector.shape_cast %get3A_1309 : vector<1x16xf32> to vector<16xf32>
        %add3A_1311 = arith.addf %scan3A_1275, %get3A_1310 : vector<16xf32>
        %add3A_1312 = arith.constant 2 : i32
        %add3A_1313 = arith.addi %add3A_1279, %add3A_1312 : i32
        %get3A_1314 = arith.index_cast %add3A_1313 : i32 to index
        %get3A_1315 = arith.constant 0 : index
        %get3A_1316 = tpu.vector_load %arg9[%get3A_1314, %get3A_1315] {strides = array<i32>} : memref<1600x32xf32, #tpu.memory_space<vmem>>, vector<1x16xf32>,
        %get3A_1317 = vector.shape_cast %get3A_1316 : vector<1x16xf32> to vector<16xf32>
        %add3A_1318 = arith.addf %add3A_1286, %get3A_1317 : vector<16xf32>
        %add3A_1319 = arith.constant 2 : i32
        %add3A_1320 = arith.addi %add3A_1279, %add3A_1319 : i32
        %get3A_1321 = arith.index_cast %add3A_1320 : i32 to index
        %get3A_1322 = arith.constant 16 : index
        %get3A_1323 = tpu.vector_load %arg9[%get3A_1321, %get3A_1322] {strides = array<i32>} : memref<1600x32xf32, #tpu.memory_space<vmem>>, vector<1x16xf32>,
        %get3A_1324 = vector.shape_cast %get3A_1323 : vector<1x16xf32> to vector<16xf32>
        %add3A_1325 = arith.addf %add3A_1293, %get3A_1324 : vector<16xf32>
        %add3A_1326 = arith.constant 2 : i32
        %add3A_1327 = arith.addi %add3A_1279, %add3A_1326 : i32
        %add3A_1328 = arith.constant 1 : i32
        %add3A_1329 = arith.addi %add3A_1327, %add3A_1328 : i32
        %get3A_1330 = arith.index_cast %add3A_1329 : i32 to index
        %get3A_1331 = arith.constant 0 : index
        %get3A_1332 = tpu.vector_load %arg9[%get3A_1330, %get3A_1331] {strides = array<i32>} : memref<1600x32xf32, #tpu.memory_space<vmem>>, vector<1x16xf32>,
        %get3A_1333 = vector.shape_cast %get3A_1332 : vector<1x16xf32> to vector<16xf32>
        %add3A_1334 = arith.addf %add3A_1302, %get3A_1333 : vector<16xf32>
        %add3A_1335 = arith.constant 2 : i32
        %add3A_1336 = arith.addi %add3A_1279, %add3A_1335 : i32
        %add3A_1337 = arith.constant 1 : i32
        %add3A_1338 = arith.addi %add3A_1336, %add3A_1337 : i32
        %get3A_1339 = arith.index_cast %add3A_1338 : i32 to index
        %get3A_1340 = arith.constant 16 : index
        %get3A_1341 = tpu.vector_load %arg9[%get3A_1339, %get3A_1340] {strides = array<i32>} : memref<1600x32xf32, #tpu.memory_space<vmem>>, vector<1x16xf32>,
        %get3A_1342 = vector.shape_cast %get3A_1341 : vector<1x16xf32> to vector<16xf32>
        %add3A_1343 = arith.addf %add3A_1311, %get3A_1342 : vector<16xf32>
        %add3A_1344 = arith.constant 4 : i32
        %add3A_1345 = arith.addi %add3A_1279, %add3A_1344 : i32
        %get3A_1346 = arith.index_cast %add3A_1345 : i32 to index
        %get3A_1347 = arith.constant 0 : index
        %get3A_1348 = tpu.vector_load %arg9[%get3A_1346, %get3A_1347] {strides = array<i32>} : memref<1600x32xf32, #tpu.memory_space<vmem>>, vector<1x16xf32>,
        %get3A_1349 = vector.shape_cast %get3A_1348 : vector<1x16xf32> to vector<16xf32>
        %add3A_1350 = arith.addf %add3A_1318, %get3A_1349 : vector<16xf32>
        %add3A_1351 = arith.constant 4 : i32
        %add3A_1352 = arith.addi %add3A_1279, %add3A_1351 : i32
        %get3A_1353 = arith.index_cast %add3A_1352 : i32 to index
        %get3A_1354 = arith.constant 16 : index
        %get3A_1355 = tpu.vector_load %arg9[%get3A_1353, %get3A_1354] {strides = array<i32>} : memref<1600x32xf32, #tpu.memory_space<vmem>>, vector<1x16xf32>,
        %get3A_1356 = vector.shape_cast %get3A_1355 : vector<1x16xf32> to vector<16xf32>
        %add3A_1357 = arith.addf %add3A_1325, %get3A_1356 : vector<16xf32>
        %add3A_1358 = arith.constant 4 : i32
        %add3A_1359 = arith.addi %add3A_1279, %add3A_1358 : i32
        %add3A_1360 = arith.constant 1 : i32
        %add3A_1361 = arith.addi %add3A_1359, %add3A_1360 : i32
        %get3A_1362 = arith.index_cast %add3A_1361 : i32 to index
        %get3A_1363 = arith.constant 0 : index
        %get3A_1364 = tpu.vector_load %arg9[%get3A_1362, %get3A_1363] {strides = array<i32>} : memref<1600x32xf32, #tpu.memory_space<vmem>>, vector<1x16xf32>,
        %get3A_1365 = vector.shape_cast %get3A_1364 : vector<1x16xf32> to vector<16xf32>
        %add3A_1366 = arith.addf %add3A_1334, %get3A_1365 : vector<16xf32>
        %add3A_1367 = arith.constant 4 : i32
        %add3A_1368 = arith.addi %add3A_1279, %add3A_1367 : i32
        %add3A_1369 = arith.constant 1 : i32
        %add3A_1370 = arith.addi %add3A_1368, %add3A_1369 : i32
        %get3A_1371 = arith.index_cast %add3A_1370 : i32 to index
        %get3A_1372 = arith.constant 16 : index
        %get3A_1373 = tpu.vector_load %arg9[%get3A_1371, %get3A_1372] {strides = array<i32>} : memref<1600x32xf32, #tpu.memory_space<vmem>>, vector<1x16xf32>,
        %get3A_1374 = vector.shape_cast %get3A_1373 : vector<1x16xf32> to vector<16xf32>
        %add3A_1375 = arith.addf %add3A_1343, %get3A_1374 : vector<16xf32>
        %add3A_1376 = arith.constant 6 : i32
        %add3A_1377 = arith.addi %add3A_1279, %add3A_1376 : i32
        %get3A_1378 = arith.index_cast %add3A_1377 : i32 to index
        %get3A_1379 = arith.constant 0 : index
        %get3A_1380 = tpu.vector_load %arg9[%get3A_1378, %get3A_1379] {strides = array<i32>} : memref<1600x32xf32, #tpu.memory_space<vmem>>, vector<1x16xf32>,
        %get3A_1381 = vector.shape_cast %get3A_1380 : vector<1x16xf32> to vector<16xf32>
        %add3A_1382 = arith.addf %add3A_1350, %get3A_1381 : vector<16xf32>
        %add3A_1383 = arith.constant 6 : i32
        %add3A_1384 = arith.addi %add3A_1279, %add3A_1383 : i32
        %get3A_1385 = arith.index_cast %add3A_1384 : i32 to index
        %get3A_1386 = arith.constant 16 : index
        %get3A_1387 = tpu.vector_load %arg9[%get3A_1385, %get3A_1386] {strides = array<i32>} : memref<1600x32xf32, #tpu.memory_space<vmem>>, vector<1x16xf32>,
        %get3A_1388 = vector.shape_cast %get3A_1387 : vector<1x16xf32> to vector<16xf32>
        %add3A_1389 = arith.addf %add3A_1357, %get3A_1388 : vector<16xf32>
        %add3A_1390 = arith.constant 6 : i32
        %add3A_1391 = arith.addi %add3A_1279, %add3A_1390 : i32
        %add3A_1392 = arith.constant 1 : i32
        %add3A_1393 = arith.addi %add3A_1391, %add3A_1392 : i32
        %get3A_1394 = arith.index_cast %add3A_1393 : i32 to index
        %get3A_1395 = arith.constant 0 : index
        %get3A_1396 = tpu.vector_load %arg9[%get3A_1394, %get3A_1395] {strides = array<i32>} : memref<1600x32xf32, #tpu.memory_space<vmem>>, vector<1x16xf32>,
        %get3A_1397 = vector.shape_cast %get3A_1396 : vector<1x16xf32> to vector<16xf32>
        %add3A_1398 = arith.addf %add3A_1366, %get3A_1397 : vector<16xf32>
        %add3A_1399 = arith.constant 6 : i32
        %add3A_1400 = arith.addi %add3A_1279, %add3A_1399 : i32
        %add3A_1401 = arith.constant 1 : i32
        %add3A_1402 = arith.addi %add3A_1400, %add3A_1401 : i32
        %get3A_1403 = arith.index_cast %add3A_1402 : i32 to index
        %get3A_1404 = arith.constant 16 : index
        %get3A_1405 = tpu.vector_load %arg9[%get3A_1403, %get3A_1404] {strides = array<i32>} : memref<1600x32xf32, #tpu.memory_space<vmem>>, vector<1x16xf32>,
        %get3A_1406 = vector.shape_cast %get3A_1405 : vector<1x16xf32> to vector<16xf32>
        %add3A_1407 = arith.addf %add3A_1375, %get3A_1406 : vector<16xf32>
        scf.yield %add3A_1382, %add3A_1398, %add3A_1389, %add3A_1407 : vector<16xf32>, vector<16xf32>, vector<16xf32>, vector<16xf32>
      }
      %scan3A_1128 = arith.constant 25 : i32
      %add3A_1129 = arith.addf %scan3A_1127#0, %scan3A_1127#1 : vector<16xf32>
      %add3A_1130 = arith.addf %scan3A_1127#2, %scan3A_1127#3 : vector<16xf32>
      %mul3A_1131 = arith.mulf %add3A_1129, %get3A_4 : vector<16xf32>
      %mul3A_1132 = arith.mulf %add3A_1130, %get3A_9 : vector<16xf32>
      %add3A_1133 = arith.addf %mul3A_1131, %mul3A_1132 : vector<16xf32>
      %gather3A_1134 = vector.shape_cast %reshape3A : vector<16x1xi32> to vector<16xi32>
      %gather3A_1135 = tpu.dynamic_gather %add3A_1133[%gather3A_1134] in [0] : vector<16xf32>, vector<16xi32> -> vector<16xf32>
      %add3A_1136 = arith.addf %add3A_1133, %gather3A_1135 : vector<16xf32>
      %gather3A_1137 = vector.shape_cast %reshape3A_36 : vector<16x1xi32> to vector<16xi32>
      %gather3A_1138 = tpu.dynamic_gather %add3A_1136[%gather3A_1137] in [0] : vector<16xf32>, vector<16xi32> -> vector<16xf32>
      %add3A_1139 = arith.addf %add3A_1136, %gather3A_1138 : vector<16xf32>
      %gather3A_1140 = vector.shape_cast %reshape3A_43 : vector<16x1xi32> to vector<16xi32>
      %gather3A_1141 = tpu.dynamic_gather %add3A_1139[%gather3A_1140] in [0] : vector<16xf32>, vector<16xi32> -> vector<16xf32>
      %add3A_1142 = arith.addf %add3A_1139, %gather3A_1141 : vector<16xf32>
      %gather3A_1143 = vector.shape_cast %reshape3A_50 : vector<16x1xi32> to vector<16xi32>
      %gather3A_1144 = tpu.dynamic_gather %add3A_1142[%gather3A_1143] in [0] : vector<16xf32>, vector<16xi32> -> vector<16xf32>
      %add3A_1145 = arith.addf %add3A_1142, %gather3A_1144 : vector<16xf32>
      %mul3A_1146 = arith.mulf %add3A_1129, %get3A_14 : vector<16xf32>
      %mul3A_1147 = arith.mulf %add3A_1130, %get3A_19 : vector<16xf32>
      %add3A_1148 = arith.addf %mul3A_1146, %mul3A_1147 : vector<16xf32>
      %gather3A_1149 = vector.shape_cast %reshape3A : vector<16x1xi32> to vector<16xi32>
      %gather3A_1150 = tpu.dynamic_gather %add3A_1148[%gather3A_1149] in [0] : vector<16xf32>, vector<16xi32> -> vector<16xf32>
      %add3A_1151 = arith.addf %add3A_1148, %gather3A_1150 : vector<16xf32>
      %gather3A_1152 = vector.shape_cast %reshape3A_36 : vector<16x1xi32> to vector<16xi32>
      %gather3A_1153 = tpu.dynamic_gather %add3A_1151[%gather3A_1152] in [0] : vector<16xf32>, vector<16xi32> -> vector<16xf32>
      %add3A_1154 = arith.addf %add3A_1151, %gather3A_1153 : vector<16xf32>
      %gather3A_1155 = vector.shape_cast %reshape3A_43 : vector<16x1xi32> to vector<16xi32>
      %gather3A_1156 = tpu.dynamic_gather %add3A_1154[%gather3A_1155] in [0] : vector<16xf32>, vector<16xi32> -> vector<16xf32>
      %add3A_1157 = arith.addf %add3A_1154, %gather3A_1156 : vector<16xf32>
      %gather3A_1158 = vector.shape_cast %reshape3A_50 : vector<16x1xi32> to vector<16xi32>
      %gather3A_1159 = tpu.dynamic_gather %add3A_1157[%gather3A_1158] in [0] : vector<16xf32>, vector<16xi32> -> vector<16xf32>
      %add3A_1160 = arith.addf %add3A_1157, %gather3A_1159 : vector<16xf32>
      %eq3A_1161 = arith.constant 10 : i32
      %eq3A_1162 = vector.broadcast %eq3A_1161 : i32 to vector<16xi32>
      %eq3A_1163 = arith.cmpi eq, %iota3A, %eq3A_1162 : vector<16xi32>
      %select_n3A_1164 = arith.select %eq3A_1163, %add3A_1145, %select_n3A_1120 : vector<16xi1>, vector<16xf32>
      %eq3A_1165 = arith.constant 11 : i32
      %eq3A_1166 = vector.broadcast %eq3A_1165 : i32 to vector<16xi32>
      %eq3A_1167 = arith.cmpi eq, %iota3A, %eq3A_1166 : vector<16xi32>
      %select_n3A_1168 = arith.select %eq3A_1167, %add3A_1160, %select_n3A_1164 : vector<16xi1>, vector<16xf32>
      %broadcast_in_dim3A_1169 = arith.constant 0.000000e+00 : f32
      %broadcast_in_dim3A_1170 = vector.broadcast %broadcast_in_dim3A_1169 : f32 to vector<16xf32>
      %scan3A_1171 = arith.constant 0 : i32
      %scan3A_1172 = arith.constant 25 : i32
      %scan3A_1173 = arith.addi %scan3A_1171, %scan3A_1172 : i32
      %scan3A_1174 = arith.constant 1 : i32
      %scan3A_1175:4 = scf.for %scan3A_1271 = %scan3A_1171 to %scan3A_1173 step %scan3A_1174 iter_args(%scan3A_1272 = %broadcast_in_dim3A_1170, %scan3A_1273 = %broadcast_in_dim3A_1170, %scan3A_1274 = %broadcast_in_dim3A_1170, %scan3A_1275 = %broadcast_in_dim3A_1170) -> (vector<16xf32>, vector<16xf32>, vector<16xf32>, vector<16xf32>)  : i32 {
        %mul3A_1276 = arith.constant 8 : i32
        %mul3A_1277 = arith.muli %mul3A_1276, %scan3A_1271 : i32
        %add3A_1278 = arith.constant 1200 : i32
        %add3A_1279 = arith.addi %add3A_1278, %mul3A_1277 : i32
        %add3A_1280 = arith.constant 0 : i32
        %add3A_1281 = arith.addi %add3A_1279, %add3A_1280 : i32
        %get3A_1282 = arith.index_cast %add3A_1281 : i32 to index
        %get3A_1283 = arith.constant 0 : index
        %get3A_1284 = tpu.vector_load %arg9[%get3A_1282, %get3A_1283] {strides = array<i32>} : memref<1600x32xf32, #tpu.memory_space<vmem>>, vector<1x16xf32>,
        %get3A_1285 = vector.shape_cast %get3A_1284 : vector<1x16xf32> to vector<16xf32>
        %add3A_1286 = arith.addf %scan3A_1272, %get3A_1285 : vector<16xf32>
        %add3A_1287 = arith.constant 0 : i32
        %add3A_1288 = arith.addi %add3A_1279, %add3A_1287 : i32
        %get3A_1289 = arith.index_cast %add3A_1288 : i32 to index
        %get3A_1290 = arith.constant 16 : index
        %get3A_1291 = tpu.vector_load %arg9[%get3A_1289, %get3A_1290] {strides = array<i32>} : memref<1600x32xf32, #tpu.memory_space<vmem>>, vector<1x16xf32>,
        %get3A_1292 = vector.shape_cast %get3A_1291 : vector<1x16xf32> to vector<16xf32>
        %add3A_1293 = arith.addf %scan3A_1274, %get3A_1292 : vector<16xf32>
        %add3A_1294 = arith.constant 0 : i32
        %add3A_1295 = arith.addi %add3A_1279, %add3A_1294 : i32
        %add3A_1296 = arith.constant 1 : i32
        %add3A_1297 = arith.addi %add3A_1295, %add3A_1296 : i32
        %get3A_1298 = arith.index_cast %add3A_1297 : i32 to index
        %get3A_1299 = arith.constant 0 : index
        %get3A_1300 = tpu.vector_load %arg9[%get3A_1298, %get3A_1299] {strides = array<i32>} : memref<1600x32xf32, #tpu.memory_space<vmem>>, vector<1x16xf32>,
        %get3A_1301 = vector.shape_cast %get3A_1300 : vector<1x16xf32> to vector<16xf32>
        %add3A_1302 = arith.addf %scan3A_1273, %get3A_1301 : vector<16xf32>
        %add3A_1303 = arith.constant 0 : i32
        %add3A_1304 = arith.addi %add3A_1279, %add3A_1303 : i32
        %add3A_1305 = arith.constant 1 : i32
        %add3A_1306 = arith.addi %add3A_1304, %add3A_1305 : i32
        %get3A_1307 = arith.index_cast %add3A_1306 : i32 to index
        %get3A_1308 = arith.constant 16 : index
        %get3A_1309 = tpu.vector_load %arg9[%get3A_1307, %get3A_1308] {strides = array<i32>} : memref<1600x32xf32, #tpu.memory_space<vmem>>, vector<1x16xf32>,
        %get3A_1310 = vector.shape_cast %get3A_1309 : vector<1x16xf32> to vector<16xf32>
        %add3A_1311 = arith.addf %scan3A_1275, %get3A_1310 : vector<16xf32>
        %add3A_1312 = arith.constant 2 : i32
        %add3A_1313 = arith.addi %add3A_1279, %add3A_1312 : i32
        %get3A_1314 = arith.index_cast %add3A_1313 : i32 to index
        %get3A_1315 = arith.constant 0 : index
        %get3A_1316 = tpu.vector_load %arg9[%get3A_1314, %get3A_1315] {strides = array<i32>} : memref<1600x32xf32, #tpu.memory_space<vmem>>, vector<1x16xf32>,
        %get3A_1317 = vector.shape_cast %get3A_1316 : vector<1x16xf32> to vector<16xf32>
        %add3A_1318 = arith.addf %add3A_1286, %get3A_1317 : vector<16xf32>
        %add3A_1319 = arith.constant 2 : i32
        %add3A_1320 = arith.addi %add3A_1279, %add3A_1319 : i32
        %get3A_1321 = arith.index_cast %add3A_1320 : i32 to index
        %get3A_1322 = arith.constant 16 : index
        %get3A_1323 = tpu.vector_load %arg9[%get3A_1321, %get3A_1322] {strides = array<i32>} : memref<1600x32xf32, #tpu.memory_space<vmem>>, vector<1x16xf32>,
        %get3A_1324 = vector.shape_cast %get3A_1323 : vector<1x16xf32> to vector<16xf32>
        %add3A_1325 = arith.addf %add3A_1293, %get3A_1324 : vector<16xf32>
        %add3A_1326 = arith.constant 2 : i32
        %add3A_1327 = arith.addi %add3A_1279, %add3A_1326 : i32
        %add3A_1328 = arith.constant 1 : i32
        %add3A_1329 = arith.addi %add3A_1327, %add3A_1328 : i32
        %get3A_1330 = arith.index_cast %add3A_1329 : i32 to index
        %get3A_1331 = arith.constant 0 : index
        %get3A_1332 = tpu.vector_load %arg9[%get3A_1330, %get3A_1331] {strides = array<i32>} : memref<1600x32xf32, #tpu.memory_space<vmem>>, vector<1x16xf32>,
        %get3A_1333 = vector.shape_cast %get3A_1332 : vector<1x16xf32> to vector<16xf32>
        %add3A_1334 = arith.addf %add3A_1302, %get3A_1333 : vector<16xf32>
        %add3A_1335 = arith.constant 2 : i32
        %add3A_1336 = arith.addi %add3A_1279, %add3A_1335 : i32
        %add3A_1337 = arith.constant 1 : i32
        %add3A_1338 = arith.addi %add3A_1336, %add3A_1337 : i32
        %get3A_1339 = arith.index_cast %add3A_1338 : i32 to index
        %get3A_1340 = arith.constant 16 : index
        %get3A_1341 = tpu.vector_load %arg9[%get3A_1339, %get3A_1340] {strides = array<i32>} : memref<1600x32xf32, #tpu.memory_space<vmem>>, vector<1x16xf32>,
        %get3A_1342 = vector.shape_cast %get3A_1341 : vector<1x16xf32> to vector<16xf32>
        %add3A_1343 = arith.addf %add3A_1311, %get3A_1342 : vector<16xf32>
        %add3A_1344 = arith.constant 4 : i32
        %add3A_1345 = arith.addi %add3A_1279, %add3A_1344 : i32
        %get3A_1346 = arith.index_cast %add3A_1345 : i32 to index
        %get3A_1347 = arith.constant 0 : index
        %get3A_1348 = tpu.vector_load %arg9[%get3A_1346, %get3A_1347] {strides = array<i32>} : memref<1600x32xf32, #tpu.memory_space<vmem>>, vector<1x16xf32>,
        %get3A_1349 = vector.shape_cast %get3A_1348 : vector<1x16xf32> to vector<16xf32>
        %add3A_1350 = arith.addf %add3A_1318, %get3A_1349 : vector<16xf32>
        %add3A_1351 = arith.constant 4 : i32
        %add3A_1352 = arith.addi %add3A_1279, %add3A_1351 : i32
        %get3A_1353 = arith.index_cast %add3A_1352 : i32 to index
        %get3A_1354 = arith.constant 16 : index
        %get3A_1355 = tpu.vector_load %arg9[%get3A_1353, %get3A_1354] {strides = array<i32>} : memref<1600x32xf32, #tpu.memory_space<vmem>>, vector<1x16xf32>,
        %get3A_1356 = vector.shape_cast %get3A_1355 : vector<1x16xf32> to vector<16xf32>
        %add3A_1357 = arith.addf %add3A_1325, %get3A_1356 : vector<16xf32>
        %add3A_1358 = arith.constant 4 : i32
        %add3A_1359 = arith.addi %add3A_1279, %add3A_1358 : i32
        %add3A_1360 = arith.constant 1 : i32
        %add3A_1361 = arith.addi %add3A_1359, %add3A_1360 : i32
        %get3A_1362 = arith.index_cast %add3A_1361 : i32 to index
        %get3A_1363 = arith.constant 0 : index
        %get3A_1364 = tpu.vector_load %arg9[%get3A_1362, %get3A_1363] {strides = array<i32>} : memref<1600x32xf32, #tpu.memory_space<vmem>>, vector<1x16xf32>,
        %get3A_1365 = vector.shape_cast %get3A_1364 : vector<1x16xf32> to vector<16xf32>
        %add3A_1366 = arith.addf %add3A_1334, %get3A_1365 : vector<16xf32>
        %add3A_1367 = arith.constant 4 : i32
        %add3A_1368 = arith.addi %add3A_1279, %add3A_1367 : i32
        %add3A_1369 = arith.constant 1 : i32
        %add3A_1370 = arith.addi %add3A_1368, %add3A_1369 : i32
        %get3A_1371 = arith.index_cast %add3A_1370 : i32 to index
        %get3A_1372 = arith.constant 16 : index
        %get3A_1373 = tpu.vector_load %arg9[%get3A_1371, %get3A_1372] {strides = array<i32>} : memref<1600x32xf32, #tpu.memory_space<vmem>>, vector<1x16xf32>,
        %get3A_1374 = vector.shape_cast %get3A_1373 : vector<1x16xf32> to vector<16xf32>
        %add3A_1375 = arith.addf %add3A_1343, %get3A_1374 : vector<16xf32>
        %add3A_1376 = arith.constant 6 : i32
        %add3A_1377 = arith.addi %add3A_1279, %add3A_1376 : i32
        %get3A_1378 = arith.index_cast %add3A_1377 : i32 to index
        %get3A_1379 = arith.constant 0 : index
        %get3A_1380 = tpu.vector_load %arg9[%get3A_1378, %get3A_1379] {strides = array<i32>} : memref<1600x32xf32, #tpu.memory_space<vmem>>, vector<1x16xf32>,
        %get3A_1381 = vector.shape_cast %get3A_1380 : vector<1x16xf32> to vector<16xf32>
        %add3A_1382 = arith.addf %add3A_1350, %get3A_1381 : vector<16xf32>
        %add3A_1383 = arith.constant 6 : i32
        %add3A_1384 = arith.addi %add3A_1279, %add3A_1383 : i32
        %get3A_1385 = arith.index_cast %add3A_1384 : i32 to index
        %get3A_1386 = arith.constant 16 : index
        %get3A_1387 = tpu.vector_load %arg9[%get3A_1385, %get3A_1386] {strides = array<i32>} : memref<1600x32xf32, #tpu.memory_space<vmem>>, vector<1x16xf32>,
        %get3A_1388 = vector.shape_cast %get3A_1387 : vector<1x16xf32> to vector<16xf32>
        %add3A_1389 = arith.addf %add3A_1357, %get3A_1388 : vector<16xf32>
        %add3A_1390 = arith.constant 6 : i32
        %add3A_1391 = arith.addi %add3A_1279, %add3A_1390 : i32
        %add3A_1392 = arith.constant 1 : i32
        %add3A_1393 = arith.addi %add3A_1391, %add3A_1392 : i32
        %get3A_1394 = arith.index_cast %add3A_1393 : i32 to index
        %get3A_1395 = arith.constant 0 : index
        %get3A_1396 = tpu.vector_load %arg9[%get3A_1394, %get3A_1395] {strides = array<i32>} : memref<1600x32xf32, #tpu.memory_space<vmem>>, vector<1x16xf32>,
        %get3A_1397 = vector.shape_cast %get3A_1396 : vector<1x16xf32> to vector<16xf32>
        %add3A_1398 = arith.addf %add3A_1366, %get3A_1397 : vector<16xf32>
        %add3A_1399 = arith.constant 6 : i32
        %add3A_1400 = arith.addi %add3A_1279, %add3A_1399 : i32
        %add3A_1401 = arith.constant 1 : i32
        %add3A_1402 = arith.addi %add3A_1400, %add3A_1401 : i32
        %get3A_1403 = arith.index_cast %add3A_1402 : i32 to index
        %get3A_1404 = arith.constant 16 : index
        %get3A_1405 = tpu.vector_load %arg9[%get3A_1403, %get3A_1404] {strides = array<i32>} : memref<1600x32xf32, #tpu.memory_space<vmem>>, vector<1x16xf32>,
        %get3A_1406 = vector.shape_cast %get3A_1405 : vector<1x16xf32> to vector<16xf32>
        %add3A_1407 = arith.addf %add3A_1375, %get3A_1406 : vector<16xf32>
        scf.yield %add3A_1382, %add3A_1398, %add3A_1389, %add3A_1407 : vector<16xf32>, vector<16xf32>, vector<16xf32>, vector<16xf32>
      }
      %scan3A_1176 = arith.constant 25 : i32
      %add3A_1177 = arith.addf %scan3A_1175#0, %scan3A_1175#1 : vector<16xf32>
      %add3A_1178 = arith.addf %scan3A_1175#2, %scan3A_1175#3 : vector<16xf32>
      %mul3A_1179 = arith.mulf %add3A_1177, %get3A_4 : vector<16xf32>
      %mul3A_1180 = arith.mulf %add3A_1178, %get3A_9 : vector<16xf32>
      %add3A_1181 = arith.addf %mul3A_1179, %mul3A_1180 : vector<16xf32>
      %gather3A_1182 = vector.shape_cast %reshape3A : vector<16x1xi32> to vector<16xi32>
      %gather3A_1183 = tpu.dynamic_gather %add3A_1181[%gather3A_1182] in [0] : vector<16xf32>, vector<16xi32> -> vector<16xf32>
      %add3A_1184 = arith.addf %add3A_1181, %gather3A_1183 : vector<16xf32>
      %gather3A_1185 = vector.shape_cast %reshape3A_36 : vector<16x1xi32> to vector<16xi32>
      %gather3A_1186 = tpu.dynamic_gather %add3A_1184[%gather3A_1185] in [0] : vector<16xf32>, vector<16xi32> -> vector<16xf32>
      %add3A_1187 = arith.addf %add3A_1184, %gather3A_1186 : vector<16xf32>
      %gather3A_1188 = vector.shape_cast %reshape3A_43 : vector<16x1xi32> to vector<16xi32>
      %gather3A_1189 = tpu.dynamic_gather %add3A_1187[%gather3A_1188] in [0] : vector<16xf32>, vector<16xi32> -> vector<16xf32>
      %add3A_1190 = arith.addf %add3A_1187, %gather3A_1189 : vector<16xf32>
      %gather3A_1191 = vector.shape_cast %reshape3A_50 : vector<16x1xi32> to vector<16xi32>
      %gather3A_1192 = tpu.dynamic_gather %add3A_1190[%gather3A_1191] in [0] : vector<16xf32>, vector<16xi32> -> vector<16xf32>
      %add3A_1193 = arith.addf %add3A_1190, %gather3A_1192 : vector<16xf32>
      %mul3A_1194 = arith.mulf %add3A_1177, %get3A_14 : vector<16xf32>
      %mul3A_1195 = arith.mulf %add3A_1178, %get3A_19 : vector<16xf32>
      %add3A_1196 = arith.addf %mul3A_1194, %mul3A_1195 : vector<16xf32>
      %gather3A_1197 = vector.shape_cast %reshape3A : vector<16x1xi32> to vector<16xi32>
      %gather3A_1198 = tpu.dynamic_gather %add3A_1196[%gather3A_1197] in [0] : vector<16xf32>, vector<16xi32> -> vector<16xf32>
      %add3A_1199 = arith.addf %add3A_1196, %gather3A_1198 : vector<16xf32>
      %gather3A_1200 = vector.shape_cast %reshape3A_36 : vector<16x1xi32> to vector<16xi32>
      %gather3A_1201 = tpu.dynamic_gather %add3A_1199[%gather3A_1200] in [0] : vector<16xf32>, vector<16xi32> -> vector<16xf32>
      %add3A_1202 = arith.addf %add3A_1199, %gather3A_1201 : vector<16xf32>
      %gather3A_1203 = vector.shape_cast %reshape3A_43 : vector<16x1xi32> to vector<16xi32>
      %gather3A_1204 = tpu.dynamic_gather %add3A_1202[%gather3A_1203] in [0] : vector<16xf32>, vector<16xi32> -> vector<16xf32>
      %add3A_1205 = arith.addf %add3A_1202, %gather3A_1204 : vector<16xf32>
      %gather3A_1206 = vector.shape_cast %reshape3A_50 : vector<16x1xi32> to vector<16xi32>
      %gather3A_1207 = tpu.dynamic_gather %add3A_1205[%gather3A_1206] in [0] : vector<16xf32>, vector<16xi32> -> vector<16xf32>
      %add3A_1208 = arith.addf %add3A_1205, %gather3A_1207 : vector<16xf32>
      %eq3A_1209 = arith.constant 12 : i32
      %eq3A_1210 = vector.broadcast %eq3A_1209 : i32 to vector<16xi32>
      %eq3A_1211 = arith.cmpi eq, %iota3A, %eq3A_1210 : vector<16xi32>
      %select_n3A_1212 = arith.select %eq3A_1211, %add3A_1193, %select_n3A_1168 : vector<16xi1>, vector<16xf32>
      %eq3A_1213 = arith.constant 13 : i32
      %eq3A_1214 = vector.broadcast %eq3A_1213 : i32 to vector<16xi32>
      %eq3A_1215 = arith.cmpi eq, %iota3A, %eq3A_1214 : vector<16xi32>
      %select_n3A_1216 = arith.select %eq3A_1215, %add3A_1208, %select_n3A_1212 : vector<16xi1>, vector<16xf32>
      %broadcast_in_dim3A_1217 = arith.constant 0.000000e+00 : f32
      %broadcast_in_dim3A_1218 = vector.broadcast %broadcast_in_dim3A_1217 : f32 to vector<16xf32>
      %scan3A_1219 = arith.constant 0 : i32
      %scan3A_1220 = arith.constant 25 : i32
      %scan3A_1221 = arith.addi %scan3A_1219, %scan3A_1220 : i32
      %scan3A_1222 = arith.constant 1 : i32
      %scan3A_1223:4 = scf.for %scan3A_1271 = %scan3A_1219 to %scan3A_1221 step %scan3A_1222 iter_args(%scan3A_1272 = %broadcast_in_dim3A_1218, %scan3A_1273 = %broadcast_in_dim3A_1218, %scan3A_1274 = %broadcast_in_dim3A_1218, %scan3A_1275 = %broadcast_in_dim3A_1218) -> (vector<16xf32>, vector<16xf32>, vector<16xf32>, vector<16xf32>)  : i32 {
        %mul3A_1276 = arith.constant 8 : i32
        %mul3A_1277 = arith.muli %mul3A_1276, %scan3A_1271 : i32
        %add3A_1278 = arith.constant 1400 : i32
        %add3A_1279 = arith.addi %add3A_1278, %mul3A_1277 : i32
        %add3A_1280 = arith.constant 0 : i32
        %add3A_1281 = arith.addi %add3A_1279, %add3A_1280 : i32
        %get3A_1282 = arith.index_cast %add3A_1281 : i32 to index
        %get3A_1283 = arith.constant 0 : index
        %get3A_1284 = tpu.vector_load %arg9[%get3A_1282, %get3A_1283] {strides = array<i32>} : memref<1600x32xf32, #tpu.memory_space<vmem>>, vector<1x16xf32>,
        %get3A_1285 = vector.shape_cast %get3A_1284 : vector<1x16xf32> to vector<16xf32>
        %add3A_1286 = arith.addf %scan3A_1272, %get3A_1285 : vector<16xf32>
        %add3A_1287 = arith.constant 0 : i32
        %add3A_1288 = arith.addi %add3A_1279, %add3A_1287 : i32
        %get3A_1289 = arith.index_cast %add3A_1288 : i32 to index
        %get3A_1290 = arith.constant 16 : index
        %get3A_1291 = tpu.vector_load %arg9[%get3A_1289, %get3A_1290] {strides = array<i32>} : memref<1600x32xf32, #tpu.memory_space<vmem>>, vector<1x16xf32>,
        %get3A_1292 = vector.shape_cast %get3A_1291 : vector<1x16xf32> to vector<16xf32>
        %add3A_1293 = arith.addf %scan3A_1274, %get3A_1292 : vector<16xf32>
        %add3A_1294 = arith.constant 0 : i32
        %add3A_1295 = arith.addi %add3A_1279, %add3A_1294 : i32
        %add3A_1296 = arith.constant 1 : i32
        %add3A_1297 = arith.addi %add3A_1295, %add3A_1296 : i32
        %get3A_1298 = arith.index_cast %add3A_1297 : i32 to index
        %get3A_1299 = arith.constant 0 : index
        %get3A_1300 = tpu.vector_load %arg9[%get3A_1298, %get3A_1299] {strides = array<i32>} : memref<1600x32xf32, #tpu.memory_space<vmem>>, vector<1x16xf32>,
        %get3A_1301 = vector.shape_cast %get3A_1300 : vector<1x16xf32> to vector<16xf32>
        %add3A_1302 = arith.addf %scan3A_1273, %get3A_1301 : vector<16xf32>
        %add3A_1303 = arith.constant 0 : i32
        %add3A_1304 = arith.addi %add3A_1279, %add3A_1303 : i32
        %add3A_1305 = arith.constant 1 : i32
        %add3A_1306 = arith.addi %add3A_1304, %add3A_1305 : i32
        %get3A_1307 = arith.index_cast %add3A_1306 : i32 to index
        %get3A_1308 = arith.constant 16 : index
        %get3A_1309 = tpu.vector_load %arg9[%get3A_1307, %get3A_1308] {strides = array<i32>} : memref<1600x32xf32, #tpu.memory_space<vmem>>, vector<1x16xf32>,
        %get3A_1310 = vector.shape_cast %get3A_1309 : vector<1x16xf32> to vector<16xf32>
        %add3A_1311 = arith.addf %scan3A_1275, %get3A_1310 : vector<16xf32>
        %add3A_1312 = arith.constant 2 : i32
        %add3A_1313 = arith.addi %add3A_1279, %add3A_1312 : i32
        %get3A_1314 = arith.index_cast %add3A_1313 : i32 to index
        %get3A_1315 = arith.constant 0 : index
        %get3A_1316 = tpu.vector_load %arg9[%get3A_1314, %get3A_1315] {strides = array<i32>} : memref<1600x32xf32, #tpu.memory_space<vmem>>, vector<1x16xf32>,
        %get3A_1317 = vector.shape_cast %get3A_1316 : vector<1x16xf32> to vector<16xf32>
        %add3A_1318 = arith.addf %add3A_1286, %get3A_1317 : vector<16xf32>
        %add3A_1319 = arith.constant 2 : i32
        %add3A_1320 = arith.addi %add3A_1279, %add3A_1319 : i32
        %get3A_1321 = arith.index_cast %add3A_1320 : i32 to index
        %get3A_1322 = arith.constant 16 : index
        %get3A_1323 = tpu.vector_load %arg9[%get3A_1321, %get3A_1322] {strides = array<i32>} : memref<1600x32xf32, #tpu.memory_space<vmem>>, vector<1x16xf32>,
        %get3A_1324 = vector.shape_cast %get3A_1323 : vector<1x16xf32> to vector<16xf32>
        %add3A_1325 = arith.addf %add3A_1293, %get3A_1324 : vector<16xf32>
        %add3A_1326 = arith.constant 2 : i32
        %add3A_1327 = arith.addi %add3A_1279, %add3A_1326 : i32
        %add3A_1328 = arith.constant 1 : i32
        %add3A_1329 = arith.addi %add3A_1327, %add3A_1328 : i32
        %get3A_1330 = arith.index_cast %add3A_1329 : i32 to index
        %get3A_1331 = arith.constant 0 : index
        %get3A_1332 = tpu.vector_load %arg9[%get3A_1330, %get3A_1331] {strides = array<i32>} : memref<1600x32xf32, #tpu.memory_space<vmem>>, vector<1x16xf32>,
        %get3A_1333 = vector.shape_cast %get3A_1332 : vector<1x16xf32> to vector<16xf32>
        %add3A_1334 = arith.addf %add3A_1302, %get3A_1333 : vector<16xf32>
        %add3A_1335 = arith.constant 2 : i32
        %add3A_1336 = arith.addi %add3A_1279, %add3A_1335 : i32
        %add3A_1337 = arith.constant 1 : i32
        %add3A_1338 = arith.addi %add3A_1336, %add3A_1337 : i32
        %get3A_1339 = arith.index_cast %add3A_1338 : i32 to index
        %get3A_1340 = arith.constant 16 : index
        %get3A_1341 = tpu.vector_load %arg9[%get3A_1339, %get3A_1340] {strides = array<i32>} : memref<1600x32xf32, #tpu.memory_space<vmem>>, vector<1x16xf32>,
        %get3A_1342 = vector.shape_cast %get3A_1341 : vector<1x16xf32> to vector<16xf32>
        %add3A_1343 = arith.addf %add3A_1311, %get3A_1342 : vector<16xf32>
        %add3A_1344 = arith.constant 4 : i32
        %add3A_1345 = arith.addi %add3A_1279, %add3A_1344 : i32
        %get3A_1346 = arith.index_cast %add3A_1345 : i32 to index
        %get3A_1347 = arith.constant 0 : index
        %get3A_1348 = tpu.vector_load %arg9[%get3A_1346, %get3A_1347] {strides = array<i32>} : memref<1600x32xf32, #tpu.memory_space<vmem>>, vector<1x16xf32>,
        %get3A_1349 = vector.shape_cast %get3A_1348 : vector<1x16xf32> to vector<16xf32>
        %add3A_1350 = arith.addf %add3A_1318, %get3A_1349 : vector<16xf32>
        %add3A_1351 = arith.constant 4 : i32
        %add3A_1352 = arith.addi %add3A_1279, %add3A_1351 : i32
        %get3A_1353 = arith.index_cast %add3A_1352 : i32 to index
        %get3A_1354 = arith.constant 16 : index
        %get3A_1355 = tpu.vector_load %arg9[%get3A_1353, %get3A_1354] {strides = array<i32>} : memref<1600x32xf32, #tpu.memory_space<vmem>>, vector<1x16xf32>,
        %get3A_1356 = vector.shape_cast %get3A_1355 : vector<1x16xf32> to vector<16xf32>
        %add3A_1357 = arith.addf %add3A_1325, %get3A_1356 : vector<16xf32>
        %add3A_1358 = arith.constant 4 : i32
        %add3A_1359 = arith.addi %add3A_1279, %add3A_1358 : i32
        %add3A_1360 = arith.constant 1 : i32
        %add3A_1361 = arith.addi %add3A_1359, %add3A_1360 : i32
        %get3A_1362 = arith.index_cast %add3A_1361 : i32 to index
        %get3A_1363 = arith.constant 0 : index
        %get3A_1364 = tpu.vector_load %arg9[%get3A_1362, %get3A_1363] {strides = array<i32>} : memref<1600x32xf32, #tpu.memory_space<vmem>>, vector<1x16xf32>,
        %get3A_1365 = vector.shape_cast %get3A_1364 : vector<1x16xf32> to vector<16xf32>
        %add3A_1366 = arith.addf %add3A_1334, %get3A_1365 : vector<16xf32>
        %add3A_1367 = arith.constant 4 : i32
        %add3A_1368 = arith.addi %add3A_1279, %add3A_1367 : i32
        %add3A_1369 = arith.constant 1 : i32
        %add3A_1370 = arith.addi %add3A_1368, %add3A_1369 : i32
        %get3A_1371 = arith.index_cast %add3A_1370 : i32 to index
        %get3A_1372 = arith.constant 16 : index
        %get3A_1373 = tpu.vector_load %arg9[%get3A_1371, %get3A_1372] {strides = array<i32>} : memref<1600x32xf32, #tpu.memory_space<vmem>>, vector<1x16xf32>,
        %get3A_1374 = vector.shape_cast %get3A_1373 : vector<1x16xf32> to vector<16xf32>
        %add3A_1375 = arith.addf %add3A_1343, %get3A_1374 : vector<16xf32>
        %add3A_1376 = arith.constant 6 : i32
        %add3A_1377 = arith.addi %add3A_1279, %add3A_1376 : i32
        %get3A_1378 = arith.index_cast %add3A_1377 : i32 to index
        %get3A_1379 = arith.constant 0 : index
        %get3A_1380 = tpu.vector_load %arg9[%get3A_1378, %get3A_1379] {strides = array<i32>} : memref<1600x32xf32, #tpu.memory_space<vmem>>, vector<1x16xf32>,
        %get3A_1381 = vector.shape_cast %get3A_1380 : vector<1x16xf32> to vector<16xf32>
        %add3A_1382 = arith.addf %add3A_1350, %get3A_1381 : vector<16xf32>
        %add3A_1383 = arith.constant 6 : i32
        %add3A_1384 = arith.addi %add3A_1279, %add3A_1383 : i32
        %get3A_1385 = arith.index_cast %add3A_1384 : i32 to index
        %get3A_1386 = arith.constant 16 : index
        %get3A_1387 = tpu.vector_load %arg9[%get3A_1385, %get3A_1386] {strides = array<i32>} : memref<1600x32xf32, #tpu.memory_space<vmem>>, vector<1x16xf32>,
        %get3A_1388 = vector.shape_cast %get3A_1387 : vector<1x16xf32> to vector<16xf32>
        %add3A_1389 = arith.addf %add3A_1357, %get3A_1388 : vector<16xf32>
        %add3A_1390 = arith.constant 6 : i32
        %add3A_1391 = arith.addi %add3A_1279, %add3A_1390 : i32
        %add3A_1392 = arith.constant 1 : i32
        %add3A_1393 = arith.addi %add3A_1391, %add3A_1392 : i32
        %get3A_1394 = arith.index_cast %add3A_1393 : i32 to index
        %get3A_1395 = arith.constant 0 : index
        %get3A_1396 = tpu.vector_load %arg9[%get3A_1394, %get3A_1395] {strides = array<i32>} : memref<1600x32xf32, #tpu.memory_space<vmem>>, vector<1x16xf32>,
        %get3A_1397 = vector.shape_cast %get3A_1396 : vector<1x16xf32> to vector<16xf32>
        %add3A_1398 = arith.addf %add3A_1366, %get3A_1397 : vector<16xf32>
        %add3A_1399 = arith.constant 6 : i32
        %add3A_1400 = arith.addi %add3A_1279, %add3A_1399 : i32
        %add3A_1401 = arith.constant 1 : i32
        %add3A_1402 = arith.addi %add3A_1400, %add3A_1401 : i32
        %get3A_1403 = arith.index_cast %add3A_1402 : i32 to index
        %get3A_1404 = arith.constant 16 : index
        %get3A_1405 = tpu.vector_load %arg9[%get3A_1403, %get3A_1404] {strides = array<i32>} : memref<1600x32xf32, #tpu.memory_space<vmem>>, vector<1x16xf32>,
        %get3A_1406 = vector.shape_cast %get3A_1405 : vector<1x16xf32> to vector<16xf32>
        %add3A_1407 = arith.addf %add3A_1375, %get3A_1406 : vector<16xf32>
        scf.yield %add3A_1382, %add3A_1398, %add3A_1389, %add3A_1407 : vector<16xf32>, vector<16xf32>, vector<16xf32>, vector<16xf32>
      }
      %scan3A_1224 = arith.constant 25 : i32
      %add3A_1225 = arith.addf %scan3A_1223#0, %scan3A_1223#1 : vector<16xf32>
      %add3A_1226 = arith.addf %scan3A_1223#2, %scan3A_1223#3 : vector<16xf32>
      %mul3A_1227 = arith.mulf %add3A_1225, %get3A_4 : vector<16xf32>
      %mul3A_1228 = arith.mulf %add3A_1226, %get3A_9 : vector<16xf32>
      %add3A_1229 = arith.addf %mul3A_1227, %mul3A_1228 : vector<16xf32>
      %gather3A_1230 = vector.shape_cast %reshape3A : vector<16x1xi32> to vector<16xi32>
      %gather3A_1231 = tpu.dynamic_gather %add3A_1229[%gather3A_1230] in [0] : vector<16xf32>, vector<16xi32> -> vector<16xf32>
      %add3A_1232 = arith.addf %add3A_1229, %gather3A_1231 : vector<16xf32>
      %gather3A_1233 = vector.shape_cast %reshape3A_36 : vector<16x1xi32> to vector<16xi32>
      %gather3A_1234 = tpu.dynamic_gather %add3A_1232[%gather3A_1233] in [0] : vector<16xf32>, vector<16xi32> -> vector<16xf32>
      %add3A_1235 = arith.addf %add3A_1232, %gather3A_1234 : vector<16xf32>
      %gather3A_1236 = vector.shape_cast %reshape3A_43 : vector<16x1xi32> to vector<16xi32>
      %gather3A_1237 = tpu.dynamic_gather %add3A_1235[%gather3A_1236] in [0] : vector<16xf32>, vector<16xi32> -> vector<16xf32>
      %add3A_1238 = arith.addf %add3A_1235, %gather3A_1237 : vector<16xf32>
      %gather3A_1239 = vector.shape_cast %reshape3A_50 : vector<16x1xi32> to vector<16xi32>
      %gather3A_1240 = tpu.dynamic_gather %add3A_1238[%gather3A_1239] in [0] : vector<16xf32>, vector<16xi32> -> vector<16xf32>
      %add3A_1241 = arith.addf %add3A_1238, %gather3A_1240 : vector<16xf32>
      %mul3A_1242 = arith.mulf %add3A_1225, %get3A_14 : vector<16xf32>
      %mul3A_1243 = arith.mulf %add3A_1226, %get3A_19 : vector<16xf32>
      %add3A_1244 = arith.addf %mul3A_1242, %mul3A_1243 : vector<16xf32>
      %gather3A_1245 = vector.shape_cast %reshape3A : vector<16x1xi32> to vector<16xi32>
      %gather3A_1246 = tpu.dynamic_gather %add3A_1244[%gather3A_1245] in [0] : vector<16xf32>, vector<16xi32> -> vector<16xf32>
      %add3A_1247 = arith.addf %add3A_1244, %gather3A_1246 : vector<16xf32>
      %gather3A_1248 = vector.shape_cast %reshape3A_36 : vector<16x1xi32> to vector<16xi32>
      %gather3A_1249 = tpu.dynamic_gather %add3A_1247[%gather3A_1248] in [0] : vector<16xf32>, vector<16xi32> -> vector<16xf32>
      %add3A_1250 = arith.addf %add3A_1247, %gather3A_1249 : vector<16xf32>
      %gather3A_1251 = vector.shape_cast %reshape3A_43 : vector<16x1xi32> to vector<16xi32>
      %gather3A_1252 = tpu.dynamic_gather %add3A_1250[%gather3A_1251] in [0] : vector<16xf32>, vector<16xi32> -> vector<16xf32>
      %add3A_1253 = arith.addf %add3A_1250, %gather3A_1252 : vector<16xf32>
      %gather3A_1254 = vector.shape_cast %reshape3A_50 : vector<16x1xi32> to vector<16xi32>
      %gather3A_1255 = tpu.dynamic_gather %add3A_1253[%gather3A_1254] in [0] : vector<16xf32>, vector<16xi32> -> vector<16xf32>
      %add3A_1256 = arith.addf %add3A_1253, %gather3A_1255 : vector<16xf32>
      %eq3A_1257 = arith.constant 14 : i32
      %eq3A_1258 = vector.broadcast %eq3A_1257 : i32 to vector<16xi32>
      %eq3A_1259 = arith.cmpi eq, %iota3A, %eq3A_1258 : vector<16xi32>
      %select_n3A_1260 = arith.select %eq3A_1259, %add3A_1241, %select_n3A_1216 : vector<16xi1>, vector<16xf32>
      %eq3A_1261 = arith.constant 15 : i32
      %eq3A_1262 = vector.broadcast %eq3A_1261 : i32 to vector<16xi32>
      %eq3A_1263 = arith.cmpi eq, %iota3A, %eq3A_1262 : vector<16xi32>
      %select_n3A_1264 = arith.select %eq3A_1263, %add3A_1256, %select_n3A_1260 : vector<16xi1>, vector<16xf32>
      %add3A_1265 = arith.addf %select_n3A_1264, %get3A_24 : vector<16xf32>
      %swap3A_1266 = arith.index_cast %add3A_878 : i32 to index
      %swap3A_1267 = arith.constant 0 : index
      %swap3A_1268 = tpu.vector_load %arg10[%swap3A_1266, %swap3A_1267] {strides = array<i32>} : memref<64x16xf32, #tpu.memory_space<vmem>>, vector<1x16xf32>,
      %swap3A_1269 = vector.shape_cast %swap3A_1268 : vector<1x16xf32> to vector<16xf32>
      %swap3A_1270 = vector.shape_cast %add3A_1265 : vector<16xf32> to vector<1x16xf32>
      tpu.vector_store %arg10[%swap3A_1266, %swap3A_1267], %swap3A_1270 {strides = array<i32>} : memref<64x16xf32, #tpu.memory_space<vmem>>, vector<1x16xf32>,
    }
    %scan3A_164 = arith.constant 32 : i32
    %mul3A_165 = arith.constant 64 : i32
    %mul3A_166 = arith.muli %add3A, %mul3A_165 : i32
    "tpu.region"() ({
      %run_scoped3A = tpu.sem_alloc : memref<!tpu.dma_semaphore, #tpu.memory_space<semaphore_mem>>
      %dma_start3A_167 = arith.constant 0 : i32
      %dma_start3A_168 = tpu.memref_slice %arg5[%mul3A_166, %dma_start3A_167] : memref<2048x16xf32, #tpu.memory_space<hbm>> -> memref<64x16xf32, #tpu.memory_space<hbm>>
      %dma_start3A_169 = arith.constant 0 : i32
      %dma_start3A_170 = tpu.memref_slice %arg5[%mul3A_166, %dma_start3A_169] : memref<2048x16xf32, #tpu.memory_space<hbm>> -> memref<64x16xf32, #tpu.memory_space<hbm>>
      tpu.enqueue_dma source(%arg10 : memref<64x16xf32, #tpu.memory_space<vmem>>) target(%dma_start3A_170 : memref<64x16xf32, #tpu.memory_space<hbm>>) target_semaphore(%run_scoped3A : memref<!tpu.dma_semaphore, #tpu.memory_space<semaphore_mem>>)
      %dma_wait3A = arith.constant 0 : i32
      %dma_wait3A_171 = tpu.memref_slice %arg5[%mul3A_166, %dma_wait3A] : memref<2048x16xf32, #tpu.memory_space<hbm>> -> memref<64x16xf32, #tpu.memory_space<hbm>>
      %dma_wait3A_172 = arith.constant 0 : i32
      %dma_wait3A_173 = tpu.memref_slice %arg5[%mul3A_166, %dma_wait3A_172] : memref<2048x16xf32, #tpu.memory_space<hbm>> -> memref<64x16xf32, #tpu.memory_space<hbm>>
      tpu.wait_dma2 semaphore(%run_scoped3A : memref<!tpu.dma_semaphore, #tpu.memory_space<semaphore_mem>>) src(%arg10 : memref<64x16xf32, #tpu.memory_space<vmem>>) dst(%dma_wait3A_173 : memref<64x16xf32, #tpu.memory_space<hbm>>)
      tpu.yield
    }) : () -> ()
    return
  }
}

</mosaic_0001>

<sc_bundles>
// kernel: kernel.3.cloned.1.call-start
scs
__scs_entry_jumppad:
0x0: {  	(pc) =	sbr.rel $0x88, $3  }
0x1: {  	(tag) =	ssettag $0x0;
	lr =	simm.s32 $0x1  }
0x2: {  	[smem:$0x3F9D] =	sst lr;
	_ =	strace $0xD0000000  }
0x3: {  	_ = 	snop  }
0x4: {  	_ = 	snop  }
0x5: {  	_ = 	snop  }
0x6: {  	_ = 	snop  }
0x7: {  	_ = 	snop  }
__scs_overlays_trampoline_lowered:
0x8: {  	[smem:$0x3FAC] =	sst s0  }
0x9: {  	[smem:$0x3FAD] =	sst s1  }
0xa: {  	[smem:$0x3FAE] =	sst s2  }
0xb: {  	[smem:$0x3FAF] =	sst s3  }
0xc: {  	[smem:$0x3FB0] =	sst s4  }
0xd: {  	[smem:$0x3FB1] =	sst s5  }
0xe: {  	[smem:$0x3FB2] =	sst s6  }
0xf: {  	[smem:$0x3FB3] =	sst s7  }
0x10: {  	[smem:$0x3FB4] =	sst s8  }
0x11: {  	[smem:$0x3FB5] =	sst s9;
	s0 =	simm.s32 @!p0 $0x0  }
0x12: {  	s1 =	sld [smem:$0x3F9B];
	s0 =	simm.s32 @p0 $0x1  }
0x13: {  	[smem:$0x3FB6] =	sst s0;
	s0 =	simm.s32 @!p1 $0x0  }
0x14: {  	s2 =	sld [smem:$0x3F9A];
	s0 =	simm.s32 @p1 $0x1  }
0x15: {  	[smem:$0x3FB7] =	sst s0;
	s0 =	simm.s32 @!p2 $0x0  }
0x16: {  	s3 =	sld [smem:$0x3FDB];
	s0 =	simm.s32 @p2 $0x1  }
0x17: {  	s4 =	simm.s32 $0x1BF5;
	[smem:$0x3FB9] =	sst s0  }
0x18: {  	s0 =	sld [smem:$0x3F9C];
	_ =	swait.ge [sflag:s4], $0x0  }
0x19: {  	s7 =	sld [smem:$0x3F9D]  }
0x1a: {  	s8 =	sadd.s32 $0xFFFFE003, lr  }
0x1b: {  	s9 =	sadd.s32 $0xFFFFFEF7, lr;
	s5 =	simm.s32 $0xFFFFFFFF;
	p2 =	slt.u32 s8, $0xFFFFF086  }
0x1c: {  	p1 =	slt.u32 s9, $0xF7A;
	s5 =	simm.s32 @!p2 $0x0  }
0x1d: {  	s5 =	simm.s32 @p1 $0x1;
	p0 =	seq.s32 s7, s2  }
0x1e: {  	s7 =	smul.u32 @!p0 $0xF7A, s2;
	p2 =	seq.s32 @!p0 s5, $0x0  }
0x1f: {  	s9 =	smul.u32 $0xF7A, s1;
	s8 =	simm.s32 @!p0 $0x1BF5;
	p2 =	por !p2, p0  }
0x20: {  	[sflag:s8] =	ssyncset.s32 @!p0 $0xFFFFF086;
	s6 =	sadd.s32 @!p0 s3, s7;
	s7 =	simm.s32 @!p0 $0x108  }
0x21: {  	s3 =	sadd.s32 s3, s9;
	s6 =	sadd.s32 @!p0 $0x88, s6;
	s7 =	simm.s32 @p2 $0x1082  }
0x22: {  	[simem:s7], [sflag:s8] =	dma.local @!p0 [hbm:s6], $0xF7A  }
0x23: {  	s9 =	sor.u32 $0xD0000000, s2;
	s6 =	simm.s32 $0x108;
	_ =	swait.ge @!p0 [sflag:s8], $0x0  }
0x24: {  	s3 =	sadd.s32 $0x88, s3;
	s6 =	simm.s32 @!p1 $0x1082;
	[sflag:s4] =	ssyncset.s32 $0xFFFFF086  }
0x25: {  	[simem:s6], [sflag:s4] =	dma.local [hbm:s3], $0xF7A  }
0x26: {  	[smem:$0x3F9D] =	sst s1;
	(tag) =	ssettag s2;
	_ =	strace s9  }
0x27: {  	s1 =	sld [smem:$0x3FAD]  }
0x28: {  	s2 =	sld [smem:$0x3FAE]  }
0x29: {  	s4 =	sld [smem:$0x3FB0]  }
0x2a: {  	p0 =	seq.s32 s5, $0x0;
	s5 =	sld [smem:$0x3FB1]  }
0x2b: {  	s6 =	sld [smem:$0x3FB2]  }
0x2c: {  	s7 =	sld [smem:$0x3FB3]  }
0x2d: {  	s3 =	simm.s32 $0x108;
	s8 =	sld [smem:$0x3FB4]  }
0x2e: {  	s3 =	simm.s32 @!p0 $0x1082;
	s9 =	sld [smem:$0x3FB5]  }
0x2f: {  	lr =	sadd.s32 s0, s3;
	s0 =	sld [smem:$0x3FAC]  }
0x30: {  	s3 =	sld [smem:$0x3FAF]  }
0x31: {  	[smem:$0x3FB8] =	sst s10  }
0x32: {  	s10 =	sld [smem:$0x3FB6];
	_ =	sdelay $0x3  }
0x33: {  	p0 =	seq.s32 s10, $0x1;
	s10 =	sld [smem:$0x3FB8];
	_ =	sdelay $0x3  }
0x34: {  	[smem:$0x3FB8] =	sst s10  }
0x35: {  	s10 =	sld [smem:$0x3FB7];
	_ =	sdelay $0x3  }
0x36: {  	p1 =	seq.s32 s10, $0x1;
	s10 =	sld [smem:$0x3FB8];
	_ =	sdelay $0x3  }
0x37: {  	[smem:$0x3FB8] =	sst s10  }
0x38: {  	s10 =	sld [smem:$0x3FB9]  }
0x39: {  	_ = 	snop;
	(pc) =	sbr.ind lr, $3  }
0x3a: {  	_ = 	snop  }
0x3b: {  	_ = 	snop  }
0x3c: {  	p2 =	seq.s32 s10, $0x1;
	s10 =	sld [smem:$0x3FB8]  }
0x3d: {  	_ =	shalt  }
0x3e: {  	_ =	shalt  }
0x3f: {  	_ =	shalt  }
0x40: {  	_ =	shalt  }
0x41: {  	_ =	shalt  }
0x42: {  	_ =	shalt  }
0x43: {  	_ =	shalt  }
0x44: {  	_ =	shalt  }
0x45: {  	_ =	shalt  }
0x46: {  	_ =	shalt  }
0x47: {  	_ =	shalt  }
0x48: {  	_ =	shalt  }
0x49: {  	_ =	shalt  }
0x4a: {  	_ =	shalt  }
0x4b: {  	_ =	shalt  }
0x4c: {  	_ =	shalt  }
0x4d: {  	_ =	shalt  }
0x4e: {  	_ =	shalt  }
0x4f: {  	_ =	shalt  }
0x50: {  	_ =	shalt  }
0x51: {  	_ =	shalt  }
0x52: {  	_ =	shalt  }
0x53: {  	_ =	shalt  }
0x54: {  	_ =	shalt  }
0x55: {  	_ =	shalt  }
0x56: {  	_ =	shalt  }
0x57: {  	_ =	shalt  }
0x58: {  	_ =	shalt  }
0x59: {  	_ =	shalt  }
0x5a: {  	_ =	shalt  }
0x5b: {  	_ =	shalt  }
0x5c: {  	_ =	shalt  }
0x5d: {  	_ =	shalt  }
0x5e: {  	_ =	shalt  }
0x5f: {  	_ =	shalt  }
0x60: {  	_ =	shalt  }
0x61: {  	_ =	shalt  }
0x62: {  	_ =	shalt  }
0x63: {  	_ =	shalt  }
0x64: {  	_ =	shalt  }
0x65: {  	_ =	shalt  }
0x66: {  	_ =	shalt  }
0x67: {  	_ =	shalt  }
0x68: {  	_ =	shalt  }
0x69: {  	_ =	shalt  }
0x6a: {  	_ =	shalt  }
0x6b: {  	_ =	shalt  }
0x6c: {  	_ =	shalt  }
0x6d: {  	_ =	shalt  }
0x6e: {  	_ =	shalt  }
0x6f: {  	_ =	shalt  }
0x70: {  	_ =	shalt  }
0x71: {  	_ =	shalt  }
0x72: {  	_ =	shalt  }
0x73: {  	_ =	shalt  }
0x74: {  	_ =	shalt  }
0x75: {  	_ =	shalt  }
0x76: {  	_ =	shalt  }
0x77: {  	_ =	shalt  }
0x78: {  	_ =	shalt  }
0x79: {  	_ =	shalt  }
0x7a: {  	_ =	shalt  }
0x7b: {  	_ =	shalt  }
0x7c: {  	_ =	shalt  }
0x7d: {  	_ =	shalt  }
0x7e: {  	_ =	shalt  }
0x7f: {  	_ =	shalt  }
0x80: {  	_ =	shalt  }
0x81: {  	_ =	shalt  }
0x82: {  	_ =	shalt  }
0x83: {  	_ =	shalt  }
0x84: {  	_ =	shalt  }
0x85: {  	_ =	shalt  }
0x86: {  	_ =	shalt  }
0x87: {  	_ =	shalt  }
.Lfunc_end0:
.L_simem_size_0:
called_computation_lowered:
.L_overlay_start_0:
0x88: {  	s2 =	sld [smem:$0x3FD9]  }
0x89: {  	s3 =	sld [smem:$0x3FFE];
	_ =	sdelay $0x1  }
0x8a: {  	s1 =	srdreg.scid  }
0x8b: {  	s0 =	sand.u32 $0x1, s1  }
0x8c: {  	s17 =	sshll.u32 s0, $0xA;
	s2 =	sadd.s32 s3, s2  }
0x8d: {  	s2 =	sadd.s32 s2, s17  }
0x8e: {  	[smem:$0x3FC4] =	sst s2  }
0x8f: {  	_ = 	snop  }
0x90: {  	s2 =	sld [smem:$0x3FD0];
	(tm) =	ssettm $0x1  }
0x91: {  	s18 =	sld [smem:$0x3FFB];
	_ =	sdelay $0x3  }
0x92: {  	_ =	strace s18  }
0x93: {  	s3 =	sld [smem:$0x3FFC];
	_ =	sdelay $0x3  }
0x94: {  	_ =	strace s3  }
0x95: {  	s3 =	sld [smem:$0x3FFD];
	_ =	sdelay $0x3  }
0x96: {  	_ =	strace s3  }
0x97: {  	_ =	strace $0x8FFFFFFF  }
0x98: {  	s19 =	sld [smem:$0x3FDB];
	_ =	sdelay $0x1  }
0x99: {  	s4 =	simm.s32 $_scs_section_size  }
0x9a: {  	s5 =	simm.s32 $_size__tile_overlayer_lowered;
	s6 =	simm.s32 $_tile_overlayer_lowered  }
0x9b: {  	s22 =	simm.s32 $0x1BFF;
	s21 =	sshll.u32 s6, $0x1;
	s3 =	sadd.s32 s4, s19  }
0x9c: {  	s7 =	simm.s32 $0x0;
	s20 =	sshll.u32 s5, $0x1;
	s5 =	sadd.s32 s21, s3  }
0x9d: {  	[timem:s7], [sflag:s22] =	dma.local [hbm:s5], s20  }
0x9e: {  	_ =	swait.ge [sflag:s22], s20  }
0x9f: {  	s4 =	ssub.s32 $0x0, s20;
	[sflag:s22] =	ssyncset.done $0x0  }
0xa0: {  	[sflag:s22] =	ssyncadd.s32 s4;
	_ =	sdelay $0x1  }
0xa1: {  	s23 =	simm.s32 $0x1B8B  }
0xa2: {  	_ =	swait.ge [sflag:s23], $0x1  }
0xa3: {  	[sflag:s23] =	ssyncset.done $0x0  }
0xa4: {  	s25 =	simm.s32 $0x1B8E;
	s24 =	sld [smem:$0x3FFE];
	[sflag:s23] =	ssyncadd.s32 $0xFFFFFFFF  }
0xa5: {  	s26 =	simm.s32 $execute0_lowered;
	[smem:$0x3FD2] =	sst s25  }
0xa6: {  	s5 =	sshll.u32 s26, $0x1;
	_ =	strace $0x80000046;
	[dreg:$0x1] =	wrdreg $0xFFFFFFFF  }
0xa7: {  	s28 =	simm.s32 $_size_execute0_lowered;
	s3 =	sadd.s32 s3, s5;
	[dreg:$0x0] =	wrdreg $0x0  }
0xa8: {  	s5 =	sshll.u32 s28, $0x1;
	[dreg:$0x2] =	wrdreg s3  }
0xa9: {  	[dreg:$0x3] =	wrdreg s5  }
0xaa: {  	[dreg:$0x4] =	wrdreg $0xC0  }
0xab: {  	_ =	task [dreg:s7], $0x5FFFF  }
0xac: {  	[dreg:$0x1] =	wrdreg $0xFFFFFFFF  }
0xad: {  	[dreg:$0x0] =	wrdreg $0x60  }
0xae: {  	[dreg:$0x2] =	wrdreg s24  }
0xaf: {  	[dreg:$0x3] =	wrdreg s2  }
0xb0: {  	[dreg:$0x4] =	wrdreg $0x9  }
0xb1: {  	_ =	task.clear_ibuf [dreg:s7], $0x5FFFF;
	_ =	strace $0x90000046  }
0xb2: {  	s29 =	simm.s32 $0x9;
	_ =	strace $0x80000048  }
0xb3: {  	_ =	swait.ge [sflag:s29], $0x1  }
0xb4: {  	[sflag:s29] =	ssyncadd.s32 $0xFFFFFFFF  }
0xb5: {  	_ =	strace $0x90000048  }
0xb6: {  	_ =	sfence  }
0xb7: {  	s30 =	sld [smem:$0x0];
	_ =	sdelay $0x2  }
0xb8: {  	s31 =	sshll.u32 s1, $0xD;
	s1 =	sshrl.u32 s1, $0x2  }
0xb9: {  	s3 =	sand.u32 $0x4000, s31;
	s1 =	sadd.s32 s1, s30  }
0xba: {  	s0 =	sor.u32 s3, s0;
	s1 =	sshll.u32 s1, $0x11  }
0xbb: {  	s0 =	sor.u32 s1, s0  }
0xbc: {  	s0 =	sadd.s32 $0x8F2B, s0  }
0xbd: {  	[sflag:s0] =	ssyncadd.remote.s32 $0x1  }
0xbe: {  	_ =	sfence.sel $0xFFFF  }
0xbf: {  	[dreg:$0x0] =	wrdreg $0xFFFFFFFF;
	(pc) =	sbr.abs _section_cstart, $3  }
0xc0: {  	[dreg:$0x1] =	wrdreg $0xFFFFFFFF  }
0xc1: {  	_ =	task.clear_ibuf [dreg:s7], $0x2FFFF;
	_ =	strace $0x9FFFFFFF  }
0xc2: {  	(tm) =	ssettm $0x7FFFFFFF  }
0xc3: {  	_ =	shalt  }
tec
execute0_lowered:
.L_overlay_start_1:
0x0: {  	(tag) =	ssettag $0x1  }
0x1: {  	s0 =	rddreg [dreg:$0x0]  }
0x2: {  	s1 =	rddreg [dreg:$0x1];
	v0 =	vimm.s32 $0x76543210  }
0x3: {  	s24 =	simm.s32 $0x0;
	s2 =	srdreg.scid;
	s3 =	stileid.u32;
	v1 =	vimm.s32 $0xFEDCBA98;
	v2 =	vimm.s32 $0x3210FEDC;
	v3 =	vimm.s32 $0xBA987654  }
0x4: {  	s12 =	simm.s32 $0x3;
	s13 =	simm.s32 $0x80;
	v4 =	vimm.s32 $0x10FEDCBA;
	v5 =	vimm.s32 $0x98765432;
	s19 =	simm.s32 $0x640  }
0x5: {  	s16 =	simm.s32 $0x40;
	v6 =	vimm.s32 $0xFEDCBA9;
	v7 =	vimm.s32 $0x87654321;
	s30 =	simm.s32 $0x8C0;
	s31 =	simm.s32 $0x12480  }
0x6: {  	s11 =	simm.s32 $0x9C0;
	s14 =	simm.s32 $0x14480;
	s15 =	simm.s32 $0xA40;
	vm0 =	vmmov $0x1;
	vm1 =	vmmov $0x3;
	vm2 =	vmmov $0x7  }
0x7: {  	s17 =	simm.s32 $0x15480;
	s18 =	simm.s32 $0xAC0;
	s9 =	simm.s32 $0x17480;
	vm3 =	vmmov $0xf;
	vm4 =	vmmov $0x1f;
	vm5 =	vmmov $0x3f  }
0x8: {  	s10 =	simm.s32 $0xBC0;
	s20 =	simm.s32 $0xC40;
	s21 =	simm.s32 $0x19480;
	vm6 =	vmmov $0x7f;
	vm7 =	vmmov $0xff;
	vm8 =	vmmov $0x1ff  }
0x9: {  	s22 =	simm.s32 $0x1;
	s23 =	simm.s32 $0x2;
	s26 =	simm.s32 $0x0;
	vm9 =	vmmov $0x3ff;
	vm10 =	vmmov $0x7ff;
	vm11 =	vmmov $0xfff  }
0xa: {  	[smem:$0x7FF] =	sst s24;
	s2 =	sand.u32 $0x1, s2;
	s4 =	sshll.u32 s3, $0x1;
	v1 =	vunpack.c.l.s4.s8 v1;
	v0 =	vunpack.c.l.s4.s8 v0;
	v2 =	vunpack.c.l.s4.s8 v2  }
0xb: {  	s3 =	sadd.s32 $0xA00, s0;
	v3 =	vunpack.c.l.s4.s8 v3;
	v4 =	vunpack.c.l.s4.s8 v4;
	v5 =	vunpack.c.l.s4.s8 v5;
	_ =	strace $0x80000047;
	s5 =	ssub.s32 $0x2, s2  }
0xc: {  	v6 =	vunpack.c.l.s4.s8 v6;
	v7 =	vunpack.c.l.s4.s8 v7;
	s2 =	sor.u32 s2, s4;
	s4 =	sadd.s32 $0xF42E00, s0;
	s0 =	sadd.s32 $0x64A00, s0;
	v1 =	vunpack.c.0.s8.s32 v1  }
0xd: {  	s6 =	sshrl.u32 s5, $0x1;
	s7 =	smul.u32 $0x3200, s2;
	[dreg:$0x3] =	wrdreg s0;
	v2 =	vunpack.c.0.s8.s32 v2;
	v3 =	vunpack.c.0.s8.s32 v3;
	v4 =	vunpack.c.0.s8.s32 v4  }
0xe: {  	v5 =	vunpack.c.0.s8.s32 v5;
	v6 =	vunpack.c.0.s8.s32 v6;
	v7 =	vunpack.c.0.s8.s32 v7;
	s28 =	ssub.s32 s5, s6;
	s6 =	sshll.u32 s2, $0x6;
	s2 =	sshll.u32 s2, $0x7  }
0xf: {  	vm12 =	vmmov $0x1fff;
	v0 =	vunpack.c.0.s8.s32 v0;
	s5 =	simm.s32 $0x16480;
	s29 =	sadd.s32 s3, s7;
	s8 =	sor.u32 $0x2, s6;
	v2 =	vcombine.low v3, v2  }
0x10: {  	s1 =	sadd.s32 s1, s2;
	s0 =	smax.u32 s28, $0x1;
	v3 =	vcombine.low v5, v4;
	v4 =	vcombine.low v7, v6;
	v1 =	vand.u32 $0xF, v1;
	[dreg:$0x4] =	wrdreg s29  }
0x11: {  	vm13 =	vmmov $0x3fff;
	vm14 =	vmmov $0x7fff;
	s7 =	simm.s32 $0xB40;
	s2 =	simm.s32 $0x18480;
	[dreg:$0x5] =	wrdreg s1;
	v0 =	vcombine.low v1, v0  }
0x12: {  	[dreg:$0x6] =	wrdreg s0;
	s0 =	simm.s32 $0x940;
	s1 =	simm.s32 $0x13480;
	v1 =	vand.u32 $0xF, v2;
	v2 =	vand.u32 $0xF, v3;
	v3 =	vand.u32 $0xF, v4  }
.LBB2_1:
0x13: {  	[dreg:$0x7] =	wrdreg s26  }
0x14: {  	s25 =	rddreg [dreg:$0x3];
	s29 =	simm.s32 $0x1A080  }
0x15: {  	[tilespmem:s29], [sflag:$0x3] =	stream.linear.gather [hbm4b:s25+s24], $0x50, $0x38;
	[tilespmem:$0x1A0D0] =	vst v63  }
0x16: {  	_ =	swait.ge [sflag:s12], $0x50  }
0x17: {  	[sflag:s12] =	ssyncset.done $0x0  }
0x18: {  	[sflag:s12] =	ssyncadd.s32 $0xFFFFFFB0  }
0x19: {  	v4 =	vld [tilespmem:$0x1A080]  }
0x1a: {  	v5 =	vld [tilespmem:$0x1A090]  }
0x1b: {  	v6 =	vld [tilespmem:$0x1A0A0]  }
0x1c: {  	s28 =	rddreg [dreg:$0x4];
	v7 =	vld [tilespmem:$0x1A0B0]  }
0x1d: {  	v8 =	vld [tilespmem:$0x1A0C0];
	[tilespmem:s24], [sflag:$0x3] =	stream.linear.gather [hbm4b:s28+s24], $0x640, $0x38  }
0x1e: {  	_ =	swait.ge [sflag:s12], $0x640  }
0x1f: {  	[sflag:s12] =	ssyncset.done $0x0  }
0x20: {  	s29 =	simm.s32 $0xC80;
	[sflag:s12] =	ssyncadd.s32 $0xFFFFF9C0  }
0x21: {  	[tilespmem:s29], [sflag:$0x1] =	stream.indirect.gather [hbm4b:s4+s13], $0x20, s24, s13, $0xb8;
	[tilespmem:$0x1A0D0] =	vst v63  }
0x22: {  	s26 =	simm.s32 $0x1C80  }
0x23: {  	[tilespmem:s26], [sflag:$0x1] =	stream.indirect.gather [hbm4b:s4+s13], $0x20, s13, s13, $0xb8;
	[tilespmem:$0x1A0D0] =	vst v63  }
0x24: {  	s28 =	simm.s32 $0x100;
	s29 =	simm.s32 $0x2C80  }
0x25: {  	[tilespmem:s29], [sflag:$0x1] =	stream.indirect.gather [hbm4b:s4+s13], $0x20, s28, s13, $0xb8;
	[tilespmem:$0x1A0D0] =	vst v63  }
0x26: {  	s25 =	simm.s32 $0x180;
	s26 =	simm.s32 $0x3C80  }
0x27: {  	[tilespmem:s26], [sflag:$0x1] =	stream.indirect.gather [hbm4b:s4+s13], $0x20, s25, s13, $0xb8;
	[tilespmem:$0x1A0D0] =	vst v63  }
0x28: {  	s28 =	simm.s32 $0x200;
	s29 =	simm.s32 $0x4C80  }
0x29: {  	[tilespmem:s29], [sflag:$0x1] =	stream.indirect.gather [hbm4b:s4+s13], $0x20, s28, s13, $0xb8;
	[tilespmem:$0x1A0D0] =	vst v63  }
0x2a: {  	s25 =	simm.s32 $0x280;
	s26 =	simm.s32 $0x5C80  }
0x2b: {  	[tilespmem:s26], [sflag:$0x1] =	stream.indirect.gather [hbm4b:s4+s13], $0x20, s25, s13, $0xb8;
	[tilespmem:$0x1A0D0] =	vst v63  }
0x2c: {  	s28 =	simm.s32 $0x300;
	s29 =	simm.s32 $0x6C80  }
0x2d: {  	[tilespmem:s29], [sflag:$0x1] =	stream.indirect.gather [hbm4b:s4+s13], $0x20, s28, s13, $0xb8;
	[tilespmem:$0x1A0D0] =	vst v63  }
0x2e: {  	s25 =	simm.s32 $0x380;
	s26 =	simm.s32 $0x7C80  }
0x2f: {  	[tilespmem:s26], [sflag:$0x1] =	stream.indirect.gather [hbm4b:s4+s13], $0x20, s25, s13, $0xb8;
	[tilespmem:$0x1A0D0] =	vst v63  }
0x30: {  	s28 =	simm.s32 $0x400;
	s29 =	simm.s32 $0x8C80  }
0x31: {  	[tilespmem:s29], [sflag:$0x1] =	stream.indirect.gather [hbm4b:s4+s13], $0x20, s28, s13, $0xb8;
	[tilespmem:$0x1A0D0] =	vst v63  }
0x32: {  	s25 =	simm.s32 $0x480;
	s26 =	simm.s32 $0x9C80  }
0x33: {  	[tilespmem:s26], [sflag:$0x1] =	stream.indirect.gather [hbm4b:s4+s13], $0x20, s25, s13, $0xb8;
	[tilespmem:$0x1A0D0] =	vst v63  }
0x34: {  	s28 =	simm.s32 $0x500;
	s29 =	simm.s32 $0xAC80  }
0x35: {  	[tilespmem:s29], [sflag:$0x1] =	stream.indirect.gather [hbm4b:s4+s13], $0x20, s28, s13, $0xb8;
	[tilespmem:$0x1A0D0] =	vst v63  }
0x36: {  	s25 =	simm.s32 $0x580;
	s26 =	simm.s32 $0xBC80  }
0x37: {  	[tilespmem:s26], [sflag:$0x1] =	stream.indirect.gather [hbm4b:s4+s13], $0x20, s25, s13, $0xb8;
	[tilespmem:$0x1A0D0] =	vst v63  }
0x38: {  	s24 =	simm.s32 $0x0;
	s28 =	simm.s32 $0x600;
	s29 =	simm.s32 $0xCC80  }
0x39: {  	[tilespmem:s29], [sflag:$0x1] =	stream.indirect.gather [hbm4b:s4+s16], $0x20, s28, s16, $0xb8;
	[tilespmem:$0x1A0D0] =	vst v63  }
.LBB2_2:
0x3a: {  	s25 =	sshllo.u32 s24, $0x1  }
0x3b: {  	s26 =	sadd.s32 s6, s25  }
0x3c: {  	s26 =	smul.u32 $0xC8, s26;
	_ =	sdelay $0x1  }
0x3d: {  	s28 =	simm.s32 $0x0;
	s26 =	sadd.s32 s3, s26  }
0x3e: {  	[tilespmem:s19], [sflag:$0x3] =	stream.linear.gather [hbm4b:s26+s28], $0x640, $0x38;
	[tilespmem:$0x1A0D0] =	vst v63  }
0x3f: {  	_ =	swait.ge [sflag:s12], $0x640  }
0x40: {  	[sflag:s12] =	ssyncset.done $0x0  }
0x41: {  	s26 =	simm.s32 $0xD480;
	[sflag:s12] =	ssyncadd.s32 $0xFFFFF9C0  }
0x42: {  	[tilespmem:s26], [sflag:$0x2] =	stream.indirect.gather [hbm4b:s4+s13], $0x20, s19, s13, $0xb8;
	[tilespmem:$0x1A0D0] =	vst v63  }
0x43: {  	s28 =	simm.s32 $0xE480;
	s26 =	simm.s32 $0x6C0  }
0x44: {  	[tilespmem:s28], [sflag:$0x2] =	stream.indirect.gather [hbm4b:s4+s13], $0x20, s26, s13, $0xb8;
	[tilespmem:$0x1A0D0] =	vst v63  }
0x45: {  	s26 =	simm.s32 $0x740;
	s28 =	simm.s32 $0xF480  }
0x46: {  	[tilespmem:s28], [sflag:$0x2] =	stream.indirect.gather [hbm4b:s4+s13], $0x20, s26, s13, $0xb8;
	[tilespmem:$0x1A0D0] =	vst v63  }
0x47: {  	s26 =	simm.s32 $0x7C0;
	s28 =	simm.s32 $0x10480  }
0x48: {  	[tilespmem:s28], [sflag:$0x2] =	stream.indirect.gather [hbm4b:s4+s13], $0x20, s26, s13, $0xb8;
	[tilespmem:$0x1A0D0] =	vst v63  }
0x49: {  	s26 =	simm.s32 $0x840;
	s28 =	simm.s32 $0x11480  }
0x4a: {  	[tilespmem:s28], [sflag:$0x2] =	stream.indirect.gather [hbm4b:s4+s13], $0x20, s26, s13, $0xb8;
	[tilespmem:$0x1A0D0] =	vst v63  }
0x4b: {  	_ = 	snop  }
0x4c: {  	[tilespmem:s31], [sflag:$0x2] =	stream.indirect.gather [hbm4b:s4+s13], $0x20, s30, s13, $0xb8;
	[tilespmem:$0x1A0D0] =	vst v63  }
0x4d: {  	_ = 	snop  }
0x4e: {  	[tilespmem:s1], [sflag:$0x2] =	stream.indirect.gather [hbm4b:s4+s13], $0x20, s0, s13, $0xb8;
	[tilespmem:$0x1A0D0] =	vst v63  }
0x4f: {  	_ = 	snop  }
0x50: {  	[tilespmem:s14], [sflag:$0x2] =	stream.indirect.gather [hbm4b:s4+s13], $0x20, s11, s13, $0xb8;
	[tilespmem:$0x1A0D0] =	vst v63  }
0x51: {  	_ = 	snop  }
0x52: {  	[tilespmem:s17], [sflag:$0x2] =	stream.indirect.gather [hbm4b:s4+s13], $0x20, s15, s13, $0xb8;
	[tilespmem:$0x1A0D0] =	vst v63  }
0x53: {  	_ = 	snop  }
0x54: {  	[tilespmem:s5], [sflag:$0x2] =	stream.indirect.gather [hbm4b:s4+s13], $0x20, s18, s13, $0xb8;
	[tilespmem:$0x1A0D0] =	vst v63  }
0x55: {  	_ = 	snop  }
0x56: {  	[tilespmem:s9], [sflag:$0x2] =	stream.indirect.gather [hbm4b:s4+s13], $0x20, s7, s13, $0xb8;
	[tilespmem:$0x1A0D0] =	vst v63  }
0x57: {  	_ = 	snop  }
0x58: {  	[tilespmem:s2], [sflag:$0x2] =	stream.indirect.gather [hbm4b:s4+s13], $0x20, s10, s13, $0xb8;
	[tilespmem:$0x1A0D0] =	vst v63  }
0x59: {  	_ = 	snop  }
0x5a: {  	[tilespmem:s21], [sflag:$0x2] =	stream.indirect.gather [hbm4b:s4+s16], $0x20, s20, s16, $0xb8;
	[tilespmem:$0x1A0D0] =	vst v63  }
0x5b: {  	_ =	swait.ge [sflag:s22], $0x1000  }
0x5c: {  	[sflag:s22] =	ssyncset.done $0x0  }
0x5d: {  	[sflag:s22] =	ssyncadd.s32 $0xFFFFF000  }
0x5e: {  	_ =	swait.ge [sflag:s22], $0x1000  }
0x5f: {  	[sflag:s22] =	ssyncset.done $0x0  }
0x60: {  	[sflag:s22] =	ssyncadd.s32 $0xFFFFF000  }
0x61: {  	_ =	swait.ge [sflag:s22], $0x1000  }
0x62: {  	[sflag:s22] =	ssyncset.done $0x0  }
0x63: {  	[sflag:s22] =	ssyncadd.s32 $0xFFFFF000  }
0x64: {  	_ =	swait.ge [sflag:s22], $0x1000  }
0x65: {  	[sflag:s22] =	ssyncset.done $0x0  }
0x66: {  	[sflag:s22] =	ssyncadd.s32 $0xFFFFF000  }
0x67: {  	_ =	swait.ge [sflag:s22], $0x1000  }
0x68: {  	[sflag:s22] =	ssyncset.done $0x0  }
0x69: {  	[sflag:s22] =	ssyncadd.s32 $0xFFFFF000  }
0x6a: {  	_ =	swait.ge [sflag:s22], $0x1000  }
0x6b: {  	[sflag:s22] =	ssyncset.done $0x0  }
0x6c: {  	[sflag:s22] =	ssyncadd.s32 $0xFFFFF000  }
0x6d: {  	_ =	swait.ge [sflag:s22], $0x1000  }
0x6e: {  	[sflag:s22] =	ssyncset.done $0x0  }
0x6f: {  	[sflag:s22] =	ssyncadd.s32 $0xFFFFF000  }
0x70: {  	_ =	swait.ge [sflag:s22], $0x1000  }
0x71: {  	[sflag:s22] =	ssyncset.done $0x0  }
0x72: {  	[sflag:s22] =	ssyncadd.s32 $0xFFFFF000  }
0x73: {  	_ =	swait.ge [sflag:s22], $0x1000  }
0x74: {  	[sflag:s22] =	ssyncset.done $0x0  }
0x75: {  	[sflag:s22] =	ssyncadd.s32 $0xFFFFF000  }
0x76: {  	_ =	swait.ge [sflag:s22], $0x1000  }
0x77: {  	[sflag:s22] =	ssyncset.done $0x0  }
0x78: {  	[sflag:s22] =	ssyncadd.s32 $0xFFFFF000  }
0x79: {  	_ =	swait.ge [sflag:s22], $0x1000  }
0x7a: {  	[sflag:s22] =	ssyncset.done $0x0  }
0x7b: {  	[sflag:s22] =	ssyncadd.s32 $0xFFFFF000  }
0x7c: {  	_ =	swait.ge [sflag:s22], $0x1000  }
0x7d: {  	[sflag:s22] =	ssyncset.done $0x0  }
0x7e: {  	[sflag:s22] =	ssyncadd.s32 $0xFFFFF000  }
0x7f: {  	_ =	swait.ge [sflag:s22], $0x800  }
0x80: {  	[sflag:s22] =	ssyncset.done $0x0  }
0x81: {  	s28 =	simm.s32 $0x0;
	[sflag:s22] =	ssyncadd.s32 $0xFFFFF800  }
0x82: {  	v9 =	vld [tilespmem:s28+$0xD40]  }
0x83: {  	v11 =	vld [tilespmem:s28+$0xD50]  }
0x84: {  	v10 =	vld [tilespmem:s28+$0xD00]  }
0x85: {  	v12 =	vld [tilespmem:s28+$0xD10]  }
0x86: {  	v13 =	vld [tilespmem:s28+$0xCC0]  }
0x87: {  	v14 =	vld [tilespmem:s28+$0xCD0]  }
0x88: {  	v19 =	vld [tilespmem:s28+$0xC80]  }
0x89: {  	v15 =	vimm.f32 $0.0e+00;
	v21 =	vld [tilespmem:s28+$0xC90]  }
0x8a: {  	s29 =	simm.s32 $0x400;
	v18 =	vimm.f32 $0.0e+00;
	v16 =	vimm.f32 $0.0e+00;
	v17 =	vimm.f32 $0.0e+00;
	s26 =	sshll.u32 s24, $0x1;
	v20 =	vld [tilespmem:s28+$0xCA0]  }
.LBB2_3:
0x8b: {  	p0 =	sne.s32 s29, $0x6000;
	v22 =	vld [tilespmem:s28+$0xCB0]  }
0x8c: {  	v23 =	vld [tilespmem:s28+$0xCE0]  }
0x8d: {  	v24 =	vld [tilespmem:s28+$0xCF0]  }
0x8e: {  	v25 =	vld [tilespmem:s28+$0xD20]  }
0x8f: {  	v15 =	vadd.f32 v19, v15;
	v18 =	vadd.f32 v21, v18;
	v19 =	vld [tilespmem:s28+$0xD30]  }
0x90: {  	v16 =	vadd.f32 v20, v16;
	v17 =	vadd.f32 v22, v17;
	v20 =	vld [tilespmem:s28+$0xD60]  }
0x91: {  	v13 =	vadd.f32 v13, v15;
	v14 =	vadd.f32 v14, v18;
	v21 =	vld [tilespmem:s28+$0xD70];
	s28 =	sshra.s32 s29, $0x2  }
0x92: {  	v15 =	vadd.f32 v23, v16;
	v22 =	vld [tilespmem:s28+$0xD40];
	v16 =	vadd.f32 v24, v17  }
0x93: {  	v13 =	vadd.f32 v10, v13;
	v14 =	vadd.f32 v12, v14;
	v23 =	vld [tilespmem:s28+$0xD50]  }
0x94: {  	v17 =	vadd.f32 v25, v15;
	v10 =	vld [tilespmem:s28+$0xD00];
	v19 =	vadd.f32 v19, v16  }
0x95: {  	v15 =	vadd.f32 v9, v13;
	v18 =	vadd.f32 v11, v14;
	v12 =	vld [tilespmem:s28+$0xD10]  }
.Ltmp0:
0x96: {  	v16 =	vadd.f32 v20, v17;
	v13 =	vld [tilespmem:s28+$0xCC0];
	v17 =	vadd.f32 v21, v19;
	(pc) =	sbr.rel @p0 .LBB2_3-.Ltmp0, $4  }
0x97: {  	v14 =	vld [tilespmem:s28+$0xCD0];
	v9 =	vmov v22  }
0x98: {  	v19 =	vld [tilespmem:s28+$0xC80];
	v11 =	vmov v23  }
0x99: {  	v21 =	vld [tilespmem:s28+$0xC90]  }
0x9a: {  	s29 =	sadd.s32 $0x400, s29;
	v20 =	vld [tilespmem:s28+$0xCA0]  }
0x9b: {  	v22 =	vld [tilespmem:s28+$0xCB0]  }
0x9c: {  	v23 =	vld [tilespmem:s28+$0xCE0]  }
0x9d: {  	v24 =	vld [tilespmem:s28+$0xCF0]  }
0x9e: {  	v25 =	vld [tilespmem:s28+$0xD20];
	v15 =	vadd.f32 v19, v15  }
0x9f: {  	v19 =	vld [tilespmem:s28+$0xD30];
	v18 =	vadd.f32 v21, v18;
	v16 =	vadd.f32 v20, v16  }
0xa0: {  	v20 =	vld [tilespmem:s28+$0xD60];
	v13 =	vadd.f32 v13, v15;
	v17 =	vadd.f32 v22, v17  }
0xa1: {  	v15 =	vld [tilespmem:s28+$0xD70];
	v14 =	vadd.f32 v14, v18;
	v16 =	vadd.f32 v23, v16  }
0xa2: {  	v10 =	vadd.f32 v10, v13;
	v17 =	vadd.f32 v24, v17  }
0xa3: {  	v12 =	vadd.f32 v12, v14;
	v13 =	vadd.f32 v25, v16  }
0xa4: {  	v9 =	vadd.f32 v9, v10;
	v14 =	vadd.f32 v19, v17  }
0xa5: {  	v10 =	vadd.f32 v11, v12;
	v11 =	vadd.f32 v20, v13  }
0xa6: {  	v12 =	vadd.f32 v15, v14  }
0xa7: {  	v9 =	vadd.f32 v11, v9  }
0xa8: {  	v10 =	vadd.f32 v12, v10  }
0xa9: {  	v11 =	vmul.f32 v9, v4;
	v9 =	vmul.f32 v9, v6  }
0xaa: {  	v12 =	vmul.f32 v10, v5;
	v10 =	vmul.f32 v10, v7;
	_ =	sdelay $0x1  }
0xab: {  	v11 =	vadd.f32 v12, v11;
	v9 =	vadd.f32 v10, v9;
	_ =	sdelay $0x1  }
0xac: {  	v10 =	vperm.xlane v11, v0;
	v12 =	vperm.xlane v9, v0;
	_ =	sdelay $0x1  }
0xad: {  	v10 =	vadd.f32 v10, v11;
	v9 =	vadd.f32 v12, v9  }
0xae: {  	s28 =	simm.s32 $0x0  }
0xaf: {  	v18 =	vld [tilespmem:s28+$0x25D0];
	v11 =	vperm.xlane v10, v1;
	v12 =	vperm.xlane v9, v1  }
0xb0: {  	v23 =	vld [tilespmem:s28+$0x2580]  }
0xb1: {  	v24 =	vld [tilespmem:s28+$0x25A0];
	v10 =	vadd.f32 v11, v10;
	v11 =	vadd.f32 v12, v9  }
0xb2: {  	v16 =	vld [tilespmem:s28+$0x2610]  }
0xb3: {  	v25 =	vld [tilespmem:s28+$0x2590];
	v9 =	vperm.xlane v10, v2;
	v12 =	vperm.xlane v11, v2  }
0xb4: {  	v17 =	vld [tilespmem:s28+$0x25C0]  }
0xb5: {  	v13 =	vld [tilespmem:s28+$0x2640];
	v9 =	vadd.f32 v9, v10;
	v10 =	vadd.f32 v12, v11  }
0xb6: {  	v21 =	vimm.f32 $0.0e+00;
	v22 =	vimm.f32 $0.0e+00;
	v19 =	vimm.f32 $0.0e+00;
	v15 =	vld [tilespmem:s28+$0x2650]  }
0xb7: {  	s29 =	simm.s32 $0x400;
	v20 =	vimm.f32 $0.0e+00;
	v14 =	vld [tilespmem:s28+$0x2600];
	v11 =	vperm.xlane v9, v3;
	v12 =	vperm.xlane v10, v3  }
.LBB2_5:
0xb8: {  	p0 =	sne.s32 s29, $0x6000;
	v26 =	vld [tilespmem:s28+$0x25B0]  }
0xb9: {  	v27 =	vld [tilespmem:s28+$0x25E0]  }
0xba: {  	v28 =	vld [tilespmem:s28+$0x25F0]  }
0xbb: {  	v29 =	vld [tilespmem:s28+$0x2620]  }
0xbc: {  	v19 =	vadd.f32 v23, v19;
	v22 =	vadd.f32 v25, v22;
	v23 =	vld [tilespmem:s28+$0x2630]  }
0xbd: {  	v20 =	vadd.f32 v24, v20;
	v21 =	vadd.f32 v26, v21;
	v24 =	vld [tilespmem:s28+$0x2660]  }
0xbe: {  	v17 =	vadd.f32 v17, v19;
	v18 =	vadd.f32 v18, v22;
	v25 =	vld [tilespmem:s28+$0x2670];
	s28 =	sshra.s32 s29, $0x2  }
0xbf: {  	v19 =	vadd.f32 v27, v20;
	v26 =	vld [tilespmem:s28+$0x2640];
	v20 =	vadd.f32 v28, v21  }
0xc0: {  	v17 =	vadd.f32 v14, v17;
	v18 =	vadd.f32 v16, v18;
	v27 =	vld [tilespmem:s28+$0x2650]  }
0xc1: {  	v21 =	vadd.f32 v29, v19;
	v14 =	vld [tilespmem:s28+$0x2600];
	v23 =	vadd.f32 v23, v20  }
0xc2: {  	v19 =	vadd.f32 v13, v17;
	v22 =	vadd.f32 v15, v18;
	v16 =	vld [tilespmem:s28+$0x2610]  }
.Ltmp1:
0xc3: {  	v20 =	vadd.f32 v24, v21;
	v17 =	vld [tilespmem:s28+$0x25C0];
	v21 =	vadd.f32 v25, v23;
	(pc) =	sbr.rel @p0 .LBB2_5-.Ltmp1, $4  }
0xc4: {  	v18 =	vld [tilespmem:s28+$0x25D0];
	v13 =	vmov v26  }
0xc5: {  	v23 =	vld [tilespmem:s28+$0x2580];
	v15 =	vmov v27  }
0xc6: {  	v25 =	vld [tilespmem:s28+$0x2590]  }
0xc7: {  	s29 =	sadd.s32 $0x400, s29;
	v24 =	vld [tilespmem:s28+$0x25A0]  }
0xc8: {  	v26 =	vld [tilespmem:s28+$0x25B0]  }
0xc9: {  	v27 =	vld [tilespmem:s28+$0x25E0]  }
0xca: {  	v28 =	vld [tilespmem:s28+$0x25F0]  }
0xcb: {  	v29 =	vld [tilespmem:s28+$0x2620];
	v19 =	vadd.f32 v23, v19  }
0xcc: {  	v23 =	vld [tilespmem:s28+$0x2630];
	v22 =	vadd.f32 v25, v22;
	v20 =	vadd.f32 v24, v20  }
0xcd: {  	v24 =	vld [tilespmem:s28+$0x2660];
	v17 =	vadd.f32 v17, v19;
	v21 =	vadd.f32 v26, v21  }
0xce: {  	v19 =	vld [tilespmem:s28+$0x2670];
	v18 =	vadd.f32 v18, v22;
	v20 =	vadd.f32 v27, v20  }
0xcf: {  	v14 =	vadd.f32 v14, v17;
	v21 =	vadd.f32 v28, v21  }
0xd0: {  	v16 =	vadd.f32 v16, v18;
	v17 =	vadd.f32 v29, v20  }
0xd1: {  	v13 =	vadd.f32 v13, v14;
	v18 =	vadd.f32 v23, v21  }
0xd2: {  	v14 =	vadd.f32 v15, v16;
	v15 =	vadd.f32 v24, v17  }
0xd3: {  	v16 =	vadd.f32 v19, v18  }
0xd4: {  	v13 =	vadd.f32 v15, v13  }
0xd5: {  	v14 =	vadd.f32 v16, v14  }
0xd6: {  	v15 =	vmul.f32 v13, v4;
	v13 =	vmul.f32 v13, v6  }
0xd7: {  	v16 =	vmul.f32 v14, v5;
	v14 =	vmul.f32 v14, v7;
	_ =	sdelay $0x1  }
0xd8: {  	v15 =	vadd.f32 v16, v15;
	v13 =	vadd.f32 v14, v13;
	_ =	sdelay $0x1  }
0xd9: {  	v14 =	vperm.xlane v15, v0;
	v16 =	vperm.xlane v13, v0;
	_ =	sdelay $0x1  }
0xda: {  	v14 =	vadd.f32 v14, v15;
	v13 =	vadd.f32 v16, v13  }
0xdb: {  	s28 =	simm.s32 $0x0  }
0xdc: {  	v22 =	vld [tilespmem:s28+$0x3ED0];
	v15 =	vperm.xlane v14, v1;
	v16 =	vperm.xlane v13, v1  }
0xdd: {  	v27 =	vld [tilespmem:s28+$0x3E80]  }
0xde: {  	v28 =	vld [tilespmem:s28+$0x3EA0];
	v14 =	vadd.f32 v15, v14;
	v13 =	vadd.f32 v16, v13  }
0xdf: {  	v20 =	vld [tilespmem:s28+$0x3F10]  }
0xe0: {  	v29 =	vld [tilespmem:s28+$0x3E90];
	v15 =	vperm.xlane v14, v2;
	v16 =	vperm.xlane v13, v2  }
0xe1: {  	v21 =	vld [tilespmem:s28+$0x3EC0]  }
0xe2: {  	v17 =	vld [tilespmem:s28+$0x3F40];
	v14 =	vadd.f32 v15, v14;
	v13 =	vadd.f32 v16, v13  }
0xe3: {  	v25 =	vimm.f32 $0.0e+00;
	v26 =	vimm.f32 $0.0e+00;
	v23 =	vimm.f32 $0.0e+00;
	v19 =	vld [tilespmem:s28+$0x3F50]  }
0xe4: {  	s29 =	simm.s32 $0x400;
	v24 =	vimm.f32 $0.0e+00;
	v18 =	vld [tilespmem:s28+$0x3F00];
	v16 =	vperm.xlane v14, v3;
	v15 =	vperm.xlane v13, v3  }
.LBB2_7:
0xe5: {  	p0 =	sne.s32 s29, $0x6000;
	v30 =	vld [tilespmem:s28+$0x3EB0]  }
0xe6: {  	v31 =	vld [tilespmem:s28+$0x3EE0]  }
0xe7: {  	v32 =	vld [tilespmem:s28+$0x3EF0]  }
0xe8: {  	v33 =	vld [tilespmem:s28+$0x3F20]  }
0xe9: {  	v23 =	vadd.f32 v27, v23;
	v26 =	vadd.f32 v29, v26;
	v27 =	vld [tilespmem:s28+$0x3F30]  }
0xea: {  	v24 =	vadd.f32 v28, v24;
	v25 =	vadd.f32 v30, v25;
	v28 =	vld [tilespmem:s28+$0x3F60]  }
0xeb: {  	v21 =	vadd.f32 v21, v23;
	v22 =	vadd.f32 v22, v26;
	v29 =	vld [tilespmem:s28+$0x3F70];
	s28 =	sshra.s32 s29, $0x2  }
0xec: {  	v23 =	vadd.f32 v31, v24;
	v30 =	vld [tilespmem:s28+$0x3F40];
	v24 =	vadd.f32 v32, v25  }
0xed: {  	v21 =	vadd.f32 v18, v21;
	v22 =	vadd.f32 v20, v22;
	v31 =	vld [tilespmem:s28+$0x3F50]  }
0xee: {  	v25 =	vadd.f32 v33, v23;
	v18 =	vld [tilespmem:s28+$0x3F00];
	v27 =	vadd.f32 v27, v24  }
0xef: {  	v23 =	vadd.f32 v17, v21;
	v26 =	vadd.f32 v19, v22;
	v20 =	vld [tilespmem:s28+$0x3F10]  }
.Ltmp2:
0xf0: {  	v24 =	vadd.f32 v28, v25;
	v21 =	vld [tilespmem:s28+$0x3EC0];
	v25 =	vadd.f32 v29, v27;
	(pc) =	sbr.rel @p0 .LBB2_7-.Ltmp2, $4  }
0xf1: {  	v22 =	vld [tilespmem:s28+$0x3ED0];
	v17 =	vmov v30  }
0xf2: {  	v27 =	vld [tilespmem:s28+$0x3E80];
	v19 =	vmov v31  }
0xf3: {  	v29 =	vld [tilespmem:s28+$0x3E90]  }
0xf4: {  	s29 =	sadd.s32 $0x400, s29;
	v28 =	vld [tilespmem:s28+$0x3EA0]  }
0xf5: {  	v30 =	vld [tilespmem:s28+$0x3EB0]  }
0xf6: {  	v31 =	vld [tilespmem:s28+$0x3EE0]  }
0xf7: {  	v32 =	vld [tilespmem:s28+$0x3EF0]  }
0xf8: {  	v33 =	vld [tilespmem:s28+$0x3F20];
	v23 =	vadd.f32 v27, v23  }
0xf9: {  	v27 =	vld [tilespmem:s28+$0x3F30];
	v26 =	vadd.f32 v29, v26;
	v24 =	vadd.f32 v28, v24  }
0xfa: {  	v28 =	vld [tilespmem:s28+$0x3F60];
	v21 =	vadd.f32 v21, v23;
	v25 =	vadd.f32 v30, v25  }
0xfb: {  	v23 =	vld [tilespmem:s28+$0x3F70];
	v22 =	vadd.f32 v22, v26;
	v24 =	vadd.f32 v31, v24  }
0xfc: {  	v18 =	vadd.f32 v18, v21;
	v25 =	vadd.f32 v32, v25  }
0xfd: {  	v20 =	vadd.f32 v20, v22;
	v21 =	vadd.f32 v33, v24  }
0xfe: {  	v17 =	vadd.f32 v17, v18;
	v22 =	vadd.f32 v27, v25  }
0xff: {  	v18 =	vadd.f32 v19, v20;
	v19 =	vadd.f32 v28, v21  }
0x100: {  	v20 =	vadd.f32 v23, v22  }
0x101: {  	v17 =	vadd.f32 v19, v17  }
0x102: {  	v18 =	vadd.f32 v20, v18  }
0x103: {  	v19 =	vmul.f32 v17, v4;
	v17 =	vmul.f32 v17, v6  }
0x104: {  	v20 =	vmul.f32 v18, v5;
	v18 =	vmul.f32 v18, v7;
	_ =	sdelay $0x1  }
0x105: {  	v19 =	vadd.f32 v20, v19;
	v17 =	vadd.f32 v18, v17;
	_ =	sdelay $0x1  }
0x106: {  	v18 =	vperm.xlane v19, v0;
	v20 =	vperm.xlane v17, v0;
	_ =	sdelay $0x1  }
0x107: {  	v18 =	vadd.f32 v18, v19;
	v17 =	vadd.f32 v20, v17  }
0x108: {  	s28 =	simm.s32 $0x0  }
0x109: {  	v26 =	vld [tilespmem:s28+$0x57D0];
	v19 =	vperm.xlane v18, v1;
	v20 =	vperm.xlane v17, v1  }
0x10a: {  	v31 =	vld [tilespmem:s28+$0x5780]  }
0x10b: {  	v32 =	vld [tilespmem:s28+$0x57A0];
	v18 =	vadd.f32 v19, v18;
	v17 =	vadd.f32 v20, v17  }
0x10c: {  	v24 =	vld [tilespmem:s28+$0x5810]  }
0x10d: {  	v33 =	vld [tilespmem:s28+$0x5790];
	v19 =	vperm.xlane v18, v2;
	v20 =	vperm.xlane v17, v2  }
0x10e: {  	v25 =	vld [tilespmem:s28+$0x57C0]  }
0x10f: {  	v21 =	vld [tilespmem:s28+$0x5840];
	v18 =	vadd.f32 v19, v18;
	v17 =	vadd.f32 v20, v17  }
0x110: {  	v29 =	vimm.f32 $0.0e+00;
	v30 =	vimm.f32 $0.0e+00;
	v27 =	vimm.f32 $0.0e+00;
	v23 =	vld [tilespmem:s28+$0x5850]  }
0x111: {  	s29 =	simm.s32 $0x400;
	v28 =	vimm.f32 $0.0e+00;
	v22 =	vld [tilespmem:s28+$0x5800];
	v20 =	vperm.xlane v18, v3;
	v19 =	vperm.xlane v17, v3  }
.LBB2_9:
0x112: {  	p0 =	sne.s32 s29, $0x6000;
	v34 =	vld [tilespmem:s28+$0x57B0]  }
0x113: {  	v35 =	vld [tilespmem:s28+$0x57E0]  }
0x114: {  	v36 =	vld [tilespmem:s28+$0x57F0]  }
0x115: {  	v37 =	vld [tilespmem:s28+$0x5820]  }
0x116: {  	v27 =	vadd.f32 v31, v27;
	v30 =	vadd.f32 v33, v30;
	v31 =	vld [tilespmem:s28+$0x5830]  }
0x117: {  	v28 =	vadd.f32 v32, v28;
	v29 =	vadd.f32 v34, v29;
	v32 =	vld [tilespmem:s28+$0x5860]  }
0x118: {  	v25 =	vadd.f32 v25, v27;
	v26 =	vadd.f32 v26, v30;
	v33 =	vld [tilespmem:s28+$0x5870];
	s28 =	sshra.s32 s29, $0x2  }
0x119: {  	v27 =	vadd.f32 v35, v28;
	v34 =	vld [tilespmem:s28+$0x5840];
	v28 =	vadd.f32 v36, v29  }
0x11a: {  	v25 =	vadd.f32 v22, v25;
	v26 =	vadd.f32 v24, v26;
	v35 =	vld [tilespmem:s28+$0x5850]  }
0x11b: {  	v29 =	vadd.f32 v37, v27;
	v22 =	vld [tilespmem:s28+$0x5800];
	v31 =	vadd.f32 v31, v28  }
0x11c: {  	v27 =	vadd.f32 v21, v25;
	v30 =	vadd.f32 v23, v26;
	v24 =	vld [tilespmem:s28+$0x5810]  }
.Ltmp3:
0x11d: {  	v28 =	vadd.f32 v32, v29;
	v25 =	vld [tilespmem:s28+$0x57C0];
	v29 =	vadd.f32 v33, v31;
	(pc) =	sbr.rel @p0 .LBB2_9-.Ltmp3, $4  }
0x11e: {  	v26 =	vld [tilespmem:s28+$0x57D0];
	v21 =	vmov v34  }
0x11f: {  	v31 =	vld [tilespmem:s28+$0x5780];
	v23 =	vmov v35  }
0x120: {  	v33 =	vld [tilespmem:s28+$0x5790]  }
0x121: {  	s29 =	sadd.s32 $0x400, s29;
	v32 =	vld [tilespmem:s28+$0x57A0]  }
0x122: {  	v34 =	vld [tilespmem:s28+$0x57B0]  }
0x123: {  	v35 =	vld [tilespmem:s28+$0x57E0]  }
0x124: {  	v36 =	vld [tilespmem:s28+$0x57F0]  }
0x125: {  	v37 =	vld [tilespmem:s28+$0x5820];
	v27 =	vadd.f32 v31, v27  }
0x126: {  	v31 =	vld [tilespmem:s28+$0x5830];
	v30 =	vadd.f32 v33, v30;
	v28 =	vadd.f32 v32, v28  }
0x127: {  	v63 =	vld [tilespmem:s28+$0x5860];
	v25 =	vadd.f32 v25, v27;
	v29 =	vadd.f32 v34, v29  }
0x128: {  	v27 =	vld [tilespmem:s28+$0x5870];
	v26 =	vadd.f32 v26, v30;
	v28 =	vadd.f32 v35, v28  }
0x129: {  	v22 =	vadd.f32 v22, v25;
	v29 =	vadd.f32 v36, v29  }
0x12a: {  	v24 =	vadd.f32 v24, v26;
	v25 =	vadd.f32 v37, v28  }
0x12b: {  	v21 =	vadd.f32 v21, v22;
	v26 =	vadd.f32 v31, v29  }
0x12c: {  	v22 =	vadd.f32 v23, v24;
	v23 =	vadd.f32 v63, v25  }
0x12d: {  	v24 =	vadd.f32 v27, v26  }
0x12e: {  	v21 =	vadd.f32 v23, v21  }
0x12f: {  	v22 =	vadd.f32 v24, v22  }
0x130: {  	v23 =	vmul.f32 v21, v4;
	v21 =	vmul.f32 v21, v6  }
0x131: {  	v24 =	vmul.f32 v22, v5;
	v22 =	vmul.f32 v22, v7;
	_ =	sdelay $0x1  }
0x132: {  	v23 =	vadd.f32 v24, v23;
	v21 =	vadd.f32 v22, v21;
	_ =	sdelay $0x1  }
0x133: {  	v22 =	vperm.xlane v23, v0;
	v24 =	vperm.xlane v21, v0;
	_ =	sdelay $0x1  }
0x134: {  	v22 =	vadd.f32 v22, v23;
	v21 =	vadd.f32 v24, v21  }
0x135: {  	s28 =	simm.s32 $0x0  }
0x136: {  	v30 =	vld [tilespmem:s28+$0x70D0];
	v23 =	vperm.xlane v22, v1;
	v24 =	vperm.xlane v21, v1  }
0x137: {  	v35 =	vld [tilespmem:s28+$0x7080]  }
0x138: {  	v36 =	vld [tilespmem:s28+$0x70A0];
	v22 =	vadd.f32 v23, v22;
	v21 =	vadd.f32 v24, v21  }
0x139: {  	v28 =	vld [tilespmem:s28+$0x7110]  }
0x13a: {  	v37 =	vld [tilespmem:s28+$0x7090];
	v23 =	vperm.xlane v22, v2;
	v24 =	vperm.xlane v21, v2  }
0x13b: {  	v29 =	vld [tilespmem:s28+$0x70C0]  }
0x13c: {  	v25 =	vld [tilespmem:s28+$0x7140];
	v22 =	vadd.f32 v23, v22;
	v21 =	vadd.f32 v24, v21  }
0x13d: {  	v33 =	vimm.f32 $0.0e+00;
	v32 =	vimm.f32 $0.0e+00;
	v34 =	vimm.f32 $0.0e+00;
	v27 =	vld [tilespmem:s28+$0x7150]  }
0x13e: {  	s29 =	simm.s32 $0x400;
	v31 =	vimm.f32 $0.0e+00;
	v26 =	vld [tilespmem:s28+$0x7100];
	v24 =	vperm.xlane v22, v3;
	v23 =	vperm.xlane v21, v3  }
.LBB2_11:
0x13f: {  	p0 =	sne.s32 s29, $0x6000;
	v38 =	vld [tilespmem:s28+$0x70B0]  }
0x140: {  	v39 =	vld [tilespmem:s28+$0x70E0]  }
0x141: {  	v40 =	vld [tilespmem:s28+$0x70F0]  }
0x142: {  	v41 =	vld [tilespmem:s28+$0x7120]  }
0x143: {  	v31 =	vadd.f32 v35, v31;
	v34 =	vadd.f32 v37, v34;
	v35 =	vld [tilespmem:s28+$0x7130]  }
0x144: {  	v32 =	vadd.f32 v36, v32;
	v33 =	vadd.f32 v38, v33;
	v36 =	vld [tilespmem:s28+$0x7160]  }
0x145: {  	v29 =	vadd.f32 v29, v31;
	v30 =	vadd.f32 v30, v34;
	v37 =	vld [tilespmem:s28+$0x7170];
	s28 =	sshra.s32 s29, $0x2  }
0x146: {  	v31 =	vadd.f32 v39, v32;
	v38 =	vld [tilespmem:s28+$0x7140];
	v32 =	vadd.f32 v40, v33  }
0x147: {  	v29 =	vadd.f32 v26, v29;
	v30 =	vadd.f32 v28, v30;
	v39 =	vld [tilespmem:s28+$0x7150]  }
0x148: {  	v33 =	vadd.f32 v41, v31;
	v26 =	vld [tilespmem:s28+$0x7100];
	v35 =	vadd.f32 v35, v32  }
0x149: {  	v31 =	vadd.f32 v25, v29;
	v34 =	vadd.f32 v27, v30;
	v28 =	vld [tilespmem:s28+$0x7110]  }
.Ltmp4:
0x14a: {  	v32 =	vadd.f32 v36, v33;
	v29 =	vld [tilespmem:s28+$0x70C0];
	v33 =	vadd.f32 v37, v35;
	(pc) =	sbr.rel @p0 .LBB2_11-.Ltmp4, $4  }
0x14b: {  	v30 =	vld [tilespmem:s28+$0x70D0];
	v25 =	vmov v38  }
0x14c: {  	v35 =	vld [tilespmem:s28+$0x7080];
	v27 =	vmov v39  }
0x14d: {  	v37 =	vld [tilespmem:s28+$0x7090]  }
0x14e: {  	s29 =	sadd.s32 $0x400, s29;
	v36 =	vld [tilespmem:s28+$0x70A0]  }
0x14f: {  	v38 =	vld [tilespmem:s28+$0x70B0]  }
0x150: {  	v39 =	vld [tilespmem:s28+$0x70E0]  }
0x151: {  	v40 =	vld [tilespmem:s28+$0x70F0]  }
0x152: {  	v41 =	vld [tilespmem:s28+$0x7120];
	v31 =	vadd.f32 v35, v31  }
0x153: {  	v62 =	vld [tilespmem:s28+$0x7130];
	v34 =	vadd.f32 v37, v34;
	v32 =	vadd.f32 v36, v32  }
0x154: {  	v63 =	vld [tilespmem:s28+$0x7160];
	v29 =	vadd.f32 v29, v31;
	v33 =	vadd.f32 v38, v33  }
0x155: {  	v31 =	vld [tilespmem:s28+$0x7170];
	v30 =	vadd.f32 v30, v34;
	v32 =	vadd.f32 v39, v32  }
0x156: {  	v26 =	vadd.f32 v26, v29;
	v33 =	vadd.f32 v40, v33  }
0x157: {  	v28 =	vadd.f32 v28, v30;
	v29 =	vadd.f32 v41, v32  }
0x158: {  	v25 =	vadd.f32 v25, v26;
	v30 =	vadd.f32 v62, v33  }
0x159: {  	v26 =	vadd.f32 v27, v28;
	v27 =	vadd.f32 v63, v29  }
0x15a: {  	v28 =	vadd.f32 v31, v30  }
0x15b: {  	v25 =	vadd.f32 v27, v25  }
0x15c: {  	v26 =	vadd.f32 v28, v26  }
0x15d: {  	v27 =	vmul.f32 v25, v4;
	v25 =	vmul.f32 v25, v6  }
0x15e: {  	v28 =	vmul.f32 v26, v5;
	v26 =	vmul.f32 v26, v7;
	_ =	sdelay $0x1  }
0x15f: {  	v27 =	vadd.f32 v28, v27;
	v25 =	vadd.f32 v26, v25;
	_ =	sdelay $0x1  }
0x160: {  	v26 =	vperm.xlane v27, v0;
	v28 =	vperm.xlane v25, v0;
	_ =	sdelay $0x1  }
0x161: {  	v26 =	vadd.f32 v26, v27;
	v25 =	vadd.f32 v28, v25  }
0x162: {  	s28 =	simm.s32 $0x0  }
0x163: {  	v34 =	vld [tilespmem:s28+$0x89D0];
	v27 =	vperm.xlane v26, v1;
	v28 =	vperm.xlane v25, v1  }
0x164: {  	v39 =	vld [tilespmem:s28+$0x8980]  }
0x165: {  	v40 =	vld [tilespmem:s28+$0x89A0];
	v26 =	vadd.f32 v27, v26;
	v25 =	vadd.f32 v28, v25  }
0x166: {  	v32 =	vld [tilespmem:s28+$0x8A10]  }
0x167: {  	v41 =	vld [tilespmem:s28+$0x8990];
	v27 =	vperm.xlane v26, v2;
	v28 =	vperm.xlane v25, v2  }
0x168: {  	v33 =	vld [tilespmem:s28+$0x89C0]  }
0x169: {  	v29 =	vld [tilespmem:s28+$0x8A40];
	v26 =	vadd.f32 v27, v26;
	v25 =	vadd.f32 v28, v25  }
0x16a: {  	v35 =	vimm.f32 $0.0e+00;
	v37 =	vimm.f32 $0.0e+00;
	v36 =	vimm.f32 $0.0e+00;
	v31 =	vld [tilespmem:s28+$0x8A50]  }
0x16b: {  	s29 =	simm.s32 $0x400;
	v38 =	vimm.f32 $0.0e+00;
	v30 =	vld [tilespmem:s28+$0x8A00];
	v28 =	vperm.xlane v26, v3;
	v27 =	vperm.xlane v25, v3  }
.LBB2_13:
0x16c: {  	p0 =	sne.s32 s29, $0x6000;
	v42 =	vld [tilespmem:s28+$0x89B0]  }
0x16d: {  	v43 =	vld [tilespmem:s28+$0x89E0]  }
0x16e: {  	v44 =	vld [tilespmem:s28+$0x89F0]  }
0x16f: {  	v45 =	vld [tilespmem:s28+$0x8A20]  }
0x170: {  	v35 =	vadd.f32 v39, v35;
	v38 =	vadd.f32 v41, v38;
	v39 =	vld [tilespmem:s28+$0x8A30]  }
0x171: {  	v36 =	vadd.f32 v40, v36;
	v37 =	vadd.f32 v42, v37;
	v40 =	vld [tilespmem:s28+$0x8A60]  }
0x172: {  	v33 =	vadd.f32 v33, v35;
	v34 =	vadd.f32 v34, v38;
	v41 =	vld [tilespmem:s28+$0x8A70];
	s28 =	sshra.s32 s29, $0x2  }
0x173: {  	v35 =	vadd.f32 v43, v36;
	v42 =	vld [tilespmem:s28+$0x8A40];
	v36 =	vadd.f32 v44, v37  }
0x174: {  	v33 =	vadd.f32 v30, v33;
	v34 =	vadd.f32 v32, v34;
	v43 =	vld [tilespmem:s28+$0x8A50]  }
0x175: {  	v37 =	vadd.f32 v45, v35;
	v30 =	vld [tilespmem:s28+$0x8A00];
	v39 =	vadd.f32 v39, v36  }
0x176: {  	v35 =	vadd.f32 v29, v33;
	v38 =	vadd.f32 v31, v34;
	v32 =	vld [tilespmem:s28+$0x8A10]  }
.Ltmp5:
0x177: {  	v36 =	vadd.f32 v40, v37;
	v33 =	vld [tilespmem:s28+$0x89C0];
	v37 =	vadd.f32 v41, v39;
	(pc) =	sbr.rel @p0 .LBB2_13-.Ltmp5, $4  }
0x178: {  	v34 =	vld [tilespmem:s28+$0x89D0];
	v29 =	vmov v42  }
0x179: {  	v39 =	vld [tilespmem:s28+$0x8980];
	v31 =	vmov v43  }
0x17a: {  	v41 =	vld [tilespmem:s28+$0x8990]  }
0x17b: {  	s29 =	sadd.s32 $0x400, s29;
	v40 =	vld [tilespmem:s28+$0x89A0]  }
0x17c: {  	v42 =	vld [tilespmem:s28+$0x89B0]  }
0x17d: {  	v43 =	vld [tilespmem:s28+$0x89E0]  }
0x17e: {  	v44 =	vld [tilespmem:s28+$0x89F0]  }
0x17f: {  	v45 =	vld [tilespmem:s28+$0x8A20];
	v35 =	vadd.f32 v39, v35  }
0x180: {  	v57 =	vld [tilespmem:s28+$0x8A30];
	v38 =	vadd.f32 v41, v38;
	v36 =	vadd.f32 v40, v36  }
0x181: {  	v58 =	vld [tilespmem:s28+$0x8A60];
	v33 =	vadd.f32 v33, v35;
	v37 =	vadd.f32 v42, v37  }
0x182: {  	v59 =	vld [tilespmem:s28+$0x8A70];
	v34 =	vadd.f32 v34, v38;
	v36 =	vadd.f32 v43, v36  }
0x183: {  	v30 =	vadd.f32 v30, v33;
	v37 =	vadd.f32 v44, v37  }
0x184: {  	v32 =	vadd.f32 v32, v34;
	v60 =	vadd.f32 v45, v36  }
0x185: {  	v29 =	vadd.f32 v29, v30;
	v61 =	vadd.f32 v57, v37  }
0x186: {  	v30 =	vadd.f32 v31, v32;
	v31 =	vadd.f32 v58, v60  }
0x187: {  	v62 =	vadd.f32 v59, v61  }
0x188: {  	v29 =	vadd.f32 v31, v29  }
0x189: {  	v30 =	vadd.f32 v62, v30  }
0x18a: {  	v31 =	vmul.f32 v29, v4;
	v29 =	vmul.f32 v29, v6  }
0x18b: {  	v32 =	vmul.f32 v30, v5;
	v30 =	vmul.f32 v30, v7;
	_ =	sdelay $0x1  }
0x18c: {  	v31 =	vadd.f32 v32, v31;
	v29 =	vadd.f32 v30, v29;
	_ =	sdelay $0x1  }
0x18d: {  	v30 =	vperm.xlane v31, v0;
	v63 =	vperm.xlane v29, v0;
	_ =	sdelay $0x1  }
0x18e: {  	v30 =	vadd.f32 v30, v31;
	v29 =	vadd.f32 v63, v29  }
0x18f: {  	s28 =	simm.s32 $0x0  }
0x190: {  	v35 =	vld [tilespmem:s28+$0xA350];
	v31 =	vperm.xlane v30, v1;
	v32 =	vperm.xlane v29, v1  }
0x191: {  	v38 =	vld [tilespmem:s28+$0xA2D0]  }
0x192: {  	v33 =	vld [tilespmem:s28+$0xA340];
	v30 =	vadd.f32 v31, v30;
	v29 =	vadd.f32 v32, v29  }
0x193: {  	v43 =	vld [tilespmem:s28+$0xA280]  }
0x194: {  	v34 =	vld [tilespmem:s28+$0xA300];
	v31 =	vperm.xlane v30, v2;
	v32 =	vperm.xlane v29, v2  }
0x195: {  	v44 =	vld [tilespmem:s28+$0xA2A0]  }
0x196: {  	v36 =	vld [tilespmem:s28+$0xA310];
	v30 =	vadd.f32 v31, v30;
	v29 =	vadd.f32 v32, v29  }
0x197: {  	v39 =	vimm.f32 $0.0e+00;
	v41 =	vimm.f32 $0.0e+00;
	v40 =	vimm.f32 $0.0e+00;
	v45 =	vld [tilespmem:s28+$0xA290]  }
0x198: {  	s29 =	simm.s32 $0x400;
	v42 =	vimm.f32 $0.0e+00;
	v37 =	vld [tilespmem:s28+$0xA2C0];
	v32 =	vperm.xlane v30, v3;
	v31 =	vperm.xlane v29, v3  }
.LBB2_15:
0x199: {  	p0 =	sne.s32 s29, $0x6000;
	v46 =	vld [tilespmem:s28+$0xA2B0]  }
0x19a: {  	v47 =	vld [tilespmem:s28+$0xA2E0]  }
0x19b: {  	v48 =	vld [tilespmem:s28+$0xA2F0]  }
0x19c: {  	v49 =	vld [tilespmem:s28+$0xA320]  }
0x19d: {  	v39 =	vadd.f32 v43, v39;
	v42 =	vadd.f32 v45, v42;
	v43 =	vld [tilespmem:s28+$0xA330]  }
0x19e: {  	v40 =	vadd.f32 v44, v40;
	v41 =	vadd.f32 v46, v41;
	v44 =	vld [tilespmem:s28+$0xA360]  }
0x19f: {  	v37 =	vadd.f32 v37, v39;
	v38 =	vadd.f32 v38, v42;
	v45 =	vld [tilespmem:s28+$0xA370];
	s28 =	sshra.s32 s29, $0x2  }
0x1a0: {  	v39 =	vadd.f32 v47, v40;
	v46 =	vld [tilespmem:s28+$0xA340];
	v40 =	vadd.f32 v48, v41  }
0x1a1: {  	v37 =	vadd.f32 v34, v37;
	v38 =	vadd.f32 v36, v38;
	v47 =	vld [tilespmem:s28+$0xA350]  }
0x1a2: {  	v41 =	vadd.f32 v49, v39;
	v34 =	vld [tilespmem:s28+$0xA300];
	v43 =	vadd.f32 v43, v40  }
0x1a3: {  	v39 =	vadd.f32 v33, v37;
	v42 =	vadd.f32 v35, v38;
	v36 =	vld [tilespmem:s28+$0xA310]  }
.Ltmp6:
0x1a4: {  	v40 =	vadd.f32 v44, v41;
	v37 =	vld [tilespmem:s28+$0xA2C0];
	v41 =	vadd.f32 v45, v43;
	(pc) =	sbr.rel @p0 .LBB2_15-.Ltmp6, $4  }
0x1a5: {  	v38 =	vld [tilespmem:s28+$0xA2D0];
	v33 =	vmov v46  }
0x1a6: {  	v43 =	vld [tilespmem:s28+$0xA280];
	v35 =	vmov v47  }
0x1a7: {  	v45 =	vld [tilespmem:s28+$0xA290]  }
0x1a8: {  	s29 =	sadd.s32 $0x400, s29;
	v44 =	vld [tilespmem:s28+$0xA2A0]  }
0x1a9: {  	v46 =	vld [tilespmem:s28+$0xA2B0]  }
0x1aa: {  	v47 =	vld [tilespmem:s28+$0xA2E0]  }
0x1ab: {  	v48 =	vld [tilespmem:s28+$0xA2F0]  }
0x1ac: {  	v49 =	vld [tilespmem:s28+$0xA320]  }
0x1ad: {  	v54 =	vld [tilespmem:s28+$0xA330];
	v39 =	vadd.f32 v43, v39;
	v40 =	vadd.f32 v44, v40  }
0x1ae: {  	v55 =	vld [tilespmem:s28+$0xA360];
	v42 =	vadd.f32 v45, v42;
	v41 =	vadd.f32 v46, v41  }
0x1af: {  	v56 =	vld [tilespmem:s28+$0xA370];
	v37 =	vadd.f32 v37, v39;
	v40 =	vadd.f32 v47, v40  }
0x1b0: {  	v38 =	vadd.f32 v38, v42;
	v41 =	vadd.f32 v48, v41  }
0x1b1: {  	v34 =	vadd.f32 v34, v37;
	v57 =	vadd.f32 v49, v40  }
0x1b2: {  	v36 =	vadd.f32 v36, v38;
	v58 =	vadd.f32 v54, v41  }
0x1b3: {  	v33 =	vadd.f32 v33, v34;
	v60 =	vadd.f32 v55, v57  }
0x1b4: {  	v59 =	vadd.f32 v35, v36;
	v61 =	vadd.f32 v56, v58  }
0x1b5: {  	v33 =	vadd.f32 v60, v33  }
0x1b6: {  	v34 =	vadd.f32 v61, v59  }
0x1b7: {  	v35 =	vmul.f32 v33, v4;
	v33 =	vmul.f32 v33, v6  }
0x1b8: {  	v36 =	vmul.f32 v34, v5;
	v34 =	vmul.f32 v34, v7;
	_ =	sdelay $0x1  }
0x1b9: {  	v35 =	vadd.f32 v36, v35;
	v33 =	vadd.f32 v34, v33;
	_ =	sdelay $0x1  }
0x1ba: {  	v62 =	vperm.xlane v35, v0;
	v63 =	vperm.xlane v33, v0;
	_ =	sdelay $0x1  }
0x1bb: {  	v34 =	vadd.f32 v62, v35;
	v33 =	vadd.f32 v63, v33  }
0x1bc: {  	s28 =	simm.s32 $0x0  }
0x1bd: {  	v39 =	vld [tilespmem:s28+$0xBC50];
	v35 =	vperm.xlane v34, v1;
	v36 =	vperm.xlane v33, v1  }
0x1be: {  	v42 =	vld [tilespmem:s28+$0xBBD0]  }
0x1bf: {  	v37 =	vld [tilespmem:s28+$0xBC40];
	v34 =	vadd.f32 v35, v34;
	v33 =	vadd.f32 v36, v33  }
0x1c0: {  	v47 =	vld [tilespmem:s28+$0xBB80]  }
0x1c1: {  	v38 =	vld [tilespmem:s28+$0xBC00];
	v35 =	vperm.xlane v34, v2;
	v36 =	vperm.xlane v33, v2  }
0x1c2: {  	v48 =	vld [tilespmem:s28+$0xBBA0]  }
0x1c3: {  	v40 =	vld [tilespmem:s28+$0xBC10];
	v34 =	vadd.f32 v35, v34;
	v33 =	vadd.f32 v36, v33  }
0x1c4: {  	v43 =	vimm.f32 $0.0e+00;
	v45 =	vimm.f32 $0.0e+00;
	v44 =	vimm.f32 $0.0e+00;
	v49 =	vld [tilespmem:s28+$0xBB90]  }
0x1c5: {  	s29 =	simm.s32 $0x400;
	v46 =	vimm.f32 $0.0e+00;
	v41 =	vld [tilespmem:s28+$0xBBC0];
	v36 =	vperm.xlane v34, v3;
	v35 =	vperm.xlane v33, v3  }
.LBB2_17:
0x1c6: {  	p0 =	sne.s32 s29, $0x6000;
	v50 =	vld [tilespmem:s28+$0xBBB0]  }
0x1c7: {  	v51 =	vld [tilespmem:s28+$0xBBE0]  }
0x1c8: {  	v52 =	vld [tilespmem:s28+$0xBBF0]  }
0x1c9: {  	v53 =	vld [tilespmem:s28+$0xBC20]  }
0x1ca: {  	v43 =	vadd.f32 v47, v43;
	v46 =	vadd.f32 v49, v46;
	v47 =	vld [tilespmem:s28+$0xBC30]  }
0x1cb: {  	v44 =	vadd.f32 v48, v44;
	v45 =	vadd.f32 v50, v45;
	v48 =	vld [tilespmem:s28+$0xBC60]  }
0x1cc: {  	v41 =	vadd.f32 v41, v43;
	v42 =	vadd.f32 v42, v46;
	v49 =	vld [tilespmem:s28+$0xBC70];
	s28 =	sshra.s32 s29, $0x2  }
0x1cd: {  	v43 =	vadd.f32 v51, v44;
	v50 =	vld [tilespmem:s28+$0xBC40];
	v44 =	vadd.f32 v52, v45  }
0x1ce: {  	v41 =	vadd.f32 v38, v41;
	v42 =	vadd.f32 v40, v42;
	v51 =	vld [tilespmem:s28+$0xBC50]  }
0x1cf: {  	v45 =	vadd.f32 v53, v43;
	v38 =	vld [tilespmem:s28+$0xBC00];
	v47 =	vadd.f32 v47, v44  }
0x1d0: {  	v43 =	vadd.f32 v37, v41;
	v46 =	vadd.f32 v39, v42;
	v40 =	vld [tilespmem:s28+$0xBC10]  }
.Ltmp7:
0x1d1: {  	v44 =	vadd.f32 v48, v45;
	v41 =	vld [tilespmem:s28+$0xBBC0];
	v45 =	vadd.f32 v49, v47;
	(pc) =	sbr.rel @p0 .LBB2_17-.Ltmp7, $4  }
0x1d2: {  	v42 =	vld [tilespmem:s28+$0xBBD0];
	v37 =	vmov v50  }
0x1d3: {  	v47 =	vld [tilespmem:s28+$0xBB80];
	v39 =	vmov v51  }
0x1d4: {  	v49 =	vld [tilespmem:s28+$0xBB90]  }
0x1d5: {  	s29 =	sadd.s32 $0x400, s29;
	v48 =	vld [tilespmem:s28+$0xBBA0]  }
0x1d6: {  	v50 =	vld [tilespmem:s28+$0xBBB0]  }
0x1d7: {  	v51 =	vld [tilespmem:s28+$0xBBE0]  }
0x1d8: {  	v52 =	vld [tilespmem:s28+$0xBBF0]  }
0x1d9: {  	v53 =	vld [tilespmem:s28+$0xBC20]  }
0x1da: {  	v55 =	vld [tilespmem:s28+$0xBC30];
	v43 =	vadd.f32 v47, v43;
	v46 =	vadd.f32 v49, v46  }
0x1db: {  	v56 =	vld [tilespmem:s28+$0xBC60];
	v44 =	vadd.f32 v48, v44;
	v45 =	vadd.f32 v50, v45  }
0x1dc: {  	v57 =	vld [tilespmem:s28+$0xBC70];
	v41 =	vadd.f32 v41, v43;
	v42 =	vadd.f32 v42, v46  }
0x1dd: {  	v44 =	vadd.f32 v51, v44;
	v45 =	vadd.f32 v52, v45  }
0x1de: {  	v38 =	vadd.f32 v38, v41;
	v40 =	vadd.f32 v40, v42  }
0x1df: {  	v58 =	vadd.f32 v53, v44;
	v59 =	vadd.f32 v55, v45  }
0x1e0: {  	v37 =	vadd.f32 v37, v38;
	v60 =	vadd.f32 v39, v40  }
0x1e1: {  	v61 =	vadd.f32 v56, v58;
	v62 =	vadd.f32 v57, v59  }
0x1e2: {  	v9 =	vadd.f32 v11, v9;
	v10 =	vadd.f32 v12, v10  }
0x1e3: {  	v11 =	vadd.f32 v61, v37;
	v12 =	vadd.f32 v62, v60;
	_ =	sdelay $0x1  }
0x1e4: {  	v9 =	vsel vm0, v9, v10;
	v10 =	vmul.f32 v11, v4;
	v63 =	vmul.f32 v12, v5  }
0x1e5: {  	v14 =	vadd.f32 v16, v14;
	v11 =	vmul.f32 v11, v6;
	v12 =	vmul.f32 v12, v7  }
0x1e6: {  	v13 =	vadd.f32 v15, v13;
	v10 =	vadd.f32 v63, v10  }
0x1e7: {  	v9 =	vsel vm1, v9, v14;
	v11 =	vadd.f32 v12, v11  }
0x1e8: {  	v9 =	vsel vm2, v9, v13;
	v13 =	vperm.xlane v10, v0  }
0x1e9: {  	v12 =	vadd.f32 v20, v18;
	v15 =	vperm.xlane v11, v0  }
0x1ea: {  	v14 =	vadd.f32 v19, v17;
	v10 =	vadd.f32 v13, v10  }
0x1eb: {  	v9 =	vsel vm3, v9, v12;
	v12 =	vadd.f32 v24, v22;
	v11 =	vadd.f32 v15, v11  }
0x1ec: {  	v9 =	vsel vm4, v9, v14;
	v13 =	vadd.f32 v23, v21;
	v14 =	vperm.xlane v10, v1  }
0x1ed: {  	v9 =	vsel vm5, v9, v12;
	v12 =	vperm.xlane v11, v1  }
0x1ee: {  	v9 =	vsel vm6, v9, v13;
	v13 =	vadd.f32 v28, v26;
	v10 =	vadd.f32 v14, v10  }
0x1ef: {  	v14 =	vadd.f32 v27, v25;
	v11 =	vadd.f32 v12, v11  }
0x1f0: {  	v9 =	vsel vm7, v9, v13;
	v12 =	vperm.xlane v10, v2  }
0x1f1: {  	v9 =	vsel vm8, v9, v14;
	v14 =	vperm.xlane v11, v2  }
0x1f2: {  	v13 =	vadd.f32 v32, v30;
	v10 =	vadd.f32 v12, v10  }
0x1f3: {  	v15 =	vadd.f32 v31, v29;
	v11 =	vadd.f32 v14, v11  }
0x1f4: {  	v9 =	vsel vm9, v9, v13;
	v12 =	vadd.f32 v36, v34;
	v13 =	vperm.xlane v10, v3  }
0x1f5: {  	v9 =	vsel vm10, v9, v15;
	v14 =	vadd.f32 v35, v33;
	v15 =	vperm.xlane v11, v3  }
0x1f6: {  	v9 =	vsel vm11, v9, v12;
	v10 =	vadd.f32 v13, v10  }
0x1f7: {  	v9 =	vsel vm12, v9, v14;
	v11 =	vadd.f32 v15, v11  }
0x1f8: {  	p0 =	seq.s32 s24, $0x1F;
	v9 =	vsel vm13, v9, v10  }
0x1f9: {  	s26 =	sadd.s32 @!p0 s26, s8;
	v9 =	vsel vm14, v9, v11  }
0x1fa: {  	s28 =	sshll.u32 s24, $0x5;
	s26 =	smul.u32 @!p0 $0xC8, s26;
	v9 =	vadd.f32 v9, v8  }
0x1fb: {  	s28 =	sand.u32 $0x3FFFFFE0, s28  }
0x1fc: {  	s26 =	sadd.s32 @!p0 s3, s26;
	[tilespmem:s28+$0x19C80] =	vst v9;
	s28 =	simm.s32 @!p0 $0x0  }
0x1fd: {  	[tilespmem:s28], [sflag:$0x3] =	stream.linear.gather @!p0 [hbm4b:s26+s28], $0x640, $0x38;
	[tilespmem:$0x1A0D0] =	vst v63  }
0x1fe: {  	s26 =	simm.s32 @!p0 $0x3  }
0x1ff: {  	_ =	swait.ge @!p0 [sflag:s26], $0x640  }
0x200: {  	[sflag:s26] =	ssyncset.done @!p0 $0x0  }
0x201: {  	s29 =	simm.s32 @!p0 $0xC80;
	[sflag:s26] =	ssyncadd.s32 @!p0 $0xFFFFF9C0;
	s26 =	simm.s32 @!p0 $0x80  }
0x202: {  	[tilespmem:s29], [sflag:$0x1] =	stream.indirect.gather @!p0 [hbm4b:s4+s26], $0x20, s28, s26, $0xb8;
	[tilespmem:$0x1A0D0] =	vst v63  }
0x203: {  	s28 =	simm.s32 @!p0 $0x1C80  }
0x204: {  	[tilespmem:s28], [sflag:$0x1] =	stream.indirect.gather @!p0 [hbm4b:s4+s26], $0x20, s26, s26, $0xb8;
	[tilespmem:$0x1A0D0] =	vst v63  }
0x205: {  	s29 =	simm.s32 @!p0 $0x2C80;
	s28 =	simm.s32 @!p0 $0x100  }
0x206: {  	[tilespmem:s29], [sflag:$0x1] =	stream.indirect.gather @!p0 [hbm4b:s4+s26], $0x20, s28, s26, $0xb8;
	[tilespmem:$0x1A0D0] =	vst v63  }
0x207: {  	s28 =	simm.s32 @!p0 $0x180;
	s29 =	simm.s32 @!p0 $0x3C80  }
0x208: {  	[tilespmem:s29], [sflag:$0x1] =	stream.indirect.gather @!p0 [hbm4b:s4+s26], $0x20, s28, s26, $0xb8;
	[tilespmem:$0x1A0D0] =	vst v63  }
0x209: {  	s28 =	simm.s32 @!p0 $0x200;
	s29 =	simm.s32 @!p0 $0x4C80  }
0x20a: {  	[tilespmem:s29], [sflag:$0x1] =	stream.indirect.gather @!p0 [hbm4b:s4+s26], $0x20, s28, s26, $0xb8;
	[tilespmem:$0x1A0D0] =	vst v63  }
0x20b: {  	s28 =	simm.s32 @!p0 $0x280;
	s29 =	simm.s32 @!p0 $0x5C80  }
0x20c: {  	[tilespmem:s29], [sflag:$0x1] =	stream.indirect.gather @!p0 [hbm4b:s4+s26], $0x20, s28, s26, $0xb8;
	[tilespmem:$0x1A0D0] =	vst v63  }
0x20d: {  	s28 =	simm.s32 @!p0 $0x300;
	s29 =	simm.s32 @!p0 $0x6C80  }
0x20e: {  	[tilespmem:s29], [sflag:$0x1] =	stream.indirect.gather @!p0 [hbm4b:s4+s26], $0x20, s28, s26, $0xb8;
	[tilespmem:$0x1A0D0] =	vst v63  }
0x20f: {  	s28 =	simm.s32 @!p0 $0x380;
	s29 =	simm.s32 @!p0 $0x7C80  }
0x210: {  	[tilespmem:s29], [sflag:$0x1] =	stream.indirect.gather @!p0 [hbm4b:s4+s26], $0x20, s28, s26, $0xb8;
	[tilespmem:$0x1A0D0] =	vst v63  }
0x211: {  	s28 =	simm.s32 @!p0 $0x400;
	s29 =	simm.s32 @!p0 $0x8C80  }
0x212: {  	[tilespmem:s29], [sflag:$0x1] =	stream.indirect.gather @!p0 [hbm4b:s4+s26], $0x20, s28, s26, $0xb8;
	[tilespmem:$0x1A0D0] =	vst v63  }
0x213: {  	s28 =	simm.s32 @!p0 $0x480;
	s29 =	simm.s32 @!p0 $0x9C80  }
0x214: {  	[tilespmem:s29], [sflag:$0x1] =	stream.indirect.gather @!p0 [hbm4b:s4+s26], $0x20, s28, s26, $0xb8;
	[tilespmem:$0x1A0D0] =	vst v63  }
0x215: {  	s28 =	simm.s32 @!p0 $0x500;
	s29 =	simm.s32 @!p0 $0xAC80  }
0x216: {  	[tilespmem:s29], [sflag:$0x1] =	stream.indirect.gather @!p0 [hbm4b:s4+s26], $0x20, s28, s26, $0xb8;
	[tilespmem:$0x1A0D0] =	vst v63  }
0x217: {  	s28 =	simm.s32 @!p0 $0x580;
	s29 =	simm.s32 @!p0 $0xBC80  }
0x218: {  	[tilespmem:s29], [sflag:$0x1] =	stream.indirect.gather @!p0 [hbm4b:s4+s26], $0x20, s28, s26, $0xb8;
	[tilespmem:$0x1A0D0] =	vst v63  }
0x219: {  	s26 =	simm.s32 @!p0 $0x40;
	s28 =	simm.s32 @!p0 $0x600;
	s29 =	simm.s32 @!p0 $0xCC80  }
0x21a: {  	[tilespmem:s29], [sflag:$0x1] =	stream.indirect.gather @!p0 [hbm4b:s4+s26], $0x20, s28, s26, $0xb8;
	[tilespmem:$0x1A0D0] =	vst v63  }
0x21b: {  	_ =	swait.ge [sflag:s23], $0x1000  }
0x21c: {  	[sflag:s23] =	ssyncset.done $0x0  }
0x21d: {  	[sflag:s23] =	ssyncadd.s32 $0xFFFFF000  }
0x21e: {  	_ =	swait.ge [sflag:s23], $0x1000  }
0x21f: {  	[sflag:s23] =	ssyncset.done $0x0  }
0x220: {  	[sflag:s23] =	ssyncadd.s32 $0xFFFFF000  }
0x221: {  	_ =	swait.ge [sflag:s23], $0x1000  }
0x222: {  	[sflag:s23] =	ssyncset.done $0x0  }
0x223: {  	[sflag:s23] =	ssyncadd.s32 $0xFFFFF000  }
0x224: {  	_ =	swait.ge [sflag:s23], $0x1000  }
0x225: {  	[sflag:s23] =	ssyncset.done $0x0  }
0x226: {  	[sflag:s23] =	ssyncadd.s32 $0xFFFFF000  }
0x227: {  	_ =	swait.ge [sflag:s23], $0x1000  }
0x228: {  	[sflag:s23] =	ssyncset.done $0x0  }
0x229: {  	[sflag:s23] =	ssyncadd.s32 $0xFFFFF000  }
0x22a: {  	_ =	swait.ge [sflag:s23], $0x1000  }
0x22b: {  	[sflag:s23] =	ssyncset.done $0x0  }
0x22c: {  	[sflag:s23] =	ssyncadd.s32 $0xFFFFF000  }
0x22d: {  	_ =	swait.ge [sflag:s23], $0x1000  }
0x22e: {  	[sflag:s23] =	ssyncset.done $0x0  }
0x22f: {  	[sflag:s23] =	ssyncadd.s32 $0xFFFFF000  }
0x230: {  	_ =	swait.ge [sflag:s23], $0x1000  }
0x231: {  	[sflag:s23] =	ssyncset.done $0x0  }
0x232: {  	[sflag:s23] =	ssyncadd.s32 $0xFFFFF000  }
0x233: {  	_ =	swait.ge [sflag:s23], $0x1000  }
0x234: {  	[sflag:s23] =	ssyncset.done $0x0  }
0x235: {  	[sflag:s23] =	ssyncadd.s32 $0xFFFFF000  }
0x236: {  	_ =	swait.ge [sflag:s23], $0x1000  }
0x237: {  	[sflag:s23] =	ssyncset.done $0x0  }
0x238: {  	[sflag:s23] =	ssyncadd.s32 $0xFFFFF000  }
0x239: {  	_ =	swait.ge [sflag:s23], $0x1000  }
0x23a: {  	[sflag:s23] =	ssyncset.done $0x0  }
0x23b: {  	[sflag:s23] =	ssyncadd.s32 $0xFFFFF000  }
0x23c: {  	_ =	swait.ge [sflag:s23], $0x1000  }
0x23d: {  	[sflag:s23] =	ssyncset.done $0x0  }
0x23e: {  	[sflag:s23] =	ssyncadd.s32 $0xFFFFF000  }
0x23f: {  	_ =	swait.ge [sflag:s23], $0x800  }
0x240: {  	[sflag:s23] =	ssyncset.done $0x0  }
0x241: {  	s26 =	simm.s32 $0x0;
	[sflag:s23] =	ssyncadd.s32 $0xFFFFF800  }
0x242: {  	v9 =	vld [tilespmem:s26+$0xD540]  }
0x243: {  	v11 =	vld [tilespmem:s26+$0xD550]  }
0x244: {  	v10 =	vld [tilespmem:s26+$0xD500]  }
0x245: {  	v12 =	vld [tilespmem:s26+$0xD510]  }
0x246: {  	v13 =	vld [tilespmem:s26+$0xD4C0]  }
0x247: {  	v14 =	vld [tilespmem:s26+$0xD4D0]  }
0x248: {  	v19 =	vld [tilespmem:s26+$0xD480]  }
0x249: {  	v16 =	vimm.f32 $0.0e+00;
	v21 =	vld [tilespmem:s26+$0xD490]  }
0x24a: {  	v17 =	vimm.f32 $0.0e+00;
	v18 =	vimm.f32 $0.0e+00;
	v15 =	vimm.f32 $0.0e+00;
	s28 =	simm.s32 $0x400;
	v20 =	vld [tilespmem:s26+$0xD4A0]  }
.LBB2_19:
0x24b: {  	p0 =	sne.s32 s28, $0x6000;
	v22 =	vld [tilespmem:s26+$0xD4B0]  }
0x24c: {  	v23 =	vld [tilespmem:s26+$0xD4E0]  }
0x24d: {  	v24 =	vld [tilespmem:s26+$0xD4F0]  }
0x24e: {  	v25 =	vld [tilespmem:s26+$0xD520]  }
0x24f: {  	v15 =	vadd.f32 v19, v15;
	v18 =	vadd.f32 v21, v18;
	v19 =	vld [tilespmem:s26+$0xD530]  }
0x250: {  	v16 =	vadd.f32 v20, v16;
	v17 =	vadd.f32 v22, v17;
	v20 =	vld [tilespmem:s26+$0xD560]  }
0x251: {  	v13 =	vadd.f32 v13, v15;
	v14 =	vadd.f32 v14, v18;
	v21 =	vld [tilespmem:s26+$0xD570];
	s26 =	sshra.s32 s28, $0x2  }
0x252: {  	v15 =	vadd.f32 v23, v16;
	v22 =	vld [tilespmem:s26+$0xD540];
	v16 =	vadd.f32 v24, v17  }
0x253: {  	v13 =	vadd.f32 v10, v13;
	v14 =	vadd.f32 v12, v14;
	v23 =	vld [tilespmem:s26+$0xD550]  }
0x254: {  	v17 =	vadd.f32 v25, v15;
	v10 =	vld [tilespmem:s26+$0xD500];
	v19 =	vadd.f32 v19, v16  }
0x255: {  	v15 =	vadd.f32 v9, v13;
	v18 =	vadd.f32 v11, v14;
	v12 =	vld [tilespmem:s26+$0xD510]  }
.Ltmp8:
0x256: {  	v16 =	vadd.f32 v20, v17;
	v13 =	vld [tilespmem:s26+$0xD4C0];
	v17 =	vadd.f32 v21, v19;
	(pc) =	sbr.rel @p0 .LBB2_19-.Ltmp8, $4  }
0x257: {  	v14 =	vld [tilespmem:s26+$0xD4D0];
	v9 =	vmov v22  }
0x258: {  	v19 =	vld [tilespmem:s26+$0xD480];
	v11 =	vmov v23  }
0x259: {  	v21 =	vld [tilespmem:s26+$0xD490]  }
0x25a: {  	s28 =	sadd.s32 $0x400, s28;
	v20 =	vld [tilespmem:s26+$0xD4A0]  }
0x25b: {  	v22 =	vld [tilespmem:s26+$0xD4B0]  }
0x25c: {  	v23 =	vld [tilespmem:s26+$0xD4E0]  }
0x25d: {  	v24 =	vld [tilespmem:s26+$0xD4F0]  }
0x25e: {  	v25 =	vld [tilespmem:s26+$0xD520];
	v15 =	vadd.f32 v19, v15  }
0x25f: {  	v19 =	vld [tilespmem:s26+$0xD530];
	v18 =	vadd.f32 v21, v18;
	v16 =	vadd.f32 v20, v16  }
0x260: {  	v20 =	vld [tilespmem:s26+$0xD560];
	v13 =	vadd.f32 v13, v15;
	v17 =	vadd.f32 v22, v17  }
0x261: {  	v15 =	vld [tilespmem:s26+$0xD570];
	v14 =	vadd.f32 v14, v18;
	v16 =	vadd.f32 v23, v16  }
0x262: {  	v10 =	vadd.f32 v10, v13;
	v17 =	vadd.f32 v24, v17  }
0x263: {  	v12 =	vadd.f32 v12, v14;
	v13 =	vadd.f32 v25, v16  }
0x264: {  	v9 =	vadd.f32 v9, v10;
	v14 =	vadd.f32 v19, v17  }
0x265: {  	v10 =	vadd.f32 v11, v12;
	v11 =	vadd.f32 v20, v13  }
0x266: {  	v12 =	vadd.f32 v15, v14  }
0x267: {  	v9 =	vadd.f32 v11, v9  }
0x268: {  	v10 =	vadd.f32 v12, v10  }
0x269: {  	v11 =	vmul.f32 v9, v4;
	v9 =	vmul.f32 v9, v6  }
0x26a: {  	v12 =	vmul.f32 v10, v5;
	v10 =	vmul.f32 v10, v7;
	_ =	sdelay $0x1  }
0x26b: {  	v11 =	vadd.f32 v12, v11;
	v9 =	vadd.f32 v10, v9;
	_ =	sdelay $0x1  }
0x26c: {  	v10 =	vperm.xlane v11, v0;
	v12 =	vperm.xlane v9, v0;
	_ =	sdelay $0x1  }
0x26d: {  	v10 =	vadd.f32 v10, v11;
	v9 =	vadd.f32 v12, v9  }
0x26e: {  	s26 =	simm.s32 $0x0  }
0x26f: {  	v18 =	vld [tilespmem:s26+$0xEDD0];
	v11 =	vperm.xlane v10, v1;
	v12 =	vperm.xlane v9, v1  }
0x270: {  	v23 =	vld [tilespmem:s26+$0xED80]  }
0x271: {  	v24 =	vld [tilespmem:s26+$0xEDA0];
	v10 =	vadd.f32 v11, v10;
	v11 =	vadd.f32 v12, v9  }
0x272: {  	v16 =	vld [tilespmem:s26+$0xEE10]  }
0x273: {  	v25 =	vld [tilespmem:s26+$0xED90];
	v9 =	vperm.xlane v10, v2;
	v12 =	vperm.xlane v11, v2  }
0x274: {  	v17 =	vld [tilespmem:s26+$0xEDC0]  }
0x275: {  	v13 =	vld [tilespmem:s26+$0xEE40];
	v9 =	vadd.f32 v9, v10;
	v10 =	vadd.f32 v12, v11  }
0x276: {  	v21 =	vimm.f32 $0.0e+00;
	v22 =	vimm.f32 $0.0e+00;
	v19 =	vimm.f32 $0.0e+00;
	v15 =	vld [tilespmem:s26+$0xEE50]  }
0x277: {  	s28 =	simm.s32 $0x400;
	v20 =	vimm.f32 $0.0e+00;
	v14 =	vld [tilespmem:s26+$0xEE00];
	v11 =	vperm.xlane v9, v3;
	v12 =	vperm.xlane v10, v3  }
.LBB2_21:
0x278: {  	p0 =	sne.s32 s28, $0x6000;
	v26 =	vld [tilespmem:s26+$0xEDB0]  }
0x279: {  	v27 =	vld [tilespmem:s26+$0xEDE0]  }
0x27a: {  	v28 =	vld [tilespmem:s26+$0xEDF0]  }
0x27b: {  	v29 =	vld [tilespmem:s26+$0xEE20]  }
0x27c: {  	v19 =	vadd.f32 v23, v19;
	v22 =	vadd.f32 v25, v22;
	v23 =	vld [tilespmem:s26+$0xEE30]  }
0x27d: {  	v20 =	vadd.f32 v24, v20;
	v21 =	vadd.f32 v26, v21;
	v24 =	vld [tilespmem:s26+$0xEE60]  }
0x27e: {  	v17 =	vadd.f32 v17, v19;
	v18 =	vadd.f32 v18, v22;
	v25 =	vld [tilespmem:s26+$0xEE70];
	s26 =	sshra.s32 s28, $0x2  }
0x27f: {  	v19 =	vadd.f32 v27, v20;
	v26 =	vld [tilespmem:s26+$0xEE40];
	v20 =	vadd.f32 v28, v21  }
0x280: {  	v17 =	vadd.f32 v14, v17;
	v18 =	vadd.f32 v16, v18;
	v27 =	vld [tilespmem:s26+$0xEE50]  }
0x281: {  	v21 =	vadd.f32 v29, v19;
	v14 =	vld [tilespmem:s26+$0xEE00];
	v23 =	vadd.f32 v23, v20  }
0x282: {  	v19 =	vadd.f32 v13, v17;
	v22 =	vadd.f32 v15, v18;
	v16 =	vld [tilespmem:s26+$0xEE10]  }
.Ltmp9:
0x283: {  	v20 =	vadd.f32 v24, v21;
	v17 =	vld [tilespmem:s26+$0xEDC0];
	v21 =	vadd.f32 v25, v23;
	(pc) =	sbr.rel @p0 .LBB2_21-.Ltmp9, $4  }
0x284: {  	v18 =	vld [tilespmem:s26+$0xEDD0];
	v13 =	vmov v26  }
0x285: {  	v23 =	vld [tilespmem:s26+$0xED80];
	v15 =	vmov v27  }
0x286: {  	v25 =	vld [tilespmem:s26+$0xED90]  }
0x287: {  	s28 =	sadd.s32 $0x400, s28;
	v24 =	vld [tilespmem:s26+$0xEDA0]  }
0x288: {  	v26 =	vld [tilespmem:s26+$0xEDB0]  }
0x289: {  	v27 =	vld [tilespmem:s26+$0xEDE0]  }
0x28a: {  	v28 =	vld [tilespmem:s26+$0xEDF0]  }
0x28b: {  	v29 =	vld [tilespmem:s26+$0xEE20];
	v19 =	vadd.f32 v23, v19  }
0x28c: {  	v23 =	vld [tilespmem:s26+$0xEE30];
	v22 =	vadd.f32 v25, v22;
	v20 =	vadd.f32 v24, v20  }
0x28d: {  	v24 =	vld [tilespmem:s26+$0xEE60];
	v17 =	vadd.f32 v17, v19;
	v21 =	vadd.f32 v26, v21  }
0x28e: {  	v19 =	vld [tilespmem:s26+$0xEE70];
	v18 =	vadd.f32 v18, v22;
	v20 =	vadd.f32 v27, v20  }
0x28f: {  	v14 =	vadd.f32 v14, v17;
	v21 =	vadd.f32 v28, v21  }
0x290: {  	v16 =	vadd.f32 v16, v18;
	v17 =	vadd.f32 v29, v20  }
0x291: {  	v13 =	vadd.f32 v13, v14;
	v18 =	vadd.f32 v23, v21  }
0x292: {  	v14 =	vadd.f32 v15, v16;
	v15 =	vadd.f32 v24, v17  }
0x293: {  	v16 =	vadd.f32 v19, v18  }
0x294: {  	v13 =	vadd.f32 v15, v13  }
0x295: {  	v14 =	vadd.f32 v16, v14  }
0x296: {  	v15 =	vmul.f32 v13, v4;
	v13 =	vmul.f32 v13, v6  }
0x297: {  	v16 =	vmul.f32 v14, v5;
	v14 =	vmul.f32 v14, v7;
	_ =	sdelay $0x1  }
0x298: {  	v15 =	vadd.f32 v16, v15;
	v13 =	vadd.f32 v14, v13;
	_ =	sdelay $0x1  }
0x299: {  	v14 =	vperm.xlane v15, v0;
	v16 =	vperm.xlane v13, v0;
	_ =	sdelay $0x1  }
0x29a: {  	v14 =	vadd.f32 v14, v15;
	v13 =	vadd.f32 v16, v13  }
0x29b: {  	s26 =	simm.s32 $0x0  }
0x29c: {  	v22 =	vld [tilespmem:s26+$0x106D0];
	v15 =	vperm.xlane v14, v1;
	v16 =	vperm.xlane v13, v1  }
0x29d: {  	v27 =	vld [tilespmem:s26+$0x10680]  }
0x29e: {  	v28 =	vld [tilespmem:s26+$0x106A0];
	v14 =	vadd.f32 v15, v14;
	v13 =	vadd.f32 v16, v13  }
0x29f: {  	v20 =	vld [tilespmem:s26+$0x10710]  }
0x2a0: {  	v29 =	vld [tilespmem:s26+$0x10690];
	v15 =	vperm.xlane v14, v2;
	v16 =	vperm.xlane v13, v2  }
0x2a1: {  	v21 =	vld [tilespmem:s26+$0x106C0]  }
0x2a2: {  	v17 =	vld [tilespmem:s26+$0x10740];
	v14 =	vadd.f32 v15, v14;
	v13 =	vadd.f32 v16, v13  }
0x2a3: {  	v25 =	vimm.f32 $0.0e+00;
	v26 =	vimm.f32 $0.0e+00;
	v23 =	vimm.f32 $0.0e+00;
	v19 =	vld [tilespmem:s26+$0x10750]  }
0x2a4: {  	s28 =	simm.s32 $0x400;
	v24 =	vimm.f32 $0.0e+00;
	v18 =	vld [tilespmem:s26+$0x10700];
	v16 =	vperm.xlane v14, v3;
	v15 =	vperm.xlane v13, v3  }
.LBB2_23:
0x2a5: {  	p0 =	sne.s32 s28, $0x6000;
	v30 =	vld [tilespmem:s26+$0x106B0]  }
0x2a6: {  	v31 =	vld [tilespmem:s26+$0x106E0]  }
0x2a7: {  	v32 =	vld [tilespmem:s26+$0x106F0]  }
0x2a8: {  	v33 =	vld [tilespmem:s26+$0x10720]  }
0x2a9: {  	v23 =	vadd.f32 v27, v23;
	v26 =	vadd.f32 v29, v26;
	v27 =	vld [tilespmem:s26+$0x10730]  }
0x2aa: {  	v24 =	vadd.f32 v28, v24;
	v25 =	vadd.f32 v30, v25;
	v28 =	vld [tilespmem:s26+$0x10760]  }
0x2ab: {  	v21 =	vadd.f32 v21, v23;
	v22 =	vadd.f32 v22, v26;
	v29 =	vld [tilespmem:s26+$0x10770];
	s26 =	sshra.s32 s28, $0x2  }
0x2ac: {  	v23 =	vadd.f32 v31, v24;
	v30 =	vld [tilespmem:s26+$0x10740];
	v24 =	vadd.f32 v32, v25  }
0x2ad: {  	v21 =	vadd.f32 v18, v21;
	v22 =	vadd.f32 v20, v22;
	v31 =	vld [tilespmem:s26+$0x10750]  }
0x2ae: {  	v25 =	vadd.f32 v33, v23;
	v18 =	vld [tilespmem:s26+$0x10700];
	v27 =	vadd.f32 v27, v24  }
0x2af: {  	v23 =	vadd.f32 v17, v21;
	v26 =	vadd.f32 v19, v22;
	v20 =	vld [tilespmem:s26+$0x10710]  }
.Ltmp10:
0x2b0: {  	v24 =	vadd.f32 v28, v25;
	v21 =	vld [tilespmem:s26+$0x106C0];
	v25 =	vadd.f32 v29, v27;
	(pc) =	sbr.rel @p0 .LBB2_23-.Ltmp10, $4  }
0x2b1: {  	v22 =	vld [tilespmem:s26+$0x106D0];
	v17 =	vmov v30  }
0x2b2: {  	v27 =	vld [tilespmem:s26+$0x10680];
	v19 =	vmov v31  }
0x2b3: {  	v29 =	vld [tilespmem:s26+$0x10690]  }
0x2b4: {  	s28 =	sadd.s32 $0x400, s28;
	v28 =	vld [tilespmem:s26+$0x106A0]  }
0x2b5: {  	v30 =	vld [tilespmem:s26+$0x106B0]  }
0x2b6: {  	v31 =	vld [tilespmem:s26+$0x106E0]  }
0x2b7: {  	v32 =	vld [tilespmem:s26+$0x106F0]  }
0x2b8: {  	v33 =	vld [tilespmem:s26+$0x10720];
	v23 =	vadd.f32 v27, v23  }
0x2b9: {  	v27 =	vld [tilespmem:s26+$0x10730];
	v26 =	vadd.f32 v29, v26;
	v24 =	vadd.f32 v28, v24  }
0x2ba: {  	v28 =	vld [tilespmem:s26+$0x10760];
	v21 =	vadd.f32 v21, v23;
	v25 =	vadd.f32 v30, v25  }
0x2bb: {  	v23 =	vld [tilespmem:s26+$0x10770];
	v22 =	vadd.f32 v22, v26;
	v24 =	vadd.f32 v31, v24  }
0x2bc: {  	v18 =	vadd.f32 v18, v21;
	v25 =	vadd.f32 v32, v25  }
0x2bd: {  	v20 =	vadd.f32 v20, v22;
	v21 =	vadd.f32 v33, v24  }
0x2be: {  	v17 =	vadd.f32 v17, v18;
	v22 =	vadd.f32 v27, v25  }
0x2bf: {  	v18 =	vadd.f32 v19, v20;
	v19 =	vadd.f32 v28, v21  }
0x2c0: {  	v20 =	vadd.f32 v23, v22  }
0x2c1: {  	v17 =	vadd.f32 v19, v17  }
0x2c2: {  	v18 =	vadd.f32 v20, v18  }
0x2c3: {  	v19 =	vmul.f32 v17, v4;
	v17 =	vmul.f32 v17, v6  }
0x2c4: {  	v20 =	vmul.f32 v18, v5;
	v18 =	vmul.f32 v18, v7;
	_ =	sdelay $0x1  }
0x2c5: {  	v19 =	vadd.f32 v20, v19;
	v17 =	vadd.f32 v18, v17;
	_ =	sdelay $0x1  }
0x2c6: {  	v18 =	vperm.xlane v19, v0;
	v20 =	vperm.xlane v17, v0;
	_ =	sdelay $0x1  }
0x2c7: {  	v18 =	vadd.f32 v18, v19;
	v17 =	vadd.f32 v20, v17  }
0x2c8: {  	s26 =	simm.s32 $0x0  }
0x2c9: {  	v26 =	vld [tilespmem:s26+$0x11FD0];
	v19 =	vperm.xlane v18, v1;
	v20 =	vperm.xlane v17, v1  }
0x2ca: {  	v31 =	vld [tilespmem:s26+$0x11F80]  }
0x2cb: {  	v32 =	vld [tilespmem:s26+$0x11FA0];
	v18 =	vadd.f32 v19, v18;
	v17 =	vadd.f32 v20, v17  }
0x2cc: {  	v24 =	vld [tilespmem:s26+$0x12010]  }
0x2cd: {  	v33 =	vld [tilespmem:s26+$0x11F90];
	v19 =	vperm.xlane v18, v2;
	v20 =	vperm.xlane v17, v2  }
0x2ce: {  	v25 =	vld [tilespmem:s26+$0x11FC0]  }
0x2cf: {  	v21 =	vld [tilespmem:s26+$0x12040];
	v18 =	vadd.f32 v19, v18;
	v17 =	vadd.f32 v20, v17  }
0x2d0: {  	v29 =	vimm.f32 $0.0e+00;
	v30 =	vimm.f32 $0.0e+00;
	v27 =	vimm.f32 $0.0e+00;
	v23 =	vld [tilespmem:s26+$0x12050]  }
0x2d1: {  	s28 =	simm.s32 $0x400;
	v28 =	vimm.f32 $0.0e+00;
	v22 =	vld [tilespmem:s26+$0x12000];
	v20 =	vperm.xlane v18, v3;
	v19 =	vperm.xlane v17, v3  }
.LBB2_25:
0x2d2: {  	p0 =	sne.s32 s28, $0x6000;
	v34 =	vld [tilespmem:s26+$0x11FB0]  }
0x2d3: {  	v35 =	vld [tilespmem:s26+$0x11FE0]  }
0x2d4: {  	v36 =	vld [tilespmem:s26+$0x11FF0]  }
0x2d5: {  	v37 =	vld [tilespmem:s26+$0x12020]  }
0x2d6: {  	v27 =	vadd.f32 v31, v27;
	v30 =	vadd.f32 v33, v30;
	v31 =	vld [tilespmem:s26+$0x12030]  }
0x2d7: {  	v28 =	vadd.f32 v32, v28;
	v29 =	vadd.f32 v34, v29;
	v32 =	vld [tilespmem:s26+$0x12060]  }
0x2d8: {  	v25 =	vadd.f32 v25, v27;
	v26 =	vadd.f32 v26, v30;
	v33 =	vld [tilespmem:s26+$0x12070];
	s26 =	sshra.s32 s28, $0x2  }
0x2d9: {  	v27 =	vadd.f32 v35, v28;
	v34 =	vld [tilespmem:s26+$0x12040];
	v28 =	vadd.f32 v36, v29  }
0x2da: {  	v25 =	vadd.f32 v22, v25;
	v26 =	vadd.f32 v24, v26;
	v35 =	vld [tilespmem:s26+$0x12050]  }
0x2db: {  	v29 =	vadd.f32 v37, v27;
	v22 =	vld [tilespmem:s26+$0x12000];
	v31 =	vadd.f32 v31, v28  }
0x2dc: {  	v27 =	vadd.f32 v21, v25;
	v30 =	vadd.f32 v23, v26;
	v24 =	vld [tilespmem:s26+$0x12010]  }
.Ltmp11:
0x2dd: {  	v28 =	vadd.f32 v32, v29;
	v25 =	vld [tilespmem:s26+$0x11FC0];
	v29 =	vadd.f32 v33, v31;
	(pc) =	sbr.rel @p0 .LBB2_25-.Ltmp11, $4  }
0x2de: {  	v26 =	vld [tilespmem:s26+$0x11FD0];
	v21 =	vmov v34  }
0x2df: {  	v31 =	vld [tilespmem:s26+$0x11F80];
	v23 =	vmov v35  }
0x2e0: {  	v33 =	vld [tilespmem:s26+$0x11F90]  }
0x2e1: {  	s28 =	sadd.s32 $0x400, s28;
	v32 =	vld [tilespmem:s26+$0x11FA0]  }
0x2e2: {  	v34 =	vld [tilespmem:s26+$0x11FB0]  }
0x2e3: {  	v35 =	vld [tilespmem:s26+$0x11FE0]  }
0x2e4: {  	v36 =	vld [tilespmem:s26+$0x11FF0]  }
0x2e5: {  	v37 =	vld [tilespmem:s26+$0x12020];
	v27 =	vadd.f32 v31, v27  }
0x2e6: {  	v31 =	vld [tilespmem:s26+$0x12030];
	v30 =	vadd.f32 v33, v30;
	v28 =	vadd.f32 v32, v28  }
0x2e7: {  	v63 =	vld [tilespmem:s26+$0x12060];
	v25 =	vadd.f32 v25, v27;
	v29 =	vadd.f32 v34, v29  }
0x2e8: {  	v27 =	vld [tilespmem:s26+$0x12070];
	v26 =	vadd.f32 v26, v30;
	v28 =	vadd.f32 v35, v28  }
0x2e9: {  	v22 =	vadd.f32 v22, v25;
	v29 =	vadd.f32 v36, v29  }
0x2ea: {  	v24 =	vadd.f32 v24, v26;
	v25 =	vadd.f32 v37, v28  }
0x2eb: {  	v21 =	vadd.f32 v21, v22;
	v26 =	vadd.f32 v31, v29  }
0x2ec: {  	v22 =	vadd.f32 v23, v24;
	v23 =	vadd.f32 v63, v25  }
0x2ed: {  	v24 =	vadd.f32 v27, v26  }
0x2ee: {  	v21 =	vadd.f32 v23, v21  }
0x2ef: {  	v22 =	vadd.f32 v24, v22  }
0x2f0: {  	v23 =	vmul.f32 v21, v4;
	v21 =	vmul.f32 v21, v6  }
0x2f1: {  	v24 =	vmul.f32 v22, v5;
	v22 =	vmul.f32 v22, v7;
	_ =	sdelay $0x1  }
0x2f2: {  	v23 =	vadd.f32 v24, v23;
	v21 =	vadd.f32 v22, v21;
	_ =	sdelay $0x1  }
0x2f3: {  	v22 =	vperm.xlane v23, v0;
	v24 =	vperm.xlane v21, v0;
	_ =	sdelay $0x1  }
0x2f4: {  	v22 =	vadd.f32 v22, v23;
	v21 =	vadd.f32 v24, v21  }
0x2f5: {  	s26 =	simm.s32 $0x0  }
0x2f6: {  	v30 =	vld [tilespmem:s26+$0x138D0];
	v23 =	vperm.xlane v22, v1;
	v24 =	vperm.xlane v21, v1  }
0x2f7: {  	v35 =	vld [tilespmem:s26+$0x13880]  }
0x2f8: {  	v36 =	vld [tilespmem:s26+$0x138A0];
	v22 =	vadd.f32 v23, v22;
	v21 =	vadd.f32 v24, v21  }
0x2f9: {  	v28 =	vld [tilespmem:s26+$0x13910]  }
0x2fa: {  	v37 =	vld [tilespmem:s26+$0x13890];
	v23 =	vperm.xlane v22, v2;
	v24 =	vperm.xlane v21, v2  }
0x2fb: {  	v29 =	vld [tilespmem:s26+$0x138C0]  }
0x2fc: {  	v25 =	vld [tilespmem:s26+$0x13940];
	v22 =	vadd.f32 v23, v22;
	v21 =	vadd.f32 v24, v21  }
0x2fd: {  	v33 =	vimm.f32 $0.0e+00;
	v32 =	vimm.f32 $0.0e+00;
	v34 =	vimm.f32 $0.0e+00;
	v27 =	vld [tilespmem:s26+$0x13950]  }
0x2fe: {  	s28 =	simm.s32 $0x400;
	v31 =	vimm.f32 $0.0e+00;
	v26 =	vld [tilespmem:s26+$0x13900];
	v24 =	vperm.xlane v22, v3;
	v23 =	vperm.xlane v21, v3  }
.LBB2_27:
0x2ff: {  	p0 =	sne.s32 s28, $0x6000;
	v38 =	vld [tilespmem:s26+$0x138B0]  }
0x300: {  	v39 =	vld [tilespmem:s26+$0x138E0]  }
0x301: {  	v40 =	vld [tilespmem:s26+$0x138F0]  }
0x302: {  	v41 =	vld [tilespmem:s26+$0x13920]  }
0x303: {  	v31 =	vadd.f32 v35, v31;
	v34 =	vadd.f32 v37, v34;
	v35 =	vld [tilespmem:s26+$0x13930]  }
0x304: {  	v32 =	vadd.f32 v36, v32;
	v33 =	vadd.f32 v38, v33;
	v36 =	vld [tilespmem:s26+$0x13960]  }
0x305: {  	v29 =	vadd.f32 v29, v31;
	v30 =	vadd.f32 v30, v34;
	v37 =	vld [tilespmem:s26+$0x13970];
	s26 =	sshra.s32 s28, $0x2  }
0x306: {  	v31 =	vadd.f32 v39, v32;
	v38 =	vld [tilespmem:s26+$0x13940];
	v32 =	vadd.f32 v40, v33  }
0x307: {  	v29 =	vadd.f32 v26, v29;
	v30 =	vadd.f32 v28, v30;
	v39 =	vld [tilespmem:s26+$0x13950]  }
0x308: {  	v33 =	vadd.f32 v41, v31;
	v26 =	vld [tilespmem:s26+$0x13900];
	v35 =	vadd.f32 v35, v32  }
0x309: {  	v31 =	vadd.f32 v25, v29;
	v34 =	vadd.f32 v27, v30;
	v28 =	vld [tilespmem:s26+$0x13910]  }
.Ltmp12:
0x30a: {  	v32 =	vadd.f32 v36, v33;
	v29 =	vld [tilespmem:s26+$0x138C0];
	v33 =	vadd.f32 v37, v35;
	(pc) =	sbr.rel @p0 .LBB2_27-.Ltmp12, $4  }
0x30b: {  	v30 =	vld [tilespmem:s26+$0x138D0];
	v25 =	vmov v38  }
0x30c: {  	v35 =	vld [tilespmem:s26+$0x13880];
	v27 =	vmov v39  }
0x30d: {  	v37 =	vld [tilespmem:s26+$0x13890]  }
0x30e: {  	s28 =	sadd.s32 $0x400, s28;
	v36 =	vld [tilespmem:s26+$0x138A0]  }
0x30f: {  	v38 =	vld [tilespmem:s26+$0x138B0]  }
0x310: {  	v39 =	vld [tilespmem:s26+$0x138E0]  }
0x311: {  	v40 =	vld [tilespmem:s26+$0x138F0]  }
0x312: {  	v41 =	vld [tilespmem:s26+$0x13920];
	v31 =	vadd.f32 v35, v31  }
0x313: {  	v62 =	vld [tilespmem:s26+$0x13930];
	v34 =	vadd.f32 v37, v34;
	v32 =	vadd.f32 v36, v32  }
0x314: {  	v63 =	vld [tilespmem:s26+$0x13960];
	v29 =	vadd.f32 v29, v31;
	v33 =	vadd.f32 v38, v33  }
0x315: {  	v31 =	vld [tilespmem:s26+$0x13970];
	v30 =	vadd.f32 v30, v34;
	v32 =	vadd.f32 v39, v32  }
0x316: {  	v26 =	vadd.f32 v26, v29;
	v33 =	vadd.f32 v40, v33  }
0x317: {  	v28 =	vadd.f32 v28, v30;
	v29 =	vadd.f32 v41, v32  }
0x318: {  	v25 =	vadd.f32 v25, v26;
	v30 =	vadd.f32 v62, v33  }
0x319: {  	v26 =	vadd.f32 v27, v28;
	v27 =	vadd.f32 v63, v29  }
0x31a: {  	v28 =	vadd.f32 v31, v30  }
0x31b: {  	v25 =	vadd.f32 v27, v25  }
0x31c: {  	v26 =	vadd.f32 v28, v26  }
0x31d: {  	v27 =	vmul.f32 v25, v4;
	v25 =	vmul.f32 v25, v6  }
0x31e: {  	v28 =	vmul.f32 v26, v5;
	v26 =	vmul.f32 v26, v7;
	_ =	sdelay $0x1  }
0x31f: {  	v27 =	vadd.f32 v28, v27;
	v25 =	vadd.f32 v26, v25;
	_ =	sdelay $0x1  }
0x320: {  	v26 =	vperm.xlane v27, v0;
	v28 =	vperm.xlane v25, v0;
	_ =	sdelay $0x1  }
0x321: {  	v26 =	vadd.f32 v26, v27;
	v25 =	vadd.f32 v28, v25  }
0x322: {  	s26 =	simm.s32 $0x0  }
0x323: {  	v34 =	vld [tilespmem:s26+$0x151D0];
	v27 =	vperm.xlane v26, v1;
	v28 =	vperm.xlane v25, v1  }
0x324: {  	v39 =	vld [tilespmem:s26+$0x15180]  }
0x325: {  	v40 =	vld [tilespmem:s26+$0x151A0];
	v26 =	vadd.f32 v27, v26;
	v25 =	vadd.f32 v28, v25  }
0x326: {  	v32 =	vld [tilespmem:s26+$0x15210]  }
0x327: {  	v41 =	vld [tilespmem:s26+$0x15190];
	v27 =	vperm.xlane v26, v2;
	v28 =	vperm.xlane v25, v2  }
0x328: {  	v33 =	vld [tilespmem:s26+$0x151C0]  }
0x329: {  	v29 =	vld [tilespmem:s26+$0x15240];
	v26 =	vadd.f32 v27, v26;
	v25 =	vadd.f32 v28, v25  }
0x32a: {  	v35 =	vimm.f32 $0.0e+00;
	v37 =	vimm.f32 $0.0e+00;
	v36 =	vimm.f32 $0.0e+00;
	v31 =	vld [tilespmem:s26+$0x15250]  }
0x32b: {  	s28 =	simm.s32 $0x400;
	v38 =	vimm.f32 $0.0e+00;
	v30 =	vld [tilespmem:s26+$0x15200];
	v28 =	vperm.xlane v26, v3;
	v27 =	vperm.xlane v25, v3  }
.LBB2_29:
0x32c: {  	p0 =	sne.s32 s28, $0x6000;
	v42 =	vld [tilespmem:s26+$0x151B0]  }
0x32d: {  	v43 =	vld [tilespmem:s26+$0x151E0]  }
0x32e: {  	v44 =	vld [tilespmem:s26+$0x151F0]  }
0x32f: {  	v45 =	vld [tilespmem:s26+$0x15220]  }
0x330: {  	v35 =	vadd.f32 v39, v35;
	v38 =	vadd.f32 v41, v38;
	v39 =	vld [tilespmem:s26+$0x15230]  }
0x331: {  	v36 =	vadd.f32 v40, v36;
	v37 =	vadd.f32 v42, v37;
	v40 =	vld [tilespmem:s26+$0x15260]  }
0x332: {  	v33 =	vadd.f32 v33, v35;
	v34 =	vadd.f32 v34, v38;
	v41 =	vld [tilespmem:s26+$0x15270];
	s26 =	sshra.s32 s28, $0x2  }
0x333: {  	v35 =	vadd.f32 v43, v36;
	v42 =	vld [tilespmem:s26+$0x15240];
	v36 =	vadd.f32 v44, v37  }
0x334: {  	v33 =	vadd.f32 v30, v33;
	v34 =	vadd.f32 v32, v34;
	v43 =	vld [tilespmem:s26+$0x15250]  }
0x335: {  	v37 =	vadd.f32 v45, v35;
	v30 =	vld [tilespmem:s26+$0x15200];
	v39 =	vadd.f32 v39, v36  }
0x336: {  	v35 =	vadd.f32 v29, v33;
	v38 =	vadd.f32 v31, v34;
	v32 =	vld [tilespmem:s26+$0x15210]  }
.Ltmp13:
0x337: {  	v36 =	vadd.f32 v40, v37;
	v33 =	vld [tilespmem:s26+$0x151C0];
	v37 =	vadd.f32 v41, v39;
	(pc) =	sbr.rel @p0 .LBB2_29-.Ltmp13, $4  }
0x338: {  	v34 =	vld [tilespmem:s26+$0x151D0];
	v29 =	vmov v42  }
0x339: {  	v39 =	vld [tilespmem:s26+$0x15180];
	v31 =	vmov v43  }
0x33a: {  	v41 =	vld [tilespmem:s26+$0x15190]  }
0x33b: {  	s28 =	sadd.s32 $0x400, s28;
	v40 =	vld [tilespmem:s26+$0x151A0]  }
0x33c: {  	v42 =	vld [tilespmem:s26+$0x151B0]  }
0x33d: {  	v43 =	vld [tilespmem:s26+$0x151E0]  }
0x33e: {  	v44 =	vld [tilespmem:s26+$0x151F0]  }
0x33f: {  	v45 =	vld [tilespmem:s26+$0x15220];
	v35 =	vadd.f32 v39, v35  }
0x340: {  	v57 =	vld [tilespmem:s26+$0x15230];
	v38 =	vadd.f32 v41, v38;
	v36 =	vadd.f32 v40, v36  }
0x341: {  	v58 =	vld [tilespmem:s26+$0x15260];
	v33 =	vadd.f32 v33, v35;
	v37 =	vadd.f32 v42, v37  }
0x342: {  	v59 =	vld [tilespmem:s26+$0x15270];
	v34 =	vadd.f32 v34, v38;
	v36 =	vadd.f32 v43, v36  }
0x343: {  	v30 =	vadd.f32 v30, v33;
	v37 =	vadd.f32 v44, v37  }
0x344: {  	v32 =	vadd.f32 v32, v34;
	v60 =	vadd.f32 v45, v36  }
0x345: {  	v29 =	vadd.f32 v29, v30;
	v61 =	vadd.f32 v57, v37  }
0x346: {  	v30 =	vadd.f32 v31, v32;
	v31 =	vadd.f32 v58, v60  }
0x347: {  	v62 =	vadd.f32 v59, v61  }
0x348: {  	v29 =	vadd.f32 v31, v29  }
0x349: {  	v30 =	vadd.f32 v62, v30  }
0x34a: {  	v31 =	vmul.f32 v29, v4;
	v29 =	vmul.f32 v29, v6  }
0x34b: {  	v32 =	vmul.f32 v30, v5;
	v30 =	vmul.f32 v30, v7;
	_ =	sdelay $0x1  }
0x34c: {  	v31 =	vadd.f32 v32, v31;
	v29 =	vadd.f32 v30, v29;
	_ =	sdelay $0x1  }
0x34d: {  	v30 =	vperm.xlane v31, v0;
	v63 =	vperm.xlane v29, v0;
	_ =	sdelay $0x1  }
0x34e: {  	v30 =	vadd.f32 v30, v31;
	v29 =	vadd.f32 v63, v29  }
0x34f: {  	s26 =	simm.s32 $0x0  }
0x350: {  	v35 =	vld [tilespmem:s26+$0x16B50];
	v31 =	vperm.xlane v30, v1;
	v32 =	vperm.xlane v29, v1  }
0x351: {  	v38 =	vld [tilespmem:s26+$0x16AD0]  }
0x352: {  	v33 =	vld [tilespmem:s26+$0x16B40];
	v30 =	vadd.f32 v31, v30;
	v29 =	vadd.f32 v32, v29  }
0x353: {  	v43 =	vld [tilespmem:s26+$0x16A80]  }
0x354: {  	v34 =	vld [tilespmem:s26+$0x16B00];
	v31 =	vperm.xlane v30, v2;
	v32 =	vperm.xlane v29, v2  }
0x355: {  	v44 =	vld [tilespmem:s26+$0x16AA0]  }
0x356: {  	v36 =	vld [tilespmem:s26+$0x16B10];
	v30 =	vadd.f32 v31, v30;
	v29 =	vadd.f32 v32, v29  }
0x357: {  	v39 =	vimm.f32 $0.0e+00;
	v41 =	vimm.f32 $0.0e+00;
	v40 =	vimm.f32 $0.0e+00;
	v45 =	vld [tilespmem:s26+$0x16A90]  }
0x358: {  	s28 =	simm.s32 $0x400;
	v42 =	vimm.f32 $0.0e+00;
	v37 =	vld [tilespmem:s26+$0x16AC0];
	v32 =	vperm.xlane v30, v3;
	v31 =	vperm.xlane v29, v3  }
.LBB2_31:
0x359: {  	p0 =	sne.s32 s28, $0x6000;
	v46 =	vld [tilespmem:s26+$0x16AB0]  }
0x35a: {  	v47 =	vld [tilespmem:s26+$0x16AE0]  }
0x35b: {  	v48 =	vld [tilespmem:s26+$0x16AF0]  }
0x35c: {  	v49 =	vld [tilespmem:s26+$0x16B20]  }
0x35d: {  	v39 =	vadd.f32 v43, v39;
	v42 =	vadd.f32 v45, v42;
	v43 =	vld [tilespmem:s26+$0x16B30]  }
0x35e: {  	v40 =	vadd.f32 v44, v40;
	v41 =	vadd.f32 v46, v41;
	v44 =	vld [tilespmem:s26+$0x16B60]  }
0x35f: {  	v37 =	vadd.f32 v37, v39;
	v38 =	vadd.f32 v38, v42;
	v45 =	vld [tilespmem:s26+$0x16B70];
	s26 =	sshra.s32 s28, $0x2  }
0x360: {  	v39 =	vadd.f32 v47, v40;
	v46 =	vld [tilespmem:s26+$0x16B40];
	v40 =	vadd.f32 v48, v41  }
0x361: {  	v37 =	vadd.f32 v34, v37;
	v38 =	vadd.f32 v36, v38;
	v47 =	vld [tilespmem:s26+$0x16B50]  }
0x362: {  	v41 =	vadd.f32 v49, v39;
	v34 =	vld [tilespmem:s26+$0x16B00];
	v43 =	vadd.f32 v43, v40  }
0x363: {  	v39 =	vadd.f32 v33, v37;
	v42 =	vadd.f32 v35, v38;
	v36 =	vld [tilespmem:s26+$0x16B10]  }
.Ltmp14:
0x364: {  	v40 =	vadd.f32 v44, v41;
	v37 =	vld [tilespmem:s26+$0x16AC0];
	v41 =	vadd.f32 v45, v43;
	(pc) =	sbr.rel @p0 .LBB2_31-.Ltmp14, $4  }
0x365: {  	v38 =	vld [tilespmem:s26+$0x16AD0];
	v33 =	vmov v46  }
0x366: {  	v43 =	vld [tilespmem:s26+$0x16A80];
	v35 =	vmov v47  }
0x367: {  	v45 =	vld [tilespmem:s26+$0x16A90]  }
0x368: {  	s28 =	sadd.s32 $0x400, s28;
	v44 =	vld [tilespmem:s26+$0x16AA0]  }
0x369: {  	v46 =	vld [tilespmem:s26+$0x16AB0]  }
0x36a: {  	v47 =	vld [tilespmem:s26+$0x16AE0]  }
0x36b: {  	v48 =	vld [tilespmem:s26+$0x16AF0]  }
0x36c: {  	v49 =	vld [tilespmem:s26+$0x16B20]  }
0x36d: {  	v54 =	vld [tilespmem:s26+$0x16B30];
	v39 =	vadd.f32 v43, v39;
	v40 =	vadd.f32 v44, v40  }
0x36e: {  	v55 =	vld [tilespmem:s26+$0x16B60];
	v42 =	vadd.f32 v45, v42;
	v41 =	vadd.f32 v46, v41  }
0x36f: {  	v56 =	vld [tilespmem:s26+$0x16B70];
	v37 =	vadd.f32 v37, v39;
	v40 =	vadd.f32 v47, v40  }
0x370: {  	v38 =	vadd.f32 v38, v42;
	v41 =	vadd.f32 v48, v41  }
0x371: {  	v34 =	vadd.f32 v34, v37;
	v57 =	vadd.f32 v49, v40  }
0x372: {  	v36 =	vadd.f32 v36, v38;
	v58 =	vadd.f32 v54, v41  }
0x373: {  	v33 =	vadd.f32 v33, v34;
	v60 =	vadd.f32 v55, v57  }
0x374: {  	v59 =	vadd.f32 v35, v36;
	v61 =	vadd.f32 v56, v58  }
0x375: {  	v33 =	vadd.f32 v60, v33  }
0x376: {  	v34 =	vadd.f32 v61, v59  }
0x377: {  	v35 =	vmul.f32 v33, v4;
	v33 =	vmul.f32 v33, v6  }
0x378: {  	v36 =	vmul.f32 v34, v5;
	v34 =	vmul.f32 v34, v7;
	_ =	sdelay $0x1  }
0x379: {  	v35 =	vadd.f32 v36, v35;
	v33 =	vadd.f32 v34, v33;
	_ =	sdelay $0x1  }
0x37a: {  	v62 =	vperm.xlane v35, v0;
	v63 =	vperm.xlane v33, v0;
	_ =	sdelay $0x1  }
0x37b: {  	v34 =	vadd.f32 v62, v35;
	v33 =	vadd.f32 v63, v33  }
0x37c: {  	s26 =	simm.s32 $0x0  }
0x37d: {  	v39 =	vld [tilespmem:s26+$0x18450];
	v35 =	vperm.xlane v34, v1;
	v36 =	vperm.xlane v33, v1  }
0x37e: {  	v42 =	vld [tilespmem:s26+$0x183D0]  }
0x37f: {  	v37 =	vld [tilespmem:s26+$0x18440];
	v34 =	vadd.f32 v35, v34;
	v33 =	vadd.f32 v36, v33  }
0x380: {  	v47 =	vld [tilespmem:s26+$0x18380]  }
0x381: {  	v38 =	vld [tilespmem:s26+$0x18400];
	v35 =	vperm.xlane v34, v2;
	v36 =	vperm.xlane v33, v2  }
0x382: {  	v48 =	vld [tilespmem:s26+$0x183A0]  }
0x383: {  	v40 =	vld [tilespmem:s26+$0x18410];
	v34 =	vadd.f32 v35, v34;
	v33 =	vadd.f32 v36, v33  }
0x384: {  	v43 =	vimm.f32 $0.0e+00;
	v45 =	vimm.f32 $0.0e+00;
	v44 =	vimm.f32 $0.0e+00;
	v49 =	vld [tilespmem:s26+$0x18390]  }
0x385: {  	s28 =	simm.s32 $0x400;
	v46 =	vimm.f32 $0.0e+00;
	v41 =	vld [tilespmem:s26+$0x183C0];
	v36 =	vperm.xlane v34, v3;
	v35 =	vperm.xlane v33, v3  }
.LBB2_33:
0x386: {  	p0 =	sne.s32 s28, $0x6000;
	v50 =	vld [tilespmem:s26+$0x183B0]  }
0x387: {  	v51 =	vld [tilespmem:s26+$0x183E0]  }
0x388: {  	v52 =	vld [tilespmem:s26+$0x183F0]  }
0x389: {  	v53 =	vld [tilespmem:s26+$0x18420]  }
0x38a: {  	v43 =	vadd.f32 v47, v43;
	v46 =	vadd.f32 v49, v46;
	v47 =	vld [tilespmem:s26+$0x18430]  }
0x38b: {  	v44 =	vadd.f32 v48, v44;
	v45 =	vadd.f32 v50, v45;
	v48 =	vld [tilespmem:s26+$0x18460]  }
0x38c: {  	v41 =	vadd.f32 v41, v43;
	v42 =	vadd.f32 v42, v46;
	v49 =	vld [tilespmem:s26+$0x18470];
	s26 =	sshra.s32 s28, $0x2  }
0x38d: {  	v43 =	vadd.f32 v51, v44;
	v50 =	vld [tilespmem:s26+$0x18440];
	v44 =	vadd.f32 v52, v45  }
0x38e: {  	v41 =	vadd.f32 v38, v41;
	v42 =	vadd.f32 v40, v42;
	v51 =	vld [tilespmem:s26+$0x18450]  }
0x38f: {  	v45 =	vadd.f32 v53, v43;
	v38 =	vld [tilespmem:s26+$0x18400];
	v47 =	vadd.f32 v47, v44  }
0x390: {  	v43 =	vadd.f32 v37, v41;
	v46 =	vadd.f32 v39, v42;
	v40 =	vld [tilespmem:s26+$0x18410]  }
.Ltmp15:
0x391: {  	v44 =	vadd.f32 v48, v45;
	v41 =	vld [tilespmem:s26+$0x183C0];
	v45 =	vadd.f32 v49, v47;
	(pc) =	sbr.rel @p0 .LBB2_33-.Ltmp15, $4  }
0x392: {  	v42 =	vld [tilespmem:s26+$0x183D0];
	v37 =	vmov v50  }
0x393: {  	v47 =	vld [tilespmem:s26+$0x18380];
	v39 =	vmov v51  }
0x394: {  	v49 =	vld [tilespmem:s26+$0x18390]  }
0x395: {  	s28 =	sadd.s32 $0x400, s28;
	v48 =	vld [tilespmem:s26+$0x183A0]  }
0x396: {  	v50 =	vld [tilespmem:s26+$0x183B0]  }
0x397: {  	v51 =	vld [tilespmem:s26+$0x183E0]  }
0x398: {  	v52 =	vld [tilespmem:s26+$0x183F0]  }
0x399: {  	v53 =	vld [tilespmem:s26+$0x18420]  }
0x39a: {  	v61 =	vld [tilespmem:s26+$0x18430];
	v43 =	vadd.f32 v47, v43;
	v46 =	vadd.f32 v49, v46  }
0x39b: {  	v62 =	vld [tilespmem:s26+$0x18460];
	v44 =	vadd.f32 v48, v44;
	v45 =	vadd.f32 v50, v45  }
0x39c: {  	v63 =	vld [tilespmem:s26+$0x18470];
	v41 =	vadd.f32 v41, v43;
	v42 =	vadd.f32 v42, v46  }
0x39d: {  	v44 =	vadd.f32 v51, v44;
	v45 =	vadd.f32 v52, v45  }
0x39e: {  	v38 =	vadd.f32 v38, v41;
	v40 =	vadd.f32 v40, v42  }
0x39f: {  	v46 =	vadd.f32 v53, v44;
	v49 =	vadd.f32 v61, v45  }
0x3a0: {  	v37 =	vadd.f32 v37, v38;
	v50 =	vadd.f32 v39, v40  }
0x3a1: {  	v51 =	vadd.f32 v62, v46;
	v52 =	vadd.f32 v63, v49;
	_ =	sdelay $0x1  }
0x3a2: {  	v37 =	vadd.f32 v51, v37;
	v38 =	vadd.f32 v52, v50;
	_ =	sdelay $0x1  }
0x3a3: {  	v39 =	vmul.f32 v37, v4;
	v40 =	vmul.f32 v38, v5  }
0x3a4: {  	v37 =	vmul.f32 v37, v6;
	v38 =	vmul.f32 v38, v7  }
0x3a5: {  	v39 =	vadd.f32 v40, v39  }
0x3a6: {  	v37 =	vadd.f32 v38, v37  }
0x3a7: {  	v53 =	vperm.xlane v39, v0  }
0x3a8: {  	v9 =	vadd.f32 v11, v9;
	v10 =	vadd.f32 v12, v10;
	v11 =	vperm.xlane v37, v0  }
0x3a9: {  	v54 =	vadd.f32 v16, v14;
	v55 =	vadd.f32 v53, v39  }
0x3aa: {  	v9 =	vsel vm0, v9, v10;
	v10 =	vadd.f32 v15, v13;
	v11 =	vadd.f32 v11, v37  }
0x3ab: {  	v56 =	vadd.f32 v20, v18;
	v9 =	vsel vm1, v9, v54;
	v57 =	vperm.xlane v55, v1  }
0x3ac: {  	v9 =	vsel vm2, v9, v10;
	v10 =	vadd.f32 v19, v17;
	v58 =	vperm.xlane v11, v1  }
0x3ad: {  	v59 =	vadd.f32 v24, v22;
	v9 =	vsel vm3, v9, v56;
	v13 =	vadd.f32 v57, v55  }
0x3ae: {  	v9 =	vsel vm4, v9, v10;
	v10 =	vadd.f32 v23, v21;
	v11 =	vadd.f32 v58, v11  }
0x3af: {  	v60 =	vadd.f32 v28, v26;
	v9 =	vsel vm5, v9, v59;
	v14 =	vperm.xlane v13, v2  }
0x3b0: {  	v9 =	vsel vm6, v9, v10;
	v10 =	vadd.f32 v27, v25;
	v15 =	vperm.xlane v11, v2  }
0x3b1: {  	v9 =	vsel vm7, v9, v60;
	v61 =	vadd.f32 v32, v30;
	v13 =	vadd.f32 v14, v13  }
0x3b2: {  	v9 =	vsel vm8, v9, v10;
	v10 =	vadd.f32 v31, v29;
	v11 =	vadd.f32 v15, v11  }
0x3b3: {  	v62 =	vadd.f32 v36, v34;
	v9 =	vsel vm9, v9, v61;
	v14 =	vperm.xlane v13, v3  }
0x3b4: {  	v9 =	vsel vm10, v9, v10;
	v10 =	vadd.f32 v35, v33;
	v15 =	vperm.xlane v11, v3  }
0x3b5: {  	s24 =	sadd.s32 $0x1, s24;
	v9 =	vsel vm11, v9, v62;
	v63 =	vadd.f32 v14, v13  }
0x3b6: {  	p0 =	sne.s32 s24, $0x20;
	v9 =	vsel vm12, v9, v10;
	v10 =	vadd.f32 v15, v11  }
.Ltmp16:
0x3b7: {  	v9 =	vsel vm13, v9, v63;
	(pc) =	sbr.rel @p0 .LBB2_2-.Ltmp16, $4  }
0x3b8: {  	v9 =	vsel vm14, v9, v10  }
0x3b9: {  	s25 =	sshll.u32 s25, $0x4;
	v9 =	vadd.f32 v9, v8  }
0x3ba: {  	s25 =	sand.u32 $0x3FFFFFF0, s25  }
0x3bb: {  	[tilespmem:s25+$0x19C80] =	vst v9  }
0x3bc: {  	s24 =	simm.s32 $0x0;
	s25 =	rddreg [dreg:$0x5];
	s26 =	simm.s32 $0x19C80  }
0x3bd: {  	[hbm4b:s25+s24] =	stream.linear.scatter [tilespmem:s26], [sflag:$0x3], $0x400, $0x38;
	[tilespmem:$0x1A0D0] =	vst v63  }
0x3be: {  	_ =	swait.ge [sflag:s12], $0x400  }
0x3bf: {  	s28 =	rddreg [dreg:$0x7]  }
0x3c0: {  	s29 =	rddreg [dreg:$0x6];
	s26 =	sadd.s32 $0x1, s28  }
0x3c1: {  	p0 =	sne.s32 s26, s29  }
.Ltmp17:
0x3c2: {  	_ = 	snop;
	(pc) =	sbr.rel @p0 .LBB2_1-.Ltmp17, $3  }
0x3c3: {  	_ =	sdelay $0x1  }
0x3c4: {  	[sflag:s12] =	ssyncset.done $0x0  }
0x3c5: {  	[sflag:s12] =	ssyncadd.s32 $0xFFFFFC00  }
0x3c6: {  	_ =	sfence.sel $0x180000  }
0x3c7: {  	[bflag:$0x0] =	sbarrier.arrive $0xFFFF  }
0x3c8: {  	_ =	strace $0x90000047  }
0x3c9: {  	s0 =	stileid.u32;
	[bflag:$0x2] =	sbarrier.arrive $0xFFFF  }
0x3ca: {  	p0 =	sne.s32 s0, $0x0;
	s0 =	rddreg [dreg:$0x2]  }
0x3cb: {  	s0 =	sadd.s32 @!p0 $0x100000, s0  }
0x3cc: {  	[sflag:s0] =	ssyncadd.tile.s32 @!p0 $0x1;
	_ =	shalt  }
.Lfunc_end2:
_tile_overlayer_lowered:
.L_overlay_start_2:
0x3cd: {  	(tag) =	ssettag $0x2  }
0x3ce: {  	s0 =	rddreg [dreg:$0x0];
	s2 =	stileid.u32  }
0x3cf: {  	s1 =	rddreg [dreg:$0x1];
	p0 =	sne.s32 s2, $0x0  }
0x3d0: {  	s3 =	rddreg [dreg:$0x2];
	[bflag:$0x3] =	sbarrier.arrive $0xFFFF;
	s2 =	simm.s32 @!p0 $0x1C03  }
0x3d1: {  	[timem:s3], [sflag:s2] =	dma.local @!p0 [hbm:s0], s1  }
0x3d2: {  	s0 =	simm.s32 @!p0 $0x3  }
0x3d3: {  	_ =	swait.ge @!p0 [sflag:s0], s1  }
0x3d4: {  	s1 =	ssub.s32 @!p0 $0x0, s1;
	[sflag:s0] =	ssyncset.done @!p0 $0x0  }
0x3d5: {  	[sflag:s0] =	ssyncadd.s32 @!p0 s1  }
0x3d6: {  	[bflag:$0x3] =	sbarrier.arrive $0xFFFF  }
0x3d7: {  	_ =	shalt  }

</sc_bundles>
